<compile_context>
chip_gen: v7x
topology: tpu7x:2x2x1
jax: 0.10.2.dev20260603
libtpu: 0.0.44.dev20260713+nightly
codegen_flags: <defaults>
</compile_context>

<pallas_src>
import jax
import jax.numpy as jnp
from jax import lax
from jax.experimental import pallas as pl
from jax.experimental.pallas import tpu as pltpu
from jax.experimental.pallas import tpu_sc as plsc

FW = 256
NG = FW // 16
R = 64

_MESH = plsc.VectorSubcoreMesh(core_axis_name="core", subcore_axis_name="subcore")


@jax.jit
def kernel(x):
    b, s, f = x.shape
    n_chunks = s // R
    n_tasks = (f // FW) * b

    @pl.kernel(
        out_type=jax.ShapeDtypeStruct((b, s, f), x.dtype),
        mesh=_MESH,
        scratch_types=[pltpu.VMEM((FW,), x.dtype)],
    )
    def sc_cumsum(x_hbm, o_hbm, carry_ref):
        for g in range(NG):
            carry_ref[pl.ds(16 * g, 16)] = jnp.zeros((16,), x.dtype)

        def body(x_vmem, o_vmem):
            def row(r, carry):
                new = []
                for g in range(NG):
                    cg = carry[g]
                    o_vmem[0, r, pl.ds(16 * g, 16)] = cg
                    new.append(cg + x_vmem[0, r, pl.ds(16 * g, 16)])
                return tuple(new)

            c0 = tuple(carry_ref[pl.ds(16 * g, 16)] for g in range(NG))
            cn = lax.fori_loop(0, R, row, c0, unroll=8)
            for g in range(NG):
                carry_ref[pl.ds(16 * g, 16)] = cn[g]

        pltpu.emit_pipeline(
            body,
            grid=(n_tasks, n_chunks),
            in_specs=[
                pl.BlockSpec((1, R, FW), index_map=lambda t, k: (t // 8, k, t % 8)),
            ],
            out_specs=[
                pl.BlockSpec((1, R, FW), index_map=lambda t, k: (t // 8, k, t % 8)),
            ],
            core_axis_name=("core", "subcore"),
            dimension_semantics=(pltpu.PARALLEL, pltpu.ARBITRARY),
        )(x_hbm, o_hbm)

    return sc_cumsum(x)

# --- scband reference (transcript-rebuilt; emitter-appended) ---
"""Pipeline reference for scband-model-new-73315091744338 (READ-ONLY COPY).

The authoritative reference and input builder live on the scoring server;
editing this copy changes nothing except your own understanding.
"""

import jax, jax.numpy as jnp
import numpy as np

DIM = 1

def setup_inputs(seed: int = 0) -> dict:
    key = jax.random.key(seed)
    x = jax.random.normal(key, (4, 4096, 2048), dtype=jnp.float32)
    return {"x": x}

def reference(x):
    # Exclusive cumsum along DIM: out[i] = sum of x[..., :i, ...]
    # Equivalent to inclusive cumsum minus the element itself.
    return jnp.cumsum(x, axis=DIM) - x

if __name__ == "__main__":
    import jax
    _d = setup_inputs()
    print(jax.jit(kernel)(*tuple(_d.values())))

</pallas_src>

<mosaic_0001>
#map = affine_map<(d0, d1) -> (0, 0, 0)>
module attributes {stable_mosaic.version = 14 : i64} {
  func.func @sc_cumsum(%arg0: i32, %arg1: i32, %arg2: memref<4x4096x2048xf32, #tpu.memory_space<hbm>>, %arg3: memref<4x4096x2048xf32, #tpu.memory_space<hbm>>, %arg4: memref<256xf32, #tpu.memory_space<vmem>>) attributes {dimension_semantics = [#tpu.dimension_semantics<core_parallel>, #tpu.dimension_semantics<subcore_parallel>], iteration_bounds = array<i64: 2, 16>, scalar_prefetch = 0 : i64, scratch_operands = 1 : i64, tpu.core_type = #tpu.core_type<sc_vector_subcore>, window_params = [{transform_indices = #map}, {transform_indices = #map}]} {
    %broadcast_in_dim3A = arith.constant 0.000000e+00 : f32
    %broadcast_in_dim3A_0 = vector.broadcast %broadcast_in_dim3A : f32 to vector<16xf32>
    %swap3A = arith.constant 0 : index
    %swap3A_1 = tpu.vector_load %arg4[%swap3A] {strides = array<i32>} : memref<256xf32, #tpu.memory_space<vmem>>, vector<16xf32>,
    %swap3A_2 = vector.shape_cast %swap3A_1 : vector<16xf32> to vector<16xf32>
    %swap3A_3 = vector.shape_cast %broadcast_in_dim3A_0 : vector<16xf32> to vector<16xf32>
    tpu.vector_store %arg4[%swap3A], %swap3A_3 {strides = array<i32>} : memref<256xf32, #tpu.memory_space<vmem>>, vector<16xf32>,
    %broadcast_in_dim3A_4 = arith.constant 0.000000e+00 : f32
    %broadcast_in_dim3A_5 = vector.broadcast %broadcast_in_dim3A_4 : f32 to vector<16xf32>
    %swap3A_6 = arith.constant 16 : index
    %swap3A_7 = tpu.vector_load %arg4[%swap3A_6] {strides = array<i32>} : memref<256xf32, #tpu.memory_space<vmem>>, vector<16xf32>,
    %swap3A_8 = vector.shape_cast %swap3A_7 : vector<16xf32> to vector<16xf32>
    %swap3A_9 = vector.shape_cast %broadcast_in_dim3A_5 : vector<16xf32> to vector<16xf32>
    tpu.vector_store %arg4[%swap3A_6], %swap3A_9 {strides = array<i32>} : memref<256xf32, #tpu.memory_space<vmem>>, vector<16xf32>,
    %broadcast_in_dim3A_10 = arith.constant 0.000000e+00 : f32
    %broadcast_in_dim3A_11 = vector.broadcast %broadcast_in_dim3A_10 : f32 to vector<16xf32>
    %swap3A_12 = arith.constant 32 : index
    %swap3A_13 = tpu.vector_load %arg4[%swap3A_12] {strides = array<i32>} : memref<256xf32, #tpu.memory_space<vmem>>, vector<16xf32>,
    %swap3A_14 = vector.shape_cast %swap3A_13 : vector<16xf32> to vector<16xf32>
    %swap3A_15 = vector.shape_cast %broadcast_in_dim3A_11 : vector<16xf32> to vector<16xf32>
    tpu.vector_store %arg4[%swap3A_12], %swap3A_15 {strides = array<i32>} : memref<256xf32, #tpu.memory_space<vmem>>, vector<16xf32>,
    %broadcast_in_dim3A_16 = arith.constant 0.000000e+00 : f32
    %broadcast_in_dim3A_17 = vector.broadcast %broadcast_in_dim3A_16 : f32 to vector<16xf32>
    %swap3A_18 = arith.constant 48 : index
    %swap3A_19 = tpu.vector_load %arg4[%swap3A_18] {strides = array<i32>} : memref<256xf32, #tpu.memory_space<vmem>>, vector<16xf32>,
    %swap3A_20 = vector.shape_cast %swap3A_19 : vector<16xf32> to vector<16xf32>
    %swap3A_21 = vector.shape_cast %broadcast_in_dim3A_17 : vector<16xf32> to vector<16xf32>
    tpu.vector_store %arg4[%swap3A_18], %swap3A_21 {strides = array<i32>} : memref<256xf32, #tpu.memory_space<vmem>>, vector<16xf32>,
    %broadcast_in_dim3A_22 = arith.constant 0.000000e+00 : f32
    %broadcast_in_dim3A_23 = vector.broadcast %broadcast_in_dim3A_22 : f32 to vector<16xf32>
    %swap3A_24 = arith.constant 64 : index
    %swap3A_25 = tpu.vector_load %arg4[%swap3A_24] {strides = array<i32>} : memref<256xf32, #tpu.memory_space<vmem>>, vector<16xf32>,
    %swap3A_26 = vector.shape_cast %swap3A_25 : vector<16xf32> to vector<16xf32>
    %swap3A_27 = vector.shape_cast %broadcast_in_dim3A_23 : vector<16xf32> to vector<16xf32>
    tpu.vector_store %arg4[%swap3A_24], %swap3A_27 {strides = array<i32>} : memref<256xf32, #tpu.memory_space<vmem>>, vector<16xf32>,
    %broadcast_in_dim3A_28 = arith.constant 0.000000e+00 : f32
    %broadcast_in_dim3A_29 = vector.broadcast %broadcast_in_dim3A_28 : f32 to vector<16xf32>
    %swap3A_30 = arith.constant 80 : index
    %swap3A_31 = tpu.vector_load %arg4[%swap3A_30] {strides = array<i32>} : memref<256xf32, #tpu.memory_space<vmem>>, vector<16xf32>,
    %swap3A_32 = vector.shape_cast %swap3A_31 : vector<16xf32> to vector<16xf32>
    %swap3A_33 = vector.shape_cast %broadcast_in_dim3A_29 : vector<16xf32> to vector<16xf32>
    tpu.vector_store %arg4[%swap3A_30], %swap3A_33 {strides = array<i32>} : memref<256xf32, #tpu.memory_space<vmem>>, vector<16xf32>,
    %broadcast_in_dim3A_34 = arith.constant 0.000000e+00 : f32
    %broadcast_in_dim3A_35 = vector.broadcast %broadcast_in_dim3A_34 : f32 to vector<16xf32>
    %swap3A_36 = arith.constant 96 : index
    %swap3A_37 = tpu.vector_load %arg4[%swap3A_36] {strides = array<i32>} : memref<256xf32, #tpu.memory_space<vmem>>, vector<16xf32>,
    %swap3A_38 = vector.shape_cast %swap3A_37 : vector<16xf32> to vector<16xf32>
    %swap3A_39 = vector.shape_cast %broadcast_in_dim3A_35 : vector<16xf32> to vector<16xf32>
    tpu.vector_store %arg4[%swap3A_36], %swap3A_39 {strides = array<i32>} : memref<256xf32, #tpu.memory_space<vmem>>, vector<16xf32>,
    %broadcast_in_dim3A_40 = arith.constant 0.000000e+00 : f32
    %broadcast_in_dim3A_41 = vector.broadcast %broadcast_in_dim3A_40 : f32 to vector<16xf32>
    %swap3A_42 = arith.constant 112 : index
    %swap3A_43 = tpu.vector_load %arg4[%swap3A_42] {strides = array<i32>} : memref<256xf32, #tpu.memory_space<vmem>>, vector<16xf32>,
    %swap3A_44 = vector.shape_cast %swap3A_43 : vector<16xf32> to vector<16xf32>
    %swap3A_45 = vector.shape_cast %broadcast_in_dim3A_41 : vector<16xf32> to vector<16xf32>
    tpu.vector_store %arg4[%swap3A_42], %swap3A_45 {strides = array<i32>} : memref<256xf32, #tpu.memory_space<vmem>>, vector<16xf32>,
    %broadcast_in_dim3A_46 = arith.constant 0.000000e+00 : f32
    %broadcast_in_dim3A_47 = vector.broadcast %broadcast_in_dim3A_46 : f32 to vector<16xf32>
    %swap3A_48 = arith.constant 128 : index
    %swap3A_49 = tpu.vector_load %arg4[%swap3A_48] {strides = array<i32>} : memref<256xf32, #tpu.memory_space<vmem>>, vector<16xf32>,
    %swap3A_50 = vector.shape_cast %swap3A_49 : vector<16xf32> to vector<16xf32>
    %swap3A_51 = vector.shape_cast %broadcast_in_dim3A_47 : vector<16xf32> to vector<16xf32>
    tpu.vector_store %arg4[%swap3A_48], %swap3A_51 {strides = array<i32>} : memref<256xf32, #tpu.memory_space<vmem>>, vector<16xf32>,
    %broadcast_in_dim3A_52 = arith.constant 0.000000e+00 : f32
    %broadcast_in_dim3A_53 = vector.broadcast %broadcast_in_dim3A_52 : f32 to vector<16xf32>
    %swap3A_54 = arith.constant 144 : index
    %swap3A_55 = tpu.vector_load %arg4[%swap3A_54] {strides = array<i32>} : memref<256xf32, #tpu.memory_space<vmem>>, vector<16xf32>,
    %swap3A_56 = vector.shape_cast %swap3A_55 : vector<16xf32> to vector<16xf32>
    %swap3A_57 = vector.shape_cast %broadcast_in_dim3A_53 : vector<16xf32> to vector<16xf32>
    tpu.vector_store %arg4[%swap3A_54], %swap3A_57 {strides = array<i32>} : memref<256xf32, #tpu.memory_space<vmem>>, vector<16xf32>,
    %broadcast_in_dim3A_58 = arith.constant 0.000000e+00 : f32
    %broadcast_in_dim3A_59 = vector.broadcast %broadcast_in_dim3A_58 : f32 to vector<16xf32>
    %swap3A_60 = arith.constant 160 : index
    %swap3A_61 = tpu.vector_load %arg4[%swap3A_60] {strides = array<i32>} : memref<256xf32, #tpu.memory_space<vmem>>, vector<16xf32>,
    %swap3A_62 = vector.shape_cast %swap3A_61 : vector<16xf32> to vector<16xf32>
    %swap3A_63 = vector.shape_cast %broadcast_in_dim3A_59 : vector<16xf32> to vector<16xf32>
    tpu.vector_store %arg4[%swap3A_60], %swap3A_63 {strides = array<i32>} : memref<256xf32, #tpu.memory_space<vmem>>, vector<16xf32>,
    %broadcast_in_dim3A_64 = arith.constant 0.000000e+00 : f32
    %broadcast_in_dim3A_65 = vector.broadcast %broadcast_in_dim3A_64 : f32 to vector<16xf32>
    %swap3A_66 = arith.constant 176 : index
    %swap3A_67 = tpu.vector_load %arg4[%swap3A_66] {strides = array<i32>} : memref<256xf32, #tpu.memory_space<vmem>>, vector<16xf32>,
    %swap3A_68 = vector.shape_cast %swap3A_67 : vector<16xf32> to vector<16xf32>
    %swap3A_69 = vector.shape_cast %broadcast_in_dim3A_65 : vector<16xf32> to vector<16xf32>
    tpu.vector_store %arg4[%swap3A_66], %swap3A_69 {strides = array<i32>} : memref<256xf32, #tpu.memory_space<vmem>>, vector<16xf32>,
    %broadcast_in_dim3A_70 = arith.constant 0.000000e+00 : f32
    %broadcast_in_dim3A_71 = vector.broadcast %broadcast_in_dim3A_70 : f32 to vector<16xf32>
    %swap3A_72 = arith.constant 192 : index
    %swap3A_73 = tpu.vector_load %arg4[%swap3A_72] {strides = array<i32>} : memref<256xf32, #tpu.memory_space<vmem>>, vector<16xf32>,
    %swap3A_74 = vector.shape_cast %swap3A_73 : vector<16xf32> to vector<16xf32>
    %swap3A_75 = vector.shape_cast %broadcast_in_dim3A_71 : vector<16xf32> to vector<16xf32>
    tpu.vector_store %arg4[%swap3A_72], %swap3A_75 {strides = array<i32>} : memref<256xf32, #tpu.memory_space<vmem>>, vector<16xf32>,
    %broadcast_in_dim3A_76 = arith.constant 0.000000e+00 : f32
    %broadcast_in_dim3A_77 = vector.broadcast %broadcast_in_dim3A_76 : f32 to vector<16xf32>
    %swap3A_78 = arith.constant 208 : index
    %swap3A_79 = tpu.vector_load %arg4[%swap3A_78] {strides = array<i32>} : memref<256xf32, #tpu.memory_space<vmem>>, vector<16xf32>,
    %swap3A_80 = vector.shape_cast %swap3A_79 : vector<16xf32> to vector<16xf32>
    %swap3A_81 = vector.shape_cast %broadcast_in_dim3A_77 : vector<16xf32> to vector<16xf32>
    tpu.vector_store %arg4[%swap3A_78], %swap3A_81 {strides = array<i32>} : memref<256xf32, #tpu.memory_space<vmem>>, vector<16xf32>,
    %broadcast_in_dim3A_82 = arith.constant 0.000000e+00 : f32
    %broadcast_in_dim3A_83 = vector.broadcast %broadcast_in_dim3A_82 : f32 to vector<16xf32>
    %swap3A_84 = arith.constant 224 : index
    %swap3A_85 = tpu.vector_load %arg4[%swap3A_84] {strides = array<i32>} : memref<256xf32, #tpu.memory_space<vmem>>, vector<16xf32>,
    %swap3A_86 = vector.shape_cast %swap3A_85 : vector<16xf32> to vector<16xf32>
    %swap3A_87 = vector.shape_cast %broadcast_in_dim3A_83 : vector<16xf32> to vector<16xf32>
    tpu.vector_store %arg4[%swap3A_84], %swap3A_87 {strides = array<i32>} : memref<256xf32, #tpu.memory_space<vmem>>, vector<16xf32>,
    %broadcast_in_dim3A_88 = arith.constant 0.000000e+00 : f32
    %broadcast_in_dim3A_89 = vector.broadcast %broadcast_in_dim3A_88 : f32 to vector<16xf32>
    %swap3A_90 = arith.constant 240 : index
    %swap3A_91 = tpu.vector_load %arg4[%swap3A_90] {strides = array<i32>} : memref<256xf32, #tpu.memory_space<vmem>>, vector<16xf32>,
    %swap3A_92 = vector.shape_cast %swap3A_91 : vector<16xf32> to vector<16xf32>
    %swap3A_93 = vector.shape_cast %broadcast_in_dim3A_89 : vector<16xf32> to vector<16xf32>
    tpu.vector_store %arg4[%swap3A_90], %swap3A_93 {strides = array<i32>} : memref<256xf32, #tpu.memory_space<vmem>>, vector<16xf32>,
    %mul3A = arith.constant 1 : i32
    %mul3A_94 = arith.muli %arg1, %mul3A : i32
    %add3A = arith.constant 0 : i32
    %add3A_95 = arith.addi %add3A, %mul3A_94 : i32
    %mul3A_96 = arith.constant 16 : i32
    %mul3A_97 = arith.muli %arg0, %mul3A_96 : i32
    %add3A_98 = arith.addi %add3A_95, %mul3A_97 : i32
    %mul3A_99 = arith.constant 1 : i32
    %mul3A_100 = arith.muli %add3A_98, %mul3A_99 : i32
    "tpu.region"() ({
      %run_scoped3A = memref.alloca() : memref<2x1x64x256xf32, #tpu.memory_space<vmem>>
      %run_scoped3A_101 = tpu.sem_alloc : memref<2x!tpu.dma_semaphore, #tpu.memory_space<semaphore_mem>>
      %run_scoped3A_102 = memref.alloca() : memref<2x1x64x256xf32, #tpu.memory_space<vmem>>
      %run_scoped3A_103 = tpu.sem_alloc : memref<2x!tpu.dma_semaphore, #tpu.memory_space<semaphore_mem>>
      %add3A_104 = arith.constant 0 : i32
      %add3A_105 = arith.addi %add3A_104, %mul3A_100 : i32
      %select_n3A = arith.constant true
      %select_n3A_106 = arith.constant 0 : i32
      %select_n3A_107 = arith.constant -1 : i32
      %select_n3A_108 = arith.select %select_n3A, %select_n3A_107, %select_n3A_106 : i32
      %eq3A = arith.constant -1 : i32
      %eq3A_109 = arith.cmpi eq, %select_n3A_108, %eq3A : i32
      %select_n3A_110 = arith.constant 63 : i32
      %select_n3A_111 = arith.select %eq3A_109, %select_n3A_110, %select_n3A_108 : i32
      %select_n3A_112 = arith.constant 0 : i32
      %select_n3A_113 = arith.constant -1 : i32
      %select_n3A_114 = arith.select %eq3A_109, %select_n3A_113, %select_n3A_112 : i32
      %eq3A_115 = arith.constant -1 : i32
      %eq3A_116 = arith.cmpi eq, %select_n3A_114, %eq3A_115 : i32
      %select_n3A_117 = arith.constant 0 : i32
      %select_n3A_118 = arith.select %eq3A_116, %select_n3A_117, %select_n3A_114 : i32
      %add3A_119 = arith.constant 0 : i32
      %add3A_120 = arith.addi %add3A_119, %mul3A_100 : i32
      %add3A_121 = arith.constant 0 : i32
      %add3A_122 = arith.addi %select_n3A_111, %add3A_121 : i32
      %select_n3A_123 = arith.constant true
      %select_n3A_124 = arith.constant 0 : i32
      %select_n3A_125 = arith.constant 1 : i32
      %select_n3A_126 = arith.select %select_n3A_123, %select_n3A_125, %select_n3A_124 : i32
      %eq3A_127 = arith.constant 64 : i32
      %eq3A_128 = arith.cmpi eq, %select_n3A_126, %eq3A_127 : i32
      %select_n3A_129 = arith.constant 0 : i32
      %select_n3A_130 = arith.select %eq3A_128, %select_n3A_129, %select_n3A_126 : i32
      %select_n3A_131 = arith.constant 0 : i32
      %select_n3A_132 = arith.constant 1 : i32
      %select_n3A_133 = arith.select %eq3A_128, %select_n3A_132, %select_n3A_131 : i32
      %eq3A_134 = arith.constant 1 : i32
      %eq3A_135 = arith.cmpi eq, %select_n3A_133, %eq3A_134 : i32
      %select_n3A_136 = arith.constant 0 : i32
      %select_n3A_137 = arith.select %eq3A_135, %select_n3A_136, %select_n3A_133 : i32
      %add3A_138 = arith.constant 0 : i32
      %add3A_139 = arith.addi %add3A_138, %mul3A_100 : i32
      %add3A_140 = arith.constant 0 : i32
      %add3A_141 = arith.addi %select_n3A_130, %add3A_140 : i32
      %add3A_142 = arith.constant 1 : i32
      %add3A_143 = arith.addi %select_n3A_130, %add3A_142 : i32
      %select_n3A_144 = arith.constant true
      %select_n3A_145 = arith.select %select_n3A_144, %add3A_143, %select_n3A_130 : i32
      %eq3A_146 = arith.constant 64 : i32
      %eq3A_147 = arith.cmpi eq, %select_n3A_145, %eq3A_146 : i32
      %select_n3A_148 = arith.constant 0 : i32
      %select_n3A_149 = arith.select %eq3A_147, %select_n3A_148, %select_n3A_145 : i32
      %select_n3A_150 = arith.constant 0 : i32
      %select_n3A_151 = arith.constant 1 : i32
      %select_n3A_152 = arith.select %eq3A_147, %select_n3A_151, %select_n3A_150 : i32
      %eq3A_153 = arith.constant 1 : i32
      %eq3A_154 = arith.cmpi eq, %select_n3A_152, %eq3A_153 : i32
      %select_n3A_155 = arith.constant 0 : i32
      %select_n3A_156 = arith.select %eq3A_154, %select_n3A_155, %select_n3A_152 : i32
      %add3A_157 = arith.constant 0 : i32
      %add3A_158 = arith.addi %add3A_157, %mul3A_100 : i32
      %add3A_159 = arith.constant 0 : i32
      %add3A_160 = arith.addi %select_n3A_149, %add3A_159 : i32
      "tpu.trace_start"() <{level = 10 : i32, message = "ep_initialize_0"}> : () -> ()
      %rem3A = arith.constant 0 : i32
      %rem3A_161 = arith.constant 2 : i32
      %rem3A_162 = arith.remui %rem3A, %rem3A_161 : i32
      %jit3A = arith.constant 8 : i32
      %div3A = arith.divsi %add3A_105, %jit3A : i32
      %sign3A = arith.constant 0 : i32
      %sign3A_163 = arith.cmpi sgt, %add3A_105, %sign3A : i32
      %sign3A_164 = arith.extui %sign3A_163 : i1 to i32
      %sign3A_165 = arith.constant 0 : i32
      %sign3A_166 = arith.cmpi slt, %add3A_105, %sign3A_165 : i32
      %sign3A_167 = arith.extui %sign3A_166 : i1 to i32
      %sign3A_168 = arith.subi %sign3A_164, %sign3A_167 : i32
      %sign3A_169 = arith.constant 0 : i32
      %sign3A_170 = arith.cmpi sgt, %jit3A, %sign3A_169 : i32
      %sign3A_171 = arith.extui %sign3A_170 : i1 to i32
      %sign3A_172 = arith.constant 0 : i32
      %sign3A_173 = arith.cmpi slt, %jit3A, %sign3A_172 : i32
      %sign3A_174 = arith.extui %sign3A_173 : i1 to i32
      %sign3A_175 = arith.subi %sign3A_171, %sign3A_174 : i32
      %ne3A = arith.cmpi ne, %sign3A_168, %sign3A_175 : i32
      %rem3A_176 = arith.remsi %add3A_105, %jit3A : i32
      %ne3A_177 = arith.constant 0 : i32
      %ne3A_178 = arith.cmpi ne, %rem3A_176, %ne3A_177 : i32
      %and3A = arith.andi %ne3A, %ne3A_178 : i1
      %sub3A = arith.constant 1 : i32
      %sub3A_179 = arith.subi %div3A, %sub3A : i32
      %select_n3A_180 = arith.select %and3A, %sub3A_179, %div3A : i32
      %jit3A_181 = arith.constant 8 : i32
      %eq3A_182 = arith.constant 0 : i32
      %eq3A_183 = arith.cmpi eq, %jit3A_181, %eq3A_182 : i32
      %jit3A_184 = arith.constant 1 : i32
      %select_n3A_185 = arith.select %eq3A_183, %jit3A_184, %jit3A_181 : i32
      %rem3A_186 = arith.remsi %add3A_105, %select_n3A_185 : i32
      %ne3A_187 = arith.constant 0 : i32
      %ne3A_188 = arith.cmpi ne, %rem3A_186, %ne3A_187 : i32
      %lt3A = arith.constant 0 : i32
      %lt3A_189 = arith.cmpi slt, %rem3A_186, %lt3A : i32
      %lt3A_190 = arith.constant 0 : i32
      %lt3A_191 = arith.cmpi slt, %select_n3A_185, %lt3A_190 : i32
      %ne3A_192 = arith.xori %lt3A_189, %lt3A_191 : i1
      %and3A_193 = arith.andi %ne3A_192, %ne3A_188 : i1
      %add3A_194 = arith.addi %rem3A_186, %select_n3A_185 : i32
      %select_n3A_195 = arith.select %and3A_193, %add3A_194, %rem3A_186 : i32
      %mul3A_196 = arith.constant 1 : i32
      %mul3A_197 = arith.muli %mul3A_196, %select_n3A_180 : i32
      %mul3A_198 = arith.constant 256 : i32
      %mul3A_199 = arith.muli %mul3A_198, %select_n3A_195 : i32
      %dma_start3A = arith.constant 0 : i32
      %dma_start3A_200 = arith.constant 0 : i32
      %dma_start3A_201 = arith.constant 0 : i32
      %dma_start3A_202 = tpu.memref_slice %run_scoped3A[%rem3A_162, %dma_start3A, %dma_start3A_200, %dma_start3A_201] : memref<2x1x64x256xf32, #tpu.memory_space<vmem>> -> memref<1x1x64x256xf32, #tpu.memory_space<vmem>>
      %dma_start3A_203 = tpu.memref_squeeze %dma_start3A_202 : memref<1x1x64x256xf32, #tpu.memory_space<vmem>> -> memref<1x64x256xf32, #tpu.memory_space<vmem>>
      %dma_start3A_204 = arith.constant 0 : i32
      %dma_start3A_205 = tpu.memref_slice %arg2[%mul3A_197, %dma_start3A_204, %mul3A_199] : memref<4x4096x2048xf32, #tpu.memory_space<hbm>> -> memref<1x64x256xf32, #tpu.memory_space<hbm>>
      %dma_start3A_206 = tpu.memref_slice %run_scoped3A_101[%rem3A_162] : memref<2x!tpu.dma_semaphore, #tpu.memory_space<semaphore_mem>> -> memref<1x!tpu.dma_semaphore, #tpu.memory_space<semaphore_mem>>
      %dma_start3A_207 = tpu.memref_squeeze %dma_start3A_206 : memref<1x!tpu.dma_semaphore, #tpu.memory_space<semaphore_mem>> -> memref<!tpu.dma_semaphore, #tpu.memory_space<semaphore_mem>>
      %dma_start3A_208 = arith.constant 0 : i32
      %dma_start3A_209 = arith.constant 0 : i32
      %dma_start3A_210 = arith.constant 0 : i32
      %dma_start3A_211 = tpu.memref_slice %run_scoped3A[%rem3A_162, %dma_start3A_208, %dma_start3A_209, %dma_start3A_210] : memref<2x1x64x256xf32, #tpu.memory_space<vmem>> -> memref<1x1x64x256xf32, #tpu.memory_space<vmem>>
      %dma_start3A_212 = tpu.memref_squeeze %dma_start3A_211 : memref<1x1x64x256xf32, #tpu.memory_space<vmem>> -> memref<1x64x256xf32, #tpu.memory_space<vmem>>
      %dma_start3A_213 = arith.constant 0 : i32
      %dma_start3A_214 = tpu.memref_slice %arg2[%mul3A_197, %dma_start3A_213, %mul3A_199] : memref<4x4096x2048xf32, #tpu.memory_space<hbm>> -> memref<1x64x256xf32, #tpu.memory_space<hbm>>
      tpu.enqueue_dma source(%dma_start3A_214 : memref<1x64x256xf32, #tpu.memory_space<hbm>>) target(%dma_start3A_212 : memref<1x64x256xf32, #tpu.memory_space<vmem>>) target_semaphore(%dma_start3A_207 : memref<!tpu.dma_semaphore, #tpu.memory_space<semaphore_mem>>)
      %add3A_215 = arith.constant 0 : i32
      %add3A_216 = arith.constant 1 : i32
      %add3A_217 = arith.addi %add3A_215, %add3A_216 : i32
      %select_n3A_218 = arith.constant true
      %select_n3A_219 = arith.constant 0 : i32
      %select_n3A_220 = arith.select %select_n3A_218, %add3A_217, %select_n3A_219 : i32
      "tpu.trace_stop"() : () -> ()
      %scan3A = arith.constant 0 : i32
      %scan3A_221 = arith.constant 0 : i32
      %scan3A_222 = arith.constant 0 : i32
      %scan3A_223 = arith.constant 0 : i32
      %scan3A_224 = arith.constant 0 : i32
      %scan3A_225 = arith.constant 0 : i32
      %scan3A_226 = arith.constant 64 : i32
      %scan3A_227 = arith.addi %scan3A_225, %scan3A_226 : i32
      %scan3A_228 = arith.constant 1 : i32
      %scan3A_229:6 = scf.for %scan3A_368 = %scan3A_225 to %scan3A_227 step %scan3A_228 iter_args(%scan3A_369 = %select_n3A_220, %scan3A_370 = %scan3A, %scan3A_371 = %scan3A_221, %scan3A_372 = %scan3A_222, %scan3A_373 = %scan3A_223, %scan3A_374 = %scan3A_224) -> (i32, i32, i32, i32, i32, i32)  : i32 {
        %eq3A_375 = arith.constant 0 : i32
        %eq3A_376 = arith.cmpi eq, %scan3A_368, %eq3A_375 : i32
        %eq3A_377 = arith.constant 63 : i32
        %eq3A_378 = arith.cmpi eq, %scan3A_368, %eq3A_377 : i32
        %add3A_379 = arith.constant 0 : i32
        %add3A_380 = arith.addi %add3A_379, %mul3A_100 : i32
        %add3A_381 = arith.constant 0 : i32
        %add3A_382 = arith.addi %scan3A_374, %add3A_381 : i32
        %sub3A_383 = arith.constant 1 : i32
        %sub3A_384 = arith.subi %scan3A_374, %sub3A_383 : i32
        %select_n3A_385 = arith.constant true
        %select_n3A_386 = arith.select %select_n3A_385, %sub3A_384, %scan3A_374 : i32
        %eq3A_387 = arith.constant -1 : i32
        %eq3A_388 = arith.cmpi eq, %select_n3A_386, %eq3A_387 : i32
        %select_n3A_389 = arith.constant 63 : i32
        %select_n3A_390 = arith.select %eq3A_388, %select_n3A_389, %select_n3A_386 : i32
        %select_n3A_391 = arith.constant 0 : i32
        %select_n3A_392 = arith.constant -1 : i32
        %select_n3A_393 = arith.select %eq3A_388, %select_n3A_392, %select_n3A_391 : i32
        %eq3A_394 = arith.constant -1 : i32
        %eq3A_395 = arith.cmpi eq, %select_n3A_393, %eq3A_394 : i32
        %select_n3A_396 = arith.constant 0 : i32
        %select_n3A_397 = arith.select %eq3A_395, %select_n3A_396, %select_n3A_393 : i32
        %add3A_398 = arith.constant 0 : i32
        %add3A_399 = arith.addi %add3A_398, %mul3A_100 : i32
        %add3A_400 = arith.constant 0 : i32
        %add3A_401 = arith.addi %select_n3A_390, %add3A_400 : i32
        %add3A_402 = arith.constant 1 : i32
        %add3A_403 = arith.addi %scan3A_374, %add3A_402 : i32
        %select_n3A_404 = arith.constant true
        %select_n3A_405 = arith.select %select_n3A_404, %add3A_403, %scan3A_374 : i32
        %eq3A_406 = arith.constant 64 : i32
        %eq3A_407 = arith.cmpi eq, %select_n3A_405, %eq3A_406 : i32
        %select_n3A_408 = arith.constant 0 : i32
        %select_n3A_409 = arith.select %eq3A_407, %select_n3A_408, %select_n3A_405 : i32
        %select_n3A_410 = arith.constant 0 : i32
        %select_n3A_411 = arith.constant 1 : i32
        %select_n3A_412 = arith.select %eq3A_407, %select_n3A_411, %select_n3A_410 : i32
        %eq3A_413 = arith.constant 1 : i32
        %eq3A_414 = arith.cmpi eq, %select_n3A_412, %eq3A_413 : i32
        %select_n3A_415 = arith.constant 0 : i32
        %select_n3A_416 = arith.select %eq3A_414, %select_n3A_415, %select_n3A_412 : i32
        %add3A_417 = arith.constant 0 : i32
        %add3A_418 = arith.addi %add3A_417, %mul3A_100 : i32
        %add3A_419 = arith.constant 0 : i32
        %add3A_420 = arith.addi %select_n3A_409, %add3A_419 : i32
        %add3A_421 = arith.constant 1 : i32
        %add3A_422 = arith.addi %select_n3A_409, %add3A_421 : i32
        %select_n3A_423 = arith.constant true
        %select_n3A_424 = arith.select %select_n3A_423, %add3A_422, %select_n3A_409 : i32
        %eq3A_425 = arith.constant 64 : i32
        %eq3A_426 = arith.cmpi eq, %select_n3A_424, %eq3A_425 : i32
        %select_n3A_427 = arith.constant 0 : i32
        %select_n3A_428 = arith.select %eq3A_426, %select_n3A_427, %select_n3A_424 : i32
        %select_n3A_429 = arith.constant 0 : i32
        %select_n3A_430 = arith.constant 1 : i32
        %select_n3A_431 = arith.select %eq3A_426, %select_n3A_430, %select_n3A_429 : i32
        %eq3A_432 = arith.constant 1 : i32
        %eq3A_433 = arith.cmpi eq, %select_n3A_431, %eq3A_432 : i32
        %select_n3A_434 = arith.constant 0 : i32
        %select_n3A_435 = arith.select %eq3A_433, %select_n3A_434, %select_n3A_431 : i32
        %add3A_436 = arith.constant 0 : i32
        %add3A_437 = arith.addi %add3A_436, %mul3A_100 : i32
        %add3A_438 = arith.constant 0 : i32
        %add3A_439 = arith.addi %select_n3A_428, %add3A_438 : i32
        %jit3A_440 = arith.constant 8 : i32
        %div3A_441 = arith.divsi %add3A_380, %jit3A_440 : i32
        %sign3A_442 = arith.constant 0 : i32
        %sign3A_443 = arith.cmpi sgt, %add3A_380, %sign3A_442 : i32
        %sign3A_444 = arith.extui %sign3A_443 : i1 to i32
        %sign3A_445 = arith.constant 0 : i32
        %sign3A_446 = arith.cmpi slt, %add3A_380, %sign3A_445 : i32
        %sign3A_447 = arith.extui %sign3A_446 : i1 to i32
        %sign3A_448 = arith.subi %sign3A_444, %sign3A_447 : i32
        %sign3A_449 = arith.constant 0 : i32
        %sign3A_450 = arith.cmpi sgt, %jit3A_440, %sign3A_449 : i32
        %sign3A_451 = arith.extui %sign3A_450 : i1 to i32
        %sign3A_452 = arith.constant 0 : i32
        %sign3A_453 = arith.cmpi slt, %jit3A_440, %sign3A_452 : i32
        %sign3A_454 = arith.extui %sign3A_453 : i1 to i32
        %sign3A_455 = arith.subi %sign3A_451, %sign3A_454 : i32
        %ne3A_456 = arith.cmpi ne, %sign3A_448, %sign3A_455 : i32
        %rem3A_457 = arith.remsi %add3A_380, %jit3A_440 : i32
        %ne3A_458 = arith.constant 0 : i32
        %ne3A_459 = arith.cmpi ne, %rem3A_457, %ne3A_458 : i32
        %and3A_460 = arith.andi %ne3A_456, %ne3A_459 : i1
        %sub3A_461 = arith.constant 1 : i32
        %sub3A_462 = arith.subi %div3A_441, %sub3A_461 : i32
        %select_n3A_463 = arith.select %and3A_460, %sub3A_462, %div3A_441 : i32
        %jit3A_464 = arith.constant 8 : i32
        %eq3A_465 = arith.constant 0 : i32
        %eq3A_466 = arith.cmpi eq, %jit3A_464, %eq3A_465 : i32
        %jit3A_467 = arith.constant 1 : i32
        %select_n3A_468 = arith.select %eq3A_466, %jit3A_467, %jit3A_464 : i32
        %rem3A_469 = arith.remsi %add3A_380, %select_n3A_468 : i32
        %ne3A_470 = arith.constant 0 : i32
        %ne3A_471 = arith.cmpi ne, %rem3A_469, %ne3A_470 : i32
        %lt3A_472 = arith.constant 0 : i32
        %lt3A_473 = arith.cmpi slt, %rem3A_469, %lt3A_472 : i32
        %lt3A_474 = arith.constant 0 : i32
        %lt3A_475 = arith.cmpi slt, %select_n3A_468, %lt3A_474 : i32
        %ne3A_476 = arith.xori %lt3A_473, %lt3A_475 : i1
        %and3A_477 = arith.andi %ne3A_476, %ne3A_471 : i1
        %add3A_478 = arith.addi %rem3A_469, %select_n3A_468 : i32
        %select_n3A_479 = arith.select %and3A_477, %add3A_478, %rem3A_469 : i32
        %jit3A_480 = arith.constant 8 : i32
        %div3A_481 = arith.divsi %add3A_418, %jit3A_480 : i32
        %sign3A_482 = arith.constant 0 : i32
        %sign3A_483 = arith.cmpi sgt, %add3A_418, %sign3A_482 : i32
        %sign3A_484 = arith.extui %sign3A_483 : i1 to i32
        %sign3A_485 = arith.constant 0 : i32
        %sign3A_486 = arith.cmpi slt, %add3A_418, %sign3A_485 : i32
        %sign3A_487 = arith.extui %sign3A_486 : i1 to i32
        %sign3A_488 = arith.subi %sign3A_484, %sign3A_487 : i32
        %sign3A_489 = arith.constant 0 : i32
        %sign3A_490 = arith.cmpi sgt, %jit3A_480, %sign3A_489 : i32
        %sign3A_491 = arith.extui %sign3A_490 : i1 to i32
        %sign3A_492 = arith.constant 0 : i32
        %sign3A_493 = arith.cmpi slt, %jit3A_480, %sign3A_492 : i32
        %sign3A_494 = arith.extui %sign3A_493 : i1 to i32
        %sign3A_495 = arith.subi %sign3A_491, %sign3A_494 : i32
        %ne3A_496 = arith.cmpi ne, %sign3A_488, %sign3A_495 : i32
        %rem3A_497 = arith.remsi %add3A_418, %jit3A_480 : i32
        %ne3A_498 = arith.constant 0 : i32
        %ne3A_499 = arith.cmpi ne, %rem3A_497, %ne3A_498 : i32
        %and3A_500 = arith.andi %ne3A_496, %ne3A_499 : i1
        %sub3A_501 = arith.constant 1 : i32
        %sub3A_502 = arith.subi %div3A_481, %sub3A_501 : i32
        %select_n3A_503 = arith.select %and3A_500, %sub3A_502, %div3A_481 : i32
        %jit3A_504 = arith.constant 8 : i32
        %eq3A_505 = arith.constant 0 : i32
        %eq3A_506 = arith.cmpi eq, %jit3A_504, %eq3A_505 : i32
        %jit3A_507 = arith.constant 1 : i32
        %select_n3A_508 = arith.select %eq3A_506, %jit3A_507, %jit3A_504 : i32
        %rem3A_509 = arith.remsi %add3A_418, %select_n3A_508 : i32
        %ne3A_510 = arith.constant 0 : i32
        %ne3A_511 = arith.cmpi ne, %rem3A_509, %ne3A_510 : i32
        %lt3A_512 = arith.constant 0 : i32
        %lt3A_513 = arith.cmpi slt, %rem3A_509, %lt3A_512 : i32
        %lt3A_514 = arith.constant 0 : i32
        %lt3A_515 = arith.cmpi slt, %select_n3A_508, %lt3A_514 : i32
        %ne3A_516 = arith.xori %lt3A_513, %lt3A_515 : i1
        %and3A_517 = arith.andi %ne3A_516, %ne3A_511 : i1
        %add3A_518 = arith.addi %rem3A_509, %select_n3A_508 : i32
        %select_n3A_519 = arith.select %and3A_517, %add3A_518, %rem3A_509 : i32
        %ne3A_520 = arith.cmpi ne, %select_n3A_463, %select_n3A_503 : i32
        %ne3A_521 = arith.cmpi ne, %add3A_382, %add3A_420 : i32
        %ne3A_522 = arith.cmpi ne, %select_n3A_479, %select_n3A_519 : i32
        %or3A = arith.constant false
        %or3A_523 = arith.ori %or3A, %ne3A_520 : i1
        %or3A_524 = arith.ori %or3A_523, %ne3A_521 : i1
        %or3A_525 = arith.ori %or3A_524, %ne3A_522 : i1
        %ge3A = arith.constant 63 : i32
        %ge3A_526 = arith.cmpi sge, %scan3A_368, %ge3A : i32
        %not3A = arith.constant true
        %not3A_527 = arith.xori %ge3A_526, %not3A : i1
        %and3A_528 = arith.andi %or3A_525, %not3A_527 : i1
        %convert_element_type3A = arith.extui %and3A_528 : i1 to i32
        %cond3A = arith.constant 0 : i32
        %cond3A_529 = arith.cmpi ne, %convert_element_type3A, %cond3A : i32
        scf.if %cond3A_529 {
          "tpu.trace_start"() <{level = 10 : i32, message = "ep_copy_in"}> : () -> ()
          %rem3A_1419 = arith.constant 2 : i32
          %rem3A_1420 = arith.remui %scan3A_369, %rem3A_1419 : i32
          %jit3A_1421 = arith.constant 8 : i32
          %div3A_1422 = arith.divsi %add3A_418, %jit3A_1421 : i32
          %sign3A_1423 = arith.constant 0 : i32
          %sign3A_1424 = arith.cmpi sgt, %add3A_418, %sign3A_1423 : i32
          %sign3A_1425 = arith.extui %sign3A_1424 : i1 to i32
          %sign3A_1426 = arith.constant 0 : i32
          %sign3A_1427 = arith.cmpi slt, %add3A_418, %sign3A_1426 : i32
          %sign3A_1428 = arith.extui %sign3A_1427 : i1 to i32
          %sign3A_1429 = arith.subi %sign3A_1425, %sign3A_1428 : i32
          %sign3A_1430 = arith.constant 0 : i32
          %sign3A_1431 = arith.cmpi sgt, %jit3A_1421, %sign3A_1430 : i32
          %sign3A_1432 = arith.extui %sign3A_1431 : i1 to i32
          %sign3A_1433 = arith.constant 0 : i32
          %sign3A_1434 = arith.cmpi slt, %jit3A_1421, %sign3A_1433 : i32
          %sign3A_1435 = arith.extui %sign3A_1434 : i1 to i32
          %sign3A_1436 = arith.subi %sign3A_1432, %sign3A_1435 : i32
          %ne3A_1437 = arith.cmpi ne, %sign3A_1429, %sign3A_1436 : i32
          %rem3A_1438 = arith.remsi %add3A_418, %jit3A_1421 : i32
          %ne3A_1439 = arith.constant 0 : i32
          %ne3A_1440 = arith.cmpi ne, %rem3A_1438, %ne3A_1439 : i32
          %and3A_1441 = arith.andi %ne3A_1437, %ne3A_1440 : i1
          %sub3A_1442 = arith.constant 1 : i32
          %sub3A_1443 = arith.subi %div3A_1422, %sub3A_1442 : i32
          %select_n3A_1444 = arith.select %and3A_1441, %sub3A_1443, %div3A_1422 : i32
          %jit3A_1445 = arith.constant 8 : i32
          %eq3A_1446 = arith.constant 0 : i32
          %eq3A_1447 = arith.cmpi eq, %jit3A_1445, %eq3A_1446 : i32
          %jit3A_1448 = arith.constant 1 : i32
          %select_n3A_1449 = arith.select %eq3A_1447, %jit3A_1448, %jit3A_1445 : i32
          %rem3A_1450 = arith.remsi %add3A_418, %select_n3A_1449 : i32
          %ne3A_1451 = arith.constant 0 : i32
          %ne3A_1452 = arith.cmpi ne, %rem3A_1450, %ne3A_1451 : i32
          %lt3A_1453 = arith.constant 0 : i32
          %lt3A_1454 = arith.cmpi slt, %rem3A_1450, %lt3A_1453 : i32
          %lt3A_1455 = arith.constant 0 : i32
          %lt3A_1456 = arith.cmpi slt, %select_n3A_1449, %lt3A_1455 : i32
          %ne3A_1457 = arith.xori %lt3A_1454, %lt3A_1456 : i1
          %and3A_1458 = arith.andi %ne3A_1457, %ne3A_1452 : i1
          %add3A_1459 = arith.addi %rem3A_1450, %select_n3A_1449 : i32
          %select_n3A_1460 = arith.select %and3A_1458, %add3A_1459, %rem3A_1450 : i32
          %mul3A_1461 = arith.constant 1 : i32
          %mul3A_1462 = arith.muli %mul3A_1461, %select_n3A_1444 : i32
          %mul3A_1463 = arith.constant 64 : i32
          %mul3A_1464 = arith.muli %mul3A_1463, %add3A_420 : i32
          %mul3A_1465 = arith.constant 256 : i32
          %mul3A_1466 = arith.muli %mul3A_1465, %select_n3A_1460 : i32
          %dma_start3A_1467 = arith.constant 0 : i32
          %dma_start3A_1468 = arith.constant 0 : i32
          %dma_start3A_1469 = arith.constant 0 : i32
          %dma_start3A_1470 = tpu.memref_slice %run_scoped3A[%rem3A_1420, %dma_start3A_1467, %dma_start3A_1468, %dma_start3A_1469] : memref<2x1x64x256xf32, #tpu.memory_space<vmem>> -> memref<1x1x64x256xf32, #tpu.memory_space<vmem>>
          %dma_start3A_1471 = tpu.memref_squeeze %dma_start3A_1470 : memref<1x1x64x256xf32, #tpu.memory_space<vmem>> -> memref<1x64x256xf32, #tpu.memory_space<vmem>>
          %dma_start3A_1472 = tpu.memref_slice %arg2[%mul3A_1462, %mul3A_1464, %mul3A_1466] : memref<4x4096x2048xf32, #tpu.memory_space<hbm>> -> memref<1x64x256xf32, #tpu.memory_space<hbm>>
          %dma_start3A_1473 = tpu.memref_slice %run_scoped3A_101[%rem3A_1420] : memref<2x!tpu.dma_semaphore, #tpu.memory_space<semaphore_mem>> -> memref<1x!tpu.dma_semaphore, #tpu.memory_space<semaphore_mem>>
          %dma_start3A_1474 = tpu.memref_squeeze %dma_start3A_1473 : memref<1x!tpu.dma_semaphore, #tpu.memory_space<semaphore_mem>> -> memref<!tpu.dma_semaphore, #tpu.memory_space<semaphore_mem>>
          %dma_start3A_1475 = arith.constant 0 : i32
          %dma_start3A_1476 = arith.constant 0 : i32
          %dma_start3A_1477 = arith.constant 0 : i32
          %dma_start3A_1478 = tpu.memref_slice %run_scoped3A[%rem3A_1420, %dma_start3A_1475, %dma_start3A_1476, %dma_start3A_1477] : memref<2x1x64x256xf32, #tpu.memory_space<vmem>> -> memref<1x1x64x256xf32, #tpu.memory_space<vmem>>
          %dma_start3A_1479 = tpu.memref_squeeze %dma_start3A_1478 : memref<1x1x64x256xf32, #tpu.memory_space<vmem>> -> memref<1x64x256xf32, #tpu.memory_space<vmem>>
          %dma_start3A_1480 = tpu.memref_slice %arg2[%mul3A_1462, %mul3A_1464, %mul3A_1466] : memref<4x4096x2048xf32, #tpu.memory_space<hbm>> -> memref<1x64x256xf32, #tpu.memory_space<hbm>>
          tpu.enqueue_dma source(%dma_start3A_1480 : memref<1x64x256xf32, #tpu.memory_space<hbm>>) target(%dma_start3A_1479 : memref<1x64x256xf32, #tpu.memory_space<vmem>>) target_semaphore(%dma_start3A_1474 : memref<!tpu.dma_semaphore, #tpu.memory_space<semaphore_mem>>)
          "tpu.trace_stop"() : () -> ()
        } else {
        }
        %and3A_530 = arith.constant true
        %and3A_531 = arith.andi %and3A_528, %and3A_530 : i1
        %add3A_532 = arith.constant 1 : i32
        %add3A_533 = arith.addi %scan3A_369, %add3A_532 : i32
        %select_n3A_534 = arith.select %and3A_531, %add3A_533, %scan3A_369 : i32
        %jit3A_535 = arith.constant 8 : i32
        %div3A_536 = arith.divsi %add3A_380, %jit3A_535 : i32
        %sign3A_537 = arith.constant 0 : i32
        %sign3A_538 = arith.cmpi sgt, %add3A_380, %sign3A_537 : i32
        %sign3A_539 = arith.extui %sign3A_538 : i1 to i32
        %sign3A_540 = arith.constant 0 : i32
        %sign3A_541 = arith.cmpi slt, %add3A_380, %sign3A_540 : i32
        %sign3A_542 = arith.extui %sign3A_541 : i1 to i32
        %sign3A_543 = arith.subi %sign3A_539, %sign3A_542 : i32
        %sign3A_544 = arith.constant 0 : i32
        %sign3A_545 = arith.cmpi sgt, %jit3A_535, %sign3A_544 : i32
        %sign3A_546 = arith.extui %sign3A_545 : i1 to i32
        %sign3A_547 = arith.constant 0 : i32
        %sign3A_548 = arith.cmpi slt, %jit3A_535, %sign3A_547 : i32
        %sign3A_549 = arith.extui %sign3A_548 : i1 to i32
        %sign3A_550 = arith.subi %sign3A_546, %sign3A_549 : i32
        %ne3A_551 = arith.cmpi ne, %sign3A_543, %sign3A_550 : i32
        %rem3A_552 = arith.remsi %add3A_380, %jit3A_535 : i32
        %ne3A_553 = arith.constant 0 : i32
        %ne3A_554 = arith.cmpi ne, %rem3A_552, %ne3A_553 : i32
        %and3A_555 = arith.andi %ne3A_551, %ne3A_554 : i1
        %sub3A_556 = arith.constant 1 : i32
        %sub3A_557 = arith.subi %div3A_536, %sub3A_556 : i32
        %select_n3A_558 = arith.select %and3A_555, %sub3A_557, %div3A_536 : i32
        %jit3A_559 = arith.constant 8 : i32
        %eq3A_560 = arith.constant 0 : i32
        %eq3A_561 = arith.cmpi eq, %jit3A_559, %eq3A_560 : i32
        %jit3A_562 = arith.constant 1 : i32
        %select_n3A_563 = arith.select %eq3A_561, %jit3A_562, %jit3A_559 : i32
        %rem3A_564 = arith.remsi %add3A_380, %select_n3A_563 : i32
        %ne3A_565 = arith.constant 0 : i32
        %ne3A_566 = arith.cmpi ne, %rem3A_564, %ne3A_565 : i32
        %lt3A_567 = arith.constant 0 : i32
        %lt3A_568 = arith.cmpi slt, %rem3A_564, %lt3A_567 : i32
        %lt3A_569 = arith.constant 0 : i32
        %lt3A_570 = arith.cmpi slt, %select_n3A_563, %lt3A_569 : i32
        %ne3A_571 = arith.xori %lt3A_568, %lt3A_570 : i1
        %and3A_572 = arith.andi %ne3A_571, %ne3A_566 : i1
        %add3A_573 = arith.addi %rem3A_564, %select_n3A_563 : i32
        %select_n3A_574 = arith.select %and3A_572, %add3A_573, %rem3A_564 : i32
        %jit3A_575 = arith.constant 8 : i32
        %div3A_576 = arith.divsi %add3A_418, %jit3A_575 : i32
        %sign3A_577 = arith.constant 0 : i32
        %sign3A_578 = arith.cmpi sgt, %add3A_418, %sign3A_577 : i32
        %sign3A_579 = arith.extui %sign3A_578 : i1 to i32
        %sign3A_580 = arith.constant 0 : i32
        %sign3A_581 = arith.cmpi slt, %add3A_418, %sign3A_580 : i32
        %sign3A_582 = arith.extui %sign3A_581 : i1 to i32
        %sign3A_583 = arith.subi %sign3A_579, %sign3A_582 : i32
        %sign3A_584 = arith.constant 0 : i32
        %sign3A_585 = arith.cmpi sgt, %jit3A_575, %sign3A_584 : i32
        %sign3A_586 = arith.extui %sign3A_585 : i1 to i32
        %sign3A_587 = arith.constant 0 : i32
        %sign3A_588 = arith.cmpi slt, %jit3A_575, %sign3A_587 : i32
        %sign3A_589 = arith.extui %sign3A_588 : i1 to i32
        %sign3A_590 = arith.subi %sign3A_586, %sign3A_589 : i32
        %ne3A_591 = arith.cmpi ne, %sign3A_583, %sign3A_590 : i32
        %rem3A_592 = arith.remsi %add3A_418, %jit3A_575 : i32
        %ne3A_593 = arith.constant 0 : i32
        %ne3A_594 = arith.cmpi ne, %rem3A_592, %ne3A_593 : i32
        %and3A_595 = arith.andi %ne3A_591, %ne3A_594 : i1
        %sub3A_596 = arith.constant 1 : i32
        %sub3A_597 = arith.subi %div3A_576, %sub3A_596 : i32
        %select_n3A_598 = arith.select %and3A_595, %sub3A_597, %div3A_576 : i32
        %jit3A_599 = arith.constant 8 : i32
        %eq3A_600 = arith.constant 0 : i32
        %eq3A_601 = arith.cmpi eq, %jit3A_599, %eq3A_600 : i32
        %jit3A_602 = arith.constant 1 : i32
        %select_n3A_603 = arith.select %eq3A_601, %jit3A_602, %jit3A_599 : i32
        %rem3A_604 = arith.remsi %add3A_418, %select_n3A_603 : i32
        %ne3A_605 = arith.constant 0 : i32
        %ne3A_606 = arith.cmpi ne, %rem3A_604, %ne3A_605 : i32
        %lt3A_607 = arith.constant 0 : i32
        %lt3A_608 = arith.cmpi slt, %rem3A_604, %lt3A_607 : i32
        %lt3A_609 = arith.constant 0 : i32
        %lt3A_610 = arith.cmpi slt, %select_n3A_603, %lt3A_609 : i32
        %ne3A_611 = arith.xori %lt3A_608, %lt3A_610 : i1
        %and3A_612 = arith.andi %ne3A_611, %ne3A_606 : i1
        %add3A_613 = arith.addi %rem3A_604, %select_n3A_603 : i32
        %select_n3A_614 = arith.select %and3A_612, %add3A_613, %rem3A_604 : i32
        %ne3A_615 = arith.cmpi ne, %select_n3A_558, %select_n3A_598 : i32
        %ne3A_616 = arith.cmpi ne, %add3A_382, %add3A_420 : i32
        %ne3A_617 = arith.cmpi ne, %select_n3A_574, %select_n3A_614 : i32
        %or3A_618 = arith.constant false
        %or3A_619 = arith.ori %or3A_618, %ne3A_615 : i1
        %or3A_620 = arith.ori %or3A_619, %ne3A_616 : i1
        %or3A_621 = arith.ori %or3A_620, %ne3A_617 : i1
        %ge3A_622 = arith.constant 63 : i32
        %ge3A_623 = arith.cmpi sge, %scan3A_368, %ge3A_622 : i32
        %not3A_624 = arith.constant true
        %not3A_625 = arith.xori %ge3A_623, %not3A_624 : i1
        %and3A_626 = arith.andi %or3A_621, %not3A_625 : i1
        %jit3A_627 = arith.constant 8 : i32
        %div3A_628 = arith.divsi %add3A_380, %jit3A_627 : i32
        %sign3A_629 = arith.constant 0 : i32
        %sign3A_630 = arith.cmpi sgt, %add3A_380, %sign3A_629 : i32
        %sign3A_631 = arith.extui %sign3A_630 : i1 to i32
        %sign3A_632 = arith.constant 0 : i32
        %sign3A_633 = arith.cmpi slt, %add3A_380, %sign3A_632 : i32
        %sign3A_634 = arith.extui %sign3A_633 : i1 to i32
        %sign3A_635 = arith.subi %sign3A_631, %sign3A_634 : i32
        %sign3A_636 = arith.constant 0 : i32
        %sign3A_637 = arith.cmpi sgt, %jit3A_627, %sign3A_636 : i32
        %sign3A_638 = arith.extui %sign3A_637 : i1 to i32
        %sign3A_639 = arith.constant 0 : i32
        %sign3A_640 = arith.cmpi slt, %jit3A_627, %sign3A_639 : i32
        %sign3A_641 = arith.extui %sign3A_640 : i1 to i32
        %sign3A_642 = arith.subi %sign3A_638, %sign3A_641 : i32
        %ne3A_643 = arith.cmpi ne, %sign3A_635, %sign3A_642 : i32
        %rem3A_644 = arith.remsi %add3A_380, %jit3A_627 : i32
        %ne3A_645 = arith.constant 0 : i32
        %ne3A_646 = arith.cmpi ne, %rem3A_644, %ne3A_645 : i32
        %and3A_647 = arith.andi %ne3A_643, %ne3A_646 : i1
        %sub3A_648 = arith.constant 1 : i32
        %sub3A_649 = arith.subi %div3A_628, %sub3A_648 : i32
        %select_n3A_650 = arith.select %and3A_647, %sub3A_649, %div3A_628 : i32
        %jit3A_651 = arith.constant 8 : i32
        %eq3A_652 = arith.constant 0 : i32
        %eq3A_653 = arith.cmpi eq, %jit3A_651, %eq3A_652 : i32
        %jit3A_654 = arith.constant 1 : i32
        %select_n3A_655 = arith.select %eq3A_653, %jit3A_654, %jit3A_651 : i32
        %rem3A_656 = arith.remsi %add3A_380, %select_n3A_655 : i32
        %ne3A_657 = arith.constant 0 : i32
        %ne3A_658 = arith.cmpi ne, %rem3A_656, %ne3A_657 : i32
        %lt3A_659 = arith.constant 0 : i32
        %lt3A_660 = arith.cmpi slt, %rem3A_656, %lt3A_659 : i32
        %lt3A_661 = arith.constant 0 : i32
        %lt3A_662 = arith.cmpi slt, %select_n3A_655, %lt3A_661 : i32
        %ne3A_663 = arith.xori %lt3A_660, %lt3A_662 : i1
        %and3A_664 = arith.andi %ne3A_663, %ne3A_658 : i1
        %add3A_665 = arith.addi %rem3A_656, %select_n3A_655 : i32
        %select_n3A_666 = arith.select %and3A_664, %add3A_665, %rem3A_656 : i32
        %jit3A_667 = arith.constant 8 : i32
        %div3A_668 = arith.divsi %add3A_399, %jit3A_667 : i32
        %sign3A_669 = arith.constant 0 : i32
        %sign3A_670 = arith.cmpi sgt, %add3A_399, %sign3A_669 : i32
        %sign3A_671 = arith.extui %sign3A_670 : i1 to i32
        %sign3A_672 = arith.constant 0 : i32
        %sign3A_673 = arith.cmpi slt, %add3A_399, %sign3A_672 : i32
        %sign3A_674 = arith.extui %sign3A_673 : i1 to i32
        %sign3A_675 = arith.subi %sign3A_671, %sign3A_674 : i32
        %sign3A_676 = arith.constant 0 : i32
        %sign3A_677 = arith.cmpi sgt, %jit3A_667, %sign3A_676 : i32
        %sign3A_678 = arith.extui %sign3A_677 : i1 to i32
        %sign3A_679 = arith.constant 0 : i32
        %sign3A_680 = arith.cmpi slt, %jit3A_667, %sign3A_679 : i32
        %sign3A_681 = arith.extui %sign3A_680 : i1 to i32
        %sign3A_682 = arith.subi %sign3A_678, %sign3A_681 : i32
        %ne3A_683 = arith.cmpi ne, %sign3A_675, %sign3A_682 : i32
        %rem3A_684 = arith.remsi %add3A_399, %jit3A_667 : i32
        %ne3A_685 = arith.constant 0 : i32
        %ne3A_686 = arith.cmpi ne, %rem3A_684, %ne3A_685 : i32
        %and3A_687 = arith.andi %ne3A_683, %ne3A_686 : i1
        %sub3A_688 = arith.constant 1 : i32
        %sub3A_689 = arith.subi %div3A_668, %sub3A_688 : i32
        %select_n3A_690 = arith.select %and3A_687, %sub3A_689, %div3A_668 : i32
        %jit3A_691 = arith.constant 8 : i32
        %eq3A_692 = arith.constant 0 : i32
        %eq3A_693 = arith.cmpi eq, %jit3A_691, %eq3A_692 : i32
        %jit3A_694 = arith.constant 1 : i32
        %select_n3A_695 = arith.select %eq3A_693, %jit3A_694, %jit3A_691 : i32
        %rem3A_696 = arith.remsi %add3A_399, %select_n3A_695 : i32
        %ne3A_697 = arith.constant 0 : i32
        %ne3A_698 = arith.cmpi ne, %rem3A_696, %ne3A_697 : i32
        %lt3A_699 = arith.constant 0 : i32
        %lt3A_700 = arith.cmpi slt, %rem3A_696, %lt3A_699 : i32
        %lt3A_701 = arith.constant 0 : i32
        %lt3A_702 = arith.cmpi slt, %select_n3A_695, %lt3A_701 : i32
        %ne3A_703 = arith.xori %lt3A_700, %lt3A_702 : i1
        %and3A_704 = arith.andi %ne3A_703, %ne3A_698 : i1
        %add3A_705 = arith.addi %rem3A_696, %select_n3A_695 : i32
        %select_n3A_706 = arith.select %and3A_704, %add3A_705, %rem3A_696 : i32
        %ne3A_707 = arith.cmpi ne, %select_n3A_650, %select_n3A_690 : i32
        %ne3A_708 = arith.cmpi ne, %add3A_382, %add3A_401 : i32
        %ne3A_709 = arith.cmpi ne, %select_n3A_666, %select_n3A_706 : i32
        %or3A_710 = arith.constant false
        %or3A_711 = arith.ori %or3A_710, %ne3A_707 : i1
        %or3A_712 = arith.ori %or3A_711, %ne3A_708 : i1
        %or3A_713 = arith.ori %or3A_712, %ne3A_709 : i1
        %or3A_714 = arith.ori %or3A_713, %eq3A_376 : i1
        %convert_element_type3A_715 = arith.extui %or3A_714 : i1 to i32
        %cond3A_716 = arith.constant 0 : i32
        %cond3A_717 = arith.cmpi ne, %convert_element_type3A_715, %cond3A_716 : i32
        scf.if %cond3A_717 {
          %jit3A_1419 = arith.constant 8 : i32
          "tpu.trace_start"() <{level = 10 : i32, message = "ep_wait_in"}> : () -> ()
          %div3A_1420 = arith.divsi %add3A_380, %jit3A_1419 : i32
          %sign3A_1421 = arith.constant 0 : i32
          %sign3A_1422 = arith.cmpi sgt, %add3A_380, %sign3A_1421 : i32
          %sign3A_1423 = arith.extui %sign3A_1422 : i1 to i32
          %sign3A_1424 = arith.constant 0 : i32
          %sign3A_1425 = arith.cmpi slt, %add3A_380, %sign3A_1424 : i32
          %sign3A_1426 = arith.extui %sign3A_1425 : i1 to i32
          %sign3A_1427 = arith.subi %sign3A_1423, %sign3A_1426 : i32
          %sign3A_1428 = arith.constant 0 : i32
          %sign3A_1429 = arith.cmpi sgt, %jit3A_1419, %sign3A_1428 : i32
          %sign3A_1430 = arith.extui %sign3A_1429 : i1 to i32
          %sign3A_1431 = arith.constant 0 : i32
          %sign3A_1432 = arith.cmpi slt, %jit3A_1419, %sign3A_1431 : i32
          %sign3A_1433 = arith.extui %sign3A_1432 : i1 to i32
          %sign3A_1434 = arith.subi %sign3A_1430, %sign3A_1433 : i32
          %ne3A_1435 = arith.cmpi ne, %sign3A_1427, %sign3A_1434 : i32
          %rem3A_1436 = arith.remsi %add3A_380, %jit3A_1419 : i32
          %ne3A_1437 = arith.constant 0 : i32
          %ne3A_1438 = arith.cmpi ne, %rem3A_1436, %ne3A_1437 : i32
          %and3A_1439 = arith.andi %ne3A_1435, %ne3A_1438 : i1
          %sub3A_1440 = arith.constant 1 : i32
          %sub3A_1441 = arith.subi %div3A_1420, %sub3A_1440 : i32
          %select_n3A_1442 = arith.select %and3A_1439, %sub3A_1441, %div3A_1420 : i32
          %jit3A_1443 = arith.constant 8 : i32
          %eq3A_1444 = arith.constant 0 : i32
          %eq3A_1445 = arith.cmpi eq, %jit3A_1443, %eq3A_1444 : i32
          %jit3A_1446 = arith.constant 1 : i32
          %select_n3A_1447 = arith.select %eq3A_1445, %jit3A_1446, %jit3A_1443 : i32
          %rem3A_1448 = arith.remsi %add3A_380, %select_n3A_1447 : i32
          %ne3A_1449 = arith.constant 0 : i32
          %ne3A_1450 = arith.cmpi ne, %rem3A_1448, %ne3A_1449 : i32
          %lt3A_1451 = arith.constant 0 : i32
          %lt3A_1452 = arith.cmpi slt, %rem3A_1448, %lt3A_1451 : i32
          %lt3A_1453 = arith.constant 0 : i32
          %lt3A_1454 = arith.cmpi slt, %select_n3A_1447, %lt3A_1453 : i32
          %ne3A_1455 = arith.xori %lt3A_1452, %lt3A_1454 : i1
          %and3A_1456 = arith.andi %ne3A_1455, %ne3A_1450 : i1
          %add3A_1457 = arith.addi %rem3A_1448, %select_n3A_1447 : i32
          %select_n3A_1458 = arith.select %and3A_1456, %add3A_1457, %rem3A_1448 : i32
          %mul3A_1459 = arith.constant 1 : i32
          %mul3A_1460 = arith.muli %mul3A_1459, %select_n3A_1442 : i32
          %mul3A_1461 = arith.constant 64 : i32
          %mul3A_1462 = arith.muli %mul3A_1461, %add3A_382 : i32
          %mul3A_1463 = arith.constant 256 : i32
          %mul3A_1464 = arith.muli %mul3A_1463, %select_n3A_1458 : i32
          %rem3A_1465 = arith.constant 2 : i32
          %rem3A_1466 = arith.remui %scan3A_370, %rem3A_1465 : i32
          %dma_wait3A_1467 = arith.constant 0 : i32
          %dma_wait3A_1468 = arith.constant 0 : i32
          %dma_wait3A_1469 = arith.constant 0 : i32
          %dma_wait3A_1470 = tpu.memref_slice %run_scoped3A[%rem3A_1466, %dma_wait3A_1467, %dma_wait3A_1468, %dma_wait3A_1469] : memref<2x1x64x256xf32, #tpu.memory_space<vmem>> -> memref<1x1x64x256xf32, #tpu.memory_space<vmem>>
          %dma_wait3A_1471 = tpu.memref_squeeze %dma_wait3A_1470 : memref<1x1x64x256xf32, #tpu.memory_space<vmem>> -> memref<1x64x256xf32, #tpu.memory_space<vmem>>
          %dma_wait3A_1472 = tpu.memref_slice %arg2[%mul3A_1460, %mul3A_1462, %mul3A_1464] : memref<4x4096x2048xf32, #tpu.memory_space<hbm>> -> memref<1x64x256xf32, #tpu.memory_space<hbm>>
          %dma_wait3A_1473 = tpu.memref_slice %run_scoped3A_101[%rem3A_1466] : memref<2x!tpu.dma_semaphore, #tpu.memory_space<semaphore_mem>> -> memref<1x!tpu.dma_semaphore, #tpu.memory_space<semaphore_mem>>
          %dma_wait3A_1474 = tpu.memref_squeeze %dma_wait3A_1473 : memref<1x!tpu.dma_semaphore, #tpu.memory_space<semaphore_mem>> -> memref<!tpu.dma_semaphore, #tpu.memory_space<semaphore_mem>>
          %dma_wait3A_1475 = arith.constant 0 : i32
          %dma_wait3A_1476 = arith.constant 0 : i32
          %dma_wait3A_1477 = arith.constant 0 : i32
          %dma_wait3A_1478 = tpu.memref_slice %run_scoped3A[%rem3A_1466, %dma_wait3A_1475, %dma_wait3A_1476, %dma_wait3A_1477] : memref<2x1x64x256xf32, #tpu.memory_space<vmem>> -> memref<1x1x64x256xf32, #tpu.memory_space<vmem>>
          %dma_wait3A_1479 = tpu.memref_squeeze %dma_wait3A_1478 : memref<1x1x64x256xf32, #tpu.memory_space<vmem>> -> memref<1x64x256xf32, #tpu.memory_space<vmem>>
          %dma_wait3A_1480 = tpu.memref_slice %arg2[%mul3A_1460, %mul3A_1462, %mul3A_1464] : memref<4x4096x2048xf32, #tpu.memory_space<hbm>> -> memref<1x64x256xf32, #tpu.memory_space<hbm>>
          tpu.wait_dma2 semaphore(%dma_wait3A_1474 : memref<!tpu.dma_semaphore, #tpu.memory_space<semaphore_mem>>) src(%dma_wait3A_1480 : memref<1x64x256xf32, #tpu.memory_space<hbm>>) dst(%dma_wait3A_1479 : memref<1x64x256xf32, #tpu.memory_space<vmem>>)
          "tpu.trace_stop"() : () -> ()
        } else {
        }
        %jit3A_718 = arith.constant 8 : i32
        %div3A_719 = arith.divsi %add3A_380, %jit3A_718 : i32
        %sign3A_720 = arith.constant 0 : i32
        %sign3A_721 = arith.cmpi sgt, %add3A_380, %sign3A_720 : i32
        %sign3A_722 = arith.extui %sign3A_721 : i1 to i32
        %sign3A_723 = arith.constant 0 : i32
        %sign3A_724 = arith.cmpi slt, %add3A_380, %sign3A_723 : i32
        %sign3A_725 = arith.extui %sign3A_724 : i1 to i32
        %sign3A_726 = arith.subi %sign3A_722, %sign3A_725 : i32
        %sign3A_727 = arith.constant 0 : i32
        %sign3A_728 = arith.cmpi sgt, %jit3A_718, %sign3A_727 : i32
        %sign3A_729 = arith.extui %sign3A_728 : i1 to i32
        %sign3A_730 = arith.constant 0 : i32
        %sign3A_731 = arith.cmpi slt, %jit3A_718, %sign3A_730 : i32
        %sign3A_732 = arith.extui %sign3A_731 : i1 to i32
        %sign3A_733 = arith.subi %sign3A_729, %sign3A_732 : i32
        %ne3A_734 = arith.cmpi ne, %sign3A_726, %sign3A_733 : i32
        %rem3A_735 = arith.remsi %add3A_380, %jit3A_718 : i32
        %ne3A_736 = arith.constant 0 : i32
        %ne3A_737 = arith.cmpi ne, %rem3A_735, %ne3A_736 : i32
        %and3A_738 = arith.andi %ne3A_734, %ne3A_737 : i1
        %sub3A_739 = arith.constant 1 : i32
        %sub3A_740 = arith.subi %div3A_719, %sub3A_739 : i32
        %select_n3A_741 = arith.select %and3A_738, %sub3A_740, %div3A_719 : i32
        %jit3A_742 = arith.constant 8 : i32
        %eq3A_743 = arith.constant 0 : i32
        %eq3A_744 = arith.cmpi eq, %jit3A_742, %eq3A_743 : i32
        %jit3A_745 = arith.constant 1 : i32
        %select_n3A_746 = arith.select %eq3A_744, %jit3A_745, %jit3A_742 : i32
        %rem3A_747 = arith.remsi %add3A_380, %select_n3A_746 : i32
        %ne3A_748 = arith.constant 0 : i32
        %ne3A_749 = arith.cmpi ne, %rem3A_747, %ne3A_748 : i32
        %lt3A_750 = arith.constant 0 : i32
        %lt3A_751 = arith.cmpi slt, %rem3A_747, %lt3A_750 : i32
        %lt3A_752 = arith.constant 0 : i32
        %lt3A_753 = arith.cmpi slt, %select_n3A_746, %lt3A_752 : i32
        %ne3A_754 = arith.xori %lt3A_751, %lt3A_753 : i1
        %and3A_755 = arith.andi %ne3A_754, %ne3A_749 : i1
        %add3A_756 = arith.addi %rem3A_747, %select_n3A_746 : i32
        %select_n3A_757 = arith.select %and3A_755, %add3A_756, %rem3A_747 : i32
        %jit3A_758 = arith.constant 8 : i32
        %div3A_759 = arith.divsi %add3A_399, %jit3A_758 : i32
        %sign3A_760 = arith.constant 0 : i32
        %sign3A_761 = arith.cmpi sgt, %add3A_399, %sign3A_760 : i32
        %sign3A_762 = arith.extui %sign3A_761 : i1 to i32
        %sign3A_763 = arith.constant 0 : i32
        %sign3A_764 = arith.cmpi slt, %add3A_399, %sign3A_763 : i32
        %sign3A_765 = arith.extui %sign3A_764 : i1 to i32
        %sign3A_766 = arith.subi %sign3A_762, %sign3A_765 : i32
        %sign3A_767 = arith.constant 0 : i32
        %sign3A_768 = arith.cmpi sgt, %jit3A_758, %sign3A_767 : i32
        %sign3A_769 = arith.extui %sign3A_768 : i1 to i32
        %sign3A_770 = arith.constant 0 : i32
        %sign3A_771 = arith.cmpi slt, %jit3A_758, %sign3A_770 : i32
        %sign3A_772 = arith.extui %sign3A_771 : i1 to i32
        %sign3A_773 = arith.subi %sign3A_769, %sign3A_772 : i32
        %ne3A_774 = arith.cmpi ne, %sign3A_766, %sign3A_773 : i32
        %rem3A_775 = arith.remsi %add3A_399, %jit3A_758 : i32
        %ne3A_776 = arith.constant 0 : i32
        %ne3A_777 = arith.cmpi ne, %rem3A_775, %ne3A_776 : i32
        %and3A_778 = arith.andi %ne3A_774, %ne3A_777 : i1
        %sub3A_779 = arith.constant 1 : i32
        %sub3A_780 = arith.subi %div3A_759, %sub3A_779 : i32
        %select_n3A_781 = arith.select %and3A_778, %sub3A_780, %div3A_759 : i32
        %jit3A_782 = arith.constant 8 : i32
        %eq3A_783 = arith.constant 0 : i32
        %eq3A_784 = arith.cmpi eq, %jit3A_782, %eq3A_783 : i32
        %jit3A_785 = arith.constant 1 : i32
        %select_n3A_786 = arith.select %eq3A_784, %jit3A_785, %jit3A_782 : i32
        %rem3A_787 = arith.remsi %add3A_399, %select_n3A_786 : i32
        %ne3A_788 = arith.constant 0 : i32
        %ne3A_789 = arith.cmpi ne, %rem3A_787, %ne3A_788 : i32
        %lt3A_790 = arith.constant 0 : i32
        %lt3A_791 = arith.cmpi slt, %rem3A_787, %lt3A_790 : i32
        %lt3A_792 = arith.constant 0 : i32
        %lt3A_793 = arith.cmpi slt, %select_n3A_786, %lt3A_792 : i32
        %ne3A_794 = arith.xori %lt3A_791, %lt3A_793 : i1
        %and3A_795 = arith.andi %ne3A_794, %ne3A_789 : i1
        %add3A_796 = arith.addi %rem3A_787, %select_n3A_786 : i32
        %select_n3A_797 = arith.select %and3A_795, %add3A_796, %rem3A_787 : i32
        %ne3A_798 = arith.cmpi ne, %select_n3A_741, %select_n3A_781 : i32
        %ne3A_799 = arith.cmpi ne, %add3A_382, %add3A_401 : i32
        %ne3A_800 = arith.cmpi ne, %select_n3A_757, %select_n3A_797 : i32
        %or3A_801 = arith.constant false
        %or3A_802 = arith.ori %or3A_801, %ne3A_798 : i1
        %or3A_803 = arith.ori %or3A_802, %ne3A_799 : i1
        %or3A_804 = arith.ori %or3A_803, %ne3A_800 : i1
        %or3A_805 = arith.ori %or3A_804, %eq3A_376 : i1
        %convert_element_type3A_806 = arith.extui %or3A_805 : i1 to i32
        %cond3A_807 = arith.constant 0 : i32
        %cond3A_808 = arith.cmpi ne, %convert_element_type3A_806, %cond3A_807 : i32
        scf.if %cond3A_808 {
        } else {
        }
        %rem3A_809 = arith.constant 2 : i32
        %rem3A_810 = arith.remui %scan3A_370, %rem3A_809 : i32
        %rem3A_811 = arith.constant 2 : i32
        %rem3A_812 = arith.remui %scan3A_371, %rem3A_811 : i32
        "tpu.trace_start"() <{level = 10 : i32, message = "ep_run_kernel"}> : () -> ()
        %get3A = arith.constant 0 : index
        %get3A_813 = tpu.vector_load %arg4[%get3A] {strides = array<i32>} : memref<256xf32, #tpu.memory_space<vmem>>, vector<16xf32>,
        %get3A_814 = vector.shape_cast %get3A_813 : vector<16xf32> to vector<16xf32>
        %get3A_815 = arith.constant 16 : index
        %get3A_816 = tpu.vector_load %arg4[%get3A_815] {strides = array<i32>} : memref<256xf32, #tpu.memory_space<vmem>>, vector<16xf32>,
        %get3A_817 = vector.shape_cast %get3A_816 : vector<16xf32> to vector<16xf32>
        %get3A_818 = arith.constant 32 : index
        %get3A_819 = tpu.vector_load %arg4[%get3A_818] {strides = array<i32>} : memref<256xf32, #tpu.memory_space<vmem>>, vector<16xf32>,
        %get3A_820 = vector.shape_cast %get3A_819 : vector<16xf32> to vector<16xf32>
        %get3A_821 = arith.constant 48 : index
        %get3A_822 = tpu.vector_load %arg4[%get3A_821] {strides = array<i32>} : memref<256xf32, #tpu.memory_space<vmem>>, vector<16xf32>,
        %get3A_823 = vector.shape_cast %get3A_822 : vector<16xf32> to vector<16xf32>
        %get3A_824 = arith.constant 64 : index
        %get3A_825 = tpu.vector_load %arg4[%get3A_824] {strides = array<i32>} : memref<256xf32, #tpu.memory_space<vmem>>, vector<16xf32>,
        %get3A_826 = vector.shape_cast %get3A_825 : vector<16xf32> to vector<16xf32>
        %get3A_827 = arith.constant 80 : index
        %get3A_828 = tpu.vector_load %arg4[%get3A_827] {strides = array<i32>} : memref<256xf32, #tpu.memory_space<vmem>>, vector<16xf32>,
        %get3A_829 = vector.shape_cast %get3A_828 : vector<16xf32> to vector<16xf32>
        %get3A_830 = arith.constant 96 : index
        %get3A_831 = tpu.vector_load %arg4[%get3A_830] {strides = array<i32>} : memref<256xf32, #tpu.memory_space<vmem>>, vector<16xf32>,
        %get3A_832 = vector.shape_cast %get3A_831 : vector<16xf32> to vector<16xf32>
        %get3A_833 = arith.constant 112 : index
        %get3A_834 = tpu.vector_load %arg4[%get3A_833] {strides = array<i32>} : memref<256xf32, #tpu.memory_space<vmem>>, vector<16xf32>,
        %get3A_835 = vector.shape_cast %get3A_834 : vector<16xf32> to vector<16xf32>
        %get3A_836 = arith.constant 128 : index
        %get3A_837 = tpu.vector_load %arg4[%get3A_836] {strides = array<i32>} : memref<256xf32, #tpu.memory_space<vmem>>, vector<16xf32>,
        %get3A_838 = vector.shape_cast %get3A_837 : vector<16xf32> to vector<16xf32>
        %get3A_839 = arith.constant 144 : index
        %get3A_840 = tpu.vector_load %arg4[%get3A_839] {strides = array<i32>} : memref<256xf32, #tpu.memory_space<vmem>>, vector<16xf32>,
        %get3A_841 = vector.shape_cast %get3A_840 : vector<16xf32> to vector<16xf32>
        %get3A_842 = arith.constant 160 : index
        %get3A_843 = tpu.vector_load %arg4[%get3A_842] {strides = array<i32>} : memref<256xf32, #tpu.memory_space<vmem>>, vector<16xf32>,
        %get3A_844 = vector.shape_cast %get3A_843 : vector<16xf32> to vector<16xf32>
        %get3A_845 = arith.constant 176 : index
        %get3A_846 = tpu.vector_load %arg4[%get3A_845] {strides = array<i32>} : memref<256xf32, #tpu.memory_space<vmem>>, vector<16xf32>,
        %get3A_847 = vector.shape_cast %get3A_846 : vector<16xf32> to vector<16xf32>
        %get3A_848 = arith.constant 192 : index
        %get3A_849 = tpu.vector_load %arg4[%get3A_848] {strides = array<i32>} : memref<256xf32, #tpu.memory_space<vmem>>, vector<16xf32>,
        %get3A_850 = vector.shape_cast %get3A_849 : vector<16xf32> to vector<16xf32>
        %get3A_851 = arith.constant 208 : index
        %get3A_852 = tpu.vector_load %arg4[%get3A_851] {strides = array<i32>} : memref<256xf32, #tpu.memory_space<vmem>>, vector<16xf32>,
        %get3A_853 = vector.shape_cast %get3A_852 : vector<16xf32> to vector<16xf32>
        %get3A_854 = arith.constant 224 : index
        %get3A_855 = tpu.vector_load %arg4[%get3A_854] {strides = array<i32>} : memref<256xf32, #tpu.memory_space<vmem>>, vector<16xf32>,
        %get3A_856 = vector.shape_cast %get3A_855 : vector<16xf32> to vector<16xf32>
        %get3A_857 = arith.constant 240 : index
        %get3A_858 = tpu.vector_load %arg4[%get3A_857] {strides = array<i32>} : memref<256xf32, #tpu.memory_space<vmem>>, vector<16xf32>,
        %get3A_859 = vector.shape_cast %get3A_858 : vector<16xf32> to vector<16xf32>
        %scan3A_860 = arith.constant 0 : i32
        %scan3A_861 = arith.constant 64 : i32
        %scan3A_862 = arith.addi %scan3A_860, %scan3A_861 : i32
        %scan3A_863 = arith.constant 8 : i32
        %scan3A_864:16 = scf.for %scan3A_1419 = %scan3A_860 to %scan3A_862 step %scan3A_863 iter_args(%scan3A_1420 = %get3A_814, %scan3A_1421 = %get3A_817, %scan3A_1422 = %get3A_820, %scan3A_1423 = %get3A_823, %scan3A_1424 = %get3A_826, %scan3A_1425 = %get3A_829, %scan3A_1426 = %get3A_832, %scan3A_1427 = %get3A_835, %scan3A_1428 = %get3A_838, %scan3A_1429 = %get3A_841, %scan3A_1430 = %get3A_844, %scan3A_1431 = %get3A_847, %scan3A_1432 = %get3A_850, %scan3A_1433 = %get3A_853, %scan3A_1434 = %get3A_856, %scan3A_1435 = %get3A_859) -> (vector<16xf32>, vector<16xf32>, vector<16xf32>, vector<16xf32>, vector<16xf32>, vector<16xf32>, vector<16xf32>, vector<16xf32>, vector<16xf32>, vector<16xf32>, vector<16xf32>, vector<16xf32>, vector<16xf32>, vector<16xf32>, vector<16xf32>, vector<16xf32>)  : i32 {
          %swap3A_1436 = arith.constant 0 : i32
          %swap3A_1437 = arith.constant 0 : i32
          %swap3A_1438 = arith.constant 0 : i32
          %swap3A_1439 = arith.constant 0 : i32
          %swap3A_1440 = tpu.memref_slice %run_scoped3A_102[%rem3A_812, %swap3A_1437, %swap3A_1438, %swap3A_1439] : memref<2x1x64x256xf32, #tpu.memory_space<vmem>> -> memref<1x1x64x256xf32, #tpu.memory_space<vmem>>
          %swap3A_1441 = tpu.memref_squeeze %swap3A_1440 : memref<1x1x64x256xf32, #tpu.memory_space<vmem>> -> memref<1x64x256xf32, #tpu.memory_space<vmem>>
          %swap3A_1442 = arith.index_cast %swap3A_1436 : i32 to index
          %swap3A_1443 = arith.index_cast %scan3A_1419 : i32 to index
          %swap3A_1444 = arith.constant 0 : index
          %swap3A_1445 = tpu.vector_load %swap3A_1441[%swap3A_1442, %swap3A_1443, %swap3A_1444] {strides = array<i32>} : memref<1x64x256xf32, #tpu.memory_space<vmem>>, vector<1x1x16xf32>,
          %swap3A_1446 = vector.shape_cast %swap3A_1445 : vector<1x1x16xf32> to vector<16xf32>
          %swap3A_1447 = vector.shape_cast %scan3A_1420 : vector<16xf32> to vector<1x1x16xf32>
          tpu.vector_store %swap3A_1441[%swap3A_1442, %swap3A_1443, %swap3A_1444], %swap3A_1447 {strides = array<i32>} : memref<1x64x256xf32, #tpu.memory_space<vmem>>, vector<1x1x16xf32>,
          %get3A_1448 = arith.constant 0 : i32
          %get3A_1449 = arith.constant 0 : i32
          %get3A_1450 = arith.constant 0 : i32
          %get3A_1451 = arith.constant 0 : i32
          %get3A_1452 = tpu.memref_slice %run_scoped3A[%rem3A_810, %get3A_1449, %get3A_1450, %get3A_1451] : memref<2x1x64x256xf32, #tpu.memory_space<vmem>> -> memref<1x1x64x256xf32, #tpu.memory_space<vmem>>
          %get3A_1453 = tpu.memref_squeeze %get3A_1452 : memref<1x1x64x256xf32, #tpu.memory_space<vmem>> -> memref<1x64x256xf32, #tpu.memory_space<vmem>>
          %get3A_1454 = arith.index_cast %get3A_1448 : i32 to index
          %get3A_1455 = arith.index_cast %scan3A_1419 : i32 to index
          %get3A_1456 = arith.constant 0 : index
          %get3A_1457 = tpu.vector_load %get3A_1453[%get3A_1454, %get3A_1455, %get3A_1456] {strides = array<i32>} : memref<1x64x256xf32, #tpu.memory_space<vmem>>, vector<1x1x16xf32>,
          %get3A_1458 = vector.shape_cast %get3A_1457 : vector<1x1x16xf32> to vector<16xf32>
          %add3A_1459 = arith.addf %scan3A_1420, %get3A_1458 : vector<16xf32>
          %swap3A_1460 = arith.constant 0 : i32
          %swap3A_1461 = arith.constant 0 : i32
          %swap3A_1462 = arith.constant 0 : i32
          %swap3A_1463 = arith.constant 0 : i32
          %swap3A_1464 = tpu.memref_slice %run_scoped3A_102[%rem3A_812, %swap3A_1461, %swap3A_1462, %swap3A_1463] : memref<2x1x64x256xf32, #tpu.memory_space<vmem>> -> memref<1x1x64x256xf32, #tpu.memory_space<vmem>>
          %swap3A_1465 = tpu.memref_squeeze %swap3A_1464 : memref<1x1x64x256xf32, #tpu.memory_space<vmem>> -> memref<1x64x256xf32, #tpu.memory_space<vmem>>
          %swap3A_1466 = arith.index_cast %swap3A_1460 : i32 to index
          %swap3A_1467 = arith.index_cast %scan3A_1419 : i32 to index
          %swap3A_1468 = arith.constant 16 : index
          %swap3A_1469 = tpu.vector_load %swap3A_1465[%swap3A_1466, %swap3A_1467, %swap3A_1468] {strides = array<i32>} : memref<1x64x256xf32, #tpu.memory_space<vmem>>, vector<1x1x16xf32>,
          %swap3A_1470 = vector.shape_cast %swap3A_1469 : vector<1x1x16xf32> to vector<16xf32>
          %swap3A_1471 = vector.shape_cast %scan3A_1421 : vector<16xf32> to vector<1x1x16xf32>
          tpu.vector_store %swap3A_1465[%swap3A_1466, %swap3A_1467, %swap3A_1468], %swap3A_1471 {strides = array<i32>} : memref<1x64x256xf32, #tpu.memory_space<vmem>>, vector<1x1x16xf32>,
          %get3A_1472 = arith.constant 0 : i32
          %get3A_1473 = arith.constant 0 : i32
          %get3A_1474 = arith.constant 0 : i32
          %get3A_1475 = arith.constant 0 : i32
          %get3A_1476 = tpu.memref_slice %run_scoped3A[%rem3A_810, %get3A_1473, %get3A_1474, %get3A_1475] : memref<2x1x64x256xf32, #tpu.memory_space<vmem>> -> memref<1x1x64x256xf32, #tpu.memory_space<vmem>>
          %get3A_1477 = tpu.memref_squeeze %get3A_1476 : memref<1x1x64x256xf32, #tpu.memory_space<vmem>> -> memref<1x64x256xf32, #tpu.memory_space<vmem>>
          %get3A_1478 = arith.index_cast %get3A_1472 : i32 to index
          %get3A_1479 = arith.index_cast %scan3A_1419 : i32 to index
          %get3A_1480 = arith.constant 16 : index
          %get3A_1481 = tpu.vector_load %get3A_1477[%get3A_1478, %get3A_1479, %get3A_1480] {strides = array<i32>} : memref<1x64x256xf32, #tpu.memory_space<vmem>>, vector<1x1x16xf32>,
          %get3A_1482 = vector.shape_cast %get3A_1481 : vector<1x1x16xf32> to vector<16xf32>
          %add3A_1483 = arith.addf %scan3A_1421, %get3A_1482 : vector<16xf32>
          %swap3A_1484 = arith.constant 0 : i32
          %swap3A_1485 = arith.constant 0 : i32
          %swap3A_1486 = arith.constant 0 : i32
          %swap3A_1487 = arith.constant 0 : i32
          %swap3A_1488 = tpu.memref_slice %run_scoped3A_102[%rem3A_812, %swap3A_1485, %swap3A_1486, %swap3A_1487] : memref<2x1x64x256xf32, #tpu.memory_space<vmem>> -> memref<1x1x64x256xf32, #tpu.memory_space<vmem>>
          %swap3A_1489 = tpu.memref_squeeze %swap3A_1488 : memref<1x1x64x256xf32, #tpu.memory_space<vmem>> -> memref<1x64x256xf32, #tpu.memory_space<vmem>>
          %swap3A_1490 = arith.index_cast %swap3A_1484 : i32 to index
          %swap3A_1491 = arith.index_cast %scan3A_1419 : i32 to index
          %swap3A_1492 = arith.constant 32 : index
          %swap3A_1493 = tpu.vector_load %swap3A_1489[%swap3A_1490, %swap3A_1491, %swap3A_1492] {strides = array<i32>} : memref<1x64x256xf32, #tpu.memory_space<vmem>>, vector<1x1x16xf32>,
          %swap3A_1494 = vector.shape_cast %swap3A_1493 : vector<1x1x16xf32> to vector<16xf32>
          %swap3A_1495 = vector.shape_cast %scan3A_1422 : vector<16xf32> to vector<1x1x16xf32>
          tpu.vector_store %swap3A_1489[%swap3A_1490, %swap3A_1491, %swap3A_1492], %swap3A_1495 {strides = array<i32>} : memref<1x64x256xf32, #tpu.memory_space<vmem>>, vector<1x1x16xf32>,
          %get3A_1496 = arith.constant 0 : i32
          %get3A_1497 = arith.constant 0 : i32
          %get3A_1498 = arith.constant 0 : i32
          %get3A_1499 = arith.constant 0 : i32
          %get3A_1500 = tpu.memref_slice %run_scoped3A[%rem3A_810, %get3A_1497, %get3A_1498, %get3A_1499] : memref<2x1x64x256xf32, #tpu.memory_space<vmem>> -> memref<1x1x64x256xf32, #tpu.memory_space<vmem>>
          %get3A_1501 = tpu.memref_squeeze %get3A_1500 : memref<1x1x64x256xf32, #tpu.memory_space<vmem>> -> memref<1x64x256xf32, #tpu.memory_space<vmem>>
          %get3A_1502 = arith.index_cast %get3A_1496 : i32 to index
          %get3A_1503 = arith.index_cast %scan3A_1419 : i32 to index
          %get3A_1504 = arith.constant 32 : index
          %get3A_1505 = tpu.vector_load %get3A_1501[%get3A_1502, %get3A_1503, %get3A_1504] {strides = array<i32>} : memref<1x64x256xf32, #tpu.memory_space<vmem>>, vector<1x1x16xf32>,
          %get3A_1506 = vector.shape_cast %get3A_1505 : vector<1x1x16xf32> to vector<16xf32>
          %add3A_1507 = arith.addf %scan3A_1422, %get3A_1506 : vector<16xf32>
          %swap3A_1508 = arith.constant 0 : i32
          %swap3A_1509 = arith.constant 0 : i32
          %swap3A_1510 = arith.constant 0 : i32
          %swap3A_1511 = arith.constant 0 : i32
          %swap3A_1512 = tpu.memref_slice %run_scoped3A_102[%rem3A_812, %swap3A_1509, %swap3A_1510, %swap3A_1511] : memref<2x1x64x256xf32, #tpu.memory_space<vmem>> -> memref<1x1x64x256xf32, #tpu.memory_space<vmem>>
          %swap3A_1513 = tpu.memref_squeeze %swap3A_1512 : memref<1x1x64x256xf32, #tpu.memory_space<vmem>> -> memref<1x64x256xf32, #tpu.memory_space<vmem>>
          %swap3A_1514 = arith.index_cast %swap3A_1508 : i32 to index
          %swap3A_1515 = arith.index_cast %scan3A_1419 : i32 to index
          %swap3A_1516 = arith.constant 48 : index
          %swap3A_1517 = tpu.vector_load %swap3A_1513[%swap3A_1514, %swap3A_1515, %swap3A_1516] {strides = array<i32>} : memref<1x64x256xf32, #tpu.memory_space<vmem>>, vector<1x1x16xf32>,
          %swap3A_1518 = vector.shape_cast %swap3A_1517 : vector<1x1x16xf32> to vector<16xf32>
          %swap3A_1519 = vector.shape_cast %scan3A_1423 : vector<16xf32> to vector<1x1x16xf32>
          tpu.vector_store %swap3A_1513[%swap3A_1514, %swap3A_1515, %swap3A_1516], %swap3A_1519 {strides = array<i32>} : memref<1x64x256xf32, #tpu.memory_space<vmem>>, vector<1x1x16xf32>,
          %get3A_1520 = arith.constant 0 : i32
          %get3A_1521 = arith.constant 0 : i32
          %get3A_1522 = arith.constant 0 : i32
          %get3A_1523 = arith.constant 0 : i32
          %get3A_1524 = tpu.memref_slice %run_scoped3A[%rem3A_810, %get3A_1521, %get3A_1522, %get3A_1523] : memref<2x1x64x256xf32, #tpu.memory_space<vmem>> -> memref<1x1x64x256xf32, #tpu.memory_space<vmem>>
          %get3A_1525 = tpu.memref_squeeze %get3A_1524 : memref<1x1x64x256xf32, #tpu.memory_space<vmem>> -> memref<1x64x256xf32, #tpu.memory_space<vmem>>
          %get3A_1526 = arith.index_cast %get3A_1520 : i32 to index
          %get3A_1527 = arith.index_cast %scan3A_1419 : i32 to index
          %get3A_1528 = arith.constant 48 : index
          %get3A_1529 = tpu.vector_load %get3A_1525[%get3A_1526, %get3A_1527, %get3A_1528] {strides = array<i32>} : memref<1x64x256xf32, #tpu.memory_space<vmem>>, vector<1x1x16xf32>,
          %get3A_1530 = vector.shape_cast %get3A_1529 : vector<1x1x16xf32> to vector<16xf32>
          %add3A_1531 = arith.addf %scan3A_1423, %get3A_1530 : vector<16xf32>
          %swap3A_1532 = arith.constant 0 : i32
          %swap3A_1533 = arith.constant 0 : i32
          %swap3A_1534 = arith.constant 0 : i32
          %swap3A_1535 = arith.constant 0 : i32
          %swap3A_1536 = tpu.memref_slice %run_scoped3A_102[%rem3A_812, %swap3A_1533, %swap3A_1534, %swap3A_1535] : memref<2x1x64x256xf32, #tpu.memory_space<vmem>> -> memref<1x1x64x256xf32, #tpu.memory_space<vmem>>
          %swap3A_1537 = tpu.memref_squeeze %swap3A_1536 : memref<1x1x64x256xf32, #tpu.memory_space<vmem>> -> memref<1x64x256xf32, #tpu.memory_space<vmem>>
          %swap3A_1538 = arith.index_cast %swap3A_1532 : i32 to index
          %swap3A_1539 = arith.index_cast %scan3A_1419 : i32 to index
          %swap3A_1540 = arith.constant 64 : index
          %swap3A_1541 = tpu.vector_load %swap3A_1537[%swap3A_1538, %swap3A_1539, %swap3A_1540] {strides = array<i32>} : memref<1x64x256xf32, #tpu.memory_space<vmem>>, vector<1x1x16xf32>,
          %swap3A_1542 = vector.shape_cast %swap3A_1541 : vector<1x1x16xf32> to vector<16xf32>
          %swap3A_1543 = vector.shape_cast %scan3A_1424 : vector<16xf32> to vector<1x1x16xf32>
          tpu.vector_store %swap3A_1537[%swap3A_1538, %swap3A_1539, %swap3A_1540], %swap3A_1543 {strides = array<i32>} : memref<1x64x256xf32, #tpu.memory_space<vmem>>, vector<1x1x16xf32>,
          %get3A_1544 = arith.constant 0 : i32
          %get3A_1545 = arith.constant 0 : i32
          %get3A_1546 = arith.constant 0 : i32
          %get3A_1547 = arith.constant 0 : i32
          %get3A_1548 = tpu.memref_slice %run_scoped3A[%rem3A_810, %get3A_1545, %get3A_1546, %get3A_1547] : memref<2x1x64x256xf32, #tpu.memory_space<vmem>> -> memref<1x1x64x256xf32, #tpu.memory_space<vmem>>
          %get3A_1549 = tpu.memref_squeeze %get3A_1548 : memref<1x1x64x256xf32, #tpu.memory_space<vmem>> -> memref<1x64x256xf32, #tpu.memory_space<vmem>>
          %get3A_1550 = arith.index_cast %get3A_1544 : i32 to index
          %get3A_1551 = arith.index_cast %scan3A_1419 : i32 to index
          %get3A_1552 = arith.constant 64 : index
          %get3A_1553 = tpu.vector_load %get3A_1549[%get3A_1550, %get3A_1551, %get3A_1552] {strides = array<i32>} : memref<1x64x256xf32, #tpu.memory_space<vmem>>, vector<1x1x16xf32>,
          %get3A_1554 = vector.shape_cast %get3A_1553 : vector<1x1x16xf32> to vector<16xf32>
          %add3A_1555 = arith.addf %scan3A_1424, %get3A_1554 : vector<16xf32>
          %swap3A_1556 = arith.constant 0 : i32
          %swap3A_1557 = arith.constant 0 : i32
          %swap3A_1558 = arith.constant 0 : i32
          %swap3A_1559 = arith.constant 0 : i32
          %swap3A_1560 = tpu.memref_slice %run_scoped3A_102[%rem3A_812, %swap3A_1557, %swap3A_1558, %swap3A_1559] : memref<2x1x64x256xf32, #tpu.memory_space<vmem>> -> memref<1x1x64x256xf32, #tpu.memory_space<vmem>>
          %swap3A_1561 = tpu.memref_squeeze %swap3A_1560 : memref<1x1x64x256xf32, #tpu.memory_space<vmem>> -> memref<1x64x256xf32, #tpu.memory_space<vmem>>
          %swap3A_1562 = arith.index_cast %swap3A_1556 : i32 to index
          %swap3A_1563 = arith.index_cast %scan3A_1419 : i32 to index
          %swap3A_1564 = arith.constant 80 : index
          %swap3A_1565 = tpu.vector_load %swap3A_1561[%swap3A_1562, %swap3A_1563, %swap3A_1564] {strides = array<i32>} : memref<1x64x256xf32, #tpu.memory_space<vmem>>, vector<1x1x16xf32>,
          %swap3A_1566 = vector.shape_cast %swap3A_1565 : vector<1x1x16xf32> to vector<16xf32>
          %swap3A_1567 = vector.shape_cast %scan3A_1425 : vector<16xf32> to vector<1x1x16xf32>
          tpu.vector_store %swap3A_1561[%swap3A_1562, %swap3A_1563, %swap3A_1564], %swap3A_1567 {strides = array<i32>} : memref<1x64x256xf32, #tpu.memory_space<vmem>>, vector<1x1x16xf32>,
          %get3A_1568 = arith.constant 0 : i32
          %get3A_1569 = arith.constant 0 : i32
          %get3A_1570 = arith.constant 0 : i32
          %get3A_1571 = arith.constant 0 : i32
          %get3A_1572 = tpu.memref_slice %run_scoped3A[%rem3A_810, %get3A_1569, %get3A_1570, %get3A_1571] : memref<2x1x64x256xf32, #tpu.memory_space<vmem>> -> memref<1x1x64x256xf32, #tpu.memory_space<vmem>>
          %get3A_1573 = tpu.memref_squeeze %get3A_1572 : memref<1x1x64x256xf32, #tpu.memory_space<vmem>> -> memref<1x64x256xf32, #tpu.memory_space<vmem>>
          %get3A_1574 = arith.index_cast %get3A_1568 : i32 to index
          %get3A_1575 = arith.index_cast %scan3A_1419 : i32 to index
          %get3A_1576 = arith.constant 80 : index
          %get3A_1577 = tpu.vector_load %get3A_1573[%get3A_1574, %get3A_1575, %get3A_1576] {strides = array<i32>} : memref<1x64x256xf32, #tpu.memory_space<vmem>>, vector<1x1x16xf32>,
          %get3A_1578 = vector.shape_cast %get3A_1577 : vector<1x1x16xf32> to vector<16xf32>
          %add3A_1579 = arith.addf %scan3A_1425, %get3A_1578 : vector<16xf32>
          %swap3A_1580 = arith.constant 0 : i32
          %swap3A_1581 = arith.constant 0 : i32
          %swap3A_1582 = arith.constant 0 : i32
          %swap3A_1583 = arith.constant 0 : i32
          %swap3A_1584 = tpu.memref_slice %run_scoped3A_102[%rem3A_812, %swap3A_1581, %swap3A_1582, %swap3A_1583] : memref<2x1x64x256xf32, #tpu.memory_space<vmem>> -> memref<1x1x64x256xf32, #tpu.memory_space<vmem>>
          %swap3A_1585 = tpu.memref_squeeze %swap3A_1584 : memref<1x1x64x256xf32, #tpu.memory_space<vmem>> -> memref<1x64x256xf32, #tpu.memory_space<vmem>>
          %swap3A_1586 = arith.index_cast %swap3A_1580 : i32 to index
          %swap3A_1587 = arith.index_cast %scan3A_1419 : i32 to index
          %swap3A_1588 = arith.constant 96 : index
          %swap3A_1589 = tpu.vector_load %swap3A_1585[%swap3A_1586, %swap3A_1587, %swap3A_1588] {strides = array<i32>} : memref<1x64x256xf32, #tpu.memory_space<vmem>>, vector<1x1x16xf32>,
          %swap3A_1590 = vector.shape_cast %swap3A_1589 : vector<1x1x16xf32> to vector<16xf32>
          %swap3A_1591 = vector.shape_cast %scan3A_1426 : vector<16xf32> to vector<1x1x16xf32>
          tpu.vector_store %swap3A_1585[%swap3A_1586, %swap3A_1587, %swap3A_1588], %swap3A_1591 {strides = array<i32>} : memref<1x64x256xf32, #tpu.memory_space<vmem>>, vector<1x1x16xf32>,
          %get3A_1592 = arith.constant 0 : i32
          %get3A_1593 = arith.constant 0 : i32
          %get3A_1594 = arith.constant 0 : i32
          %get3A_1595 = arith.constant 0 : i32
          %get3A_1596 = tpu.memref_slice %run_scoped3A[%rem3A_810, %get3A_1593, %get3A_1594, %get3A_1595] : memref<2x1x64x256xf32, #tpu.memory_space<vmem>> -> memref<1x1x64x256xf32, #tpu.memory_space<vmem>>
          %get3A_1597 = tpu.memref_squeeze %get3A_1596 : memref<1x1x64x256xf32, #tpu.memory_space<vmem>> -> memref<1x64x256xf32, #tpu.memory_space<vmem>>
          %get3A_1598 = arith.index_cast %get3A_1592 : i32 to index
          %get3A_1599 = arith.index_cast %scan3A_1419 : i32 to index
          %get3A_1600 = arith.constant 96 : index
          %get3A_1601 = tpu.vector_load %get3A_1597[%get3A_1598, %get3A_1599, %get3A_1600] {strides = array<i32>} : memref<1x64x256xf32, #tpu.memory_space<vmem>>, vector<1x1x16xf32>,
          %get3A_1602 = vector.shape_cast %get3A_1601 : vector<1x1x16xf32> to vector<16xf32>
          %add3A_1603 = arith.addf %scan3A_1426, %get3A_1602 : vector<16xf32>
          %swap3A_1604 = arith.constant 0 : i32
          %swap3A_1605 = arith.constant 0 : i32
          %swap3A_1606 = arith.constant 0 : i32
          %swap3A_1607 = arith.constant 0 : i32
          %swap3A_1608 = tpu.memref_slice %run_scoped3A_102[%rem3A_812, %swap3A_1605, %swap3A_1606, %swap3A_1607] : memref<2x1x64x256xf32, #tpu.memory_space<vmem>> -> memref<1x1x64x256xf32, #tpu.memory_space<vmem>>
          %swap3A_1609 = tpu.memref_squeeze %swap3A_1608 : memref<1x1x64x256xf32, #tpu.memory_space<vmem>> -> memref<1x64x256xf32, #tpu.memory_space<vmem>>
          %swap3A_1610 = arith.index_cast %swap3A_1604 : i32 to index
          %swap3A_1611 = arith.index_cast %scan3A_1419 : i32 to index
          %swap3A_1612 = arith.constant 112 : index
          %swap3A_1613 = tpu.vector_load %swap3A_1609[%swap3A_1610, %swap3A_1611, %swap3A_1612] {strides = array<i32>} : memref<1x64x256xf32, #tpu.memory_space<vmem>>, vector<1x1x16xf32>,
          %swap3A_1614 = vector.shape_cast %swap3A_1613 : vector<1x1x16xf32> to vector<16xf32>
          %swap3A_1615 = vector.shape_cast %scan3A_1427 : vector<16xf32> to vector<1x1x16xf32>
          tpu.vector_store %swap3A_1609[%swap3A_1610, %swap3A_1611, %swap3A_1612], %swap3A_1615 {strides = array<i32>} : memref<1x64x256xf32, #tpu.memory_space<vmem>>, vector<1x1x16xf32>,
          %get3A_1616 = arith.constant 0 : i32
          %get3A_1617 = arith.constant 0 : i32
          %get3A_1618 = arith.constant 0 : i32
          %get3A_1619 = arith.constant 0 : i32
          %get3A_1620 = tpu.memref_slice %run_scoped3A[%rem3A_810, %get3A_1617, %get3A_1618, %get3A_1619] : memref<2x1x64x256xf32, #tpu.memory_space<vmem>> -> memref<1x1x64x256xf32, #tpu.memory_space<vmem>>
          %get3A_1621 = tpu.memref_squeeze %get3A_1620 : memref<1x1x64x256xf32, #tpu.memory_space<vmem>> -> memref<1x64x256xf32, #tpu.memory_space<vmem>>
          %get3A_1622 = arith.index_cast %get3A_1616 : i32 to index
          %get3A_1623 = arith.index_cast %scan3A_1419 : i32 to index
          %get3A_1624 = arith.constant 112 : index
          %get3A_1625 = tpu.vector_load %get3A_1621[%get3A_1622, %get3A_1623, %get3A_1624] {strides = array<i32>} : memref<1x64x256xf32, #tpu.memory_space<vmem>>, vector<1x1x16xf32>,
          %get3A_1626 = vector.shape_cast %get3A_1625 : vector<1x1x16xf32> to vector<16xf32>
          %add3A_1627 = arith.addf %scan3A_1427, %get3A_1626 : vector<16xf32>
          %swap3A_1628 = arith.constant 0 : i32
          %swap3A_1629 = arith.constant 0 : i32
          %swap3A_1630 = arith.constant 0 : i32
          %swap3A_1631 = arith.constant 0 : i32
          %swap3A_1632 = tpu.memref_slice %run_scoped3A_102[%rem3A_812, %swap3A_1629, %swap3A_1630, %swap3A_1631] : memref<2x1x64x256xf32, #tpu.memory_space<vmem>> -> memref<1x1x64x256xf32, #tpu.memory_space<vmem>>
          %swap3A_1633 = tpu.memref_squeeze %swap3A_1632 : memref<1x1x64x256xf32, #tpu.memory_space<vmem>> -> memref<1x64x256xf32, #tpu.memory_space<vmem>>
          %swap3A_1634 = arith.index_cast %swap3A_1628 : i32 to index
          %swap3A_1635 = arith.index_cast %scan3A_1419 : i32 to index
          %swap3A_1636 = arith.constant 128 : index
          %swap3A_1637 = tpu.vector_load %swap3A_1633[%swap3A_1634, %swap3A_1635, %swap3A_1636] {strides = array<i32>} : memref<1x64x256xf32, #tpu.memory_space<vmem>>, vector<1x1x16xf32>,
          %swap3A_1638 = vector.shape_cast %swap3A_1637 : vector<1x1x16xf32> to vector<16xf32>
          %swap3A_1639 = vector.shape_cast %scan3A_1428 : vector<16xf32> to vector<1x1x16xf32>
          tpu.vector_store %swap3A_1633[%swap3A_1634, %swap3A_1635, %swap3A_1636], %swap3A_1639 {strides = array<i32>} : memref<1x64x256xf32, #tpu.memory_space<vmem>>, vector<1x1x16xf32>,
          %get3A_1640 = arith.constant 0 : i32
          %get3A_1641 = arith.constant 0 : i32
          %get3A_1642 = arith.constant 0 : i32
          %get3A_1643 = arith.constant 0 : i32
          %get3A_1644 = tpu.memref_slice %run_scoped3A[%rem3A_810, %get3A_1641, %get3A_1642, %get3A_1643] : memref<2x1x64x256xf32, #tpu.memory_space<vmem>> -> memref<1x1x64x256xf32, #tpu.memory_space<vmem>>
          %get3A_1645 = tpu.memref_squeeze %get3A_1644 : memref<1x1x64x256xf32, #tpu.memory_space<vmem>> -> memref<1x64x256xf32, #tpu.memory_space<vmem>>
          %get3A_1646 = arith.index_cast %get3A_1640 : i32 to index
          %get3A_1647 = arith.index_cast %scan3A_1419 : i32 to index
          %get3A_1648 = arith.constant 128 : index
          %get3A_1649 = tpu.vector_load %get3A_1645[%get3A_1646, %get3A_1647, %get3A_1648] {strides = array<i32>} : memref<1x64x256xf32, #tpu.memory_space<vmem>>, vector<1x1x16xf32>,
          %get3A_1650 = vector.shape_cast %get3A_1649 : vector<1x1x16xf32> to vector<16xf32>
          %add3A_1651 = arith.addf %scan3A_1428, %get3A_1650 : vector<16xf32>
          %swap3A_1652 = arith.constant 0 : i32
          %swap3A_1653 = arith.constant 0 : i32
          %swap3A_1654 = arith.constant 0 : i32
          %swap3A_1655 = arith.constant 0 : i32
          %swap3A_1656 = tpu.memref_slice %run_scoped3A_102[%rem3A_812, %swap3A_1653, %swap3A_1654, %swap3A_1655] : memref<2x1x64x256xf32, #tpu.memory_space<vmem>> -> memref<1x1x64x256xf32, #tpu.memory_space<vmem>>
          %swap3A_1657 = tpu.memref_squeeze %swap3A_1656 : memref<1x1x64x256xf32, #tpu.memory_space<vmem>> -> memref<1x64x256xf32, #tpu.memory_space<vmem>>
          %swap3A_1658 = arith.index_cast %swap3A_1652 : i32 to index
          %swap3A_1659 = arith.index_cast %scan3A_1419 : i32 to index
          %swap3A_1660 = arith.constant 144 : index
          %swap3A_1661 = tpu.vector_load %swap3A_1657[%swap3A_1658, %swap3A_1659, %swap3A_1660] {strides = array<i32>} : memref<1x64x256xf32, #tpu.memory_space<vmem>>, vector<1x1x16xf32>,
          %swap3A_1662 = vector.shape_cast %swap3A_1661 : vector<1x1x16xf32> to vector<16xf32>
          %swap3A_1663 = vector.shape_cast %scan3A_1429 : vector<16xf32> to vector<1x1x16xf32>
          tpu.vector_store %swap3A_1657[%swap3A_1658, %swap3A_1659, %swap3A_1660], %swap3A_1663 {strides = array<i32>} : memref<1x64x256xf32, #tpu.memory_space<vmem>>, vector<1x1x16xf32>,
          %get3A_1664 = arith.constant 0 : i32
          %get3A_1665 = arith.constant 0 : i32
          %get3A_1666 = arith.constant 0 : i32
          %get3A_1667 = arith.constant 0 : i32
          %get3A_1668 = tpu.memref_slice %run_scoped3A[%rem3A_810, %get3A_1665, %get3A_1666, %get3A_1667] : memref<2x1x64x256xf32, #tpu.memory_space<vmem>> -> memref<1x1x64x256xf32, #tpu.memory_space<vmem>>
          %get3A_1669 = tpu.memref_squeeze %get3A_1668 : memref<1x1x64x256xf32, #tpu.memory_space<vmem>> -> memref<1x64x256xf32, #tpu.memory_space<vmem>>
          %get3A_1670 = arith.index_cast %get3A_1664 : i32 to index
          %get3A_1671 = arith.index_cast %scan3A_1419 : i32 to index
          %get3A_1672 = arith.constant 144 : index
          %get3A_1673 = tpu.vector_load %get3A_1669[%get3A_1670, %get3A_1671, %get3A_1672] {strides = array<i32>} : memref<1x64x256xf32, #tpu.memory_space<vmem>>, vector<1x1x16xf32>,
          %get3A_1674 = vector.shape_cast %get3A_1673 : vector<1x1x16xf32> to vector<16xf32>
          %add3A_1675 = arith.addf %scan3A_1429, %get3A_1674 : vector<16xf32>
          %swap3A_1676 = arith.constant 0 : i32
          %swap3A_1677 = arith.constant 0 : i32
          %swap3A_1678 = arith.constant 0 : i32
          %swap3A_1679 = arith.constant 0 : i32
          %swap3A_1680 = tpu.memref_slice %run_scoped3A_102[%rem3A_812, %swap3A_1677, %swap3A_1678, %swap3A_1679] : memref<2x1x64x256xf32, #tpu.memory_space<vmem>> -> memref<1x1x64x256xf32, #tpu.memory_space<vmem>>
          %swap3A_1681 = tpu.memref_squeeze %swap3A_1680 : memref<1x1x64x256xf32, #tpu.memory_space<vmem>> -> memref<1x64x256xf32, #tpu.memory_space<vmem>>
          %swap3A_1682 = arith.index_cast %swap3A_1676 : i32 to index
          %swap3A_1683 = arith.index_cast %scan3A_1419 : i32 to index
          %swap3A_1684 = arith.constant 160 : index
          %swap3A_1685 = tpu.vector_load %swap3A_1681[%swap3A_1682, %swap3A_1683, %swap3A_1684] {strides = array<i32>} : memref<1x64x256xf32, #tpu.memory_space<vmem>>, vector<1x1x16xf32>,
          %swap3A_1686 = vector.shape_cast %swap3A_1685 : vector<1x1x16xf32> to vector<16xf32>
          %swap3A_1687 = vector.shape_cast %scan3A_1430 : vector<16xf32> to vector<1x1x16xf32>
          tpu.vector_store %swap3A_1681[%swap3A_1682, %swap3A_1683, %swap3A_1684], %swap3A_1687 {strides = array<i32>} : memref<1x64x256xf32, #tpu.memory_space<vmem>>, vector<1x1x16xf32>,
          %get3A_1688 = arith.constant 0 : i32
          %get3A_1689 = arith.constant 0 : i32
          %get3A_1690 = arith.constant 0 : i32
          %get3A_1691 = arith.constant 0 : i32
          %get3A_1692 = tpu.memref_slice %run_scoped3A[%rem3A_810, %get3A_1689, %get3A_1690, %get3A_1691] : memref<2x1x64x256xf32, #tpu.memory_space<vmem>> -> memref<1x1x64x256xf32, #tpu.memory_space<vmem>>
          %get3A_1693 = tpu.memref_squeeze %get3A_1692 : memref<1x1x64x256xf32, #tpu.memory_space<vmem>> -> memref<1x64x256xf32, #tpu.memory_space<vmem>>
          %get3A_1694 = arith.index_cast %get3A_1688 : i32 to index
          %get3A_1695 = arith.index_cast %scan3A_1419 : i32 to index
          %get3A_1696 = arith.constant 160 : index
          %get3A_1697 = tpu.vector_load %get3A_1693[%get3A_1694, %get3A_1695, %get3A_1696] {strides = array<i32>} : memref<1x64x256xf32, #tpu.memory_space<vmem>>, vector<1x1x16xf32>,
          %get3A_1698 = vector.shape_cast %get3A_1697 : vector<1x1x16xf32> to vector<16xf32>
          %add3A_1699 = arith.addf %scan3A_1430, %get3A_1698 : vector<16xf32>
          %swap3A_1700 = arith.constant 0 : i32
          %swap3A_1701 = arith.constant 0 : i32
          %swap3A_1702 = arith.constant 0 : i32
          %swap3A_1703 = arith.constant 0 : i32
          %swap3A_1704 = tpu.memref_slice %run_scoped3A_102[%rem3A_812, %swap3A_1701, %swap3A_1702, %swap3A_1703] : memref<2x1x64x256xf32, #tpu.memory_space<vmem>> -> memref<1x1x64x256xf32, #tpu.memory_space<vmem>>
          %swap3A_1705 = tpu.memref_squeeze %swap3A_1704 : memref<1x1x64x256xf32, #tpu.memory_space<vmem>> -> memref<1x64x256xf32, #tpu.memory_space<vmem>>
          %swap3A_1706 = arith.index_cast %swap3A_1700 : i32 to index
          %swap3A_1707 = arith.index_cast %scan3A_1419 : i32 to index
          %swap3A_1708 = arith.constant 176 : index
          %swap3A_1709 = tpu.vector_load %swap3A_1705[%swap3A_1706, %swap3A_1707, %swap3A_1708] {strides = array<i32>} : memref<1x64x256xf32, #tpu.memory_space<vmem>>, vector<1x1x16xf32>,
          %swap3A_1710 = vector.shape_cast %swap3A_1709 : vector<1x1x16xf32> to vector<16xf32>
          %swap3A_1711 = vector.shape_cast %scan3A_1431 : vector<16xf32> to vector<1x1x16xf32>
          tpu.vector_store %swap3A_1705[%swap3A_1706, %swap3A_1707, %swap3A_1708], %swap3A_1711 {strides = array<i32>} : memref<1x64x256xf32, #tpu.memory_space<vmem>>, vector<1x1x16xf32>,
          %get3A_1712 = arith.constant 0 : i32
          %get3A_1713 = arith.constant 0 : i32
          %get3A_1714 = arith.constant 0 : i32
          %get3A_1715 = arith.constant 0 : i32
          %get3A_1716 = tpu.memref_slice %run_scoped3A[%rem3A_810, %get3A_1713, %get3A_1714, %get3A_1715] : memref<2x1x64x256xf32, #tpu.memory_space<vmem>> -> memref<1x1x64x256xf32, #tpu.memory_space<vmem>>
          %get3A_1717 = tpu.memref_squeeze %get3A_1716 : memref<1x1x64x256xf32, #tpu.memory_space<vmem>> -> memref<1x64x256xf32, #tpu.memory_space<vmem>>
          %get3A_1718 = arith.index_cast %get3A_1712 : i32 to index
          %get3A_1719 = arith.index_cast %scan3A_1419 : i32 to index
          %get3A_1720 = arith.constant 176 : index
          %get3A_1721 = tpu.vector_load %get3A_1717[%get3A_1718, %get3A_1719, %get3A_1720] {strides = array<i32>} : memref<1x64x256xf32, #tpu.memory_space<vmem>>, vector<1x1x16xf32>,
          %get3A_1722 = vector.shape_cast %get3A_1721 : vector<1x1x16xf32> to vector<16xf32>
          %add3A_1723 = arith.addf %scan3A_1431, %get3A_1722 : vector<16xf32>
          %swap3A_1724 = arith.constant 0 : i32
          %swap3A_1725 = arith.constant 0 : i32
          %swap3A_1726 = arith.constant 0 : i32
          %swap3A_1727 = arith.constant 0 : i32
          %swap3A_1728 = tpu.memref_slice %run_scoped3A_102[%rem3A_812, %swap3A_1725, %swap3A_1726, %swap3A_1727] : memref<2x1x64x256xf32, #tpu.memory_space<vmem>> -> memref<1x1x64x256xf32, #tpu.memory_space<vmem>>
          %swap3A_1729 = tpu.memref_squeeze %swap3A_1728 : memref<1x1x64x256xf32, #tpu.memory_space<vmem>> -> memref<1x64x256xf32, #tpu.memory_space<vmem>>
          %swap3A_1730 = arith.index_cast %swap3A_1724 : i32 to index
          %swap3A_1731 = arith.index_cast %scan3A_1419 : i32 to index
          %swap3A_1732 = arith.constant 192 : index
          %swap3A_1733 = tpu.vector_load %swap3A_1729[%swap3A_1730, %swap3A_1731, %swap3A_1732] {strides = array<i32>} : memref<1x64x256xf32, #tpu.memory_space<vmem>>, vector<1x1x16xf32>,
          %swap3A_1734 = vector.shape_cast %swap3A_1733 : vector<1x1x16xf32> to vector<16xf32>
          %swap3A_1735 = vector.shape_cast %scan3A_1432 : vector<16xf32> to vector<1x1x16xf32>
          tpu.vector_store %swap3A_1729[%swap3A_1730, %swap3A_1731, %swap3A_1732], %swap3A_1735 {strides = array<i32>} : memref<1x64x256xf32, #tpu.memory_space<vmem>>, vector<1x1x16xf32>,
          %get3A_1736 = arith.constant 0 : i32
          %get3A_1737 = arith.constant 0 : i32
          %get3A_1738 = arith.constant 0 : i32
          %get3A_1739 = arith.constant 0 : i32
          %get3A_1740 = tpu.memref_slice %run_scoped3A[%rem3A_810, %get3A_1737, %get3A_1738, %get3A_1739] : memref<2x1x64x256xf32, #tpu.memory_space<vmem>> -> memref<1x1x64x256xf32, #tpu.memory_space<vmem>>
          %get3A_1741 = tpu.memref_squeeze %get3A_1740 : memref<1x1x64x256xf32, #tpu.memory_space<vmem>> -> memref<1x64x256xf32, #tpu.memory_space<vmem>>
          %get3A_1742 = arith.index_cast %get3A_1736 : i32 to index
          %get3A_1743 = arith.index_cast %scan3A_1419 : i32 to index
          %get3A_1744 = arith.constant 192 : index
          %get3A_1745 = tpu.vector_load %get3A_1741[%get3A_1742, %get3A_1743, %get3A_1744] {strides = array<i32>} : memref<1x64x256xf32, #tpu.memory_space<vmem>>, vector<1x1x16xf32>,
          %get3A_1746 = vector.shape_cast %get3A_1745 : vector<1x1x16xf32> to vector<16xf32>
          %add3A_1747 = arith.addf %scan3A_1432, %get3A_1746 : vector<16xf32>
          %swap3A_1748 = arith.constant 0 : i32
          %swap3A_1749 = arith.constant 0 : i32
          %swap3A_1750 = arith.constant 0 : i32
          %swap3A_1751 = arith.constant 0 : i32
          %swap3A_1752 = tpu.memref_slice %run_scoped3A_102[%rem3A_812, %swap3A_1749, %swap3A_1750, %swap3A_1751] : memref<2x1x64x256xf32, #tpu.memory_space<vmem>> -> memref<1x1x64x256xf32, #tpu.memory_space<vmem>>
          %swap3A_1753 = tpu.memref_squeeze %swap3A_1752 : memref<1x1x64x256xf32, #tpu.memory_space<vmem>> -> memref<1x64x256xf32, #tpu.memory_space<vmem>>
          %swap3A_1754 = arith.index_cast %swap3A_1748 : i32 to index
          %swap3A_1755 = arith.index_cast %scan3A_1419 : i32 to index
          %swap3A_1756 = arith.constant 208 : index
          %swap3A_1757 = tpu.vector_load %swap3A_1753[%swap3A_1754, %swap3A_1755, %swap3A_1756] {strides = array<i32>} : memref<1x64x256xf32, #tpu.memory_space<vmem>>, vector<1x1x16xf32>,
          %swap3A_1758 = vector.shape_cast %swap3A_1757 : vector<1x1x16xf32> to vector<16xf32>
          %swap3A_1759 = vector.shape_cast %scan3A_1433 : vector<16xf32> to vector<1x1x16xf32>
          tpu.vector_store %swap3A_1753[%swap3A_1754, %swap3A_1755, %swap3A_1756], %swap3A_1759 {strides = array<i32>} : memref<1x64x256xf32, #tpu.memory_space<vmem>>, vector<1x1x16xf32>,
          %get3A_1760 = arith.constant 0 : i32
          %get3A_1761 = arith.constant 0 : i32
          %get3A_1762 = arith.constant 0 : i32
          %get3A_1763 = arith.constant 0 : i32
          %get3A_1764 = tpu.memref_slice %run_scoped3A[%rem3A_810, %get3A_1761, %get3A_1762, %get3A_1763] : memref<2x1x64x256xf32, #tpu.memory_space<vmem>> -> memref<1x1x64x256xf32, #tpu.memory_space<vmem>>
          %get3A_1765 = tpu.memref_squeeze %get3A_1764 : memref<1x1x64x256xf32, #tpu.memory_space<vmem>> -> memref<1x64x256xf32, #tpu.memory_space<vmem>>
          %get3A_1766 = arith.index_cast %get3A_1760 : i32 to index
          %get3A_1767 = arith.index_cast %scan3A_1419 : i32 to index
          %get3A_1768 = arith.constant 208 : index
          %get3A_1769 = tpu.vector_load %get3A_1765[%get3A_1766, %get3A_1767, %get3A_1768] {strides = array<i32>} : memref<1x64x256xf32, #tpu.memory_space<vmem>>, vector<1x1x16xf32>,
          %get3A_1770 = vector.shape_cast %get3A_1769 : vector<1x1x16xf32> to vector<16xf32>
          %add3A_1771 = arith.addf %scan3A_1433, %get3A_1770 : vector<16xf32>
          %swap3A_1772 = arith.constant 0 : i32
          %swap3A_1773 = arith.constant 0 : i32
          %swap3A_1774 = arith.constant 0 : i32
          %swap3A_1775 = arith.constant 0 : i32
          %swap3A_1776 = tpu.memref_slice %run_scoped3A_102[%rem3A_812, %swap3A_1773, %swap3A_1774, %swap3A_1775] : memref<2x1x64x256xf32, #tpu.memory_space<vmem>> -> memref<1x1x64x256xf32, #tpu.memory_space<vmem>>
          %swap3A_1777 = tpu.memref_squeeze %swap3A_1776 : memref<1x1x64x256xf32, #tpu.memory_space<vmem>> -> memref<1x64x256xf32, #tpu.memory_space<vmem>>
          %swap3A_1778 = arith.index_cast %swap3A_1772 : i32 to index
          %swap3A_1779 = arith.index_cast %scan3A_1419 : i32 to index
          %swap3A_1780 = arith.constant 224 : index
          %swap3A_1781 = tpu.vector_load %swap3A_1777[%swap3A_1778, %swap3A_1779, %swap3A_1780] {strides = array<i32>} : memref<1x64x256xf32, #tpu.memory_space<vmem>>, vector<1x1x16xf32>,
          %swap3A_1782 = vector.shape_cast %swap3A_1781 : vector<1x1x16xf32> to vector<16xf32>
          %swap3A_1783 = vector.shape_cast %scan3A_1434 : vector<16xf32> to vector<1x1x16xf32>
          tpu.vector_store %swap3A_1777[%swap3A_1778, %swap3A_1779, %swap3A_1780], %swap3A_1783 {strides = array<i32>} : memref<1x64x256xf32, #tpu.memory_space<vmem>>, vector<1x1x16xf32>,
          %get3A_1784 = arith.constant 0 : i32
          %get3A_1785 = arith.constant 0 : i32
          %get3A_1786 = arith.constant 0 : i32
          %get3A_1787 = arith.constant 0 : i32
          %get3A_1788 = tpu.memref_slice %run_scoped3A[%rem3A_810, %get3A_1785, %get3A_1786, %get3A_1787] : memref<2x1x64x256xf32, #tpu.memory_space<vmem>> -> memref<1x1x64x256xf32, #tpu.memory_space<vmem>>
          %get3A_1789 = tpu.memref_squeeze %get3A_1788 : memref<1x1x64x256xf32, #tpu.memory_space<vmem>> -> memref<1x64x256xf32, #tpu.memory_space<vmem>>
          %get3A_1790 = arith.index_cast %get3A_1784 : i32 to index
          %get3A_1791 = arith.index_cast %scan3A_1419 : i32 to index
          %get3A_1792 = arith.constant 224 : index
          %get3A_1793 = tpu.vector_load %get3A_1789[%get3A_1790, %get3A_1791, %get3A_1792] {strides = array<i32>} : memref<1x64x256xf32, #tpu.memory_space<vmem>>, vector<1x1x16xf32>,
          %get3A_1794 = vector.shape_cast %get3A_1793 : vector<1x1x16xf32> to vector<16xf32>
          %add3A_1795 = arith.addf %scan3A_1434, %get3A_1794 : vector<16xf32>
          %swap3A_1796 = arith.constant 0 : i32
          %swap3A_1797 = arith.constant 0 : i32
          %swap3A_1798 = arith.constant 0 : i32
          %swap3A_1799 = arith.constant 0 : i32
          %swap3A_1800 = tpu.memref_slice %run_scoped3A_102[%rem3A_812, %swap3A_1797, %swap3A_1798, %swap3A_1799] : memref<2x1x64x256xf32, #tpu.memory_space<vmem>> -> memref<1x1x64x256xf32, #tpu.memory_space<vmem>>
          %swap3A_1801 = tpu.memref_squeeze %swap3A_1800 : memref<1x1x64x256xf32, #tpu.memory_space<vmem>> -> memref<1x64x256xf32, #tpu.memory_space<vmem>>
          %swap3A_1802 = arith.index_cast %swap3A_1796 : i32 to index
          %swap3A_1803 = arith.index_cast %scan3A_1419 : i32 to index
          %swap3A_1804 = arith.constant 240 : index
          %swap3A_1805 = tpu.vector_load %swap3A_1801[%swap3A_1802, %swap3A_1803, %swap3A_1804] {strides = array<i32>} : memref<1x64x256xf32, #tpu.memory_space<vmem>>, vector<1x1x16xf32>,
          %swap3A_1806 = vector.shape_cast %swap3A_1805 : vector<1x1x16xf32> to vector<16xf32>
          %swap3A_1807 = vector.shape_cast %scan3A_1435 : vector<16xf32> to vector<1x1x16xf32>
          tpu.vector_store %swap3A_1801[%swap3A_1802, %swap3A_1803, %swap3A_1804], %swap3A_1807 {strides = array<i32>} : memref<1x64x256xf32, #tpu.memory_space<vmem>>, vector<1x1x16xf32>,
          %get3A_1808 = arith.constant 0 : i32
          %get3A_1809 = arith.constant 0 : i32
          %get3A_1810 = arith.constant 0 : i32
          %get3A_1811 = arith.constant 0 : i32
          %get3A_1812 = tpu.memref_slice %run_scoped3A[%rem3A_810, %get3A_1809, %get3A_1810, %get3A_1811] : memref<2x1x64x256xf32, #tpu.memory_space<vmem>> -> memref<1x1x64x256xf32, #tpu.memory_space<vmem>>
          %get3A_1813 = tpu.memref_squeeze %get3A_1812 : memref<1x1x64x256xf32, #tpu.memory_space<vmem>> -> memref<1x64x256xf32, #tpu.memory_space<vmem>>
          %get3A_1814 = arith.index_cast %get3A_1808 : i32 to index
          %get3A_1815 = arith.index_cast %scan3A_1419 : i32 to index
          %get3A_1816 = arith.constant 240 : index
          %get3A_1817 = tpu.vector_load %get3A_1813[%get3A_1814, %get3A_1815, %get3A_1816] {strides = array<i32>} : memref<1x64x256xf32, #tpu.memory_space<vmem>>, vector<1x1x16xf32>,
          %get3A_1818 = vector.shape_cast %get3A_1817 : vector<1x1x16xf32> to vector<16xf32>
          %add3A_1819 = arith.addf %scan3A_1435, %get3A_1818 : vector<16xf32>
          %scan3A_1820 = arith.constant 1 : i32
          %scan3A_1821 = arith.addi %scan3A_1419, %scan3A_1820 : i32
          %swap3A_1822 = arith.constant 0 : i32
          %swap3A_1823 = arith.constant 0 : i32
          %swap3A_1824 = arith.constant 0 : i32
          %swap3A_1825 = arith.constant 0 : i32
          %swap3A_1826 = tpu.memref_slice %run_scoped3A_102[%rem3A_812, %swap3A_1823, %swap3A_1824, %swap3A_1825] : memref<2x1x64x256xf32, #tpu.memory_space<vmem>> -> memref<1x1x64x256xf32, #tpu.memory_space<vmem>>
          %swap3A_1827 = tpu.memref_squeeze %swap3A_1826 : memref<1x1x64x256xf32, #tpu.memory_space<vmem>> -> memref<1x64x256xf32, #tpu.memory_space<vmem>>
          %swap3A_1828 = arith.index_cast %swap3A_1822 : i32 to index
          %swap3A_1829 = arith.index_cast %scan3A_1821 : i32 to index
          %swap3A_1830 = arith.constant 0 : index
          %swap3A_1831 = tpu.vector_load %swap3A_1827[%swap3A_1828, %swap3A_1829, %swap3A_1830] {strides = array<i32>} : memref<1x64x256xf32, #tpu.memory_space<vmem>>, vector<1x1x16xf32>,
          %swap3A_1832 = vector.shape_cast %swap3A_1831 : vector<1x1x16xf32> to vector<16xf32>
          %swap3A_1833 = vector.shape_cast %add3A_1459 : vector<16xf32> to vector<1x1x16xf32>
          tpu.vector_store %swap3A_1827[%swap3A_1828, %swap3A_1829, %swap3A_1830], %swap3A_1833 {strides = array<i32>} : memref<1x64x256xf32, #tpu.memory_space<vmem>>, vector<1x1x16xf32>,
          %get3A_1834 = arith.constant 0 : i32
          %get3A_1835 = arith.constant 0 : i32
          %get3A_1836 = arith.constant 0 : i32
          %get3A_1837 = arith.constant 0 : i32
          %get3A_1838 = tpu.memref_slice %run_scoped3A[%rem3A_810, %get3A_1835, %get3A_1836, %get3A_1837] : memref<2x1x64x256xf32, #tpu.memory_space<vmem>> -> memref<1x1x64x256xf32, #tpu.memory_space<vmem>>
          %get3A_1839 = tpu.memref_squeeze %get3A_1838 : memref<1x1x64x256xf32, #tpu.memory_space<vmem>> -> memref<1x64x256xf32, #tpu.memory_space<vmem>>
          %get3A_1840 = arith.index_cast %get3A_1834 : i32 to index
          %get3A_1841 = arith.index_cast %scan3A_1821 : i32 to index
          %get3A_1842 = arith.constant 0 : index
          %get3A_1843 = tpu.vector_load %get3A_1839[%get3A_1840, %get3A_1841, %get3A_1842] {strides = array<i32>} : memref<1x64x256xf32, #tpu.memory_space<vmem>>, vector<1x1x16xf32>,
          %get3A_1844 = vector.shape_cast %get3A_1843 : vector<1x1x16xf32> to vector<16xf32>
          %add3A_1845 = arith.addf %add3A_1459, %get3A_1844 : vector<16xf32>
          %swap3A_1846 = arith.constant 0 : i32
          %swap3A_1847 = arith.constant 0 : i32
          %swap3A_1848 = arith.constant 0 : i32
          %swap3A_1849 = arith.constant 0 : i32
          %swap3A_1850 = tpu.memref_slice %run_scoped3A_102[%rem3A_812, %swap3A_1847, %swap3A_1848, %swap3A_1849] : memref<2x1x64x256xf32, #tpu.memory_space<vmem>> -> memref<1x1x64x256xf32, #tpu.memory_space<vmem>>
          %swap3A_1851 = tpu.memref_squeeze %swap3A_1850 : memref<1x1x64x256xf32, #tpu.memory_space<vmem>> -> memref<1x64x256xf32, #tpu.memory_space<vmem>>
          %swap3A_1852 = arith.index_cast %swap3A_1846 : i32 to index
          %swap3A_1853 = arith.index_cast %scan3A_1821 : i32 to index
          %swap3A_1854 = arith.constant 16 : index
          %swap3A_1855 = tpu.vector_load %swap3A_1851[%swap3A_1852, %swap3A_1853, %swap3A_1854] {strides = array<i32>} : memref<1x64x256xf32, #tpu.memory_space<vmem>>, vector<1x1x16xf32>,
          %swap3A_1856 = vector.shape_cast %swap3A_1855 : vector<1x1x16xf32> to vector<16xf32>
          %swap3A_1857 = vector.shape_cast %add3A_1483 : vector<16xf32> to vector<1x1x16xf32>
          tpu.vector_store %swap3A_1851[%swap3A_1852, %swap3A_1853, %swap3A_1854], %swap3A_1857 {strides = array<i32>} : memref<1x64x256xf32, #tpu.memory_space<vmem>>, vector<1x1x16xf32>,
          %get3A_1858 = arith.constant 0 : i32
          %get3A_1859 = arith.constant 0 : i32
          %get3A_1860 = arith.constant 0 : i32
          %get3A_1861 = arith.constant 0 : i32
          %get3A_1862 = tpu.memref_slice %run_scoped3A[%rem3A_810, %get3A_1859, %get3A_1860, %get3A_1861] : memref<2x1x64x256xf32, #tpu.memory_space<vmem>> -> memref<1x1x64x256xf32, #tpu.memory_space<vmem>>
          %get3A_1863 = tpu.memref_squeeze %get3A_1862 : memref<1x1x64x256xf32, #tpu.memory_space<vmem>> -> memref<1x64x256xf32, #tpu.memory_space<vmem>>
          %get3A_1864 = arith.index_cast %get3A_1858 : i32 to index
          %get3A_1865 = arith.index_cast %scan3A_1821 : i32 to index
          %get3A_1866 = arith.constant 16 : index
          %get3A_1867 = tpu.vector_load %get3A_1863[%get3A_1864, %get3A_1865, %get3A_1866] {strides = array<i32>} : memref<1x64x256xf32, #tpu.memory_space<vmem>>, vector<1x1x16xf32>,
          %get3A_1868 = vector.shape_cast %get3A_1867 : vector<1x1x16xf32> to vector<16xf32>
          %add3A_1869 = arith.addf %add3A_1483, %get3A_1868 : vector<16xf32>
          %swap3A_1870 = arith.constant 0 : i32
          %swap3A_1871 = arith.constant 0 : i32
          %swap3A_1872 = arith.constant 0 : i32
          %swap3A_1873 = arith.constant 0 : i32
          %swap3A_1874 = tpu.memref_slice %run_scoped3A_102[%rem3A_812, %swap3A_1871, %swap3A_1872, %swap3A_1873] : memref<2x1x64x256xf32, #tpu.memory_space<vmem>> -> memref<1x1x64x256xf32, #tpu.memory_space<vmem>>
          %swap3A_1875 = tpu.memref_squeeze %swap3A_1874 : memref<1x1x64x256xf32, #tpu.memory_space<vmem>> -> memref<1x64x256xf32, #tpu.memory_space<vmem>>
          %swap3A_1876 = arith.index_cast %swap3A_1870 : i32 to index
          %swap3A_1877 = arith.index_cast %scan3A_1821 : i32 to index
          %swap3A_1878 = arith.constant 32 : index
          %swap3A_1879 = tpu.vector_load %swap3A_1875[%swap3A_1876, %swap3A_1877, %swap3A_1878] {strides = array<i32>} : memref<1x64x256xf32, #tpu.memory_space<vmem>>, vector<1x1x16xf32>,
          %swap3A_1880 = vector.shape_cast %swap3A_1879 : vector<1x1x16xf32> to vector<16xf32>
          %swap3A_1881 = vector.shape_cast %add3A_1507 : vector<16xf32> to vector<1x1x16xf32>
          tpu.vector_store %swap3A_1875[%swap3A_1876, %swap3A_1877, %swap3A_1878], %swap3A_1881 {strides = array<i32>} : memref<1x64x256xf32, #tpu.memory_space<vmem>>, vector<1x1x16xf32>,
          %get3A_1882 = arith.constant 0 : i32
          %get3A_1883 = arith.constant 0 : i32
          %get3A_1884 = arith.constant 0 : i32
          %get3A_1885 = arith.constant 0 : i32
          %get3A_1886 = tpu.memref_slice %run_scoped3A[%rem3A_810, %get3A_1883, %get3A_1884, %get3A_1885] : memref<2x1x64x256xf32, #tpu.memory_space<vmem>> -> memref<1x1x64x256xf32, #tpu.memory_space<vmem>>
          %get3A_1887 = tpu.memref_squeeze %get3A_1886 : memref<1x1x64x256xf32, #tpu.memory_space<vmem>> -> memref<1x64x256xf32, #tpu.memory_space<vmem>>
          %get3A_1888 = arith.index_cast %get3A_1882 : i32 to index
          %get3A_1889 = arith.index_cast %scan3A_1821 : i32 to index
          %get3A_1890 = arith.constant 32 : index
          %get3A_1891 = tpu.vector_load %get3A_1887[%get3A_1888, %get3A_1889, %get3A_1890] {strides = array<i32>} : memref<1x64x256xf32, #tpu.memory_space<vmem>>, vector<1x1x16xf32>,
          %get3A_1892 = vector.shape_cast %get3A_1891 : vector<1x1x16xf32> to vector<16xf32>
          %add3A_1893 = arith.addf %add3A_1507, %get3A_1892 : vector<16xf32>
          %swap3A_1894 = arith.constant 0 : i32
          %swap3A_1895 = arith.constant 0 : i32
          %swap3A_1896 = arith.constant 0 : i32
          %swap3A_1897 = arith.constant 0 : i32
          %swap3A_1898 = tpu.memref_slice %run_scoped3A_102[%rem3A_812, %swap3A_1895, %swap3A_1896, %swap3A_1897] : memref<2x1x64x256xf32, #tpu.memory_space<vmem>> -> memref<1x1x64x256xf32, #tpu.memory_space<vmem>>
          %swap3A_1899 = tpu.memref_squeeze %swap3A_1898 : memref<1x1x64x256xf32, #tpu.memory_space<vmem>> -> memref<1x64x256xf32, #tpu.memory_space<vmem>>
          %swap3A_1900 = arith.index_cast %swap3A_1894 : i32 to index
          %swap3A_1901 = arith.index_cast %scan3A_1821 : i32 to index
          %swap3A_1902 = arith.constant 48 : index
          %swap3A_1903 = tpu.vector_load %swap3A_1899[%swap3A_1900, %swap3A_1901, %swap3A_1902] {strides = array<i32>} : memref<1x64x256xf32, #tpu.memory_space<vmem>>, vector<1x1x16xf32>,
          %swap3A_1904 = vector.shape_cast %swap3A_1903 : vector<1x1x16xf32> to vector<16xf32>
          %swap3A_1905 = vector.shape_cast %add3A_1531 : vector<16xf32> to vector<1x1x16xf32>
          tpu.vector_store %swap3A_1899[%swap3A_1900, %swap3A_1901, %swap3A_1902], %swap3A_1905 {strides = array<i32>} : memref<1x64x256xf32, #tpu.memory_space<vmem>>, vector<1x1x16xf32>,
          %get3A_1906 = arith.constant 0 : i32
          %get3A_1907 = arith.constant 0 : i32
          %get3A_1908 = arith.constant 0 : i32
          %get3A_1909 = arith.constant 0 : i32
          %get3A_1910 = tpu.memref_slice %run_scoped3A[%rem3A_810, %get3A_1907, %get3A_1908, %get3A_1909] : memref<2x1x64x256xf32, #tpu.memory_space<vmem>> -> memref<1x1x64x256xf32, #tpu.memory_space<vmem>>
          %get3A_1911 = tpu.memref_squeeze %get3A_1910 : memref<1x1x64x256xf32, #tpu.memory_space<vmem>> -> memref<1x64x256xf32, #tpu.memory_space<vmem>>
          %get3A_1912 = arith.index_cast %get3A_1906 : i32 to index
          %get3A_1913 = arith.index_cast %scan3A_1821 : i32 to index
          %get3A_1914 = arith.constant 48 : index
          %get3A_1915 = tpu.vector_load %get3A_1911[%get3A_1912, %get3A_1913, %get3A_1914] {strides = array<i32>} : memref<1x64x256xf32, #tpu.memory_space<vmem>>, vector<1x1x16xf32>,
          %get3A_1916 = vector.shape_cast %get3A_1915 : vector<1x1x16xf32> to vector<16xf32>
          %add3A_1917 = arith.addf %add3A_1531, %get3A_1916 : vector<16xf32>
          %swap3A_1918 = arith.constant 0 : i32
          %swap3A_1919 = arith.constant 0 : i32
          %swap3A_1920 = arith.constant 0 : i32
          %swap3A_1921 = arith.constant 0 : i32
          %swap3A_1922 = tpu.memref_slice %run_scoped3A_102[%rem3A_812, %swap3A_1919, %swap3A_1920, %swap3A_1921] : memref<2x1x64x256xf32, #tpu.memory_space<vmem>> -> memref<1x1x64x256xf32, #tpu.memory_space<vmem>>
          %swap3A_1923 = tpu.memref_squeeze %swap3A_1922 : memref<1x1x64x256xf32, #tpu.memory_space<vmem>> -> memref<1x64x256xf32, #tpu.memory_space<vmem>>
          %swap3A_1924 = arith.index_cast %swap3A_1918 : i32 to index
          %swap3A_1925 = arith.index_cast %scan3A_1821 : i32 to index
          %swap3A_1926 = arith.constant 64 : index
          %swap3A_1927 = tpu.vector_load %swap3A_1923[%swap3A_1924, %swap3A_1925, %swap3A_1926] {strides = array<i32>} : memref<1x64x256xf32, #tpu.memory_space<vmem>>, vector<1x1x16xf32>,
          %swap3A_1928 = vector.shape_cast %swap3A_1927 : vector<1x1x16xf32> to vector<16xf32>
          %swap3A_1929 = vector.shape_cast %add3A_1555 : vector<16xf32> to vector<1x1x16xf32>
          tpu.vector_store %swap3A_1923[%swap3A_1924, %swap3A_1925, %swap3A_1926], %swap3A_1929 {strides = array<i32>} : memref<1x64x256xf32, #tpu.memory_space<vmem>>, vector<1x1x16xf32>,
          %get3A_1930 = arith.constant 0 : i32
          %get3A_1931 = arith.constant 0 : i32
          %get3A_1932 = arith.constant 0 : i32
          %get3A_1933 = arith.constant 0 : i32
          %get3A_1934 = tpu.memref_slice %run_scoped3A[%rem3A_810, %get3A_1931, %get3A_1932, %get3A_1933] : memref<2x1x64x256xf32, #tpu.memory_space<vmem>> -> memref<1x1x64x256xf32, #tpu.memory_space<vmem>>
          %get3A_1935 = tpu.memref_squeeze %get3A_1934 : memref<1x1x64x256xf32, #tpu.memory_space<vmem>> -> memref<1x64x256xf32, #tpu.memory_space<vmem>>
          %get3A_1936 = arith.index_cast %get3A_1930 : i32 to index
          %get3A_1937 = arith.index_cast %scan3A_1821 : i32 to index
          %get3A_1938 = arith.constant 64 : index
          %get3A_1939 = tpu.vector_load %get3A_1935[%get3A_1936, %get3A_1937, %get3A_1938] {strides = array<i32>} : memref<1x64x256xf32, #tpu.memory_space<vmem>>, vector<1x1x16xf32>,
          %get3A_1940 = vector.shape_cast %get3A_1939 : vector<1x1x16xf32> to vector<16xf32>
          %add3A_1941 = arith.addf %add3A_1555, %get3A_1940 : vector<16xf32>
          %swap3A_1942 = arith.constant 0 : i32
          %swap3A_1943 = arith.constant 0 : i32
          %swap3A_1944 = arith.constant 0 : i32
          %swap3A_1945 = arith.constant 0 : i32
          %swap3A_1946 = tpu.memref_slice %run_scoped3A_102[%rem3A_812, %swap3A_1943, %swap3A_1944, %swap3A_1945] : memref<2x1x64x256xf32, #tpu.memory_space<vmem>> -> memref<1x1x64x256xf32, #tpu.memory_space<vmem>>
          %swap3A_1947 = tpu.memref_squeeze %swap3A_1946 : memref<1x1x64x256xf32, #tpu.memory_space<vmem>> -> memref<1x64x256xf32, #tpu.memory_space<vmem>>
          %swap3A_1948 = arith.index_cast %swap3A_1942 : i32 to index
          %swap3A_1949 = arith.index_cast %scan3A_1821 : i32 to index
          %swap3A_1950 = arith.constant 80 : index
          %swap3A_1951 = tpu.vector_load %swap3A_1947[%swap3A_1948, %swap3A_1949, %swap3A_1950] {strides = array<i32>} : memref<1x64x256xf32, #tpu.memory_space<vmem>>, vector<1x1x16xf32>,
          %swap3A_1952 = vector.shape_cast %swap3A_1951 : vector<1x1x16xf32> to vector<16xf32>
          %swap3A_1953 = vector.shape_cast %add3A_1579 : vector<16xf32> to vector<1x1x16xf32>
          tpu.vector_store %swap3A_1947[%swap3A_1948, %swap3A_1949, %swap3A_1950], %swap3A_1953 {strides = array<i32>} : memref<1x64x256xf32, #tpu.memory_space<vmem>>, vector<1x1x16xf32>,
          %get3A_1954 = arith.constant 0 : i32
          %get3A_1955 = arith.constant 0 : i32
          %get3A_1956 = arith.constant 0 : i32
          %get3A_1957 = arith.constant 0 : i32
          %get3A_1958 = tpu.memref_slice %run_scoped3A[%rem3A_810, %get3A_1955, %get3A_1956, %get3A_1957] : memref<2x1x64x256xf32, #tpu.memory_space<vmem>> -> memref<1x1x64x256xf32, #tpu.memory_space<vmem>>
          %get3A_1959 = tpu.memref_squeeze %get3A_1958 : memref<1x1x64x256xf32, #tpu.memory_space<vmem>> -> memref<1x64x256xf32, #tpu.memory_space<vmem>>
          %get3A_1960 = arith.index_cast %get3A_1954 : i32 to index
          %get3A_1961 = arith.index_cast %scan3A_1821 : i32 to index
          %get3A_1962 = arith.constant 80 : index
          %get3A_1963 = tpu.vector_load %get3A_1959[%get3A_1960, %get3A_1961, %get3A_1962] {strides = array<i32>} : memref<1x64x256xf32, #tpu.memory_space<vmem>>, vector<1x1x16xf32>,
          %get3A_1964 = vector.shape_cast %get3A_1963 : vector<1x1x16xf32> to vector<16xf32>
          %add3A_1965 = arith.addf %add3A_1579, %get3A_1964 : vector<16xf32>
          %swap3A_1966 = arith.constant 0 : i32
          %swap3A_1967 = arith.constant 0 : i32
          %swap3A_1968 = arith.constant 0 : i32
          %swap3A_1969 = arith.constant 0 : i32
          %swap3A_1970 = tpu.memref_slice %run_scoped3A_102[%rem3A_812, %swap3A_1967, %swap3A_1968, %swap3A_1969] : memref<2x1x64x256xf32, #tpu.memory_space<vmem>> -> memref<1x1x64x256xf32, #tpu.memory_space<vmem>>
          %swap3A_1971 = tpu.memref_squeeze %swap3A_1970 : memref<1x1x64x256xf32, #tpu.memory_space<vmem>> -> memref<1x64x256xf32, #tpu.memory_space<vmem>>
          %swap3A_1972 = arith.index_cast %swap3A_1966 : i32 to index
          %swap3A_1973 = arith.index_cast %scan3A_1821 : i32 to index
          %swap3A_1974 = arith.constant 96 : index
          %swap3A_1975 = tpu.vector_load %swap3A_1971[%swap3A_1972, %swap3A_1973, %swap3A_1974] {strides = array<i32>} : memref<1x64x256xf32, #tpu.memory_space<vmem>>, vector<1x1x16xf32>,
          %swap3A_1976 = vector.shape_cast %swap3A_1975 : vector<1x1x16xf32> to vector<16xf32>
          %swap3A_1977 = vector.shape_cast %add3A_1603 : vector<16xf32> to vector<1x1x16xf32>
          tpu.vector_store %swap3A_1971[%swap3A_1972, %swap3A_1973, %swap3A_1974], %swap3A_1977 {strides = array<i32>} : memref<1x64x256xf32, #tpu.memory_space<vmem>>, vector<1x1x16xf32>,
          %get3A_1978 = arith.constant 0 : i32
          %get3A_1979 = arith.constant 0 : i32
          %get3A_1980 = arith.constant 0 : i32
          %get3A_1981 = arith.constant 0 : i32
          %get3A_1982 = tpu.memref_slice %run_scoped3A[%rem3A_810, %get3A_1979, %get3A_1980, %get3A_1981] : memref<2x1x64x256xf32, #tpu.memory_space<vmem>> -> memref<1x1x64x256xf32, #tpu.memory_space<vmem>>
          %get3A_1983 = tpu.memref_squeeze %get3A_1982 : memref<1x1x64x256xf32, #tpu.memory_space<vmem>> -> memref<1x64x256xf32, #tpu.memory_space<vmem>>
          %get3A_1984 = arith.index_cast %get3A_1978 : i32 to index
          %get3A_1985 = arith.index_cast %scan3A_1821 : i32 to index
          %get3A_1986 = arith.constant 96 : index
          %get3A_1987 = tpu.vector_load %get3A_1983[%get3A_1984, %get3A_1985, %get3A_1986] {strides = array<i32>} : memref<1x64x256xf32, #tpu.memory_space<vmem>>, vector<1x1x16xf32>,
          %get3A_1988 = vector.shape_cast %get3A_1987 : vector<1x1x16xf32> to vector<16xf32>
          %add3A_1989 = arith.addf %add3A_1603, %get3A_1988 : vector<16xf32>
          %swap3A_1990 = arith.constant 0 : i32
          %swap3A_1991 = arith.constant 0 : i32
          %swap3A_1992 = arith.constant 0 : i32
          %swap3A_1993 = arith.constant 0 : i32
          %swap3A_1994 = tpu.memref_slice %run_scoped3A_102[%rem3A_812, %swap3A_1991, %swap3A_1992, %swap3A_1993] : memref<2x1x64x256xf32, #tpu.memory_space<vmem>> -> memref<1x1x64x256xf32, #tpu.memory_space<vmem>>
          %swap3A_1995 = tpu.memref_squeeze %swap3A_1994 : memref<1x1x64x256xf32, #tpu.memory_space<vmem>> -> memref<1x64x256xf32, #tpu.memory_space<vmem>>
          %swap3A_1996 = arith.index_cast %swap3A_1990 : i32 to index
          %swap3A_1997 = arith.index_cast %scan3A_1821 : i32 to index
          %swap3A_1998 = arith.constant 112 : index
          %swap3A_1999 = tpu.vector_load %swap3A_1995[%swap3A_1996, %swap3A_1997, %swap3A_1998] {strides = array<i32>} : memref<1x64x256xf32, #tpu.memory_space<vmem>>, vector<1x1x16xf32>,
          %swap3A_2000 = vector.shape_cast %swap3A_1999 : vector<1x1x16xf32> to vector<16xf32>
          %swap3A_2001 = vector.shape_cast %add3A_1627 : vector<16xf32> to vector<1x1x16xf32>
          tpu.vector_store %swap3A_1995[%swap3A_1996, %swap3A_1997, %swap3A_1998], %swap3A_2001 {strides = array<i32>} : memref<1x64x256xf32, #tpu.memory_space<vmem>>, vector<1x1x16xf32>,
          %get3A_2002 = arith.constant 0 : i32
          %get3A_2003 = arith.constant 0 : i32
          %get3A_2004 = arith.constant 0 : i32
          %get3A_2005 = arith.constant 0 : i32
          %get3A_2006 = tpu.memref_slice %run_scoped3A[%rem3A_810, %get3A_2003, %get3A_2004, %get3A_2005] : memref<2x1x64x256xf32, #tpu.memory_space<vmem>> -> memref<1x1x64x256xf32, #tpu.memory_space<vmem>>
          %get3A_2007 = tpu.memref_squeeze %get3A_2006 : memref<1x1x64x256xf32, #tpu.memory_space<vmem>> -> memref<1x64x256xf32, #tpu.memory_space<vmem>>
          %get3A_2008 = arith.index_cast %get3A_2002 : i32 to index
          %get3A_2009 = arith.index_cast %scan3A_1821 : i32 to index
          %get3A_2010 = arith.constant 112 : index
          %get3A_2011 = tpu.vector_load %get3A_2007[%get3A_2008, %get3A_2009, %get3A_2010] {strides = array<i32>} : memref<1x64x256xf32, #tpu.memory_space<vmem>>, vector<1x1x16xf32>,
          %get3A_2012 = vector.shape_cast %get3A_2011 : vector<1x1x16xf32> to vector<16xf32>
          %add3A_2013 = arith.addf %add3A_1627, %get3A_2012 : vector<16xf32>
          %swap3A_2014 = arith.constant 0 : i32
          %swap3A_2015 = arith.constant 0 : i32
          %swap3A_2016 = arith.constant 0 : i32
          %swap3A_2017 = arith.constant 0 : i32
          %swap3A_2018 = tpu.memref_slice %run_scoped3A_102[%rem3A_812, %swap3A_2015, %swap3A_2016, %swap3A_2017] : memref<2x1x64x256xf32, #tpu.memory_space<vmem>> -> memref<1x1x64x256xf32, #tpu.memory_space<vmem>>
          %swap3A_2019 = tpu.memref_squeeze %swap3A_2018 : memref<1x1x64x256xf32, #tpu.memory_space<vmem>> -> memref<1x64x256xf32, #tpu.memory_space<vmem>>
          %swap3A_2020 = arith.index_cast %swap3A_2014 : i32 to index
          %swap3A_2021 = arith.index_cast %scan3A_1821 : i32 to index
          %swap3A_2022 = arith.constant 128 : index
          %swap3A_2023 = tpu.vector_load %swap3A_2019[%swap3A_2020, %swap3A_2021, %swap3A_2022] {strides = array<i32>} : memref<1x64x256xf32, #tpu.memory_space<vmem>>, vector<1x1x16xf32>,
          %swap3A_2024 = vector.shape_cast %swap3A_2023 : vector<1x1x16xf32> to vector<16xf32>
          %swap3A_2025 = vector.shape_cast %add3A_1651 : vector<16xf32> to vector<1x1x16xf32>
          tpu.vector_store %swap3A_2019[%swap3A_2020, %swap3A_2021, %swap3A_2022], %swap3A_2025 {strides = array<i32>} : memref<1x64x256xf32, #tpu.memory_space<vmem>>, vector<1x1x16xf32>,
          %get3A_2026 = arith.constant 0 : i32
          %get3A_2027 = arith.constant 0 : i32
          %get3A_2028 = arith.constant 0 : i32
          %get3A_2029 = arith.constant 0 : i32
          %get3A_2030 = tpu.memref_slice %run_scoped3A[%rem3A_810, %get3A_2027, %get3A_2028, %get3A_2029] : memref<2x1x64x256xf32, #tpu.memory_space<vmem>> -> memref<1x1x64x256xf32, #tpu.memory_space<vmem>>
          %get3A_2031 = tpu.memref_squeeze %get3A_2030 : memref<1x1x64x256xf32, #tpu.memory_space<vmem>> -> memref<1x64x256xf32, #tpu.memory_space<vmem>>
          %get3A_2032 = arith.index_cast %get3A_2026 : i32 to index
          %get3A_2033 = arith.index_cast %scan3A_1821 : i32 to index
          %get3A_2034 = arith.constant 128 : index
          %get3A_2035 = tpu.vector_load %get3A_2031[%get3A_2032, %get3A_2033, %get3A_2034] {strides = array<i32>} : memref<1x64x256xf32, #tpu.memory_space<vmem>>, vector<1x1x16xf32>,
          %get3A_2036 = vector.shape_cast %get3A_2035 : vector<1x1x16xf32> to vector<16xf32>
          %add3A_2037 = arith.addf %add3A_1651, %get3A_2036 : vector<16xf32>
          %swap3A_2038 = arith.constant 0 : i32
          %swap3A_2039 = arith.constant 0 : i32
          %swap3A_2040 = arith.constant 0 : i32
          %swap3A_2041 = arith.constant 0 : i32
          %swap3A_2042 = tpu.memref_slice %run_scoped3A_102[%rem3A_812, %swap3A_2039, %swap3A_2040, %swap3A_2041] : memref<2x1x64x256xf32, #tpu.memory_space<vmem>> -> memref<1x1x64x256xf32, #tpu.memory_space<vmem>>
          %swap3A_2043 = tpu.memref_squeeze %swap3A_2042 : memref<1x1x64x256xf32, #tpu.memory_space<vmem>> -> memref<1x64x256xf32, #tpu.memory_space<vmem>>
          %swap3A_2044 = arith.index_cast %swap3A_2038 : i32 to index
          %swap3A_2045 = arith.index_cast %scan3A_1821 : i32 to index
          %swap3A_2046 = arith.constant 144 : index
          %swap3A_2047 = tpu.vector_load %swap3A_2043[%swap3A_2044, %swap3A_2045, %swap3A_2046] {strides = array<i32>} : memref<1x64x256xf32, #tpu.memory_space<vmem>>, vector<1x1x16xf32>,
          %swap3A_2048 = vector.shape_cast %swap3A_2047 : vector<1x1x16xf32> to vector<16xf32>
          %swap3A_2049 = vector.shape_cast %add3A_1675 : vector<16xf32> to vector<1x1x16xf32>
          tpu.vector_store %swap3A_2043[%swap3A_2044, %swap3A_2045, %swap3A_2046], %swap3A_2049 {strides = array<i32>} : memref<1x64x256xf32, #tpu.memory_space<vmem>>, vector<1x1x16xf32>,
          %get3A_2050 = arith.constant 0 : i32
          %get3A_2051 = arith.constant 0 : i32
          %get3A_2052 = arith.constant 0 : i32
          %get3A_2053 = arith.constant 0 : i32
          %get3A_2054 = tpu.memref_slice %run_scoped3A[%rem3A_810, %get3A_2051, %get3A_2052, %get3A_2053] : memref<2x1x64x256xf32, #tpu.memory_space<vmem>> -> memref<1x1x64x256xf32, #tpu.memory_space<vmem>>
          %get3A_2055 = tpu.memref_squeeze %get3A_2054 : memref<1x1x64x256xf32, #tpu.memory_space<vmem>> -> memref<1x64x256xf32, #tpu.memory_space<vmem>>
          %get3A_2056 = arith.index_cast %get3A_2050 : i32 to index
          %get3A_2057 = arith.index_cast %scan3A_1821 : i32 to index
          %get3A_2058 = arith.constant 144 : index
          %get3A_2059 = tpu.vector_load %get3A_2055[%get3A_2056, %get3A_2057, %get3A_2058] {strides = array<i32>} : memref<1x64x256xf32, #tpu.memory_space<vmem>>, vector<1x1x16xf32>,
          %get3A_2060 = vector.shape_cast %get3A_2059 : vector<1x1x16xf32> to vector<16xf32>
          %add3A_2061 = arith.addf %add3A_1675, %get3A_2060 : vector<16xf32>
          %swap3A_2062 = arith.constant 0 : i32
          %swap3A_2063 = arith.constant 0 : i32
          %swap3A_2064 = arith.constant 0 : i32
          %swap3A_2065 = arith.constant 0 : i32
          %swap3A_2066 = tpu.memref_slice %run_scoped3A_102[%rem3A_812, %swap3A_2063, %swap3A_2064, %swap3A_2065] : memref<2x1x64x256xf32, #tpu.memory_space<vmem>> -> memref<1x1x64x256xf32, #tpu.memory_space<vmem>>
          %swap3A_2067 = tpu.memref_squeeze %swap3A_2066 : memref<1x1x64x256xf32, #tpu.memory_space<vmem>> -> memref<1x64x256xf32, #tpu.memory_space<vmem>>
          %swap3A_2068 = arith.index_cast %swap3A_2062 : i32 to index
          %swap3A_2069 = arith.index_cast %scan3A_1821 : i32 to index
          %swap3A_2070 = arith.constant 160 : index
          %swap3A_2071 = tpu.vector_load %swap3A_2067[%swap3A_2068, %swap3A_2069, %swap3A_2070] {strides = array<i32>} : memref<1x64x256xf32, #tpu.memory_space<vmem>>, vector<1x1x16xf32>,
          %swap3A_2072 = vector.shape_cast %swap3A_2071 : vector<1x1x16xf32> to vector<16xf32>
          %swap3A_2073 = vector.shape_cast %add3A_1699 : vector<16xf32> to vector<1x1x16xf32>
          tpu.vector_store %swap3A_2067[%swap3A_2068, %swap3A_2069, %swap3A_2070], %swap3A_2073 {strides = array<i32>} : memref<1x64x256xf32, #tpu.memory_space<vmem>>, vector<1x1x16xf32>,
          %get3A_2074 = arith.constant 0 : i32
          %get3A_2075 = arith.constant 0 : i32
          %get3A_2076 = arith.constant 0 : i32
          %get3A_2077 = arith.constant 0 : i32
          %get3A_2078 = tpu.memref_slice %run_scoped3A[%rem3A_810, %get3A_2075, %get3A_2076, %get3A_2077] : memref<2x1x64x256xf32, #tpu.memory_space<vmem>> -> memref<1x1x64x256xf32, #tpu.memory_space<vmem>>
          %get3A_2079 = tpu.memref_squeeze %get3A_2078 : memref<1x1x64x256xf32, #tpu.memory_space<vmem>> -> memref<1x64x256xf32, #tpu.memory_space<vmem>>
          %get3A_2080 = arith.index_cast %get3A_2074 : i32 to index
          %get3A_2081 = arith.index_cast %scan3A_1821 : i32 to index
          %get3A_2082 = arith.constant 160 : index
          %get3A_2083 = tpu.vector_load %get3A_2079[%get3A_2080, %get3A_2081, %get3A_2082] {strides = array<i32>} : memref<1x64x256xf32, #tpu.memory_space<vmem>>, vector<1x1x16xf32>,
          %get3A_2084 = vector.shape_cast %get3A_2083 : vector<1x1x16xf32> to vector<16xf32>
          %add3A_2085 = arith.addf %add3A_1699, %get3A_2084 : vector<16xf32>
          %swap3A_2086 = arith.constant 0 : i32
          %swap3A_2087 = arith.constant 0 : i32
          %swap3A_2088 = arith.constant 0 : i32
          %swap3A_2089 = arith.constant 0 : i32
          %swap3A_2090 = tpu.memref_slice %run_scoped3A_102[%rem3A_812, %swap3A_2087, %swap3A_2088, %swap3A_2089] : memref<2x1x64x256xf32, #tpu.memory_space<vmem>> -> memref<1x1x64x256xf32, #tpu.memory_space<vmem>>
          %swap3A_2091 = tpu.memref_squeeze %swap3A_2090 : memref<1x1x64x256xf32, #tpu.memory_space<vmem>> -> memref<1x64x256xf32, #tpu.memory_space<vmem>>
          %swap3A_2092 = arith.index_cast %swap3A_2086 : i32 to index
          %swap3A_2093 = arith.index_cast %scan3A_1821 : i32 to index
          %swap3A_2094 = arith.constant 176 : index
          %swap3A_2095 = tpu.vector_load %swap3A_2091[%swap3A_2092, %swap3A_2093, %swap3A_2094] {strides = array<i32>} : memref<1x64x256xf32, #tpu.memory_space<vmem>>, vector<1x1x16xf32>,
          %swap3A_2096 = vector.shape_cast %swap3A_2095 : vector<1x1x16xf32> to vector<16xf32>
          %swap3A_2097 = vector.shape_cast %add3A_1723 : vector<16xf32> to vector<1x1x16xf32>
          tpu.vector_store %swap3A_2091[%swap3A_2092, %swap3A_2093, %swap3A_2094], %swap3A_2097 {strides = array<i32>} : memref<1x64x256xf32, #tpu.memory_space<vmem>>, vector<1x1x16xf32>,
          %get3A_2098 = arith.constant 0 : i32
          %get3A_2099 = arith.constant 0 : i32
          %get3A_2100 = arith.constant 0 : i32
          %get3A_2101 = arith.constant 0 : i32
          %get3A_2102 = tpu.memref_slice %run_scoped3A[%rem3A_810, %get3A_2099, %get3A_2100, %get3A_2101] : memref<2x1x64x256xf32, #tpu.memory_space<vmem>> -> memref<1x1x64x256xf32, #tpu.memory_space<vmem>>
          %get3A_2103 = tpu.memref_squeeze %get3A_2102 : memref<1x1x64x256xf32, #tpu.memory_space<vmem>> -> memref<1x64x256xf32, #tpu.memory_space<vmem>>
          %get3A_2104 = arith.index_cast %get3A_2098 : i32 to index
          %get3A_2105 = arith.index_cast %scan3A_1821 : i32 to index
          %get3A_2106 = arith.constant 176 : index
          %get3A_2107 = tpu.vector_load %get3A_2103[%get3A_2104, %get3A_2105, %get3A_2106] {strides = array<i32>} : memref<1x64x256xf32, #tpu.memory_space<vmem>>, vector<1x1x16xf32>,
          %get3A_2108 = vector.shape_cast %get3A_2107 : vector<1x1x16xf32> to vector<16xf32>
          %add3A_2109 = arith.addf %add3A_1723, %get3A_2108 : vector<16xf32>
          %swap3A_2110 = arith.constant 0 : i32
          %swap3A_2111 = arith.constant 0 : i32
          %swap3A_2112 = arith.constant 0 : i32
          %swap3A_2113 = arith.constant 0 : i32
          %swap3A_2114 = tpu.memref_slice %run_scoped3A_102[%rem3A_812, %swap3A_2111, %swap3A_2112, %swap3A_2113] : memref<2x1x64x256xf32, #tpu.memory_space<vmem>> -> memref<1x1x64x256xf32, #tpu.memory_space<vmem>>
          %swap3A_2115 = tpu.memref_squeeze %swap3A_2114 : memref<1x1x64x256xf32, #tpu.memory_space<vmem>> -> memref<1x64x256xf32, #tpu.memory_space<vmem>>
          %swap3A_2116 = arith.index_cast %swap3A_2110 : i32 to index
          %swap3A_2117 = arith.index_cast %scan3A_1821 : i32 to index
          %swap3A_2118 = arith.constant 192 : index
          %swap3A_2119 = tpu.vector_load %swap3A_2115[%swap3A_2116, %swap3A_2117, %swap3A_2118] {strides = array<i32>} : memref<1x64x256xf32, #tpu.memory_space<vmem>>, vector<1x1x16xf32>,
          %swap3A_2120 = vector.shape_cast %swap3A_2119 : vector<1x1x16xf32> to vector<16xf32>
          %swap3A_2121 = vector.shape_cast %add3A_1747 : vector<16xf32> to vector<1x1x16xf32>
          tpu.vector_store %swap3A_2115[%swap3A_2116, %swap3A_2117, %swap3A_2118], %swap3A_2121 {strides = array<i32>} : memref<1x64x256xf32, #tpu.memory_space<vmem>>, vector<1x1x16xf32>,
          %get3A_2122 = arith.constant 0 : i32
          %get3A_2123 = arith.constant 0 : i32
          %get3A_2124 = arith.constant 0 : i32
          %get3A_2125 = arith.constant 0 : i32
          %get3A_2126 = tpu.memref_slice %run_scoped3A[%rem3A_810, %get3A_2123, %get3A_2124, %get3A_2125] : memref<2x1x64x256xf32, #tpu.memory_space<vmem>> -> memref<1x1x64x256xf32, #tpu.memory_space<vmem>>
          %get3A_2127 = tpu.memref_squeeze %get3A_2126 : memref<1x1x64x256xf32, #tpu.memory_space<vmem>> -> memref<1x64x256xf32, #tpu.memory_space<vmem>>
          %get3A_2128 = arith.index_cast %get3A_2122 : i32 to index
          %get3A_2129 = arith.index_cast %scan3A_1821 : i32 to index
          %get3A_2130 = arith.constant 192 : index
          %get3A_2131 = tpu.vector_load %get3A_2127[%get3A_2128, %get3A_2129, %get3A_2130] {strides = array<i32>} : memref<1x64x256xf32, #tpu.memory_space<vmem>>, vector<1x1x16xf32>,
          %get3A_2132 = vector.shape_cast %get3A_2131 : vector<1x1x16xf32> to vector<16xf32>
          %add3A_2133 = arith.addf %add3A_1747, %get3A_2132 : vector<16xf32>
          %swap3A_2134 = arith.constant 0 : i32
          %swap3A_2135 = arith.constant 0 : i32
          %swap3A_2136 = arith.constant 0 : i32
          %swap3A_2137 = arith.constant 0 : i32
          %swap3A_2138 = tpu.memref_slice %run_scoped3A_102[%rem3A_812, %swap3A_2135, %swap3A_2136, %swap3A_2137] : memref<2x1x64x256xf32, #tpu.memory_space<vmem>> -> memref<1x1x64x256xf32, #tpu.memory_space<vmem>>
          %swap3A_2139 = tpu.memref_squeeze %swap3A_2138 : memref<1x1x64x256xf32, #tpu.memory_space<vmem>> -> memref<1x64x256xf32, #tpu.memory_space<vmem>>
          %swap3A_2140 = arith.index_cast %swap3A_2134 : i32 to index
          %swap3A_2141 = arith.index_cast %scan3A_1821 : i32 to index
          %swap3A_2142 = arith.constant 208 : index
          %swap3A_2143 = tpu.vector_load %swap3A_2139[%swap3A_2140, %swap3A_2141, %swap3A_2142] {strides = array<i32>} : memref<1x64x256xf32, #tpu.memory_space<vmem>>, vector<1x1x16xf32>,
          %swap3A_2144 = vector.shape_cast %swap3A_2143 : vector<1x1x16xf32> to vector<16xf32>
          %swap3A_2145 = vector.shape_cast %add3A_1771 : vector<16xf32> to vector<1x1x16xf32>
          tpu.vector_store %swap3A_2139[%swap3A_2140, %swap3A_2141, %swap3A_2142], %swap3A_2145 {strides = array<i32>} : memref<1x64x256xf32, #tpu.memory_space<vmem>>, vector<1x1x16xf32>,
          %get3A_2146 = arith.constant 0 : i32
          %get3A_2147 = arith.constant 0 : i32
          %get3A_2148 = arith.constant 0 : i32
          %get3A_2149 = arith.constant 0 : i32
          %get3A_2150 = tpu.memref_slice %run_scoped3A[%rem3A_810, %get3A_2147, %get3A_2148, %get3A_2149] : memref<2x1x64x256xf32, #tpu.memory_space<vmem>> -> memref<1x1x64x256xf32, #tpu.memory_space<vmem>>
          %get3A_2151 = tpu.memref_squeeze %get3A_2150 : memref<1x1x64x256xf32, #tpu.memory_space<vmem>> -> memref<1x64x256xf32, #tpu.memory_space<vmem>>
          %get3A_2152 = arith.index_cast %get3A_2146 : i32 to index
          %get3A_2153 = arith.index_cast %scan3A_1821 : i32 to index
          %get3A_2154 = arith.constant 208 : index
          %get3A_2155 = tpu.vector_load %get3A_2151[%get3A_2152, %get3A_2153, %get3A_2154] {strides = array<i32>} : memref<1x64x256xf32, #tpu.memory_space<vmem>>, vector<1x1x16xf32>,
          %get3A_2156 = vector.shape_cast %get3A_2155 : vector<1x1x16xf32> to vector<16xf32>
          %add3A_2157 = arith.addf %add3A_1771, %get3A_2156 : vector<16xf32>
          %swap3A_2158 = arith.constant 0 : i32
          %swap3A_2159 = arith.constant 0 : i32
          %swap3A_2160 = arith.constant 0 : i32
          %swap3A_2161 = arith.constant 0 : i32
          %swap3A_2162 = tpu.memref_slice %run_scoped3A_102[%rem3A_812, %swap3A_2159, %swap3A_2160, %swap3A_2161] : memref<2x1x64x256xf32, #tpu.memory_space<vmem>> -> memref<1x1x64x256xf32, #tpu.memory_space<vmem>>
          %swap3A_2163 = tpu.memref_squeeze %swap3A_2162 : memref<1x1x64x256xf32, #tpu.memory_space<vmem>> -> memref<1x64x256xf32, #tpu.memory_space<vmem>>
          %swap3A_2164 = arith.index_cast %swap3A_2158 : i32 to index
          %swap3A_2165 = arith.index_cast %scan3A_1821 : i32 to index
          %swap3A_2166 = arith.constant 224 : index
          %swap3A_2167 = tpu.vector_load %swap3A_2163[%swap3A_2164, %swap3A_2165, %swap3A_2166] {strides = array<i32>} : memref<1x64x256xf32, #tpu.memory_space<vmem>>, vector<1x1x16xf32>,
          %swap3A_2168 = vector.shape_cast %swap3A_2167 : vector<1x1x16xf32> to vector<16xf32>
          %swap3A_2169 = vector.shape_cast %add3A_1795 : vector<16xf32> to vector<1x1x16xf32>
          tpu.vector_store %swap3A_2163[%swap3A_2164, %swap3A_2165, %swap3A_2166], %swap3A_2169 {strides = array<i32>} : memref<1x64x256xf32, #tpu.memory_space<vmem>>, vector<1x1x16xf32>,
          %get3A_2170 = arith.constant 0 : i32
          %get3A_2171 = arith.constant 0 : i32
          %get3A_2172 = arith.constant 0 : i32
          %get3A_2173 = arith.constant 0 : i32
          %get3A_2174 = tpu.memref_slice %run_scoped3A[%rem3A_810, %get3A_2171, %get3A_2172, %get3A_2173] : memref<2x1x64x256xf32, #tpu.memory_space<vmem>> -> memref<1x1x64x256xf32, #tpu.memory_space<vmem>>
          %get3A_2175 = tpu.memref_squeeze %get3A_2174 : memref<1x1x64x256xf32, #tpu.memory_space<vmem>> -> memref<1x64x256xf32, #tpu.memory_space<vmem>>
          %get3A_2176 = arith.index_cast %get3A_2170 : i32 to index
          %get3A_2177 = arith.index_cast %scan3A_1821 : i32 to index
          %get3A_2178 = arith.constant 224 : index
          %get3A_2179 = tpu.vector_load %get3A_2175[%get3A_2176, %get3A_2177, %get3A_2178] {strides = array<i32>} : memref<1x64x256xf32, #tpu.memory_space<vmem>>, vector<1x1x16xf32>,
          %get3A_2180 = vector.shape_cast %get3A_2179 : vector<1x1x16xf32> to vector<16xf32>
          %add3A_2181 = arith.addf %add3A_1795, %get3A_2180 : vector<16xf32>
          %swap3A_2182 = arith.constant 0 : i32
          %swap3A_2183 = arith.constant 0 : i32
          %swap3A_2184 = arith.constant 0 : i32
          %swap3A_2185 = arith.constant 0 : i32
          %swap3A_2186 = tpu.memref_slice %run_scoped3A_102[%rem3A_812, %swap3A_2183, %swap3A_2184, %swap3A_2185] : memref<2x1x64x256xf32, #tpu.memory_space<vmem>> -> memref<1x1x64x256xf32, #tpu.memory_space<vmem>>
          %swap3A_2187 = tpu.memref_squeeze %swap3A_2186 : memref<1x1x64x256xf32, #tpu.memory_space<vmem>> -> memref<1x64x256xf32, #tpu.memory_space<vmem>>
          %swap3A_2188 = arith.index_cast %swap3A_2182 : i32 to index
          %swap3A_2189 = arith.index_cast %scan3A_1821 : i32 to index
          %swap3A_2190 = arith.constant 240 : index
          %swap3A_2191 = tpu.vector_load %swap3A_2187[%swap3A_2188, %swap3A_2189, %swap3A_2190] {strides = array<i32>} : memref<1x64x256xf32, #tpu.memory_space<vmem>>, vector<1x1x16xf32>,
          %swap3A_2192 = vector.shape_cast %swap3A_2191 : vector<1x1x16xf32> to vector<16xf32>
          %swap3A_2193 = vector.shape_cast %add3A_1819 : vector<16xf32> to vector<1x1x16xf32>
          tpu.vector_store %swap3A_2187[%swap3A_2188, %swap3A_2189, %swap3A_2190], %swap3A_2193 {strides = array<i32>} : memref<1x64x256xf32, #tpu.memory_space<vmem>>, vector<1x1x16xf32>,
          %get3A_2194 = arith.constant 0 : i32
          %get3A_2195 = arith.constant 0 : i32
          %get3A_2196 = arith.constant 0 : i32
          %get3A_2197 = arith.constant 0 : i32
          %get3A_2198 = tpu.memref_slice %run_scoped3A[%rem3A_810, %get3A_2195, %get3A_2196, %get3A_2197] : memref<2x1x64x256xf32, #tpu.memory_space<vmem>> -> memref<1x1x64x256xf32, #tpu.memory_space<vmem>>
          %get3A_2199 = tpu.memref_squeeze %get3A_2198 : memref<1x1x64x256xf32, #tpu.memory_space<vmem>> -> memref<1x64x256xf32, #tpu.memory_space<vmem>>
          %get3A_2200 = arith.index_cast %get3A_2194 : i32 to index
          %get3A_2201 = arith.index_cast %scan3A_1821 : i32 to index
          %get3A_2202 = arith.constant 240 : index
          %get3A_2203 = tpu.vector_load %get3A_2199[%get3A_2200, %get3A_2201, %get3A_2202] {strides = array<i32>} : memref<1x64x256xf32, #tpu.memory_space<vmem>>, vector<1x1x16xf32>,
          %get3A_2204 = vector.shape_cast %get3A_2203 : vector<1x1x16xf32> to vector<16xf32>
          %add3A_2205 = arith.addf %add3A_1819, %get3A_2204 : vector<16xf32>
          %scan3A_2206 = arith.constant 2 : i32
          %scan3A_2207 = arith.addi %scan3A_1419, %scan3A_2206 : i32
          %swap3A_2208 = arith.constant 0 : i32
          %swap3A_2209 = arith.constant 0 : i32
          %swap3A_2210 = arith.constant 0 : i32
          %swap3A_2211 = arith.constant 0 : i32
          %swap3A_2212 = tpu.memref_slice %run_scoped3A_102[%rem3A_812, %swap3A_2209, %swap3A_2210, %swap3A_2211] : memref<2x1x64x256xf32, #tpu.memory_space<vmem>> -> memref<1x1x64x256xf32, #tpu.memory_space<vmem>>
          %swap3A_2213 = tpu.memref_squeeze %swap3A_2212 : memref<1x1x64x256xf32, #tpu.memory_space<vmem>> -> memref<1x64x256xf32, #tpu.memory_space<vmem>>
          %swap3A_2214 = arith.index_cast %swap3A_2208 : i32 to index
          %swap3A_2215 = arith.index_cast %scan3A_2207 : i32 to index
          %swap3A_2216 = arith.constant 0 : index
          %swap3A_2217 = tpu.vector_load %swap3A_2213[%swap3A_2214, %swap3A_2215, %swap3A_2216] {strides = array<i32>} : memref<1x64x256xf32, #tpu.memory_space<vmem>>, vector<1x1x16xf32>,
          %swap3A_2218 = vector.shape_cast %swap3A_2217 : vector<1x1x16xf32> to vector<16xf32>
          %swap3A_2219 = vector.shape_cast %add3A_1845 : vector<16xf32> to vector<1x1x16xf32>
          tpu.vector_store %swap3A_2213[%swap3A_2214, %swap3A_2215, %swap3A_2216], %swap3A_2219 {strides = array<i32>} : memref<1x64x256xf32, #tpu.memory_space<vmem>>, vector<1x1x16xf32>,
          %get3A_2220 = arith.constant 0 : i32
          %get3A_2221 = arith.constant 0 : i32
          %get3A_2222 = arith.constant 0 : i32
          %get3A_2223 = arith.constant 0 : i32
          %get3A_2224 = tpu.memref_slice %run_scoped3A[%rem3A_810, %get3A_2221, %get3A_2222, %get3A_2223] : memref<2x1x64x256xf32, #tpu.memory_space<vmem>> -> memref<1x1x64x256xf32, #tpu.memory_space<vmem>>
          %get3A_2225 = tpu.memref_squeeze %get3A_2224 : memref<1x1x64x256xf32, #tpu.memory_space<vmem>> -> memref<1x64x256xf32, #tpu.memory_space<vmem>>
          %get3A_2226 = arith.index_cast %get3A_2220 : i32 to index
          %get3A_2227 = arith.index_cast %scan3A_2207 : i32 to index
          %get3A_2228 = arith.constant 0 : index
          %get3A_2229 = tpu.vector_load %get3A_2225[%get3A_2226, %get3A_2227, %get3A_2228] {strides = array<i32>} : memref<1x64x256xf32, #tpu.memory_space<vmem>>, vector<1x1x16xf32>,
          %get3A_2230 = vector.shape_cast %get3A_2229 : vector<1x1x16xf32> to vector<16xf32>
          %add3A_2231 = arith.addf %add3A_1845, %get3A_2230 : vector<16xf32>
          %swap3A_2232 = arith.constant 0 : i32
          %swap3A_2233 = arith.constant 0 : i32
          %swap3A_2234 = arith.constant 0 : i32
          %swap3A_2235 = arith.constant 0 : i32
          %swap3A_2236 = tpu.memref_slice %run_scoped3A_102[%rem3A_812, %swap3A_2233, %swap3A_2234, %swap3A_2235] : memref<2x1x64x256xf32, #tpu.memory_space<vmem>> -> memref<1x1x64x256xf32, #tpu.memory_space<vmem>>
          %swap3A_2237 = tpu.memref_squeeze %swap3A_2236 : memref<1x1x64x256xf32, #tpu.memory_space<vmem>> -> memref<1x64x256xf32, #tpu.memory_space<vmem>>
          %swap3A_2238 = arith.index_cast %swap3A_2232 : i32 to index
          %swap3A_2239 = arith.index_cast %scan3A_2207 : i32 to index
          %swap3A_2240 = arith.constant 16 : index
          %swap3A_2241 = tpu.vector_load %swap3A_2237[%swap3A_2238, %swap3A_2239, %swap3A_2240] {strides = array<i32>} : memref<1x64x256xf32, #tpu.memory_space<vmem>>, vector<1x1x16xf32>,
          %swap3A_2242 = vector.shape_cast %swap3A_2241 : vector<1x1x16xf32> to vector<16xf32>
          %swap3A_2243 = vector.shape_cast %add3A_1869 : vector<16xf32> to vector<1x1x16xf32>
          tpu.vector_store %swap3A_2237[%swap3A_2238, %swap3A_2239, %swap3A_2240], %swap3A_2243 {strides = array<i32>} : memref<1x64x256xf32, #tpu.memory_space<vmem>>, vector<1x1x16xf32>,
          %get3A_2244 = arith.constant 0 : i32
          %get3A_2245 = arith.constant 0 : i32
          %get3A_2246 = arith.constant 0 : i32
          %get3A_2247 = arith.constant 0 : i32
          %get3A_2248 = tpu.memref_slice %run_scoped3A[%rem3A_810, %get3A_2245, %get3A_2246, %get3A_2247] : memref<2x1x64x256xf32, #tpu.memory_space<vmem>> -> memref<1x1x64x256xf32, #tpu.memory_space<vmem>>
          %get3A_2249 = tpu.memref_squeeze %get3A_2248 : memref<1x1x64x256xf32, #tpu.memory_space<vmem>> -> memref<1x64x256xf32, #tpu.memory_space<vmem>>
          %get3A_2250 = arith.index_cast %get3A_2244 : i32 to index
          %get3A_2251 = arith.index_cast %scan3A_2207 : i32 to index
          %get3A_2252 = arith.constant 16 : index
          %get3A_2253 = tpu.vector_load %get3A_2249[%get3A_2250, %get3A_2251, %get3A_2252] {strides = array<i32>} : memref<1x64x256xf32, #tpu.memory_space<vmem>>, vector<1x1x16xf32>,
          %get3A_2254 = vector.shape_cast %get3A_2253 : vector<1x1x16xf32> to vector<16xf32>
          %add3A_2255 = arith.addf %add3A_1869, %get3A_2254 : vector<16xf32>
          %swap3A_2256 = arith.constant 0 : i32
          %swap3A_2257 = arith.constant 0 : i32
          %swap3A_2258 = arith.constant 0 : i32
          %swap3A_2259 = arith.constant 0 : i32
          %swap3A_2260 = tpu.memref_slice %run_scoped3A_102[%rem3A_812, %swap3A_2257, %swap3A_2258, %swap3A_2259] : memref<2x1x64x256xf32, #tpu.memory_space<vmem>> -> memref<1x1x64x256xf32, #tpu.memory_space<vmem>>
          %swap3A_2261 = tpu.memref_squeeze %swap3A_2260 : memref<1x1x64x256xf32, #tpu.memory_space<vmem>> -> memref<1x64x256xf32, #tpu.memory_space<vmem>>
          %swap3A_2262 = arith.index_cast %swap3A_2256 : i32 to index
          %swap3A_2263 = arith.index_cast %scan3A_2207 : i32 to index
          %swap3A_2264 = arith.constant 32 : index
          %swap3A_2265 = tpu.vector_load %swap3A_2261[%swap3A_2262, %swap3A_2263, %swap3A_2264] {strides = array<i32>} : memref<1x64x256xf32, #tpu.memory_space<vmem>>, vector<1x1x16xf32>,
          %swap3A_2266 = vector.shape_cast %swap3A_2265 : vector<1x1x16xf32> to vector<16xf32>
          %swap3A_2267 = vector.shape_cast %add3A_1893 : vector<16xf32> to vector<1x1x16xf32>
          tpu.vector_store %swap3A_2261[%swap3A_2262, %swap3A_2263, %swap3A_2264], %swap3A_2267 {strides = array<i32>} : memref<1x64x256xf32, #tpu.memory_space<vmem>>, vector<1x1x16xf32>,
          %get3A_2268 = arith.constant 0 : i32
          %get3A_2269 = arith.constant 0 : i32
          %get3A_2270 = arith.constant 0 : i32
          %get3A_2271 = arith.constant 0 : i32
          %get3A_2272 = tpu.memref_slice %run_scoped3A[%rem3A_810, %get3A_2269, %get3A_2270, %get3A_2271] : memref<2x1x64x256xf32, #tpu.memory_space<vmem>> -> memref<1x1x64x256xf32, #tpu.memory_space<vmem>>
          %get3A_2273 = tpu.memref_squeeze %get3A_2272 : memref<1x1x64x256xf32, #tpu.memory_space<vmem>> -> memref<1x64x256xf32, #tpu.memory_space<vmem>>
          %get3A_2274 = arith.index_cast %get3A_2268 : i32 to index
          %get3A_2275 = arith.index_cast %scan3A_2207 : i32 to index
          %get3A_2276 = arith.constant 32 : index
          %get3A_2277 = tpu.vector_load %get3A_2273[%get3A_2274, %get3A_2275, %get3A_2276] {strides = array<i32>} : memref<1x64x256xf32, #tpu.memory_space<vmem>>, vector<1x1x16xf32>,
          %get3A_2278 = vector.shape_cast %get3A_2277 : vector<1x1x16xf32> to vector<16xf32>
          %add3A_2279 = arith.addf %add3A_1893, %get3A_2278 : vector<16xf32>
          %swap3A_2280 = arith.constant 0 : i32
          %swap3A_2281 = arith.constant 0 : i32
          %swap3A_2282 = arith.constant 0 : i32
          %swap3A_2283 = arith.constant 0 : i32
          %swap3A_2284 = tpu.memref_slice %run_scoped3A_102[%rem3A_812, %swap3A_2281, %swap3A_2282, %swap3A_2283] : memref<2x1x64x256xf32, #tpu.memory_space<vmem>> -> memref<1x1x64x256xf32, #tpu.memory_space<vmem>>
          %swap3A_2285 = tpu.memref_squeeze %swap3A_2284 : memref<1x1x64x256xf32, #tpu.memory_space<vmem>> -> memref<1x64x256xf32, #tpu.memory_space<vmem>>
          %swap3A_2286 = arith.index_cast %swap3A_2280 : i32 to index
          %swap3A_2287 = arith.index_cast %scan3A_2207 : i32 to index
          %swap3A_2288 = arith.constant 48 : index
          %swap3A_2289 = tpu.vector_load %swap3A_2285[%swap3A_2286, %swap3A_2287, %swap3A_2288] {strides = array<i32>} : memref<1x64x256xf32, #tpu.memory_space<vmem>>, vector<1x1x16xf32>,
          %swap3A_2290 = vector.shape_cast %swap3A_2289 : vector<1x1x16xf32> to vector<16xf32>
          %swap3A_2291 = vector.shape_cast %add3A_1917 : vector<16xf32> to vector<1x1x16xf32>
          tpu.vector_store %swap3A_2285[%swap3A_2286, %swap3A_2287, %swap3A_2288], %swap3A_2291 {strides = array<i32>} : memref<1x64x256xf32, #tpu.memory_space<vmem>>, vector<1x1x16xf32>,
          %get3A_2292 = arith.constant 0 : i32
          %get3A_2293 = arith.constant 0 : i32
          %get3A_2294 = arith.constant 0 : i32
          %get3A_2295 = arith.constant 0 : i32
          %get3A_2296 = tpu.memref_slice %run_scoped3A[%rem3A_810, %get3A_2293, %get3A_2294, %get3A_2295] : memref<2x1x64x256xf32, #tpu.memory_space<vmem>> -> memref<1x1x64x256xf32, #tpu.memory_space<vmem>>
          %get3A_2297 = tpu.memref_squeeze %get3A_2296 : memref<1x1x64x256xf32, #tpu.memory_space<vmem>> -> memref<1x64x256xf32, #tpu.memory_space<vmem>>
          %get3A_2298 = arith.index_cast %get3A_2292 : i32 to index
          %get3A_2299 = arith.index_cast %scan3A_2207 : i32 to index
          %get3A_2300 = arith.constant 48 : index
          %get3A_2301 = tpu.vector_load %get3A_2297[%get3A_2298, %get3A_2299, %get3A_2300] {strides = array<i32>} : memref<1x64x256xf32, #tpu.memory_space<vmem>>, vector<1x1x16xf32>,
          %get3A_2302 = vector.shape_cast %get3A_2301 : vector<1x1x16xf32> to vector<16xf32>
          %add3A_2303 = arith.addf %add3A_1917, %get3A_2302 : vector<16xf32>
          %swap3A_2304 = arith.constant 0 : i32
          %swap3A_2305 = arith.constant 0 : i32
          %swap3A_2306 = arith.constant 0 : i32
          %swap3A_2307 = arith.constant 0 : i32
          %swap3A_2308 = tpu.memref_slice %run_scoped3A_102[%rem3A_812, %swap3A_2305, %swap3A_2306, %swap3A_2307] : memref<2x1x64x256xf32, #tpu.memory_space<vmem>> -> memref<1x1x64x256xf32, #tpu.memory_space<vmem>>
          %swap3A_2309 = tpu.memref_squeeze %swap3A_2308 : memref<1x1x64x256xf32, #tpu.memory_space<vmem>> -> memref<1x64x256xf32, #tpu.memory_space<vmem>>
          %swap3A_2310 = arith.index_cast %swap3A_2304 : i32 to index
          %swap3A_2311 = arith.index_cast %scan3A_2207 : i32 to index
          %swap3A_2312 = arith.constant 64 : index
          %swap3A_2313 = tpu.vector_load %swap3A_2309[%swap3A_2310, %swap3A_2311, %swap3A_2312] {strides = array<i32>} : memref<1x64x256xf32, #tpu.memory_space<vmem>>, vector<1x1x16xf32>,
          %swap3A_2314 = vector.shape_cast %swap3A_2313 : vector<1x1x16xf32> to vector<16xf32>
          %swap3A_2315 = vector.shape_cast %add3A_1941 : vector<16xf32> to vector<1x1x16xf32>
          tpu.vector_store %swap3A_2309[%swap3A_2310, %swap3A_2311, %swap3A_2312], %swap3A_2315 {strides = array<i32>} : memref<1x64x256xf32, #tpu.memory_space<vmem>>, vector<1x1x16xf32>,
          %get3A_2316 = arith.constant 0 : i32
          %get3A_2317 = arith.constant 0 : i32
          %get3A_2318 = arith.constant 0 : i32
          %get3A_2319 = arith.constant 0 : i32
          %get3A_2320 = tpu.memref_slice %run_scoped3A[%rem3A_810, %get3A_2317, %get3A_2318, %get3A_2319] : memref<2x1x64x256xf32, #tpu.memory_space<vmem>> -> memref<1x1x64x256xf32, #tpu.memory_space<vmem>>
          %get3A_2321 = tpu.memref_squeeze %get3A_2320 : memref<1x1x64x256xf32, #tpu.memory_space<vmem>> -> memref<1x64x256xf32, #tpu.memory_space<vmem>>
          %get3A_2322 = arith.index_cast %get3A_2316 : i32 to index
          %get3A_2323 = arith.index_cast %scan3A_2207 : i32 to index
          %get3A_2324 = arith.constant 64 : index
          %get3A_2325 = tpu.vector_load %get3A_2321[%get3A_2322, %get3A_2323, %get3A_2324] {strides = array<i32>} : memref<1x64x256xf32, #tpu.memory_space<vmem>>, vector<1x1x16xf32>,
          %get3A_2326 = vector.shape_cast %get3A_2325 : vector<1x1x16xf32> to vector<16xf32>
          %add3A_2327 = arith.addf %add3A_1941, %get3A_2326 : vector<16xf32>
          %swap3A_2328 = arith.constant 0 : i32
          %swap3A_2329 = arith.constant 0 : i32
          %swap3A_2330 = arith.constant 0 : i32
          %swap3A_2331 = arith.constant 0 : i32
          %swap3A_2332 = tpu.memref_slice %run_scoped3A_102[%rem3A_812, %swap3A_2329, %swap3A_2330, %swap3A_2331] : memref<2x1x64x256xf32, #tpu.memory_space<vmem>> -> memref<1x1x64x256xf32, #tpu.memory_space<vmem>>
          %swap3A_2333 = tpu.memref_squeeze %swap3A_2332 : memref<1x1x64x256xf32, #tpu.memory_space<vmem>> -> memref<1x64x256xf32, #tpu.memory_space<vmem>>
          %swap3A_2334 = arith.index_cast %swap3A_2328 : i32 to index
          %swap3A_2335 = arith.index_cast %scan3A_2207 : i32 to index
          %swap3A_2336 = arith.constant 80 : index
          %swap3A_2337 = tpu.vector_load %swap3A_2333[%swap3A_2334, %swap3A_2335, %swap3A_2336] {strides = array<i32>} : memref<1x64x256xf32, #tpu.memory_space<vmem>>, vector<1x1x16xf32>,
          %swap3A_2338 = vector.shape_cast %swap3A_2337 : vector<1x1x16xf32> to vector<16xf32>
          %swap3A_2339 = vector.shape_cast %add3A_1965 : vector<16xf32> to vector<1x1x16xf32>
          tpu.vector_store %swap3A_2333[%swap3A_2334, %swap3A_2335, %swap3A_2336], %swap3A_2339 {strides = array<i32>} : memref<1x64x256xf32, #tpu.memory_space<vmem>>, vector<1x1x16xf32>,
          %get3A_2340 = arith.constant 0 : i32
          %get3A_2341 = arith.constant 0 : i32
          %get3A_2342 = arith.constant 0 : i32
          %get3A_2343 = arith.constant 0 : i32
          %get3A_2344 = tpu.memref_slice %run_scoped3A[%rem3A_810, %get3A_2341, %get3A_2342, %get3A_2343] : memref<2x1x64x256xf32, #tpu.memory_space<vmem>> -> memref<1x1x64x256xf32, #tpu.memory_space<vmem>>
          %get3A_2345 = tpu.memref_squeeze %get3A_2344 : memref<1x1x64x256xf32, #tpu.memory_space<vmem>> -> memref<1x64x256xf32, #tpu.memory_space<vmem>>
          %get3A_2346 = arith.index_cast %get3A_2340 : i32 to index
          %get3A_2347 = arith.index_cast %scan3A_2207 : i32 to index
          %get3A_2348 = arith.constant 80 : index
          %get3A_2349 = tpu.vector_load %get3A_2345[%get3A_2346, %get3A_2347, %get3A_2348] {strides = array<i32>} : memref<1x64x256xf32, #tpu.memory_space<vmem>>, vector<1x1x16xf32>,
          %get3A_2350 = vector.shape_cast %get3A_2349 : vector<1x1x16xf32> to vector<16xf32>
          %add3A_2351 = arith.addf %add3A_1965, %get3A_2350 : vector<16xf32>
          %swap3A_2352 = arith.constant 0 : i32
          %swap3A_2353 = arith.constant 0 : i32
          %swap3A_2354 = arith.constant 0 : i32
          %swap3A_2355 = arith.constant 0 : i32
          %swap3A_2356 = tpu.memref_slice %run_scoped3A_102[%rem3A_812, %swap3A_2353, %swap3A_2354, %swap3A_2355] : memref<2x1x64x256xf32, #tpu.memory_space<vmem>> -> memref<1x1x64x256xf32, #tpu.memory_space<vmem>>
          %swap3A_2357 = tpu.memref_squeeze %swap3A_2356 : memref<1x1x64x256xf32, #tpu.memory_space<vmem>> -> memref<1x64x256xf32, #tpu.memory_space<vmem>>
          %swap3A_2358 = arith.index_cast %swap3A_2352 : i32 to index
          %swap3A_2359 = arith.index_cast %scan3A_2207 : i32 to index
          %swap3A_2360 = arith.constant 96 : index
          %swap3A_2361 = tpu.vector_load %swap3A_2357[%swap3A_2358, %swap3A_2359, %swap3A_2360] {strides = array<i32>} : memref<1x64x256xf32, #tpu.memory_space<vmem>>, vector<1x1x16xf32>,
          %swap3A_2362 = vector.shape_cast %swap3A_2361 : vector<1x1x16xf32> to vector<16xf32>
          %swap3A_2363 = vector.shape_cast %add3A_1989 : vector<16xf32> to vector<1x1x16xf32>
          tpu.vector_store %swap3A_2357[%swap3A_2358, %swap3A_2359, %swap3A_2360], %swap3A_2363 {strides = array<i32>} : memref<1x64x256xf32, #tpu.memory_space<vmem>>, vector<1x1x16xf32>,
          %get3A_2364 = arith.constant 0 : i32
          %get3A_2365 = arith.constant 0 : i32
          %get3A_2366 = arith.constant 0 : i32
          %get3A_2367 = arith.constant 0 : i32
          %get3A_2368 = tpu.memref_slice %run_scoped3A[%rem3A_810, %get3A_2365, %get3A_2366, %get3A_2367] : memref<2x1x64x256xf32, #tpu.memory_space<vmem>> -> memref<1x1x64x256xf32, #tpu.memory_space<vmem>>
          %get3A_2369 = tpu.memref_squeeze %get3A_2368 : memref<1x1x64x256xf32, #tpu.memory_space<vmem>> -> memref<1x64x256xf32, #tpu.memory_space<vmem>>
          %get3A_2370 = arith.index_cast %get3A_2364 : i32 to index
          %get3A_2371 = arith.index_cast %scan3A_2207 : i32 to index
          %get3A_2372 = arith.constant 96 : index
          %get3A_2373 = tpu.vector_load %get3A_2369[%get3A_2370, %get3A_2371, %get3A_2372] {strides = array<i32>} : memref<1x64x256xf32, #tpu.memory_space<vmem>>, vector<1x1x16xf32>,
          %get3A_2374 = vector.shape_cast %get3A_2373 : vector<1x1x16xf32> to vector<16xf32>
          %add3A_2375 = arith.addf %add3A_1989, %get3A_2374 : vector<16xf32>
          %swap3A_2376 = arith.constant 0 : i32
          %swap3A_2377 = arith.constant 0 : i32
          %swap3A_2378 = arith.constant 0 : i32
          %swap3A_2379 = arith.constant 0 : i32
          %swap3A_2380 = tpu.memref_slice %run_scoped3A_102[%rem3A_812, %swap3A_2377, %swap3A_2378, %swap3A_2379] : memref<2x1x64x256xf32, #tpu.memory_space<vmem>> -> memref<1x1x64x256xf32, #tpu.memory_space<vmem>>
          %swap3A_2381 = tpu.memref_squeeze %swap3A_2380 : memref<1x1x64x256xf32, #tpu.memory_space<vmem>> -> memref<1x64x256xf32, #tpu.memory_space<vmem>>
          %swap3A_2382 = arith.index_cast %swap3A_2376 : i32 to index
          %swap3A_2383 = arith.index_cast %scan3A_2207 : i32 to index
          %swap3A_2384 = arith.constant 112 : index
          %swap3A_2385 = tpu.vector_load %swap3A_2381[%swap3A_2382, %swap3A_2383, %swap3A_2384] {strides = array<i32>} : memref<1x64x256xf32, #tpu.memory_space<vmem>>, vector<1x1x16xf32>,
          %swap3A_2386 = vector.shape_cast %swap3A_2385 : vector<1x1x16xf32> to vector<16xf32>
          %swap3A_2387 = vector.shape_cast %add3A_2013 : vector<16xf32> to vector<1x1x16xf32>
          tpu.vector_store %swap3A_2381[%swap3A_2382, %swap3A_2383, %swap3A_2384], %swap3A_2387 {strides = array<i32>} : memref<1x64x256xf32, #tpu.memory_space<vmem>>, vector<1x1x16xf32>,
          %get3A_2388 = arith.constant 0 : i32
          %get3A_2389 = arith.constant 0 : i32
          %get3A_2390 = arith.constant 0 : i32
          %get3A_2391 = arith.constant 0 : i32
          %get3A_2392 = tpu.memref_slice %run_scoped3A[%rem3A_810, %get3A_2389, %get3A_2390, %get3A_2391] : memref<2x1x64x256xf32, #tpu.memory_space<vmem>> -> memref<1x1x64x256xf32, #tpu.memory_space<vmem>>
          %get3A_2393 = tpu.memref_squeeze %get3A_2392 : memref<1x1x64x256xf32, #tpu.memory_space<vmem>> -> memref<1x64x256xf32, #tpu.memory_space<vmem>>
          %get3A_2394 = arith.index_cast %get3A_2388 : i32 to index
          %get3A_2395 = arith.index_cast %scan3A_2207 : i32 to index
          %get3A_2396 = arith.constant 112 : index
          %get3A_2397 = tpu.vector_load %get3A_2393[%get3A_2394, %get3A_2395, %get3A_2396] {strides = array<i32>} : memref<1x64x256xf32, #tpu.memory_space<vmem>>, vector<1x1x16xf32>,
          %get3A_2398 = vector.shape_cast %get3A_2397 : vector<1x1x16xf32> to vector<16xf32>
          %add3A_2399 = arith.addf %add3A_2013, %get3A_2398 : vector<16xf32>
          %swap3A_2400 = arith.constant 0 : i32
          %swap3A_2401 = arith.constant 0 : i32
          %swap3A_2402 = arith.constant 0 : i32
          %swap3A_2403 = arith.constant 0 : i32
          %swap3A_2404 = tpu.memref_slice %run_scoped3A_102[%rem3A_812, %swap3A_2401, %swap3A_2402, %swap3A_2403] : memref<2x1x64x256xf32, #tpu.memory_space<vmem>> -> memref<1x1x64x256xf32, #tpu.memory_space<vmem>>
          %swap3A_2405 = tpu.memref_squeeze %swap3A_2404 : memref<1x1x64x256xf32, #tpu.memory_space<vmem>> -> memref<1x64x256xf32, #tpu.memory_space<vmem>>
          %swap3A_2406 = arith.index_cast %swap3A_2400 : i32 to index
          %swap3A_2407 = arith.index_cast %scan3A_2207 : i32 to index
          %swap3A_2408 = arith.constant 128 : index
          %swap3A_2409 = tpu.vector_load %swap3A_2405[%swap3A_2406, %swap3A_2407, %swap3A_2408] {strides = array<i32>} : memref<1x64x256xf32, #tpu.memory_space<vmem>>, vector<1x1x16xf32>,
          %swap3A_2410 = vector.shape_cast %swap3A_2409 : vector<1x1x16xf32> to vector<16xf32>
          %swap3A_2411 = vector.shape_cast %add3A_2037 : vector<16xf32> to vector<1x1x16xf32>
          tpu.vector_store %swap3A_2405[%swap3A_2406, %swap3A_2407, %swap3A_2408], %swap3A_2411 {strides = array<i32>} : memref<1x64x256xf32, #tpu.memory_space<vmem>>, vector<1x1x16xf32>,
          %get3A_2412 = arith.constant 0 : i32
          %get3A_2413 = arith.constant 0 : i32
          %get3A_2414 = arith.constant 0 : i32
          %get3A_2415 = arith.constant 0 : i32
          %get3A_2416 = tpu.memref_slice %run_scoped3A[%rem3A_810, %get3A_2413, %get3A_2414, %get3A_2415] : memref<2x1x64x256xf32, #tpu.memory_space<vmem>> -> memref<1x1x64x256xf32, #tpu.memory_space<vmem>>
          %get3A_2417 = tpu.memref_squeeze %get3A_2416 : memref<1x1x64x256xf32, #tpu.memory_space<vmem>> -> memref<1x64x256xf32, #tpu.memory_space<vmem>>
          %get3A_2418 = arith.index_cast %get3A_2412 : i32 to index
          %get3A_2419 = arith.index_cast %scan3A_2207 : i32 to index
          %get3A_2420 = arith.constant 128 : index
          %get3A_2421 = tpu.vector_load %get3A_2417[%get3A_2418, %get3A_2419, %get3A_2420] {strides = array<i32>} : memref<1x64x256xf32, #tpu.memory_space<vmem>>, vector<1x1x16xf32>,
          %get3A_2422 = vector.shape_cast %get3A_2421 : vector<1x1x16xf32> to vector<16xf32>
          %add3A_2423 = arith.addf %add3A_2037, %get3A_2422 : vector<16xf32>
          %swap3A_2424 = arith.constant 0 : i32
          %swap3A_2425 = arith.constant 0 : i32
          %swap3A_2426 = arith.constant 0 : i32
          %swap3A_2427 = arith.constant 0 : i32
          %swap3A_2428 = tpu.memref_slice %run_scoped3A_102[%rem3A_812, %swap3A_2425, %swap3A_2426, %swap3A_2427] : memref<2x1x64x256xf32, #tpu.memory_space<vmem>> -> memref<1x1x64x256xf32, #tpu.memory_space<vmem>>
          %swap3A_2429 = tpu.memref_squeeze %swap3A_2428 : memref<1x1x64x256xf32, #tpu.memory_space<vmem>> -> memref<1x64x256xf32, #tpu.memory_space<vmem>>
          %swap3A_2430 = arith.index_cast %swap3A_2424 : i32 to index
          %swap3A_2431 = arith.index_cast %scan3A_2207 : i32 to index
          %swap3A_2432 = arith.constant 144 : index
          %swap3A_2433 = tpu.vector_load %swap3A_2429[%swap3A_2430, %swap3A_2431, %swap3A_2432] {strides = array<i32>} : memref<1x64x256xf32, #tpu.memory_space<vmem>>, vector<1x1x16xf32>,
          %swap3A_2434 = vector.shape_cast %swap3A_2433 : vector<1x1x16xf32> to vector<16xf32>
          %swap3A_2435 = vector.shape_cast %add3A_2061 : vector<16xf32> to vector<1x1x16xf32>
          tpu.vector_store %swap3A_2429[%swap3A_2430, %swap3A_2431, %swap3A_2432], %swap3A_2435 {strides = array<i32>} : memref<1x64x256xf32, #tpu.memory_space<vmem>>, vector<1x1x16xf32>,
          %get3A_2436 = arith.constant 0 : i32
          %get3A_2437 = arith.constant 0 : i32
          %get3A_2438 = arith.constant 0 : i32
          %get3A_2439 = arith.constant 0 : i32
          %get3A_2440 = tpu.memref_slice %run_scoped3A[%rem3A_810, %get3A_2437, %get3A_2438, %get3A_2439] : memref<2x1x64x256xf32, #tpu.memory_space<vmem>> -> memref<1x1x64x256xf32, #tpu.memory_space<vmem>>
          %get3A_2441 = tpu.memref_squeeze %get3A_2440 : memref<1x1x64x256xf32, #tpu.memory_space<vmem>> -> memref<1x64x256xf32, #tpu.memory_space<vmem>>
          %get3A_2442 = arith.index_cast %get3A_2436 : i32 to index
          %get3A_2443 = arith.index_cast %scan3A_2207 : i32 to index
          %get3A_2444 = arith.constant 144 : index
          %get3A_2445 = tpu.vector_load %get3A_2441[%get3A_2442, %get3A_2443, %get3A_2444] {strides = array<i32>} : memref<1x64x256xf32, #tpu.memory_space<vmem>>, vector<1x1x16xf32>,
          %get3A_2446 = vector.shape_cast %get3A_2445 : vector<1x1x16xf32> to vector<16xf32>
          %add3A_2447 = arith.addf %add3A_2061, %get3A_2446 : vector<16xf32>
          %swap3A_2448 = arith.constant 0 : i32
          %swap3A_2449 = arith.constant 0 : i32
          %swap3A_2450 = arith.constant 0 : i32
          %swap3A_2451 = arith.constant 0 : i32
          %swap3A_2452 = tpu.memref_slice %run_scoped3A_102[%rem3A_812, %swap3A_2449, %swap3A_2450, %swap3A_2451] : memref<2x1x64x256xf32, #tpu.memory_space<vmem>> -> memref<1x1x64x256xf32, #tpu.memory_space<vmem>>
          %swap3A_2453 = tpu.memref_squeeze %swap3A_2452 : memref<1x1x64x256xf32, #tpu.memory_space<vmem>> -> memref<1x64x256xf32, #tpu.memory_space<vmem>>
          %swap3A_2454 = arith.index_cast %swap3A_2448 : i32 to index
          %swap3A_2455 = arith.index_cast %scan3A_2207 : i32 to index
          %swap3A_2456 = arith.constant 160 : index
          %swap3A_2457 = tpu.vector_load %swap3A_2453[%swap3A_2454, %swap3A_2455, %swap3A_2456] {strides = array<i32>} : memref<1x64x256xf32, #tpu.memory_space<vmem>>, vector<1x1x16xf32>,
          %swap3A_2458 = vector.shape_cast %swap3A_2457 : vector<1x1x16xf32> to vector<16xf32>
          %swap3A_2459 = vector.shape_cast %add3A_2085 : vector<16xf32> to vector<1x1x16xf32>
          tpu.vector_store %swap3A_2453[%swap3A_2454, %swap3A_2455, %swap3A_2456], %swap3A_2459 {strides = array<i32>} : memref<1x64x256xf32, #tpu.memory_space<vmem>>, vector<1x1x16xf32>,
          %get3A_2460 = arith.constant 0 : i32
          %get3A_2461 = arith.constant 0 : i32
          %get3A_2462 = arith.constant 0 : i32
          %get3A_2463 = arith.constant 0 : i32
          %get3A_2464 = tpu.memref_slice %run_scoped3A[%rem3A_810, %get3A_2461, %get3A_2462, %get3A_2463] : memref<2x1x64x256xf32, #tpu.memory_space<vmem>> -> memref<1x1x64x256xf32, #tpu.memory_space<vmem>>
          %get3A_2465 = tpu.memref_squeeze %get3A_2464 : memref<1x1x64x256xf32, #tpu.memory_space<vmem>> -> memref<1x64x256xf32, #tpu.memory_space<vmem>>
          %get3A_2466 = arith.index_cast %get3A_2460 : i32 to index
          %get3A_2467 = arith.index_cast %scan3A_2207 : i32 to index
          %get3A_2468 = arith.constant 160 : index
          %get3A_2469 = tpu.vector_load %get3A_2465[%get3A_2466, %get3A_2467, %get3A_2468] {strides = array<i32>} : memref<1x64x256xf32, #tpu.memory_space<vmem>>, vector<1x1x16xf32>,
          %get3A_2470 = vector.shape_cast %get3A_2469 : vector<1x1x16xf32> to vector<16xf32>
          %add3A_2471 = arith.addf %add3A_2085, %get3A_2470 : vector<16xf32>
          %swap3A_2472 = arith.constant 0 : i32
          %swap3A_2473 = arith.constant 0 : i32
          %swap3A_2474 = arith.constant 0 : i32
          %swap3A_2475 = arith.constant 0 : i32
          %swap3A_2476 = tpu.memref_slice %run_scoped3A_102[%rem3A_812, %swap3A_2473, %swap3A_2474, %swap3A_2475] : memref<2x1x64x256xf32, #tpu.memory_space<vmem>> -> memref<1x1x64x256xf32, #tpu.memory_space<vmem>>
          %swap3A_2477 = tpu.memref_squeeze %swap3A_2476 : memref<1x1x64x256xf32, #tpu.memory_space<vmem>> -> memref<1x64x256xf32, #tpu.memory_space<vmem>>
          %swap3A_2478 = arith.index_cast %swap3A_2472 : i32 to index
          %swap3A_2479 = arith.index_cast %scan3A_2207 : i32 to index
          %swap3A_2480 = arith.constant 176 : index
          %swap3A_2481 = tpu.vector_load %swap3A_2477[%swap3A_2478, %swap3A_2479, %swap3A_2480] {strides = array<i32>} : memref<1x64x256xf32, #tpu.memory_space<vmem>>, vector<1x1x16xf32>,
          %swap3A_2482 = vector.shape_cast %swap3A_2481 : vector<1x1x16xf32> to vector<16xf32>
          %swap3A_2483 = vector.shape_cast %add3A_2109 : vector<16xf32> to vector<1x1x16xf32>
          tpu.vector_store %swap3A_2477[%swap3A_2478, %swap3A_2479, %swap3A_2480], %swap3A_2483 {strides = array<i32>} : memref<1x64x256xf32, #tpu.memory_space<vmem>>, vector<1x1x16xf32>,
          %get3A_2484 = arith.constant 0 : i32
          %get3A_2485 = arith.constant 0 : i32
          %get3A_2486 = arith.constant 0 : i32
          %get3A_2487 = arith.constant 0 : i32
          %get3A_2488 = tpu.memref_slice %run_scoped3A[%rem3A_810, %get3A_2485, %get3A_2486, %get3A_2487] : memref<2x1x64x256xf32, #tpu.memory_space<vmem>> -> memref<1x1x64x256xf32, #tpu.memory_space<vmem>>
          %get3A_2489 = tpu.memref_squeeze %get3A_2488 : memref<1x1x64x256xf32, #tpu.memory_space<vmem>> -> memref<1x64x256xf32, #tpu.memory_space<vmem>>
          %get3A_2490 = arith.index_cast %get3A_2484 : i32 to index
          %get3A_2491 = arith.index_cast %scan3A_2207 : i32 to index
          %get3A_2492 = arith.constant 176 : index
          %get3A_2493 = tpu.vector_load %get3A_2489[%get3A_2490, %get3A_2491, %get3A_2492] {strides = array<i32>} : memref<1x64x256xf32, #tpu.memory_space<vmem>>, vector<1x1x16xf32>,
          %get3A_2494 = vector.shape_cast %get3A_2493 : vector<1x1x16xf32> to vector<16xf32>
          %add3A_2495 = arith.addf %add3A_2109, %get3A_2494 : vector<16xf32>
          %swap3A_2496 = arith.constant 0 : i32
          %swap3A_2497 = arith.constant 0 : i32
          %swap3A_2498 = arith.constant 0 : i32
          %swap3A_2499 = arith.constant 0 : i32
          %swap3A_2500 = tpu.memref_slice %run_scoped3A_102[%rem3A_812, %swap3A_2497, %swap3A_2498, %swap3A_2499] : memref<2x1x64x256xf32, #tpu.memory_space<vmem>> -> memref<1x1x64x256xf32, #tpu.memory_space<vmem>>
          %swap3A_2501 = tpu.memref_squeeze %swap3A_2500 : memref<1x1x64x256xf32, #tpu.memory_space<vmem>> -> memref<1x64x256xf32, #tpu.memory_space<vmem>>
          %swap3A_2502 = arith.index_cast %swap3A_2496 : i32 to index
          %swap3A_2503 = arith.index_cast %scan3A_2207 : i32 to index
          %swap3A_2504 = arith.constant 192 : index
          %swap3A_2505 = tpu.vector_load %swap3A_2501[%swap3A_2502, %swap3A_2503, %swap3A_2504] {strides = array<i32>} : memref<1x64x256xf32, #tpu.memory_space<vmem>>, vector<1x1x16xf32>,
          %swap3A_2506 = vector.shape_cast %swap3A_2505 : vector<1x1x16xf32> to vector<16xf32>
          %swap3A_2507 = vector.shape_cast %add3A_2133 : vector<16xf32> to vector<1x1x16xf32>
          tpu.vector_store %swap3A_2501[%swap3A_2502, %swap3A_2503, %swap3A_2504], %swap3A_2507 {strides = array<i32>} : memref<1x64x256xf32, #tpu.memory_space<vmem>>, vector<1x1x16xf32>,
          %get3A_2508 = arith.constant 0 : i32
          %get3A_2509 = arith.constant 0 : i32
          %get3A_2510 = arith.constant 0 : i32
          %get3A_2511 = arith.constant 0 : i32
          %get3A_2512 = tpu.memref_slice %run_scoped3A[%rem3A_810, %get3A_2509, %get3A_2510, %get3A_2511] : memref<2x1x64x256xf32, #tpu.memory_space<vmem>> -> memref<1x1x64x256xf32, #tpu.memory_space<vmem>>
          %get3A_2513 = tpu.memref_squeeze %get3A_2512 : memref<1x1x64x256xf32, #tpu.memory_space<vmem>> -> memref<1x64x256xf32, #tpu.memory_space<vmem>>
          %get3A_2514 = arith.index_cast %get3A_2508 : i32 to index
          %get3A_2515 = arith.index_cast %scan3A_2207 : i32 to index
          %get3A_2516 = arith.constant 192 : index
          %get3A_2517 = tpu.vector_load %get3A_2513[%get3A_2514, %get3A_2515, %get3A_2516] {strides = array<i32>} : memref<1x64x256xf32, #tpu.memory_space<vmem>>, vector<1x1x16xf32>,
          %get3A_2518 = vector.shape_cast %get3A_2517 : vector<1x1x16xf32> to vector<16xf32>
          %add3A_2519 = arith.addf %add3A_2133, %get3A_2518 : vector<16xf32>
          %swap3A_2520 = arith.constant 0 : i32
          %swap3A_2521 = arith.constant 0 : i32
          %swap3A_2522 = arith.constant 0 : i32
          %swap3A_2523 = arith.constant 0 : i32
          %swap3A_2524 = tpu.memref_slice %run_scoped3A_102[%rem3A_812, %swap3A_2521, %swap3A_2522, %swap3A_2523] : memref<2x1x64x256xf32, #tpu.memory_space<vmem>> -> memref<1x1x64x256xf32, #tpu.memory_space<vmem>>
          %swap3A_2525 = tpu.memref_squeeze %swap3A_2524 : memref<1x1x64x256xf32, #tpu.memory_space<vmem>> -> memref<1x64x256xf32, #tpu.memory_space<vmem>>
          %swap3A_2526 = arith.index_cast %swap3A_2520 : i32 to index
          %swap3A_2527 = arith.index_cast %scan3A_2207 : i32 to index
          %swap3A_2528 = arith.constant 208 : index
          %swap3A_2529 = tpu.vector_load %swap3A_2525[%swap3A_2526, %swap3A_2527, %swap3A_2528] {strides = array<i32>} : memref<1x64x256xf32, #tpu.memory_space<vmem>>, vector<1x1x16xf32>,
          %swap3A_2530 = vector.shape_cast %swap3A_2529 : vector<1x1x16xf32> to vector<16xf32>
          %swap3A_2531 = vector.shape_cast %add3A_2157 : vector<16xf32> to vector<1x1x16xf32>
          tpu.vector_store %swap3A_2525[%swap3A_2526, %swap3A_2527, %swap3A_2528], %swap3A_2531 {strides = array<i32>} : memref<1x64x256xf32, #tpu.memory_space<vmem>>, vector<1x1x16xf32>,
          %get3A_2532 = arith.constant 0 : i32
          %get3A_2533 = arith.constant 0 : i32
          %get3A_2534 = arith.constant 0 : i32
          %get3A_2535 = arith.constant 0 : i32
          %get3A_2536 = tpu.memref_slice %run_scoped3A[%rem3A_810, %get3A_2533, %get3A_2534, %get3A_2535] : memref<2x1x64x256xf32, #tpu.memory_space<vmem>> -> memref<1x1x64x256xf32, #tpu.memory_space<vmem>>
          %get3A_2537 = tpu.memref_squeeze %get3A_2536 : memref<1x1x64x256xf32, #tpu.memory_space<vmem>> -> memref<1x64x256xf32, #tpu.memory_space<vmem>>
          %get3A_2538 = arith.index_cast %get3A_2532 : i32 to index
          %get3A_2539 = arith.index_cast %scan3A_2207 : i32 to index
          %get3A_2540 = arith.constant 208 : index
          %get3A_2541 = tpu.vector_load %get3A_2537[%get3A_2538, %get3A_2539, %get3A_2540] {strides = array<i32>} : memref<1x64x256xf32, #tpu.memory_space<vmem>>, vector<1x1x16xf32>,
          %get3A_2542 = vector.shape_cast %get3A_2541 : vector<1x1x16xf32> to vector<16xf32>
          %add3A_2543 = arith.addf %add3A_2157, %get3A_2542 : vector<16xf32>
          %swap3A_2544 = arith.constant 0 : i32
          %swap3A_2545 = arith.constant 0 : i32
          %swap3A_2546 = arith.constant 0 : i32
          %swap3A_2547 = arith.constant 0 : i32
          %swap3A_2548 = tpu.memref_slice %run_scoped3A_102[%rem3A_812, %swap3A_2545, %swap3A_2546, %swap3A_2547] : memref<2x1x64x256xf32, #tpu.memory_space<vmem>> -> memref<1x1x64x256xf32, #tpu.memory_space<vmem>>
          %swap3A_2549 = tpu.memref_squeeze %swap3A_2548 : memref<1x1x64x256xf32, #tpu.memory_space<vmem>> -> memref<1x64x256xf32, #tpu.memory_space<vmem>>
          %swap3A_2550 = arith.index_cast %swap3A_2544 : i32 to index
          %swap3A_2551 = arith.index_cast %scan3A_2207 : i32 to index
          %swap3A_2552 = arith.constant 224 : index
          %swap3A_2553 = tpu.vector_load %swap3A_2549[%swap3A_2550, %swap3A_2551, %swap3A_2552] {strides = array<i32>} : memref<1x64x256xf32, #tpu.memory_space<vmem>>, vector<1x1x16xf32>,
          %swap3A_2554 = vector.shape_cast %swap3A_2553 : vector<1x1x16xf32> to vector<16xf32>
          %swap3A_2555 = vector.shape_cast %add3A_2181 : vector<16xf32> to vector<1x1x16xf32>
          tpu.vector_store %swap3A_2549[%swap3A_2550, %swap3A_2551, %swap3A_2552], %swap3A_2555 {strides = array<i32>} : memref<1x64x256xf32, #tpu.memory_space<vmem>>, vector<1x1x16xf32>,
          %get3A_2556 = arith.constant 0 : i32
          %get3A_2557 = arith.constant 0 : i32
          %get3A_2558 = arith.constant 0 : i32
          %get3A_2559 = arith.constant 0 : i32
          %get3A_2560 = tpu.memref_slice %run_scoped3A[%rem3A_810, %get3A_2557, %get3A_2558, %get3A_2559] : memref<2x1x64x256xf32, #tpu.memory_space<vmem>> -> memref<1x1x64x256xf32, #tpu.memory_space<vmem>>
          %get3A_2561 = tpu.memref_squeeze %get3A_2560 : memref<1x1x64x256xf32, #tpu.memory_space<vmem>> -> memref<1x64x256xf32, #tpu.memory_space<vmem>>
          %get3A_2562 = arith.index_cast %get3A_2556 : i32 to index
          %get3A_2563 = arith.index_cast %scan3A_2207 : i32 to index
          %get3A_2564 = arith.constant 224 : index
          %get3A_2565 = tpu.vector_load %get3A_2561[%get3A_2562, %get3A_2563, %get3A_2564] {strides = array<i32>} : memref<1x64x256xf32, #tpu.memory_space<vmem>>, vector<1x1x16xf32>,
          %get3A_2566 = vector.shape_cast %get3A_2565 : vector<1x1x16xf32> to vector<16xf32>
          %add3A_2567 = arith.addf %add3A_2181, %get3A_2566 : vector<16xf32>
          %swap3A_2568 = arith.constant 0 : i32
          %swap3A_2569 = arith.constant 0 : i32
          %swap3A_2570 = arith.constant 0 : i32
          %swap3A_2571 = arith.constant 0 : i32
          %swap3A_2572 = tpu.memref_slice %run_scoped3A_102[%rem3A_812, %swap3A_2569, %swap3A_2570, %swap3A_2571] : memref<2x1x64x256xf32, #tpu.memory_space<vmem>> -> memref<1x1x64x256xf32, #tpu.memory_space<vmem>>
          %swap3A_2573 = tpu.memref_squeeze %swap3A_2572 : memref<1x1x64x256xf32, #tpu.memory_space<vmem>> -> memref<1x64x256xf32, #tpu.memory_space<vmem>>
          %swap3A_2574 = arith.index_cast %swap3A_2568 : i32 to index
          %swap3A_2575 = arith.index_cast %scan3A_2207 : i32 to index
          %swap3A_2576 = arith.constant 240 : index
          %swap3A_2577 = tpu.vector_load %swap3A_2573[%swap3A_2574, %swap3A_2575, %swap3A_2576] {strides = array<i32>} : memref<1x64x256xf32, #tpu.memory_space<vmem>>, vector<1x1x16xf32>,
          %swap3A_2578 = vector.shape_cast %swap3A_2577 : vector<1x1x16xf32> to vector<16xf32>
          %swap3A_2579 = vector.shape_cast %add3A_2205 : vector<16xf32> to vector<1x1x16xf32>
          tpu.vector_store %swap3A_2573[%swap3A_2574, %swap3A_2575, %swap3A_2576], %swap3A_2579 {strides = array<i32>} : memref<1x64x256xf32, #tpu.memory_space<vmem>>, vector<1x1x16xf32>,
          %get3A_2580 = arith.constant 0 : i32
          %get3A_2581 = arith.constant 0 : i32
          %get3A_2582 = arith.constant 0 : i32
          %get3A_2583 = arith.constant 0 : i32
          %get3A_2584 = tpu.memref_slice %run_scoped3A[%rem3A_810, %get3A_2581, %get3A_2582, %get3A_2583] : memref<2x1x64x256xf32, #tpu.memory_space<vmem>> -> memref<1x1x64x256xf32, #tpu.memory_space<vmem>>
          %get3A_2585 = tpu.memref_squeeze %get3A_2584 : memref<1x1x64x256xf32, #tpu.memory_space<vmem>> -> memref<1x64x256xf32, #tpu.memory_space<vmem>>
          %get3A_2586 = arith.index_cast %get3A_2580 : i32 to index
          %get3A_2587 = arith.index_cast %scan3A_2207 : i32 to index
          %get3A_2588 = arith.constant 240 : index
          %get3A_2589 = tpu.vector_load %get3A_2585[%get3A_2586, %get3A_2587, %get3A_2588] {strides = array<i32>} : memref<1x64x256xf32, #tpu.memory_space<vmem>>, vector<1x1x16xf32>,
          %get3A_2590 = vector.shape_cast %get3A_2589 : vector<1x1x16xf32> to vector<16xf32>
          %add3A_2591 = arith.addf %add3A_2205, %get3A_2590 : vector<16xf32>
          %scan3A_2592 = arith.constant 3 : i32
          %scan3A_2593 = arith.addi %scan3A_1419, %scan3A_2592 : i32
          %swap3A_2594 = arith.constant 0 : i32
          %swap3A_2595 = arith.constant 0 : i32
          %swap3A_2596 = arith.constant 0 : i32
          %swap3A_2597 = arith.constant 0 : i32
          %swap3A_2598 = tpu.memref_slice %run_scoped3A_102[%rem3A_812, %swap3A_2595, %swap3A_2596, %swap3A_2597] : memref<2x1x64x256xf32, #tpu.memory_space<vmem>> -> memref<1x1x64x256xf32, #tpu.memory_space<vmem>>
          %swap3A_2599 = tpu.memref_squeeze %swap3A_2598 : memref<1x1x64x256xf32, #tpu.memory_space<vmem>> -> memref<1x64x256xf32, #tpu.memory_space<vmem>>
          %swap3A_2600 = arith.index_cast %swap3A_2594 : i32 to index
          %swap3A_2601 = arith.index_cast %scan3A_2593 : i32 to index
          %swap3A_2602 = arith.constant 0 : index
          %swap3A_2603 = tpu.vector_load %swap3A_2599[%swap3A_2600, %swap3A_2601, %swap3A_2602] {strides = array<i32>} : memref<1x64x256xf32, #tpu.memory_space<vmem>>, vector<1x1x16xf32>,
          %swap3A_2604 = vector.shape_cast %swap3A_2603 : vector<1x1x16xf32> to vector<16xf32>
          %swap3A_2605 = vector.shape_cast %add3A_2231 : vector<16xf32> to vector<1x1x16xf32>
          tpu.vector_store %swap3A_2599[%swap3A_2600, %swap3A_2601, %swap3A_2602], %swap3A_2605 {strides = array<i32>} : memref<1x64x256xf32, #tpu.memory_space<vmem>>, vector<1x1x16xf32>,
          %get3A_2606 = arith.constant 0 : i32
          %get3A_2607 = arith.constant 0 : i32
          %get3A_2608 = arith.constant 0 : i32
          %get3A_2609 = arith.constant 0 : i32
          %get3A_2610 = tpu.memref_slice %run_scoped3A[%rem3A_810, %get3A_2607, %get3A_2608, %get3A_2609] : memref<2x1x64x256xf32, #tpu.memory_space<vmem>> -> memref<1x1x64x256xf32, #tpu.memory_space<vmem>>
          %get3A_2611 = tpu.memref_squeeze %get3A_2610 : memref<1x1x64x256xf32, #tpu.memory_space<vmem>> -> memref<1x64x256xf32, #tpu.memory_space<vmem>>
          %get3A_2612 = arith.index_cast %get3A_2606 : i32 to index
          %get3A_2613 = arith.index_cast %scan3A_2593 : i32 to index
          %get3A_2614 = arith.constant 0 : index
          %get3A_2615 = tpu.vector_load %get3A_2611[%get3A_2612, %get3A_2613, %get3A_2614] {strides = array<i32>} : memref<1x64x256xf32, #tpu.memory_space<vmem>>, vector<1x1x16xf32>,
          %get3A_2616 = vector.shape_cast %get3A_2615 : vector<1x1x16xf32> to vector<16xf32>
          %add3A_2617 = arith.addf %add3A_2231, %get3A_2616 : vector<16xf32>
          %swap3A_2618 = arith.constant 0 : i32
          %swap3A_2619 = arith.constant 0 : i32
          %swap3A_2620 = arith.constant 0 : i32
          %swap3A_2621 = arith.constant 0 : i32
          %swap3A_2622 = tpu.memref_slice %run_scoped3A_102[%rem3A_812, %swap3A_2619, %swap3A_2620, %swap3A_2621] : memref<2x1x64x256xf32, #tpu.memory_space<vmem>> -> memref<1x1x64x256xf32, #tpu.memory_space<vmem>>
          %swap3A_2623 = tpu.memref_squeeze %swap3A_2622 : memref<1x1x64x256xf32, #tpu.memory_space<vmem>> -> memref<1x64x256xf32, #tpu.memory_space<vmem>>
          %swap3A_2624 = arith.index_cast %swap3A_2618 : i32 to index
          %swap3A_2625 = arith.index_cast %scan3A_2593 : i32 to index
          %swap3A_2626 = arith.constant 16 : index
          %swap3A_2627 = tpu.vector_load %swap3A_2623[%swap3A_2624, %swap3A_2625, %swap3A_2626] {strides = array<i32>} : memref<1x64x256xf32, #tpu.memory_space<vmem>>, vector<1x1x16xf32>,
          %swap3A_2628 = vector.shape_cast %swap3A_2627 : vector<1x1x16xf32> to vector<16xf32>
          %swap3A_2629 = vector.shape_cast %add3A_2255 : vector<16xf32> to vector<1x1x16xf32>
          tpu.vector_store %swap3A_2623[%swap3A_2624, %swap3A_2625, %swap3A_2626], %swap3A_2629 {strides = array<i32>} : memref<1x64x256xf32, #tpu.memory_space<vmem>>, vector<1x1x16xf32>,
          %get3A_2630 = arith.constant 0 : i32
          %get3A_2631 = arith.constant 0 : i32
          %get3A_2632 = arith.constant 0 : i32
          %get3A_2633 = arith.constant 0 : i32
          %get3A_2634 = tpu.memref_slice %run_scoped3A[%rem3A_810, %get3A_2631, %get3A_2632, %get3A_2633] : memref<2x1x64x256xf32, #tpu.memory_space<vmem>> -> memref<1x1x64x256xf32, #tpu.memory_space<vmem>>
          %get3A_2635 = tpu.memref_squeeze %get3A_2634 : memref<1x1x64x256xf32, #tpu.memory_space<vmem>> -> memref<1x64x256xf32, #tpu.memory_space<vmem>>
          %get3A_2636 = arith.index_cast %get3A_2630 : i32 to index
          %get3A_2637 = arith.index_cast %scan3A_2593 : i32 to index
          %get3A_2638 = arith.constant 16 : index
          %get3A_2639 = tpu.vector_load %get3A_2635[%get3A_2636, %get3A_2637, %get3A_2638] {strides = array<i32>} : memref<1x64x256xf32, #tpu.memory_space<vmem>>, vector<1x1x16xf32>,
          %get3A_2640 = vector.shape_cast %get3A_2639 : vector<1x1x16xf32> to vector<16xf32>
          %add3A_2641 = arith.addf %add3A_2255, %get3A_2640 : vector<16xf32>
          %swap3A_2642 = arith.constant 0 : i32
          %swap3A_2643 = arith.constant 0 : i32
          %swap3A_2644 = arith.constant 0 : i32
          %swap3A_2645 = arith.constant 0 : i32
          %swap3A_2646 = tpu.memref_slice %run_scoped3A_102[%rem3A_812, %swap3A_2643, %swap3A_2644, %swap3A_2645] : memref<2x1x64x256xf32, #tpu.memory_space<vmem>> -> memref<1x1x64x256xf32, #tpu.memory_space<vmem>>
          %swap3A_2647 = tpu.memref_squeeze %swap3A_2646 : memref<1x1x64x256xf32, #tpu.memory_space<vmem>> -> memref<1x64x256xf32, #tpu.memory_space<vmem>>
          %swap3A_2648 = arith.index_cast %swap3A_2642 : i32 to index
          %swap3A_2649 = arith.index_cast %scan3A_2593 : i32 to index
          %swap3A_2650 = arith.constant 32 : index
          %swap3A_2651 = tpu.vector_load %swap3A_2647[%swap3A_2648, %swap3A_2649, %swap3A_2650] {strides = array<i32>} : memref<1x64x256xf32, #tpu.memory_space<vmem>>, vector<1x1x16xf32>,
          %swap3A_2652 = vector.shape_cast %swap3A_2651 : vector<1x1x16xf32> to vector<16xf32>
          %swap3A_2653 = vector.shape_cast %add3A_2279 : vector<16xf32> to vector<1x1x16xf32>
          tpu.vector_store %swap3A_2647[%swap3A_2648, %swap3A_2649, %swap3A_2650], %swap3A_2653 {strides = array<i32>} : memref<1x64x256xf32, #tpu.memory_space<vmem>>, vector<1x1x16xf32>,
          %get3A_2654 = arith.constant 0 : i32
          %get3A_2655 = arith.constant 0 : i32
          %get3A_2656 = arith.constant 0 : i32
          %get3A_2657 = arith.constant 0 : i32
          %get3A_2658 = tpu.memref_slice %run_scoped3A[%rem3A_810, %get3A_2655, %get3A_2656, %get3A_2657] : memref<2x1x64x256xf32, #tpu.memory_space<vmem>> -> memref<1x1x64x256xf32, #tpu.memory_space<vmem>>
          %get3A_2659 = tpu.memref_squeeze %get3A_2658 : memref<1x1x64x256xf32, #tpu.memory_space<vmem>> -> memref<1x64x256xf32, #tpu.memory_space<vmem>>
          %get3A_2660 = arith.index_cast %get3A_2654 : i32 to index
          %get3A_2661 = arith.index_cast %scan3A_2593 : i32 to index
          %get3A_2662 = arith.constant 32 : index
          %get3A_2663 = tpu.vector_load %get3A_2659[%get3A_2660, %get3A_2661, %get3A_2662] {strides = array<i32>} : memref<1x64x256xf32, #tpu.memory_space<vmem>>, vector<1x1x16xf32>,
          %get3A_2664 = vector.shape_cast %get3A_2663 : vector<1x1x16xf32> to vector<16xf32>
          %add3A_2665 = arith.addf %add3A_2279, %get3A_2664 : vector<16xf32>
          %swap3A_2666 = arith.constant 0 : i32
          %swap3A_2667 = arith.constant 0 : i32
          %swap3A_2668 = arith.constant 0 : i32
          %swap3A_2669 = arith.constant 0 : i32
          %swap3A_2670 = tpu.memref_slice %run_scoped3A_102[%rem3A_812, %swap3A_2667, %swap3A_2668, %swap3A_2669] : memref<2x1x64x256xf32, #tpu.memory_space<vmem>> -> memref<1x1x64x256xf32, #tpu.memory_space<vmem>>
          %swap3A_2671 = tpu.memref_squeeze %swap3A_2670 : memref<1x1x64x256xf32, #tpu.memory_space<vmem>> -> memref<1x64x256xf32, #tpu.memory_space<vmem>>
          %swap3A_2672 = arith.index_cast %swap3A_2666 : i32 to index
          %swap3A_2673 = arith.index_cast %scan3A_2593 : i32 to index
          %swap3A_2674 = arith.constant 48 : index
          %swap3A_2675 = tpu.vector_load %swap3A_2671[%swap3A_2672, %swap3A_2673, %swap3A_2674] {strides = array<i32>} : memref<1x64x256xf32, #tpu.memory_space<vmem>>, vector<1x1x16xf32>,
          %swap3A_2676 = vector.shape_cast %swap3A_2675 : vector<1x1x16xf32> to vector<16xf32>
          %swap3A_2677 = vector.shape_cast %add3A_2303 : vector<16xf32> to vector<1x1x16xf32>
          tpu.vector_store %swap3A_2671[%swap3A_2672, %swap3A_2673, %swap3A_2674], %swap3A_2677 {strides = array<i32>} : memref<1x64x256xf32, #tpu.memory_space<vmem>>, vector<1x1x16xf32>,
          %get3A_2678 = arith.constant 0 : i32
          %get3A_2679 = arith.constant 0 : i32
          %get3A_2680 = arith.constant 0 : i32
          %get3A_2681 = arith.constant 0 : i32
          %get3A_2682 = tpu.memref_slice %run_scoped3A[%rem3A_810, %get3A_2679, %get3A_2680, %get3A_2681] : memref<2x1x64x256xf32, #tpu.memory_space<vmem>> -> memref<1x1x64x256xf32, #tpu.memory_space<vmem>>
          %get3A_2683 = tpu.memref_squeeze %get3A_2682 : memref<1x1x64x256xf32, #tpu.memory_space<vmem>> -> memref<1x64x256xf32, #tpu.memory_space<vmem>>
          %get3A_2684 = arith.index_cast %get3A_2678 : i32 to index
          %get3A_2685 = arith.index_cast %scan3A_2593 : i32 to index
          %get3A_2686 = arith.constant 48 : index
          %get3A_2687 = tpu.vector_load %get3A_2683[%get3A_2684, %get3A_2685, %get3A_2686] {strides = array<i32>} : memref<1x64x256xf32, #tpu.memory_space<vmem>>, vector<1x1x16xf32>,
          %get3A_2688 = vector.shape_cast %get3A_2687 : vector<1x1x16xf32> to vector<16xf32>
          %add3A_2689 = arith.addf %add3A_2303, %get3A_2688 : vector<16xf32>
          %swap3A_2690 = arith.constant 0 : i32
          %swap3A_2691 = arith.constant 0 : i32
          %swap3A_2692 = arith.constant 0 : i32
          %swap3A_2693 = arith.constant 0 : i32
          %swap3A_2694 = tpu.memref_slice %run_scoped3A_102[%rem3A_812, %swap3A_2691, %swap3A_2692, %swap3A_2693] : memref<2x1x64x256xf32, #tpu.memory_space<vmem>> -> memref<1x1x64x256xf32, #tpu.memory_space<vmem>>
          %swap3A_2695 = tpu.memref_squeeze %swap3A_2694 : memref<1x1x64x256xf32, #tpu.memory_space<vmem>> -> memref<1x64x256xf32, #tpu.memory_space<vmem>>
          %swap3A_2696 = arith.index_cast %swap3A_2690 : i32 to index
          %swap3A_2697 = arith.index_cast %scan3A_2593 : i32 to index
          %swap3A_2698 = arith.constant 64 : index
          %swap3A_2699 = tpu.vector_load %swap3A_2695[%swap3A_2696, %swap3A_2697, %swap3A_2698] {strides = array<i32>} : memref<1x64x256xf32, #tpu.memory_space<vmem>>, vector<1x1x16xf32>,
          %swap3A_2700 = vector.shape_cast %swap3A_2699 : vector<1x1x16xf32> to vector<16xf32>
          %swap3A_2701 = vector.shape_cast %add3A_2327 : vector<16xf32> to vector<1x1x16xf32>
          tpu.vector_store %swap3A_2695[%swap3A_2696, %swap3A_2697, %swap3A_2698], %swap3A_2701 {strides = array<i32>} : memref<1x64x256xf32, #tpu.memory_space<vmem>>, vector<1x1x16xf32>,
          %get3A_2702 = arith.constant 0 : i32
          %get3A_2703 = arith.constant 0 : i32
          %get3A_2704 = arith.constant 0 : i32
          %get3A_2705 = arith.constant 0 : i32
          %get3A_2706 = tpu.memref_slice %run_scoped3A[%rem3A_810, %get3A_2703, %get3A_2704, %get3A_2705] : memref<2x1x64x256xf32, #tpu.memory_space<vmem>> -> memref<1x1x64x256xf32, #tpu.memory_space<vmem>>
          %get3A_2707 = tpu.memref_squeeze %get3A_2706 : memref<1x1x64x256xf32, #tpu.memory_space<vmem>> -> memref<1x64x256xf32, #tpu.memory_space<vmem>>
          %get3A_2708 = arith.index_cast %get3A_2702 : i32 to index
          %get3A_2709 = arith.index_cast %scan3A_2593 : i32 to index
          %get3A_2710 = arith.constant 64 : index
          %get3A_2711 = tpu.vector_load %get3A_2707[%get3A_2708, %get3A_2709, %get3A_2710] {strides = array<i32>} : memref<1x64x256xf32, #tpu.memory_space<vmem>>, vector<1x1x16xf32>,
          %get3A_2712 = vector.shape_cast %get3A_2711 : vector<1x1x16xf32> to vector<16xf32>
          %add3A_2713 = arith.addf %add3A_2327, %get3A_2712 : vector<16xf32>
          %swap3A_2714 = arith.constant 0 : i32
          %swap3A_2715 = arith.constant 0 : i32
          %swap3A_2716 = arith.constant 0 : i32
          %swap3A_2717 = arith.constant 0 : i32
          %swap3A_2718 = tpu.memref_slice %run_scoped3A_102[%rem3A_812, %swap3A_2715, %swap3A_2716, %swap3A_2717] : memref<2x1x64x256xf32, #tpu.memory_space<vmem>> -> memref<1x1x64x256xf32, #tpu.memory_space<vmem>>
          %swap3A_2719 = tpu.memref_squeeze %swap3A_2718 : memref<1x1x64x256xf32, #tpu.memory_space<vmem>> -> memref<1x64x256xf32, #tpu.memory_space<vmem>>
          %swap3A_2720 = arith.index_cast %swap3A_2714 : i32 to index
          %swap3A_2721 = arith.index_cast %scan3A_2593 : i32 to index
          %swap3A_2722 = arith.constant 80 : index
          %swap3A_2723 = tpu.vector_load %swap3A_2719[%swap3A_2720, %swap3A_2721, %swap3A_2722] {strides = array<i32>} : memref<1x64x256xf32, #tpu.memory_space<vmem>>, vector<1x1x16xf32>,
          %swap3A_2724 = vector.shape_cast %swap3A_2723 : vector<1x1x16xf32> to vector<16xf32>
          %swap3A_2725 = vector.shape_cast %add3A_2351 : vector<16xf32> to vector<1x1x16xf32>
          tpu.vector_store %swap3A_2719[%swap3A_2720, %swap3A_2721, %swap3A_2722], %swap3A_2725 {strides = array<i32>} : memref<1x64x256xf32, #tpu.memory_space<vmem>>, vector<1x1x16xf32>,
          %get3A_2726 = arith.constant 0 : i32
          %get3A_2727 = arith.constant 0 : i32
          %get3A_2728 = arith.constant 0 : i32
          %get3A_2729 = arith.constant 0 : i32
          %get3A_2730 = tpu.memref_slice %run_scoped3A[%rem3A_810, %get3A_2727, %get3A_2728, %get3A_2729] : memref<2x1x64x256xf32, #tpu.memory_space<vmem>> -> memref<1x1x64x256xf32, #tpu.memory_space<vmem>>
          %get3A_2731 = tpu.memref_squeeze %get3A_2730 : memref<1x1x64x256xf32, #tpu.memory_space<vmem>> -> memref<1x64x256xf32, #tpu.memory_space<vmem>>
          %get3A_2732 = arith.index_cast %get3A_2726 : i32 to index
          %get3A_2733 = arith.index_cast %scan3A_2593 : i32 to index
          %get3A_2734 = arith.constant 80 : index
          %get3A_2735 = tpu.vector_load %get3A_2731[%get3A_2732, %get3A_2733, %get3A_2734] {strides = array<i32>} : memref<1x64x256xf32, #tpu.memory_space<vmem>>, vector<1x1x16xf32>,
          %get3A_2736 = vector.shape_cast %get3A_2735 : vector<1x1x16xf32> to vector<16xf32>
          %add3A_2737 = arith.addf %add3A_2351, %get3A_2736 : vector<16xf32>
          %swap3A_2738 = arith.constant 0 : i32
          %swap3A_2739 = arith.constant 0 : i32
          %swap3A_2740 = arith.constant 0 : i32
          %swap3A_2741 = arith.constant 0 : i32
          %swap3A_2742 = tpu.memref_slice %run_scoped3A_102[%rem3A_812, %swap3A_2739, %swap3A_2740, %swap3A_2741] : memref<2x1x64x256xf32, #tpu.memory_space<vmem>> -> memref<1x1x64x256xf32, #tpu.memory_space<vmem>>
          %swap3A_2743 = tpu.memref_squeeze %swap3A_2742 : memref<1x1x64x256xf32, #tpu.memory_space<vmem>> -> memref<1x64x256xf32, #tpu.memory_space<vmem>>
          %swap3A_2744 = arith.index_cast %swap3A_2738 : i32 to index
          %swap3A_2745 = arith.index_cast %scan3A_2593 : i32 to index
          %swap3A_2746 = arith.constant 96 : index
          %swap3A_2747 = tpu.vector_load %swap3A_2743[%swap3A_2744, %swap3A_2745, %swap3A_2746] {strides = array<i32>} : memref<1x64x256xf32, #tpu.memory_space<vmem>>, vector<1x1x16xf32>,
          %swap3A_2748 = vector.shape_cast %swap3A_2747 : vector<1x1x16xf32> to vector<16xf32>
          %swap3A_2749 = vector.shape_cast %add3A_2375 : vector<16xf32> to vector<1x1x16xf32>
          tpu.vector_store %swap3A_2743[%swap3A_2744, %swap3A_2745, %swap3A_2746], %swap3A_2749 {strides = array<i32>} : memref<1x64x256xf32, #tpu.memory_space<vmem>>, vector<1x1x16xf32>,
          %get3A_2750 = arith.constant 0 : i32
          %get3A_2751 = arith.constant 0 : i32
          %get3A_2752 = arith.constant 0 : i32
          %get3A_2753 = arith.constant 0 : i32
          %get3A_2754 = tpu.memref_slice %run_scoped3A[%rem3A_810, %get3A_2751, %get3A_2752, %get3A_2753] : memref<2x1x64x256xf32, #tpu.memory_space<vmem>> -> memref<1x1x64x256xf32, #tpu.memory_space<vmem>>
          %get3A_2755 = tpu.memref_squeeze %get3A_2754 : memref<1x1x64x256xf32, #tpu.memory_space<vmem>> -> memref<1x64x256xf32, #tpu.memory_space<vmem>>
          %get3A_2756 = arith.index_cast %get3A_2750 : i32 to index
          %get3A_2757 = arith.index_cast %scan3A_2593 : i32 to index
          %get3A_2758 = arith.constant 96 : index
          %get3A_2759 = tpu.vector_load %get3A_2755[%get3A_2756, %get3A_2757, %get3A_2758] {strides = array<i32>} : memref<1x64x256xf32, #tpu.memory_space<vmem>>, vector<1x1x16xf32>,
          %get3A_2760 = vector.shape_cast %get3A_2759 : vector<1x1x16xf32> to vector<16xf32>
          %add3A_2761 = arith.addf %add3A_2375, %get3A_2760 : vector<16xf32>
          %swap3A_2762 = arith.constant 0 : i32
          %swap3A_2763 = arith.constant 0 : i32
          %swap3A_2764 = arith.constant 0 : i32
          %swap3A_2765 = arith.constant 0 : i32
          %swap3A_2766 = tpu.memref_slice %run_scoped3A_102[%rem3A_812, %swap3A_2763, %swap3A_2764, %swap3A_2765] : memref<2x1x64x256xf32, #tpu.memory_space<vmem>> -> memref<1x1x64x256xf32, #tpu.memory_space<vmem>>
          %swap3A_2767 = tpu.memref_squeeze %swap3A_2766 : memref<1x1x64x256xf32, #tpu.memory_space<vmem>> -> memref<1x64x256xf32, #tpu.memory_space<vmem>>
          %swap3A_2768 = arith.index_cast %swap3A_2762 : i32 to index
          %swap3A_2769 = arith.index_cast %scan3A_2593 : i32 to index
          %swap3A_2770 = arith.constant 112 : index
          %swap3A_2771 = tpu.vector_load %swap3A_2767[%swap3A_2768, %swap3A_2769, %swap3A_2770] {strides = array<i32>} : memref<1x64x256xf32, #tpu.memory_space<vmem>>, vector<1x1x16xf32>,
          %swap3A_2772 = vector.shape_cast %swap3A_2771 : vector<1x1x16xf32> to vector<16xf32>
          %swap3A_2773 = vector.shape_cast %add3A_2399 : vector<16xf32> to vector<1x1x16xf32>
          tpu.vector_store %swap3A_2767[%swap3A_2768, %swap3A_2769, %swap3A_2770], %swap3A_2773 {strides = array<i32>} : memref<1x64x256xf32, #tpu.memory_space<vmem>>, vector<1x1x16xf32>,
          %get3A_2774 = arith.constant 0 : i32
          %get3A_2775 = arith.constant 0 : i32
          %get3A_2776 = arith.constant 0 : i32
          %get3A_2777 = arith.constant 0 : i32
          %get3A_2778 = tpu.memref_slice %run_scoped3A[%rem3A_810, %get3A_2775, %get3A_2776, %get3A_2777] : memref<2x1x64x256xf32, #tpu.memory_space<vmem>> -> memref<1x1x64x256xf32, #tpu.memory_space<vmem>>
          %get3A_2779 = tpu.memref_squeeze %get3A_2778 : memref<1x1x64x256xf32, #tpu.memory_space<vmem>> -> memref<1x64x256xf32, #tpu.memory_space<vmem>>
          %get3A_2780 = arith.index_cast %get3A_2774 : i32 to index
          %get3A_2781 = arith.index_cast %scan3A_2593 : i32 to index
          %get3A_2782 = arith.constant 112 : index
          %get3A_2783 = tpu.vector_load %get3A_2779[%get3A_2780, %get3A_2781, %get3A_2782] {strides = array<i32>} : memref<1x64x256xf32, #tpu.memory_space<vmem>>, vector<1x1x16xf32>,
          %get3A_2784 = vector.shape_cast %get3A_2783 : vector<1x1x16xf32> to vector<16xf32>
          %add3A_2785 = arith.addf %add3A_2399, %get3A_2784 : vector<16xf32>
          %swap3A_2786 = arith.constant 0 : i32
          %swap3A_2787 = arith.constant 0 : i32
          %swap3A_2788 = arith.constant 0 : i32
          %swap3A_2789 = arith.constant 0 : i32
          %swap3A_2790 = tpu.memref_slice %run_scoped3A_102[%rem3A_812, %swap3A_2787, %swap3A_2788, %swap3A_2789] : memref<2x1x64x256xf32, #tpu.memory_space<vmem>> -> memref<1x1x64x256xf32, #tpu.memory_space<vmem>>
          %swap3A_2791 = tpu.memref_squeeze %swap3A_2790 : memref<1x1x64x256xf32, #tpu.memory_space<vmem>> -> memref<1x64x256xf32, #tpu.memory_space<vmem>>
          %swap3A_2792 = arith.index_cast %swap3A_2786 : i32 to index
          %swap3A_2793 = arith.index_cast %scan3A_2593 : i32 to index
          %swap3A_2794 = arith.constant 128 : index
          %swap3A_2795 = tpu.vector_load %swap3A_2791[%swap3A_2792, %swap3A_2793, %swap3A_2794] {strides = array<i32>} : memref<1x64x256xf32, #tpu.memory_space<vmem>>, vector<1x1x16xf32>,
          %swap3A_2796 = vector.shape_cast %swap3A_2795 : vector<1x1x16xf32> to vector<16xf32>
          %swap3A_2797 = vector.shape_cast %add3A_2423 : vector<16xf32> to vector<1x1x16xf32>
          tpu.vector_store %swap3A_2791[%swap3A_2792, %swap3A_2793, %swap3A_2794], %swap3A_2797 {strides = array<i32>} : memref<1x64x256xf32, #tpu.memory_space<vmem>>, vector<1x1x16xf32>,
          %get3A_2798 = arith.constant 0 : i32
          %get3A_2799 = arith.constant 0 : i32
          %get3A_2800 = arith.constant 0 : i32
          %get3A_2801 = arith.constant 0 : i32
          %get3A_2802 = tpu.memref_slice %run_scoped3A[%rem3A_810, %get3A_2799, %get3A_2800, %get3A_2801] : memref<2x1x64x256xf32, #tpu.memory_space<vmem>> -> memref<1x1x64x256xf32, #tpu.memory_space<vmem>>
          %get3A_2803 = tpu.memref_squeeze %get3A_2802 : memref<1x1x64x256xf32, #tpu.memory_space<vmem>> -> memref<1x64x256xf32, #tpu.memory_space<vmem>>
          %get3A_2804 = arith.index_cast %get3A_2798 : i32 to index
          %get3A_2805 = arith.index_cast %scan3A_2593 : i32 to index
          %get3A_2806 = arith.constant 128 : index
          %get3A_2807 = tpu.vector_load %get3A_2803[%get3A_2804, %get3A_2805, %get3A_2806] {strides = array<i32>} : memref<1x64x256xf32, #tpu.memory_space<vmem>>, vector<1x1x16xf32>,
          %get3A_2808 = vector.shape_cast %get3A_2807 : vector<1x1x16xf32> to vector<16xf32>
          %add3A_2809 = arith.addf %add3A_2423, %get3A_2808 : vector<16xf32>
          %swap3A_2810 = arith.constant 0 : i32
          %swap3A_2811 = arith.constant 0 : i32
          %swap3A_2812 = arith.constant 0 : i32
          %swap3A_2813 = arith.constant 0 : i32
          %swap3A_2814 = tpu.memref_slice %run_scoped3A_102[%rem3A_812, %swap3A_2811, %swap3A_2812, %swap3A_2813] : memref<2x1x64x256xf32, #tpu.memory_space<vmem>> -> memref<1x1x64x256xf32, #tpu.memory_space<vmem>>
          %swap3A_2815 = tpu.memref_squeeze %swap3A_2814 : memref<1x1x64x256xf32, #tpu.memory_space<vmem>> -> memref<1x64x256xf32, #tpu.memory_space<vmem>>
          %swap3A_2816 = arith.index_cast %swap3A_2810 : i32 to index
          %swap3A_2817 = arith.index_cast %scan3A_2593 : i32 to index
          %swap3A_2818 = arith.constant 144 : index
          %swap3A_2819 = tpu.vector_load %swap3A_2815[%swap3A_2816, %swap3A_2817, %swap3A_2818] {strides = array<i32>} : memref<1x64x256xf32, #tpu.memory_space<vmem>>, vector<1x1x16xf32>,
          %swap3A_2820 = vector.shape_cast %swap3A_2819 : vector<1x1x16xf32> to vector<16xf32>
          %swap3A_2821 = vector.shape_cast %add3A_2447 : vector<16xf32> to vector<1x1x16xf32>
          tpu.vector_store %swap3A_2815[%swap3A_2816, %swap3A_2817, %swap3A_2818], %swap3A_2821 {strides = array<i32>} : memref<1x64x256xf32, #tpu.memory_space<vmem>>, vector<1x1x16xf32>,
          %get3A_2822 = arith.constant 0 : i32
          %get3A_2823 = arith.constant 0 : i32
          %get3A_2824 = arith.constant 0 : i32
          %get3A_2825 = arith.constant 0 : i32
          %get3A_2826 = tpu.memref_slice %run_scoped3A[%rem3A_810, %get3A_2823, %get3A_2824, %get3A_2825] : memref<2x1x64x256xf32, #tpu.memory_space<vmem>> -> memref<1x1x64x256xf32, #tpu.memory_space<vmem>>
          %get3A_2827 = tpu.memref_squeeze %get3A_2826 : memref<1x1x64x256xf32, #tpu.memory_space<vmem>> -> memref<1x64x256xf32, #tpu.memory_space<vmem>>
          %get3A_2828 = arith.index_cast %get3A_2822 : i32 to index
          %get3A_2829 = arith.index_cast %scan3A_2593 : i32 to index
          %get3A_2830 = arith.constant 144 : index
          %get3A_2831 = tpu.vector_load %get3A_2827[%get3A_2828, %get3A_2829, %get3A_2830] {strides = array<i32>} : memref<1x64x256xf32, #tpu.memory_space<vmem>>, vector<1x1x16xf32>,
          %get3A_2832 = vector.shape_cast %get3A_2831 : vector<1x1x16xf32> to vector<16xf32>
          %add3A_2833 = arith.addf %add3A_2447, %get3A_2832 : vector<16xf32>
          %swap3A_2834 = arith.constant 0 : i32
          %swap3A_2835 = arith.constant 0 : i32
          %swap3A_2836 = arith.constant 0 : i32
          %swap3A_2837 = arith.constant 0 : i32
          %swap3A_2838 = tpu.memref_slice %run_scoped3A_102[%rem3A_812, %swap3A_2835, %swap3A_2836, %swap3A_2837] : memref<2x1x64x256xf32, #tpu.memory_space<vmem>> -> memref<1x1x64x256xf32, #tpu.memory_space<vmem>>
          %swap3A_2839 = tpu.memref_squeeze %swap3A_2838 : memref<1x1x64x256xf32, #tpu.memory_space<vmem>> -> memref<1x64x256xf32, #tpu.memory_space<vmem>>
          %swap3A_2840 = arith.index_cast %swap3A_2834 : i32 to index
          %swap3A_2841 = arith.index_cast %scan3A_2593 : i32 to index
          %swap3A_2842 = arith.constant 160 : index
          %swap3A_2843 = tpu.vector_load %swap3A_2839[%swap3A_2840, %swap3A_2841, %swap3A_2842] {strides = array<i32>} : memref<1x64x256xf32, #tpu.memory_space<vmem>>, vector<1x1x16xf32>,
          %swap3A_2844 = vector.shape_cast %swap3A_2843 : vector<1x1x16xf32> to vector<16xf32>
          %swap3A_2845 = vector.shape_cast %add3A_2471 : vector<16xf32> to vector<1x1x16xf32>
          tpu.vector_store %swap3A_2839[%swap3A_2840, %swap3A_2841, %swap3A_2842], %swap3A_2845 {strides = array<i32>} : memref<1x64x256xf32, #tpu.memory_space<vmem>>, vector<1x1x16xf32>,
          %get3A_2846 = arith.constant 0 : i32
          %get3A_2847 = arith.constant 0 : i32
          %get3A_2848 = arith.constant 0 : i32
          %get3A_2849 = arith.constant 0 : i32
          %get3A_2850 = tpu.memref_slice %run_scoped3A[%rem3A_810, %get3A_2847, %get3A_2848, %get3A_2849] : memref<2x1x64x256xf32, #tpu.memory_space<vmem>> -> memref<1x1x64x256xf32, #tpu.memory_space<vmem>>
          %get3A_2851 = tpu.memref_squeeze %get3A_2850 : memref<1x1x64x256xf32, #tpu.memory_space<vmem>> -> memref<1x64x256xf32, #tpu.memory_space<vmem>>
          %get3A_2852 = arith.index_cast %get3A_2846 : i32 to index
          %get3A_2853 = arith.index_cast %scan3A_2593 : i32 to index
          %get3A_2854 = arith.constant 160 : index
          %get3A_2855 = tpu.vector_load %get3A_2851[%get3A_2852, %get3A_2853, %get3A_2854] {strides = array<i32>} : memref<1x64x256xf32, #tpu.memory_space<vmem>>, vector<1x1x16xf32>,
          %get3A_2856 = vector.shape_cast %get3A_2855 : vector<1x1x16xf32> to vector<16xf32>
          %add3A_2857 = arith.addf %add3A_2471, %get3A_2856 : vector<16xf32>
          %swap3A_2858 = arith.constant 0 : i32
          %swap3A_2859 = arith.constant 0 : i32
          %swap3A_2860 = arith.constant 0 : i32
          %swap3A_2861 = arith.constant 0 : i32
          %swap3A_2862 = tpu.memref_slice %run_scoped3A_102[%rem3A_812, %swap3A_2859, %swap3A_2860, %swap3A_2861] : memref<2x1x64x256xf32, #tpu.memory_space<vmem>> -> memref<1x1x64x256xf32, #tpu.memory_space<vmem>>
          %swap3A_2863 = tpu.memref_squeeze %swap3A_2862 : memref<1x1x64x256xf32, #tpu.memory_space<vmem>> -> memref<1x64x256xf32, #tpu.memory_space<vmem>>
          %swap3A_2864 = arith.index_cast %swap3A_2858 : i32 to index
          %swap3A_2865 = arith.index_cast %scan3A_2593 : i32 to index
          %swap3A_2866 = arith.constant 176 : index
          %swap3A_2867 = tpu.vector_load %swap3A_2863[%swap3A_2864, %swap3A_2865, %swap3A_2866] {strides = array<i32>} : memref<1x64x256xf32, #tpu.memory_space<vmem>>, vector<1x1x16xf32>,
          %swap3A_2868 = vector.shape_cast %swap3A_2867 : vector<1x1x16xf32> to vector<16xf32>
          %swap3A_2869 = vector.shape_cast %add3A_2495 : vector<16xf32> to vector<1x1x16xf32>
          tpu.vector_store %swap3A_2863[%swap3A_2864, %swap3A_2865, %swap3A_2866], %swap3A_2869 {strides = array<i32>} : memref<1x64x256xf32, #tpu.memory_space<vmem>>, vector<1x1x16xf32>,
          %get3A_2870 = arith.constant 0 : i32
          %get3A_2871 = arith.constant 0 : i32
          %get3A_2872 = arith.constant 0 : i32
          %get3A_2873 = arith.constant 0 : i32
          %get3A_2874 = tpu.memref_slice %run_scoped3A[%rem3A_810, %get3A_2871, %get3A_2872, %get3A_2873] : memref<2x1x64x256xf32, #tpu.memory_space<vmem>> -> memref<1x1x64x256xf32, #tpu.memory_space<vmem>>
          %get3A_2875 = tpu.memref_squeeze %get3A_2874 : memref<1x1x64x256xf32, #tpu.memory_space<vmem>> -> memref<1x64x256xf32, #tpu.memory_space<vmem>>
          %get3A_2876 = arith.index_cast %get3A_2870 : i32 to index
          %get3A_2877 = arith.index_cast %scan3A_2593 : i32 to index
          %get3A_2878 = arith.constant 176 : index
          %get3A_2879 = tpu.vector_load %get3A_2875[%get3A_2876, %get3A_2877, %get3A_2878] {strides = array<i32>} : memref<1x64x256xf32, #tpu.memory_space<vmem>>, vector<1x1x16xf32>,
          %get3A_2880 = vector.shape_cast %get3A_2879 : vector<1x1x16xf32> to vector<16xf32>
          %add3A_2881 = arith.addf %add3A_2495, %get3A_2880 : vector<16xf32>
          %swap3A_2882 = arith.constant 0 : i32
          %swap3A_2883 = arith.constant 0 : i32
          %swap3A_2884 = arith.constant 0 : i32
          %swap3A_2885 = arith.constant 0 : i32
          %swap3A_2886 = tpu.memref_slice %run_scoped3A_102[%rem3A_812, %swap3A_2883, %swap3A_2884, %swap3A_2885] : memref<2x1x64x256xf32, #tpu.memory_space<vmem>> -> memref<1x1x64x256xf32, #tpu.memory_space<vmem>>
          %swap3A_2887 = tpu.memref_squeeze %swap3A_2886 : memref<1x1x64x256xf32, #tpu.memory_space<vmem>> -> memref<1x64x256xf32, #tpu.memory_space<vmem>>
          %swap3A_2888 = arith.index_cast %swap3A_2882 : i32 to index
          %swap3A_2889 = arith.index_cast %scan3A_2593 : i32 to index
          %swap3A_2890 = arith.constant 192 : index
          %swap3A_2891 = tpu.vector_load %swap3A_2887[%swap3A_2888, %swap3A_2889, %swap3A_2890] {strides = array<i32>} : memref<1x64x256xf32, #tpu.memory_space<vmem>>, vector<1x1x16xf32>,
          %swap3A_2892 = vector.shape_cast %swap3A_2891 : vector<1x1x16xf32> to vector<16xf32>
          %swap3A_2893 = vector.shape_cast %add3A_2519 : vector<16xf32> to vector<1x1x16xf32>
          tpu.vector_store %swap3A_2887[%swap3A_2888, %swap3A_2889, %swap3A_2890], %swap3A_2893 {strides = array<i32>} : memref<1x64x256xf32, #tpu.memory_space<vmem>>, vector<1x1x16xf32>,
          %get3A_2894 = arith.constant 0 : i32
          %get3A_2895 = arith.constant 0 : i32
          %get3A_2896 = arith.constant 0 : i32
          %get3A_2897 = arith.constant 0 : i32
          %get3A_2898 = tpu.memref_slice %run_scoped3A[%rem3A_810, %get3A_2895, %get3A_2896, %get3A_2897] : memref<2x1x64x256xf32, #tpu.memory_space<vmem>> -> memref<1x1x64x256xf32, #tpu.memory_space<vmem>>
          %get3A_2899 = tpu.memref_squeeze %get3A_2898 : memref<1x1x64x256xf32, #tpu.memory_space<vmem>> -> memref<1x64x256xf32, #tpu.memory_space<vmem>>
          %get3A_2900 = arith.index_cast %get3A_2894 : i32 to index
          %get3A_2901 = arith.index_cast %scan3A_2593 : i32 to index
          %get3A_2902 = arith.constant 192 : index
          %get3A_2903 = tpu.vector_load %get3A_2899[%get3A_2900, %get3A_2901, %get3A_2902] {strides = array<i32>} : memref<1x64x256xf32, #tpu.memory_space<vmem>>, vector<1x1x16xf32>,
          %get3A_2904 = vector.shape_cast %get3A_2903 : vector<1x1x16xf32> to vector<16xf32>
          %add3A_2905 = arith.addf %add3A_2519, %get3A_2904 : vector<16xf32>
          %swap3A_2906 = arith.constant 0 : i32
          %swap3A_2907 = arith.constant 0 : i32
          %swap3A_2908 = arith.constant 0 : i32
          %swap3A_2909 = arith.constant 0 : i32
          %swap3A_2910 = tpu.memref_slice %run_scoped3A_102[%rem3A_812, %swap3A_2907, %swap3A_2908, %swap3A_2909] : memref<2x1x64x256xf32, #tpu.memory_space<vmem>> -> memref<1x1x64x256xf32, #tpu.memory_space<vmem>>
          %swap3A_2911 = tpu.memref_squeeze %swap3A_2910 : memref<1x1x64x256xf32, #tpu.memory_space<vmem>> -> memref<1x64x256xf32, #tpu.memory_space<vmem>>
          %swap3A_2912 = arith.index_cast %swap3A_2906 : i32 to index
          %swap3A_2913 = arith.index_cast %scan3A_2593 : i32 to index
          %swap3A_2914 = arith.constant 208 : index
          %swap3A_2915 = tpu.vector_load %swap3A_2911[%swap3A_2912, %swap3A_2913, %swap3A_2914] {strides = array<i32>} : memref<1x64x256xf32, #tpu.memory_space<vmem>>, vector<1x1x16xf32>,
          %swap3A_2916 = vector.shape_cast %swap3A_2915 : vector<1x1x16xf32> to vector<16xf32>
          %swap3A_2917 = vector.shape_cast %add3A_2543 : vector<16xf32> to vector<1x1x16xf32>
          tpu.vector_store %swap3A_2911[%swap3A_2912, %swap3A_2913, %swap3A_2914], %swap3A_2917 {strides = array<i32>} : memref<1x64x256xf32, #tpu.memory_space<vmem>>, vector<1x1x16xf32>,
          %get3A_2918 = arith.constant 0 : i32
          %get3A_2919 = arith.constant 0 : i32
          %get3A_2920 = arith.constant 0 : i32
          %get3A_2921 = arith.constant 0 : i32
          %get3A_2922 = tpu.memref_slice %run_scoped3A[%rem3A_810, %get3A_2919, %get3A_2920, %get3A_2921] : memref<2x1x64x256xf32, #tpu.memory_space<vmem>> -> memref<1x1x64x256xf32, #tpu.memory_space<vmem>>
          %get3A_2923 = tpu.memref_squeeze %get3A_2922 : memref<1x1x64x256xf32, #tpu.memory_space<vmem>> -> memref<1x64x256xf32, #tpu.memory_space<vmem>>
          %get3A_2924 = arith.index_cast %get3A_2918 : i32 to index
          %get3A_2925 = arith.index_cast %scan3A_2593 : i32 to index
          %get3A_2926 = arith.constant 208 : index
          %get3A_2927 = tpu.vector_load %get3A_2923[%get3A_2924, %get3A_2925, %get3A_2926] {strides = array<i32>} : memref<1x64x256xf32, #tpu.memory_space<vmem>>, vector<1x1x16xf32>,
          %get3A_2928 = vector.shape_cast %get3A_2927 : vector<1x1x16xf32> to vector<16xf32>
          %add3A_2929 = arith.addf %add3A_2543, %get3A_2928 : vector<16xf32>
          %swap3A_2930 = arith.constant 0 : i32
          %swap3A_2931 = arith.constant 0 : i32
          %swap3A_2932 = arith.constant 0 : i32
          %swap3A_2933 = arith.constant 0 : i32
          %swap3A_2934 = tpu.memref_slice %run_scoped3A_102[%rem3A_812, %swap3A_2931, %swap3A_2932, %swap3A_2933] : memref<2x1x64x256xf32, #tpu.memory_space<vmem>> -> memref<1x1x64x256xf32, #tpu.memory_space<vmem>>
          %swap3A_2935 = tpu.memref_squeeze %swap3A_2934 : memref<1x1x64x256xf32, #tpu.memory_space<vmem>> -> memref<1x64x256xf32, #tpu.memory_space<vmem>>
          %swap3A_2936 = arith.index_cast %swap3A_2930 : i32 to index
          %swap3A_2937 = arith.index_cast %scan3A_2593 : i32 to index
          %swap3A_2938 = arith.constant 224 : index
          %swap3A_2939 = tpu.vector_load %swap3A_2935[%swap3A_2936, %swap3A_2937, %swap3A_2938] {strides = array<i32>} : memref<1x64x256xf32, #tpu.memory_space<vmem>>, vector<1x1x16xf32>,
          %swap3A_2940 = vector.shape_cast %swap3A_2939 : vector<1x1x16xf32> to vector<16xf32>
          %swap3A_2941 = vector.shape_cast %add3A_2567 : vector<16xf32> to vector<1x1x16xf32>
          tpu.vector_store %swap3A_2935[%swap3A_2936, %swap3A_2937, %swap3A_2938], %swap3A_2941 {strides = array<i32>} : memref<1x64x256xf32, #tpu.memory_space<vmem>>, vector<1x1x16xf32>,
          %get3A_2942 = arith.constant 0 : i32
          %get3A_2943 = arith.constant 0 : i32
          %get3A_2944 = arith.constant 0 : i32
          %get3A_2945 = arith.constant 0 : i32
          %get3A_2946 = tpu.memref_slice %run_scoped3A[%rem3A_810, %get3A_2943, %get3A_2944, %get3A_2945] : memref<2x1x64x256xf32, #tpu.memory_space<vmem>> -> memref<1x1x64x256xf32, #tpu.memory_space<vmem>>
          %get3A_2947 = tpu.memref_squeeze %get3A_2946 : memref<1x1x64x256xf32, #tpu.memory_space<vmem>> -> memref<1x64x256xf32, #tpu.memory_space<vmem>>
          %get3A_2948 = arith.index_cast %get3A_2942 : i32 to index
          %get3A_2949 = arith.index_cast %scan3A_2593 : i32 to index
          %get3A_2950 = arith.constant 224 : index
          %get3A_2951 = tpu.vector_load %get3A_2947[%get3A_2948, %get3A_2949, %get3A_2950] {strides = array<i32>} : memref<1x64x256xf32, #tpu.memory_space<vmem>>, vector<1x1x16xf32>,
          %get3A_2952 = vector.shape_cast %get3A_2951 : vector<1x1x16xf32> to vector<16xf32>
          %add3A_2953 = arith.addf %add3A_2567, %get3A_2952 : vector<16xf32>
          %swap3A_2954 = arith.constant 0 : i32
          %swap3A_2955 = arith.constant 0 : i32
          %swap3A_2956 = arith.constant 0 : i32
          %swap3A_2957 = arith.constant 0 : i32
          %swap3A_2958 = tpu.memref_slice %run_scoped3A_102[%rem3A_812, %swap3A_2955, %swap3A_2956, %swap3A_2957] : memref<2x1x64x256xf32, #tpu.memory_space<vmem>> -> memref<1x1x64x256xf32, #tpu.memory_space<vmem>>
          %swap3A_2959 = tpu.memref_squeeze %swap3A_2958 : memref<1x1x64x256xf32, #tpu.memory_space<vmem>> -> memref<1x64x256xf32, #tpu.memory_space<vmem>>
          %swap3A_2960 = arith.index_cast %swap3A_2954 : i32 to index
          %swap3A_2961 = arith.index_cast %scan3A_2593 : i32 to index
          %swap3A_2962 = arith.constant 240 : index
          %swap3A_2963 = tpu.vector_load %swap3A_2959[%swap3A_2960, %swap3A_2961, %swap3A_2962] {strides = array<i32>} : memref<1x64x256xf32, #tpu.memory_space<vmem>>, vector<1x1x16xf32>,
          %swap3A_2964 = vector.shape_cast %swap3A_2963 : vector<1x1x16xf32> to vector<16xf32>
          %swap3A_2965 = vector.shape_cast %add3A_2591 : vector<16xf32> to vector<1x1x16xf32>
          tpu.vector_store %swap3A_2959[%swap3A_2960, %swap3A_2961, %swap3A_2962], %swap3A_2965 {strides = array<i32>} : memref<1x64x256xf32, #tpu.memory_space<vmem>>, vector<1x1x16xf32>,
          %get3A_2966 = arith.constant 0 : i32
          %get3A_2967 = arith.constant 0 : i32
          %get3A_2968 = arith.constant 0 : i32
          %get3A_2969 = arith.constant 0 : i32
          %get3A_2970 = tpu.memref_slice %run_scoped3A[%rem3A_810, %get3A_2967, %get3A_2968, %get3A_2969] : memref<2x1x64x256xf32, #tpu.memory_space<vmem>> -> memref<1x1x64x256xf32, #tpu.memory_space<vmem>>
          %get3A_2971 = tpu.memref_squeeze %get3A_2970 : memref<1x1x64x256xf32, #tpu.memory_space<vmem>> -> memref<1x64x256xf32, #tpu.memory_space<vmem>>
          %get3A_2972 = arith.index_cast %get3A_2966 : i32 to index
          %get3A_2973 = arith.index_cast %scan3A_2593 : i32 to index
          %get3A_2974 = arith.constant 240 : index
          %get3A_2975 = tpu.vector_load %get3A_2971[%get3A_2972, %get3A_2973, %get3A_2974] {strides = array<i32>} : memref<1x64x256xf32, #tpu.memory_space<vmem>>, vector<1x1x16xf32>,
          %get3A_2976 = vector.shape_cast %get3A_2975 : vector<1x1x16xf32> to vector<16xf32>
          %add3A_2977 = arith.addf %add3A_2591, %get3A_2976 : vector<16xf32>
          %scan3A_2978 = arith.constant 4 : i32
          %scan3A_2979 = arith.addi %scan3A_1419, %scan3A_2978 : i32
          %swap3A_2980 = arith.constant 0 : i32
          %swap3A_2981 = arith.constant 0 : i32
          %swap3A_2982 = arith.constant 0 : i32
          %swap3A_2983 = arith.constant 0 : i32
          %swap3A_2984 = tpu.memref_slice %run_scoped3A_102[%rem3A_812, %swap3A_2981, %swap3A_2982, %swap3A_2983] : memref<2x1x64x256xf32, #tpu.memory_space<vmem>> -> memref<1x1x64x256xf32, #tpu.memory_space<vmem>>
          %swap3A_2985 = tpu.memref_squeeze %swap3A_2984 : memref<1x1x64x256xf32, #tpu.memory_space<vmem>> -> memref<1x64x256xf32, #tpu.memory_space<vmem>>
          %swap3A_2986 = arith.index_cast %swap3A_2980 : i32 to index
          %swap3A_2987 = arith.index_cast %scan3A_2979 : i32 to index
          %swap3A_2988 = arith.constant 0 : index
          %swap3A_2989 = tpu.vector_load %swap3A_2985[%swap3A_2986, %swap3A_2987, %swap3A_2988] {strides = array<i32>} : memref<1x64x256xf32, #tpu.memory_space<vmem>>, vector<1x1x16xf32>,
          %swap3A_2990 = vector.shape_cast %swap3A_2989 : vector<1x1x16xf32> to vector<16xf32>
          %swap3A_2991 = vector.shape_cast %add3A_2617 : vector<16xf32> to vector<1x1x16xf32>
          tpu.vector_store %swap3A_2985[%swap3A_2986, %swap3A_2987, %swap3A_2988], %swap3A_2991 {strides = array<i32>} : memref<1x64x256xf32, #tpu.memory_space<vmem>>, vector<1x1x16xf32>,
          %get3A_2992 = arith.constant 0 : i32
          %get3A_2993 = arith.constant 0 : i32
          %get3A_2994 = arith.constant 0 : i32
          %get3A_2995 = arith.constant 0 : i32
          %get3A_2996 = tpu.memref_slice %run_scoped3A[%rem3A_810, %get3A_2993, %get3A_2994, %get3A_2995] : memref<2x1x64x256xf32, #tpu.memory_space<vmem>> -> memref<1x1x64x256xf32, #tpu.memory_space<vmem>>
          %get3A_2997 = tpu.memref_squeeze %get3A_2996 : memref<1x1x64x256xf32, #tpu.memory_space<vmem>> -> memref<1x64x256xf32, #tpu.memory_space<vmem>>
          %get3A_2998 = arith.index_cast %get3A_2992 : i32 to index
          %get3A_2999 = arith.index_cast %scan3A_2979 : i32 to index
          %get3A_3000 = arith.constant 0 : index
          %get3A_3001 = tpu.vector_load %get3A_2997[%get3A_2998, %get3A_2999, %get3A_3000] {strides = array<i32>} : memref<1x64x256xf32, #tpu.memory_space<vmem>>, vector<1x1x16xf32>,
          %get3A_3002 = vector.shape_cast %get3A_3001 : vector<1x1x16xf32> to vector<16xf32>
          %add3A_3003 = arith.addf %add3A_2617, %get3A_3002 : vector<16xf32>
          %swap3A_3004 = arith.constant 0 : i32
          %swap3A_3005 = arith.constant 0 : i32
          %swap3A_3006 = arith.constant 0 : i32
          %swap3A_3007 = arith.constant 0 : i32
          %swap3A_3008 = tpu.memref_slice %run_scoped3A_102[%rem3A_812, %swap3A_3005, %swap3A_3006, %swap3A_3007] : memref<2x1x64x256xf32, #tpu.memory_space<vmem>> -> memref<1x1x64x256xf32, #tpu.memory_space<vmem>>
          %swap3A_3009 = tpu.memref_squeeze %swap3A_3008 : memref<1x1x64x256xf32, #tpu.memory_space<vmem>> -> memref<1x64x256xf32, #tpu.memory_space<vmem>>
          %swap3A_3010 = arith.index_cast %swap3A_3004 : i32 to index
          %swap3A_3011 = arith.index_cast %scan3A_2979 : i32 to index
          %swap3A_3012 = arith.constant 16 : index
          %swap3A_3013 = tpu.vector_load %swap3A_3009[%swap3A_3010, %swap3A_3011, %swap3A_3012] {strides = array<i32>} : memref<1x64x256xf32, #tpu.memory_space<vmem>>, vector<1x1x16xf32>,
          %swap3A_3014 = vector.shape_cast %swap3A_3013 : vector<1x1x16xf32> to vector<16xf32>
          %swap3A_3015 = vector.shape_cast %add3A_2641 : vector<16xf32> to vector<1x1x16xf32>
          tpu.vector_store %swap3A_3009[%swap3A_3010, %swap3A_3011, %swap3A_3012], %swap3A_3015 {strides = array<i32>} : memref<1x64x256xf32, #tpu.memory_space<vmem>>, vector<1x1x16xf32>,
          %get3A_3016 = arith.constant 0 : i32
          %get3A_3017 = arith.constant 0 : i32
          %get3A_3018 = arith.constant 0 : i32
          %get3A_3019 = arith.constant 0 : i32
          %get3A_3020 = tpu.memref_slice %run_scoped3A[%rem3A_810, %get3A_3017, %get3A_3018, %get3A_3019] : memref<2x1x64x256xf32, #tpu.memory_space<vmem>> -> memref<1x1x64x256xf32, #tpu.memory_space<vmem>>
          %get3A_3021 = tpu.memref_squeeze %get3A_3020 : memref<1x1x64x256xf32, #tpu.memory_space<vmem>> -> memref<1x64x256xf32, #tpu.memory_space<vmem>>
          %get3A_3022 = arith.index_cast %get3A_3016 : i32 to index
          %get3A_3023 = arith.index_cast %scan3A_2979 : i32 to index
          %get3A_3024 = arith.constant 16 : index
          %get3A_3025 = tpu.vector_load %get3A_3021[%get3A_3022, %get3A_3023, %get3A_3024] {strides = array<i32>} : memref<1x64x256xf32, #tpu.memory_space<vmem>>, vector<1x1x16xf32>,
          %get3A_3026 = vector.shape_cast %get3A_3025 : vector<1x1x16xf32> to vector<16xf32>
          %add3A_3027 = arith.addf %add3A_2641, %get3A_3026 : vector<16xf32>
          %swap3A_3028 = arith.constant 0 : i32
          %swap3A_3029 = arith.constant 0 : i32
          %swap3A_3030 = arith.constant 0 : i32
          %swap3A_3031 = arith.constant 0 : i32
          %swap3A_3032 = tpu.memref_slice %run_scoped3A_102[%rem3A_812, %swap3A_3029, %swap3A_3030, %swap3A_3031] : memref<2x1x64x256xf32, #tpu.memory_space<vmem>> -> memref<1x1x64x256xf32, #tpu.memory_space<vmem>>
          %swap3A_3033 = tpu.memref_squeeze %swap3A_3032 : memref<1x1x64x256xf32, #tpu.memory_space<vmem>> -> memref<1x64x256xf32, #tpu.memory_space<vmem>>
          %swap3A_3034 = arith.index_cast %swap3A_3028 : i32 to index
          %swap3A_3035 = arith.index_cast %scan3A_2979 : i32 to index
          %swap3A_3036 = arith.constant 32 : index
          %swap3A_3037 = tpu.vector_load %swap3A_3033[%swap3A_3034, %swap3A_3035, %swap3A_3036] {strides = array<i32>} : memref<1x64x256xf32, #tpu.memory_space<vmem>>, vector<1x1x16xf32>,
          %swap3A_3038 = vector.shape_cast %swap3A_3037 : vector<1x1x16xf32> to vector<16xf32>
          %swap3A_3039 = vector.shape_cast %add3A_2665 : vector<16xf32> to vector<1x1x16xf32>
          tpu.vector_store %swap3A_3033[%swap3A_3034, %swap3A_3035, %swap3A_3036], %swap3A_3039 {strides = array<i32>} : memref<1x64x256xf32, #tpu.memory_space<vmem>>, vector<1x1x16xf32>,
          %get3A_3040 = arith.constant 0 : i32
          %get3A_3041 = arith.constant 0 : i32
          %get3A_3042 = arith.constant 0 : i32
          %get3A_3043 = arith.constant 0 : i32
          %get3A_3044 = tpu.memref_slice %run_scoped3A[%rem3A_810, %get3A_3041, %get3A_3042, %get3A_3043] : memref<2x1x64x256xf32, #tpu.memory_space<vmem>> -> memref<1x1x64x256xf32, #tpu.memory_space<vmem>>
          %get3A_3045 = tpu.memref_squeeze %get3A_3044 : memref<1x1x64x256xf32, #tpu.memory_space<vmem>> -> memref<1x64x256xf32, #tpu.memory_space<vmem>>
          %get3A_3046 = arith.index_cast %get3A_3040 : i32 to index
          %get3A_3047 = arith.index_cast %scan3A_2979 : i32 to index
          %get3A_3048 = arith.constant 32 : index
          %get3A_3049 = tpu.vector_load %get3A_3045[%get3A_3046, %get3A_3047, %get3A_3048] {strides = array<i32>} : memref<1x64x256xf32, #tpu.memory_space<vmem>>, vector<1x1x16xf32>,
          %get3A_3050 = vector.shape_cast %get3A_3049 : vector<1x1x16xf32> to vector<16xf32>
          %add3A_3051 = arith.addf %add3A_2665, %get3A_3050 : vector<16xf32>
          %swap3A_3052 = arith.constant 0 : i32
          %swap3A_3053 = arith.constant 0 : i32
          %swap3A_3054 = arith.constant 0 : i32
          %swap3A_3055 = arith.constant 0 : i32
          %swap3A_3056 = tpu.memref_slice %run_scoped3A_102[%rem3A_812, %swap3A_3053, %swap3A_3054, %swap3A_3055] : memref<2x1x64x256xf32, #tpu.memory_space<vmem>> -> memref<1x1x64x256xf32, #tpu.memory_space<vmem>>
          %swap3A_3057 = tpu.memref_squeeze %swap3A_3056 : memref<1x1x64x256xf32, #tpu.memory_space<vmem>> -> memref<1x64x256xf32, #tpu.memory_space<vmem>>
          %swap3A_3058 = arith.index_cast %swap3A_3052 : i32 to index
          %swap3A_3059 = arith.index_cast %scan3A_2979 : i32 to index
          %swap3A_3060 = arith.constant 48 : index
          %swap3A_3061 = tpu.vector_load %swap3A_3057[%swap3A_3058, %swap3A_3059, %swap3A_3060] {strides = array<i32>} : memref<1x64x256xf32, #tpu.memory_space<vmem>>, vector<1x1x16xf32>,
          %swap3A_3062 = vector.shape_cast %swap3A_3061 : vector<1x1x16xf32> to vector<16xf32>
          %swap3A_3063 = vector.shape_cast %add3A_2689 : vector<16xf32> to vector<1x1x16xf32>
          tpu.vector_store %swap3A_3057[%swap3A_3058, %swap3A_3059, %swap3A_3060], %swap3A_3063 {strides = array<i32>} : memref<1x64x256xf32, #tpu.memory_space<vmem>>, vector<1x1x16xf32>,
          %get3A_3064 = arith.constant 0 : i32
          %get3A_3065 = arith.constant 0 : i32
          %get3A_3066 = arith.constant 0 : i32
          %get3A_3067 = arith.constant 0 : i32
          %get3A_3068 = tpu.memref_slice %run_scoped3A[%rem3A_810, %get3A_3065, %get3A_3066, %get3A_3067] : memref<2x1x64x256xf32, #tpu.memory_space<vmem>> -> memref<1x1x64x256xf32, #tpu.memory_space<vmem>>
          %get3A_3069 = tpu.memref_squeeze %get3A_3068 : memref<1x1x64x256xf32, #tpu.memory_space<vmem>> -> memref<1x64x256xf32, #tpu.memory_space<vmem>>
          %get3A_3070 = arith.index_cast %get3A_3064 : i32 to index
          %get3A_3071 = arith.index_cast %scan3A_2979 : i32 to index
          %get3A_3072 = arith.constant 48 : index
          %get3A_3073 = tpu.vector_load %get3A_3069[%get3A_3070, %get3A_3071, %get3A_3072] {strides = array<i32>} : memref<1x64x256xf32, #tpu.memory_space<vmem>>, vector<1x1x16xf32>,
          %get3A_3074 = vector.shape_cast %get3A_3073 : vector<1x1x16xf32> to vector<16xf32>
          %add3A_3075 = arith.addf %add3A_2689, %get3A_3074 : vector<16xf32>
          %swap3A_3076 = arith.constant 0 : i32
          %swap3A_3077 = arith.constant 0 : i32
          %swap3A_3078 = arith.constant 0 : i32
          %swap3A_3079 = arith.constant 0 : i32
          %swap3A_3080 = tpu.memref_slice %run_scoped3A_102[%rem3A_812, %swap3A_3077, %swap3A_3078, %swap3A_3079] : memref<2x1x64x256xf32, #tpu.memory_space<vmem>> -> memref<1x1x64x256xf32, #tpu.memory_space<vmem>>
          %swap3A_3081 = tpu.memref_squeeze %swap3A_3080 : memref<1x1x64x256xf32, #tpu.memory_space<vmem>> -> memref<1x64x256xf32, #tpu.memory_space<vmem>>
          %swap3A_3082 = arith.index_cast %swap3A_3076 : i32 to index
          %swap3A_3083 = arith.index_cast %scan3A_2979 : i32 to index
          %swap3A_3084 = arith.constant 64 : index
          %swap3A_3085 = tpu.vector_load %swap3A_3081[%swap3A_3082, %swap3A_3083, %swap3A_3084] {strides = array<i32>} : memref<1x64x256xf32, #tpu.memory_space<vmem>>, vector<1x1x16xf32>,
          %swap3A_3086 = vector.shape_cast %swap3A_3085 : vector<1x1x16xf32> to vector<16xf32>
          %swap3A_3087 = vector.shape_cast %add3A_2713 : vector<16xf32> to vector<1x1x16xf32>
          tpu.vector_store %swap3A_3081[%swap3A_3082, %swap3A_3083, %swap3A_3084], %swap3A_3087 {strides = array<i32>} : memref<1x64x256xf32, #tpu.memory_space<vmem>>, vector<1x1x16xf32>,
          %get3A_3088 = arith.constant 0 : i32
          %get3A_3089 = arith.constant 0 : i32
          %get3A_3090 = arith.constant 0 : i32
          %get3A_3091 = arith.constant 0 : i32
          %get3A_3092 = tpu.memref_slice %run_scoped3A[%rem3A_810, %get3A_3089, %get3A_3090, %get3A_3091] : memref<2x1x64x256xf32, #tpu.memory_space<vmem>> -> memref<1x1x64x256xf32, #tpu.memory_space<vmem>>
          %get3A_3093 = tpu.memref_squeeze %get3A_3092 : memref<1x1x64x256xf32, #tpu.memory_space<vmem>> -> memref<1x64x256xf32, #tpu.memory_space<vmem>>
          %get3A_3094 = arith.index_cast %get3A_3088 : i32 to index
          %get3A_3095 = arith.index_cast %scan3A_2979 : i32 to index
          %get3A_3096 = arith.constant 64 : index
          %get3A_3097 = tpu.vector_load %get3A_3093[%get3A_3094, %get3A_3095, %get3A_3096] {strides = array<i32>} : memref<1x64x256xf32, #tpu.memory_space<vmem>>, vector<1x1x16xf32>,
          %get3A_3098 = vector.shape_cast %get3A_3097 : vector<1x1x16xf32> to vector<16xf32>
          %add3A_3099 = arith.addf %add3A_2713, %get3A_3098 : vector<16xf32>
          %swap3A_3100 = arith.constant 0 : i32
          %swap3A_3101 = arith.constant 0 : i32
          %swap3A_3102 = arith.constant 0 : i32
          %swap3A_3103 = arith.constant 0 : i32
          %swap3A_3104 = tpu.memref_slice %run_scoped3A_102[%rem3A_812, %swap3A_3101, %swap3A_3102, %swap3A_3103] : memref<2x1x64x256xf32, #tpu.memory_space<vmem>> -> memref<1x1x64x256xf32, #tpu.memory_space<vmem>>
          %swap3A_3105 = tpu.memref_squeeze %swap3A_3104 : memref<1x1x64x256xf32, #tpu.memory_space<vmem>> -> memref<1x64x256xf32, #tpu.memory_space<vmem>>
          %swap3A_3106 = arith.index_cast %swap3A_3100 : i32 to index
          %swap3A_3107 = arith.index_cast %scan3A_2979 : i32 to index
          %swap3A_3108 = arith.constant 80 : index
          %swap3A_3109 = tpu.vector_load %swap3A_3105[%swap3A_3106, %swap3A_3107, %swap3A_3108] {strides = array<i32>} : memref<1x64x256xf32, #tpu.memory_space<vmem>>, vector<1x1x16xf32>,
          %swap3A_3110 = vector.shape_cast %swap3A_3109 : vector<1x1x16xf32> to vector<16xf32>
          %swap3A_3111 = vector.shape_cast %add3A_2737 : vector<16xf32> to vector<1x1x16xf32>
          tpu.vector_store %swap3A_3105[%swap3A_3106, %swap3A_3107, %swap3A_3108], %swap3A_3111 {strides = array<i32>} : memref<1x64x256xf32, #tpu.memory_space<vmem>>, vector<1x1x16xf32>,
          %get3A_3112 = arith.constant 0 : i32
          %get3A_3113 = arith.constant 0 : i32
          %get3A_3114 = arith.constant 0 : i32
          %get3A_3115 = arith.constant 0 : i32
          %get3A_3116 = tpu.memref_slice %run_scoped3A[%rem3A_810, %get3A_3113, %get3A_3114, %get3A_3115] : memref<2x1x64x256xf32, #tpu.memory_space<vmem>> -> memref<1x1x64x256xf32, #tpu.memory_space<vmem>>
          %get3A_3117 = tpu.memref_squeeze %get3A_3116 : memref<1x1x64x256xf32, #tpu.memory_space<vmem>> -> memref<1x64x256xf32, #tpu.memory_space<vmem>>
          %get3A_3118 = arith.index_cast %get3A_3112 : i32 to index
          %get3A_3119 = arith.index_cast %scan3A_2979 : i32 to index
          %get3A_3120 = arith.constant 80 : index
          %get3A_3121 = tpu.vector_load %get3A_3117[%get3A_3118, %get3A_3119, %get3A_3120] {strides = array<i32>} : memref<1x64x256xf32, #tpu.memory_space<vmem>>, vector<1x1x16xf32>,
          %get3A_3122 = vector.shape_cast %get3A_3121 : vector<1x1x16xf32> to vector<16xf32>
          %add3A_3123 = arith.addf %add3A_2737, %get3A_3122 : vector<16xf32>
          %swap3A_3124 = arith.constant 0 : i32
          %swap3A_3125 = arith.constant 0 : i32
          %swap3A_3126 = arith.constant 0 : i32
          %swap3A_3127 = arith.constant 0 : i32
          %swap3A_3128 = tpu.memref_slice %run_scoped3A_102[%rem3A_812, %swap3A_3125, %swap3A_3126, %swap3A_3127] : memref<2x1x64x256xf32, #tpu.memory_space<vmem>> -> memref<1x1x64x256xf32, #tpu.memory_space<vmem>>
          %swap3A_3129 = tpu.memref_squeeze %swap3A_3128 : memref<1x1x64x256xf32, #tpu.memory_space<vmem>> -> memref<1x64x256xf32, #tpu.memory_space<vmem>>
          %swap3A_3130 = arith.index_cast %swap3A_3124 : i32 to index
          %swap3A_3131 = arith.index_cast %scan3A_2979 : i32 to index
          %swap3A_3132 = arith.constant 96 : index
          %swap3A_3133 = tpu.vector_load %swap3A_3129[%swap3A_3130, %swap3A_3131, %swap3A_3132] {strides = array<i32>} : memref<1x64x256xf32, #tpu.memory_space<vmem>>, vector<1x1x16xf32>,
          %swap3A_3134 = vector.shape_cast %swap3A_3133 : vector<1x1x16xf32> to vector<16xf32>
          %swap3A_3135 = vector.shape_cast %add3A_2761 : vector<16xf32> to vector<1x1x16xf32>
          tpu.vector_store %swap3A_3129[%swap3A_3130, %swap3A_3131, %swap3A_3132], %swap3A_3135 {strides = array<i32>} : memref<1x64x256xf32, #tpu.memory_space<vmem>>, vector<1x1x16xf32>,
          %get3A_3136 = arith.constant 0 : i32
          %get3A_3137 = arith.constant 0 : i32
          %get3A_3138 = arith.constant 0 : i32
          %get3A_3139 = arith.constant 0 : i32
          %get3A_3140 = tpu.memref_slice %run_scoped3A[%rem3A_810, %get3A_3137, %get3A_3138, %get3A_3139] : memref<2x1x64x256xf32, #tpu.memory_space<vmem>> -> memref<1x1x64x256xf32, #tpu.memory_space<vmem>>
          %get3A_3141 = tpu.memref_squeeze %get3A_3140 : memref<1x1x64x256xf32, #tpu.memory_space<vmem>> -> memref<1x64x256xf32, #tpu.memory_space<vmem>>
          %get3A_3142 = arith.index_cast %get3A_3136 : i32 to index
          %get3A_3143 = arith.index_cast %scan3A_2979 : i32 to index
          %get3A_3144 = arith.constant 96 : index
          %get3A_3145 = tpu.vector_load %get3A_3141[%get3A_3142, %get3A_3143, %get3A_3144] {strides = array<i32>} : memref<1x64x256xf32, #tpu.memory_space<vmem>>, vector<1x1x16xf32>,
          %get3A_3146 = vector.shape_cast %get3A_3145 : vector<1x1x16xf32> to vector<16xf32>
          %add3A_3147 = arith.addf %add3A_2761, %get3A_3146 : vector<16xf32>
          %swap3A_3148 = arith.constant 0 : i32
          %swap3A_3149 = arith.constant 0 : i32
          %swap3A_3150 = arith.constant 0 : i32
          %swap3A_3151 = arith.constant 0 : i32
          %swap3A_3152 = tpu.memref_slice %run_scoped3A_102[%rem3A_812, %swap3A_3149, %swap3A_3150, %swap3A_3151] : memref<2x1x64x256xf32, #tpu.memory_space<vmem>> -> memref<1x1x64x256xf32, #tpu.memory_space<vmem>>
          %swap3A_3153 = tpu.memref_squeeze %swap3A_3152 : memref<1x1x64x256xf32, #tpu.memory_space<vmem>> -> memref<1x64x256xf32, #tpu.memory_space<vmem>>
          %swap3A_3154 = arith.index_cast %swap3A_3148 : i32 to index
          %swap3A_3155 = arith.index_cast %scan3A_2979 : i32 to index
          %swap3A_3156 = arith.constant 112 : index
          %swap3A_3157 = tpu.vector_load %swap3A_3153[%swap3A_3154, %swap3A_3155, %swap3A_3156] {strides = array<i32>} : memref<1x64x256xf32, #tpu.memory_space<vmem>>, vector<1x1x16xf32>,
          %swap3A_3158 = vector.shape_cast %swap3A_3157 : vector<1x1x16xf32> to vector<16xf32>
          %swap3A_3159 = vector.shape_cast %add3A_2785 : vector<16xf32> to vector<1x1x16xf32>
          tpu.vector_store %swap3A_3153[%swap3A_3154, %swap3A_3155, %swap3A_3156], %swap3A_3159 {strides = array<i32>} : memref<1x64x256xf32, #tpu.memory_space<vmem>>, vector<1x1x16xf32>,
          %get3A_3160 = arith.constant 0 : i32
          %get3A_3161 = arith.constant 0 : i32
          %get3A_3162 = arith.constant 0 : i32
          %get3A_3163 = arith.constant 0 : i32
          %get3A_3164 = tpu.memref_slice %run_scoped3A[%rem3A_810, %get3A_3161, %get3A_3162, %get3A_3163] : memref<2x1x64x256xf32, #tpu.memory_space<vmem>> -> memref<1x1x64x256xf32, #tpu.memory_space<vmem>>
          %get3A_3165 = tpu.memref_squeeze %get3A_3164 : memref<1x1x64x256xf32, #tpu.memory_space<vmem>> -> memref<1x64x256xf32, #tpu.memory_space<vmem>>
          %get3A_3166 = arith.index_cast %get3A_3160 : i32 to index
          %get3A_3167 = arith.index_cast %scan3A_2979 : i32 to index
          %get3A_3168 = arith.constant 112 : index
          %get3A_3169 = tpu.vector_load %get3A_3165[%get3A_3166, %get3A_3167, %get3A_3168] {strides = array<i32>} : memref<1x64x256xf32, #tpu.memory_space<vmem>>, vector<1x1x16xf32>,
          %get3A_3170 = vector.shape_cast %get3A_3169 : vector<1x1x16xf32> to vector<16xf32>
          %add3A_3171 = arith.addf %add3A_2785, %get3A_3170 : vector<16xf32>
          %swap3A_3172 = arith.constant 0 : i32
          %swap3A_3173 = arith.constant 0 : i32
          %swap3A_3174 = arith.constant 0 : i32
          %swap3A_3175 = arith.constant 0 : i32
          %swap3A_3176 = tpu.memref_slice %run_scoped3A_102[%rem3A_812, %swap3A_3173, %swap3A_3174, %swap3A_3175] : memref<2x1x64x256xf32, #tpu.memory_space<vmem>> -> memref<1x1x64x256xf32, #tpu.memory_space<vmem>>
          %swap3A_3177 = tpu.memref_squeeze %swap3A_3176 : memref<1x1x64x256xf32, #tpu.memory_space<vmem>> -> memref<1x64x256xf32, #tpu.memory_space<vmem>>
          %swap3A_3178 = arith.index_cast %swap3A_3172 : i32 to index
          %swap3A_3179 = arith.index_cast %scan3A_2979 : i32 to index
          %swap3A_3180 = arith.constant 128 : index
          %swap3A_3181 = tpu.vector_load %swap3A_3177[%swap3A_3178, %swap3A_3179, %swap3A_3180] {strides = array<i32>} : memref<1x64x256xf32, #tpu.memory_space<vmem>>, vector<1x1x16xf32>,
          %swap3A_3182 = vector.shape_cast %swap3A_3181 : vector<1x1x16xf32> to vector<16xf32>
          %swap3A_3183 = vector.shape_cast %add3A_2809 : vector<16xf32> to vector<1x1x16xf32>
          tpu.vector_store %swap3A_3177[%swap3A_3178, %swap3A_3179, %swap3A_3180], %swap3A_3183 {strides = array<i32>} : memref<1x64x256xf32, #tpu.memory_space<vmem>>, vector<1x1x16xf32>,
          %get3A_3184 = arith.constant 0 : i32
          %get3A_3185 = arith.constant 0 : i32
          %get3A_3186 = arith.constant 0 : i32
          %get3A_3187 = arith.constant 0 : i32
          %get3A_3188 = tpu.memref_slice %run_scoped3A[%rem3A_810, %get3A_3185, %get3A_3186, %get3A_3187] : memref<2x1x64x256xf32, #tpu.memory_space<vmem>> -> memref<1x1x64x256xf32, #tpu.memory_space<vmem>>
          %get3A_3189 = tpu.memref_squeeze %get3A_3188 : memref<1x1x64x256xf32, #tpu.memory_space<vmem>> -> memref<1x64x256xf32, #tpu.memory_space<vmem>>
          %get3A_3190 = arith.index_cast %get3A_3184 : i32 to index
          %get3A_3191 = arith.index_cast %scan3A_2979 : i32 to index
          %get3A_3192 = arith.constant 128 : index
          %get3A_3193 = tpu.vector_load %get3A_3189[%get3A_3190, %get3A_3191, %get3A_3192] {strides = array<i32>} : memref<1x64x256xf32, #tpu.memory_space<vmem>>, vector<1x1x16xf32>,
          %get3A_3194 = vector.shape_cast %get3A_3193 : vector<1x1x16xf32> to vector<16xf32>
          %add3A_3195 = arith.addf %add3A_2809, %get3A_3194 : vector<16xf32>
          %swap3A_3196 = arith.constant 0 : i32
          %swap3A_3197 = arith.constant 0 : i32
          %swap3A_3198 = arith.constant 0 : i32
          %swap3A_3199 = arith.constant 0 : i32
          %swap3A_3200 = tpu.memref_slice %run_scoped3A_102[%rem3A_812, %swap3A_3197, %swap3A_3198, %swap3A_3199] : memref<2x1x64x256xf32, #tpu.memory_space<vmem>> -> memref<1x1x64x256xf32, #tpu.memory_space<vmem>>
          %swap3A_3201 = tpu.memref_squeeze %swap3A_3200 : memref<1x1x64x256xf32, #tpu.memory_space<vmem>> -> memref<1x64x256xf32, #tpu.memory_space<vmem>>
          %swap3A_3202 = arith.index_cast %swap3A_3196 : i32 to index
          %swap3A_3203 = arith.index_cast %scan3A_2979 : i32 to index
          %swap3A_3204 = arith.constant 144 : index
          %swap3A_3205 = tpu.vector_load %swap3A_3201[%swap3A_3202, %swap3A_3203, %swap3A_3204] {strides = array<i32>} : memref<1x64x256xf32, #tpu.memory_space<vmem>>, vector<1x1x16xf32>,
          %swap3A_3206 = vector.shape_cast %swap3A_3205 : vector<1x1x16xf32> to vector<16xf32>
          %swap3A_3207 = vector.shape_cast %add3A_2833 : vector<16xf32> to vector<1x1x16xf32>
          tpu.vector_store %swap3A_3201[%swap3A_3202, %swap3A_3203, %swap3A_3204], %swap3A_3207 {strides = array<i32>} : memref<1x64x256xf32, #tpu.memory_space<vmem>>, vector<1x1x16xf32>,
          %get3A_3208 = arith.constant 0 : i32
          %get3A_3209 = arith.constant 0 : i32
          %get3A_3210 = arith.constant 0 : i32
          %get3A_3211 = arith.constant 0 : i32
          %get3A_3212 = tpu.memref_slice %run_scoped3A[%rem3A_810, %get3A_3209, %get3A_3210, %get3A_3211] : memref<2x1x64x256xf32, #tpu.memory_space<vmem>> -> memref<1x1x64x256xf32, #tpu.memory_space<vmem>>
          %get3A_3213 = tpu.memref_squeeze %get3A_3212 : memref<1x1x64x256xf32, #tpu.memory_space<vmem>> -> memref<1x64x256xf32, #tpu.memory_space<vmem>>
          %get3A_3214 = arith.index_cast %get3A_3208 : i32 to index
          %get3A_3215 = arith.index_cast %scan3A_2979 : i32 to index
          %get3A_3216 = arith.constant 144 : index
          %get3A_3217 = tpu.vector_load %get3A_3213[%get3A_3214, %get3A_3215, %get3A_3216] {strides = array<i32>} : memref<1x64x256xf32, #tpu.memory_space<vmem>>, vector<1x1x16xf32>,
          %get3A_3218 = vector.shape_cast %get3A_3217 : vector<1x1x16xf32> to vector<16xf32>
          %add3A_3219 = arith.addf %add3A_2833, %get3A_3218 : vector<16xf32>
          %swap3A_3220 = arith.constant 0 : i32
          %swap3A_3221 = arith.constant 0 : i32
          %swap3A_3222 = arith.constant 0 : i32
          %swap3A_3223 = arith.constant 0 : i32
          %swap3A_3224 = tpu.memref_slice %run_scoped3A_102[%rem3A_812, %swap3A_3221, %swap3A_3222, %swap3A_3223] : memref<2x1x64x256xf32, #tpu.memory_space<vmem>> -> memref<1x1x64x256xf32, #tpu.memory_space<vmem>>
          %swap3A_3225 = tpu.memref_squeeze %swap3A_3224 : memref<1x1x64x256xf32, #tpu.memory_space<vmem>> -> memref<1x64x256xf32, #tpu.memory_space<vmem>>
          %swap3A_3226 = arith.index_cast %swap3A_3220 : i32 to index
          %swap3A_3227 = arith.index_cast %scan3A_2979 : i32 to index
          %swap3A_3228 = arith.constant 160 : index
          %swap3A_3229 = tpu.vector_load %swap3A_3225[%swap3A_3226, %swap3A_3227, %swap3A_3228] {strides = array<i32>} : memref<1x64x256xf32, #tpu.memory_space<vmem>>, vector<1x1x16xf32>,
          %swap3A_3230 = vector.shape_cast %swap3A_3229 : vector<1x1x16xf32> to vector<16xf32>
          %swap3A_3231 = vector.shape_cast %add3A_2857 : vector<16xf32> to vector<1x1x16xf32>
          tpu.vector_store %swap3A_3225[%swap3A_3226, %swap3A_3227, %swap3A_3228], %swap3A_3231 {strides = array<i32>} : memref<1x64x256xf32, #tpu.memory_space<vmem>>, vector<1x1x16xf32>,
          %get3A_3232 = arith.constant 0 : i32
          %get3A_3233 = arith.constant 0 : i32
          %get3A_3234 = arith.constant 0 : i32
          %get3A_3235 = arith.constant 0 : i32
          %get3A_3236 = tpu.memref_slice %run_scoped3A[%rem3A_810, %get3A_3233, %get3A_3234, %get3A_3235] : memref<2x1x64x256xf32, #tpu.memory_space<vmem>> -> memref<1x1x64x256xf32, #tpu.memory_space<vmem>>
          %get3A_3237 = tpu.memref_squeeze %get3A_3236 : memref<1x1x64x256xf32, #tpu.memory_space<vmem>> -> memref<1x64x256xf32, #tpu.memory_space<vmem>>
          %get3A_3238 = arith.index_cast %get3A_3232 : i32 to index
          %get3A_3239 = arith.index_cast %scan3A_2979 : i32 to index
          %get3A_3240 = arith.constant 160 : index
          %get3A_3241 = tpu.vector_load %get3A_3237[%get3A_3238, %get3A_3239, %get3A_3240] {strides = array<i32>} : memref<1x64x256xf32, #tpu.memory_space<vmem>>, vector<1x1x16xf32>,
          %get3A_3242 = vector.shape_cast %get3A_3241 : vector<1x1x16xf32> to vector<16xf32>
          %add3A_3243 = arith.addf %add3A_2857, %get3A_3242 : vector<16xf32>
          %swap3A_3244 = arith.constant 0 : i32
          %swap3A_3245 = arith.constant 0 : i32
          %swap3A_3246 = arith.constant 0 : i32
          %swap3A_3247 = arith.constant 0 : i32
          %swap3A_3248 = tpu.memref_slice %run_scoped3A_102[%rem3A_812, %swap3A_3245, %swap3A_3246, %swap3A_3247] : memref<2x1x64x256xf32, #tpu.memory_space<vmem>> -> memref<1x1x64x256xf32, #tpu.memory_space<vmem>>
          %swap3A_3249 = tpu.memref_squeeze %swap3A_3248 : memref<1x1x64x256xf32, #tpu.memory_space<vmem>> -> memref<1x64x256xf32, #tpu.memory_space<vmem>>
          %swap3A_3250 = arith.index_cast %swap3A_3244 : i32 to index
          %swap3A_3251 = arith.index_cast %scan3A_2979 : i32 to index
          %swap3A_3252 = arith.constant 176 : index
          %swap3A_3253 = tpu.vector_load %swap3A_3249[%swap3A_3250, %swap3A_3251, %swap3A_3252] {strides = array<i32>} : memref<1x64x256xf32, #tpu.memory_space<vmem>>, vector<1x1x16xf32>,
          %swap3A_3254 = vector.shape_cast %swap3A_3253 : vector<1x1x16xf32> to vector<16xf32>
          %swap3A_3255 = vector.shape_cast %add3A_2881 : vector<16xf32> to vector<1x1x16xf32>
          tpu.vector_store %swap3A_3249[%swap3A_3250, %swap3A_3251, %swap3A_3252], %swap3A_3255 {strides = array<i32>} : memref<1x64x256xf32, #tpu.memory_space<vmem>>, vector<1x1x16xf32>,
          %get3A_3256 = arith.constant 0 : i32
          %get3A_3257 = arith.constant 0 : i32
          %get3A_3258 = arith.constant 0 : i32
          %get3A_3259 = arith.constant 0 : i32
          %get3A_3260 = tpu.memref_slice %run_scoped3A[%rem3A_810, %get3A_3257, %get3A_3258, %get3A_3259] : memref<2x1x64x256xf32, #tpu.memory_space<vmem>> -> memref<1x1x64x256xf32, #tpu.memory_space<vmem>>
          %get3A_3261 = tpu.memref_squeeze %get3A_3260 : memref<1x1x64x256xf32, #tpu.memory_space<vmem>> -> memref<1x64x256xf32, #tpu.memory_space<vmem>>
          %get3A_3262 = arith.index_cast %get3A_3256 : i32 to index
          %get3A_3263 = arith.index_cast %scan3A_2979 : i32 to index
          %get3A_3264 = arith.constant 176 : index
          %get3A_3265 = tpu.vector_load %get3A_3261[%get3A_3262, %get3A_3263, %get3A_3264] {strides = array<i32>} : memref<1x64x256xf32, #tpu.memory_space<vmem>>, vector<1x1x16xf32>,
          %get3A_3266 = vector.shape_cast %get3A_3265 : vector<1x1x16xf32> to vector<16xf32>
          %add3A_3267 = arith.addf %add3A_2881, %get3A_3266 : vector<16xf32>
          %swap3A_3268 = arith.constant 0 : i32
          %swap3A_3269 = arith.constant 0 : i32
          %swap3A_3270 = arith.constant 0 : i32
          %swap3A_3271 = arith.constant 0 : i32
          %swap3A_3272 = tpu.memref_slice %run_scoped3A_102[%rem3A_812, %swap3A_3269, %swap3A_3270, %swap3A_3271] : memref<2x1x64x256xf32, #tpu.memory_space<vmem>> -> memref<1x1x64x256xf32, #tpu.memory_space<vmem>>
          %swap3A_3273 = tpu.memref_squeeze %swap3A_3272 : memref<1x1x64x256xf32, #tpu.memory_space<vmem>> -> memref<1x64x256xf32, #tpu.memory_space<vmem>>
          %swap3A_3274 = arith.index_cast %swap3A_3268 : i32 to index
          %swap3A_3275 = arith.index_cast %scan3A_2979 : i32 to index
          %swap3A_3276 = arith.constant 192 : index
          %swap3A_3277 = tpu.vector_load %swap3A_3273[%swap3A_3274, %swap3A_3275, %swap3A_3276] {strides = array<i32>} : memref<1x64x256xf32, #tpu.memory_space<vmem>>, vector<1x1x16xf32>,
          %swap3A_3278 = vector.shape_cast %swap3A_3277 : vector<1x1x16xf32> to vector<16xf32>
          %swap3A_3279 = vector.shape_cast %add3A_2905 : vector<16xf32> to vector<1x1x16xf32>
          tpu.vector_store %swap3A_3273[%swap3A_3274, %swap3A_3275, %swap3A_3276], %swap3A_3279 {strides = array<i32>} : memref<1x64x256xf32, #tpu.memory_space<vmem>>, vector<1x1x16xf32>,
          %get3A_3280 = arith.constant 0 : i32
          %get3A_3281 = arith.constant 0 : i32
          %get3A_3282 = arith.constant 0 : i32
          %get3A_3283 = arith.constant 0 : i32
          %get3A_3284 = tpu.memref_slice %run_scoped3A[%rem3A_810, %get3A_3281, %get3A_3282, %get3A_3283] : memref<2x1x64x256xf32, #tpu.memory_space<vmem>> -> memref<1x1x64x256xf32, #tpu.memory_space<vmem>>
          %get3A_3285 = tpu.memref_squeeze %get3A_3284 : memref<1x1x64x256xf32, #tpu.memory_space<vmem>> -> memref<1x64x256xf32, #tpu.memory_space<vmem>>
          %get3A_3286 = arith.index_cast %get3A_3280 : i32 to index
          %get3A_3287 = arith.index_cast %scan3A_2979 : i32 to index
          %get3A_3288 = arith.constant 192 : index
          %get3A_3289 = tpu.vector_load %get3A_3285[%get3A_3286, %get3A_3287, %get3A_3288] {strides = array<i32>} : memref<1x64x256xf32, #tpu.memory_space<vmem>>, vector<1x1x16xf32>,
          %get3A_3290 = vector.shape_cast %get3A_3289 : vector<1x1x16xf32> to vector<16xf32>
          %add3A_3291 = arith.addf %add3A_2905, %get3A_3290 : vector<16xf32>
          %swap3A_3292 = arith.constant 0 : i32
          %swap3A_3293 = arith.constant 0 : i32
          %swap3A_3294 = arith.constant 0 : i32
          %swap3A_3295 = arith.constant 0 : i32
          %swap3A_3296 = tpu.memref_slice %run_scoped3A_102[%rem3A_812, %swap3A_3293, %swap3A_3294, %swap3A_3295] : memref<2x1x64x256xf32, #tpu.memory_space<vmem>> -> memref<1x1x64x256xf32, #tpu.memory_space<vmem>>
          %swap3A_3297 = tpu.memref_squeeze %swap3A_3296 : memref<1x1x64x256xf32, #tpu.memory_space<vmem>> -> memref<1x64x256xf32, #tpu.memory_space<vmem>>
          %swap3A_3298 = arith.index_cast %swap3A_3292 : i32 to index
          %swap3A_3299 = arith.index_cast %scan3A_2979 : i32 to index
          %swap3A_3300 = arith.constant 208 : index
          %swap3A_3301 = tpu.vector_load %swap3A_3297[%swap3A_3298, %swap3A_3299, %swap3A_3300] {strides = array<i32>} : memref<1x64x256xf32, #tpu.memory_space<vmem>>, vector<1x1x16xf32>,
          %swap3A_3302 = vector.shape_cast %swap3A_3301 : vector<1x1x16xf32> to vector<16xf32>
          %swap3A_3303 = vector.shape_cast %add3A_2929 : vector<16xf32> to vector<1x1x16xf32>
          tpu.vector_store %swap3A_3297[%swap3A_3298, %swap3A_3299, %swap3A_3300], %swap3A_3303 {strides = array<i32>} : memref<1x64x256xf32, #tpu.memory_space<vmem>>, vector<1x1x16xf32>,
          %get3A_3304 = arith.constant 0 : i32
          %get3A_3305 = arith.constant 0 : i32
          %get3A_3306 = arith.constant 0 : i32
          %get3A_3307 = arith.constant 0 : i32
          %get3A_3308 = tpu.memref_slice %run_scoped3A[%rem3A_810, %get3A_3305, %get3A_3306, %get3A_3307] : memref<2x1x64x256xf32, #tpu.memory_space<vmem>> -> memref<1x1x64x256xf32, #tpu.memory_space<vmem>>
          %get3A_3309 = tpu.memref_squeeze %get3A_3308 : memref<1x1x64x256xf32, #tpu.memory_space<vmem>> -> memref<1x64x256xf32, #tpu.memory_space<vmem>>
          %get3A_3310 = arith.index_cast %get3A_3304 : i32 to index
          %get3A_3311 = arith.index_cast %scan3A_2979 : i32 to index
          %get3A_3312 = arith.constant 208 : index
          %get3A_3313 = tpu.vector_load %get3A_3309[%get3A_3310, %get3A_3311, %get3A_3312] {strides = array<i32>} : memref<1x64x256xf32, #tpu.memory_space<vmem>>, vector<1x1x16xf32>,
          %get3A_3314 = vector.shape_cast %get3A_3313 : vector<1x1x16xf32> to vector<16xf32>
          %add3A_3315 = arith.addf %add3A_2929, %get3A_3314 : vector<16xf32>
          %swap3A_3316 = arith.constant 0 : i32
          %swap3A_3317 = arith.constant 0 : i32
          %swap3A_3318 = arith.constant 0 : i32
          %swap3A_3319 = arith.constant 0 : i32
          %swap3A_3320 = tpu.memref_slice %run_scoped3A_102[%rem3A_812, %swap3A_3317, %swap3A_3318, %swap3A_3319] : memref<2x1x64x256xf32, #tpu.memory_space<vmem>> -> memref<1x1x64x256xf32, #tpu.memory_space<vmem>>
          %swap3A_3321 = tpu.memref_squeeze %swap3A_3320 : memref<1x1x64x256xf32, #tpu.memory_space<vmem>> -> memref<1x64x256xf32, #tpu.memory_space<vmem>>
          %swap3A_3322 = arith.index_cast %swap3A_3316 : i32 to index
          %swap3A_3323 = arith.index_cast %scan3A_2979 : i32 to index
          %swap3A_3324 = arith.constant 224 : index
          %swap3A_3325 = tpu.vector_load %swap3A_3321[%swap3A_3322, %swap3A_3323, %swap3A_3324] {strides = array<i32>} : memref<1x64x256xf32, #tpu.memory_space<vmem>>, vector<1x1x16xf32>,
          %swap3A_3326 = vector.shape_cast %swap3A_3325 : vector<1x1x16xf32> to vector<16xf32>
          %swap3A_3327 = vector.shape_cast %add3A_2953 : vector<16xf32> to vector<1x1x16xf32>
          tpu.vector_store %swap3A_3321[%swap3A_3322, %swap3A_3323, %swap3A_3324], %swap3A_3327 {strides = array<i32>} : memref<1x64x256xf32, #tpu.memory_space<vmem>>, vector<1x1x16xf32>,
          %get3A_3328 = arith.constant 0 : i32
          %get3A_3329 = arith.constant 0 : i32
          %get3A_3330 = arith.constant 0 : i32
          %get3A_3331 = arith.constant 0 : i32
          %get3A_3332 = tpu.memref_slice %run_scoped3A[%rem3A_810, %get3A_3329, %get3A_3330, %get3A_3331] : memref<2x1x64x256xf32, #tpu.memory_space<vmem>> -> memref<1x1x64x256xf32, #tpu.memory_space<vmem>>
          %get3A_3333 = tpu.memref_squeeze %get3A_3332 : memref<1x1x64x256xf32, #tpu.memory_space<vmem>> -> memref<1x64x256xf32, #tpu.memory_space<vmem>>
          %get3A_3334 = arith.index_cast %get3A_3328 : i32 to index
          %get3A_3335 = arith.index_cast %scan3A_2979 : i32 to index
          %get3A_3336 = arith.constant 224 : index
          %get3A_3337 = tpu.vector_load %get3A_3333[%get3A_3334, %get3A_3335, %get3A_3336] {strides = array<i32>} : memref<1x64x256xf32, #tpu.memory_space<vmem>>, vector<1x1x16xf32>,
          %get3A_3338 = vector.shape_cast %get3A_3337 : vector<1x1x16xf32> to vector<16xf32>
          %add3A_3339 = arith.addf %add3A_2953, %get3A_3338 : vector<16xf32>
          %swap3A_3340 = arith.constant 0 : i32
          %swap3A_3341 = arith.constant 0 : i32
          %swap3A_3342 = arith.constant 0 : i32
          %swap3A_3343 = arith.constant 0 : i32
          %swap3A_3344 = tpu.memref_slice %run_scoped3A_102[%rem3A_812, %swap3A_3341, %swap3A_3342, %swap3A_3343] : memref<2x1x64x256xf32, #tpu.memory_space<vmem>> -> memref<1x1x64x256xf32, #tpu.memory_space<vmem>>
          %swap3A_3345 = tpu.memref_squeeze %swap3A_3344 : memref<1x1x64x256xf32, #tpu.memory_space<vmem>> -> memref<1x64x256xf32, #tpu.memory_space<vmem>>
          %swap3A_3346 = arith.index_cast %swap3A_3340 : i32 to index
          %swap3A_3347 = arith.index_cast %scan3A_2979 : i32 to index
          %swap3A_3348 = arith.constant 240 : index
          %swap3A_3349 = tpu.vector_load %swap3A_3345[%swap3A_3346, %swap3A_3347, %swap3A_3348] {strides = array<i32>} : memref<1x64x256xf32, #tpu.memory_space<vmem>>, vector<1x1x16xf32>,
          %swap3A_3350 = vector.shape_cast %swap3A_3349 : vector<1x1x16xf32> to vector<16xf32>
          %swap3A_3351 = vector.shape_cast %add3A_2977 : vector<16xf32> to vector<1x1x16xf32>
          tpu.vector_store %swap3A_3345[%swap3A_3346, %swap3A_3347, %swap3A_3348], %swap3A_3351 {strides = array<i32>} : memref<1x64x256xf32, #tpu.memory_space<vmem>>, vector<1x1x16xf32>,
          %get3A_3352 = arith.constant 0 : i32
          %get3A_3353 = arith.constant 0 : i32
          %get3A_3354 = arith.constant 0 : i32
          %get3A_3355 = arith.constant 0 : i32
          %get3A_3356 = tpu.memref_slice %run_scoped3A[%rem3A_810, %get3A_3353, %get3A_3354, %get3A_3355] : memref<2x1x64x256xf32, #tpu.memory_space<vmem>> -> memref<1x1x64x256xf32, #tpu.memory_space<vmem>>
          %get3A_3357 = tpu.memref_squeeze %get3A_3356 : memref<1x1x64x256xf32, #tpu.memory_space<vmem>> -> memref<1x64x256xf32, #tpu.memory_space<vmem>>
          %get3A_3358 = arith.index_cast %get3A_3352 : i32 to index
          %get3A_3359 = arith.index_cast %scan3A_2979 : i32 to index
          %get3A_3360 = arith.constant 240 : index
          %get3A_3361 = tpu.vector_load %get3A_3357[%get3A_3358, %get3A_3359, %get3A_3360] {strides = array<i32>} : memref<1x64x256xf32, #tpu.memory_space<vmem>>, vector<1x1x16xf32>,
          %get3A_3362 = vector.shape_cast %get3A_3361 : vector<1x1x16xf32> to vector<16xf32>
          %add3A_3363 = arith.addf %add3A_2977, %get3A_3362 : vector<16xf32>
          %scan3A_3364 = arith.constant 5 : i32
          %scan3A_3365 = arith.addi %scan3A_1419, %scan3A_3364 : i32
          %swap3A_3366 = arith.constant 0 : i32
          %swap3A_3367 = arith.constant 0 : i32
          %swap3A_3368 = arith.constant 0 : i32
          %swap3A_3369 = arith.constant 0 : i32
          %swap3A_3370 = tpu.memref_slice %run_scoped3A_102[%rem3A_812, %swap3A_3367, %swap3A_3368, %swap3A_3369] : memref<2x1x64x256xf32, #tpu.memory_space<vmem>> -> memref<1x1x64x256xf32, #tpu.memory_space<vmem>>
          %swap3A_3371 = tpu.memref_squeeze %swap3A_3370 : memref<1x1x64x256xf32, #tpu.memory_space<vmem>> -> memref<1x64x256xf32, #tpu.memory_space<vmem>>
          %swap3A_3372 = arith.index_cast %swap3A_3366 : i32 to index
          %swap3A_3373 = arith.index_cast %scan3A_3365 : i32 to index
          %swap3A_3374 = arith.constant 0 : index
          %swap3A_3375 = tpu.vector_load %swap3A_3371[%swap3A_3372, %swap3A_3373, %swap3A_3374] {strides = array<i32>} : memref<1x64x256xf32, #tpu.memory_space<vmem>>, vector<1x1x16xf32>,
          %swap3A_3376 = vector.shape_cast %swap3A_3375 : vector<1x1x16xf32> to vector<16xf32>
          %swap3A_3377 = vector.shape_cast %add3A_3003 : vector<16xf32> to vector<1x1x16xf32>
          tpu.vector_store %swap3A_3371[%swap3A_3372, %swap3A_3373, %swap3A_3374], %swap3A_3377 {strides = array<i32>} : memref<1x64x256xf32, #tpu.memory_space<vmem>>, vector<1x1x16xf32>,
          %get3A_3378 = arith.constant 0 : i32
          %get3A_3379 = arith.constant 0 : i32
          %get3A_3380 = arith.constant 0 : i32
          %get3A_3381 = arith.constant 0 : i32
          %get3A_3382 = tpu.memref_slice %run_scoped3A[%rem3A_810, %get3A_3379, %get3A_3380, %get3A_3381] : memref<2x1x64x256xf32, #tpu.memory_space<vmem>> -> memref<1x1x64x256xf32, #tpu.memory_space<vmem>>
          %get3A_3383 = tpu.memref_squeeze %get3A_3382 : memref<1x1x64x256xf32, #tpu.memory_space<vmem>> -> memref<1x64x256xf32, #tpu.memory_space<vmem>>
          %get3A_3384 = arith.index_cast %get3A_3378 : i32 to index
          %get3A_3385 = arith.index_cast %scan3A_3365 : i32 to index
          %get3A_3386 = arith.constant 0 : index
          %get3A_3387 = tpu.vector_load %get3A_3383[%get3A_3384, %get3A_3385, %get3A_3386] {strides = array<i32>} : memref<1x64x256xf32, #tpu.memory_space<vmem>>, vector<1x1x16xf32>,
          %get3A_3388 = vector.shape_cast %get3A_3387 : vector<1x1x16xf32> to vector<16xf32>
          %add3A_3389 = arith.addf %add3A_3003, %get3A_3388 : vector<16xf32>
          %swap3A_3390 = arith.constant 0 : i32
          %swap3A_3391 = arith.constant 0 : i32
          %swap3A_3392 = arith.constant 0 : i32
          %swap3A_3393 = arith.constant 0 : i32
          %swap3A_3394 = tpu.memref_slice %run_scoped3A_102[%rem3A_812, %swap3A_3391, %swap3A_3392, %swap3A_3393] : memref<2x1x64x256xf32, #tpu.memory_space<vmem>> -> memref<1x1x64x256xf32, #tpu.memory_space<vmem>>
          %swap3A_3395 = tpu.memref_squeeze %swap3A_3394 : memref<1x1x64x256xf32, #tpu.memory_space<vmem>> -> memref<1x64x256xf32, #tpu.memory_space<vmem>>
          %swap3A_3396 = arith.index_cast %swap3A_3390 : i32 to index
          %swap3A_3397 = arith.index_cast %scan3A_3365 : i32 to index
          %swap3A_3398 = arith.constant 16 : index
          %swap3A_3399 = tpu.vector_load %swap3A_3395[%swap3A_3396, %swap3A_3397, %swap3A_3398] {strides = array<i32>} : memref<1x64x256xf32, #tpu.memory_space<vmem>>, vector<1x1x16xf32>,
          %swap3A_3400 = vector.shape_cast %swap3A_3399 : vector<1x1x16xf32> to vector<16xf32>
          %swap3A_3401 = vector.shape_cast %add3A_3027 : vector<16xf32> to vector<1x1x16xf32>
          tpu.vector_store %swap3A_3395[%swap3A_3396, %swap3A_3397, %swap3A_3398], %swap3A_3401 {strides = array<i32>} : memref<1x64x256xf32, #tpu.memory_space<vmem>>, vector<1x1x16xf32>,
          %get3A_3402 = arith.constant 0 : i32
          %get3A_3403 = arith.constant 0 : i32
          %get3A_3404 = arith.constant 0 : i32
          %get3A_3405 = arith.constant 0 : i32
          %get3A_3406 = tpu.memref_slice %run_scoped3A[%rem3A_810, %get3A_3403, %get3A_3404, %get3A_3405] : memref<2x1x64x256xf32, #tpu.memory_space<vmem>> -> memref<1x1x64x256xf32, #tpu.memory_space<vmem>>
          %get3A_3407 = tpu.memref_squeeze %get3A_3406 : memref<1x1x64x256xf32, #tpu.memory_space<vmem>> -> memref<1x64x256xf32, #tpu.memory_space<vmem>>
          %get3A_3408 = arith.index_cast %get3A_3402 : i32 to index
          %get3A_3409 = arith.index_cast %scan3A_3365 : i32 to index
          %get3A_3410 = arith.constant 16 : index
          %get3A_3411 = tpu.vector_load %get3A_3407[%get3A_3408, %get3A_3409, %get3A_3410] {strides = array<i32>} : memref<1x64x256xf32, #tpu.memory_space<vmem>>, vector<1x1x16xf32>,
          %get3A_3412 = vector.shape_cast %get3A_3411 : vector<1x1x16xf32> to vector<16xf32>
          %add3A_3413 = arith.addf %add3A_3027, %get3A_3412 : vector<16xf32>
          %swap3A_3414 = arith.constant 0 : i32
          %swap3A_3415 = arith.constant 0 : i32
          %swap3A_3416 = arith.constant 0 : i32
          %swap3A_3417 = arith.constant 0 : i32
          %swap3A_3418 = tpu.memref_slice %run_scoped3A_102[%rem3A_812, %swap3A_3415, %swap3A_3416, %swap3A_3417] : memref<2x1x64x256xf32, #tpu.memory_space<vmem>> -> memref<1x1x64x256xf32, #tpu.memory_space<vmem>>
          %swap3A_3419 = tpu.memref_squeeze %swap3A_3418 : memref<1x1x64x256xf32, #tpu.memory_space<vmem>> -> memref<1x64x256xf32, #tpu.memory_space<vmem>>
          %swap3A_3420 = arith.index_cast %swap3A_3414 : i32 to index
          %swap3A_3421 = arith.index_cast %scan3A_3365 : i32 to index
          %swap3A_3422 = arith.constant 32 : index
          %swap3A_3423 = tpu.vector_load %swap3A_3419[%swap3A_3420, %swap3A_3421, %swap3A_3422] {strides = array<i32>} : memref<1x64x256xf32, #tpu.memory_space<vmem>>, vector<1x1x16xf32>,
          %swap3A_3424 = vector.shape_cast %swap3A_3423 : vector<1x1x16xf32> to vector<16xf32>
          %swap3A_3425 = vector.shape_cast %add3A_3051 : vector<16xf32> to vector<1x1x16xf32>
          tpu.vector_store %swap3A_3419[%swap3A_3420, %swap3A_3421, %swap3A_3422], %swap3A_3425 {strides = array<i32>} : memref<1x64x256xf32, #tpu.memory_space<vmem>>, vector<1x1x16xf32>,
          %get3A_3426 = arith.constant 0 : i32
          %get3A_3427 = arith.constant 0 : i32
          %get3A_3428 = arith.constant 0 : i32
          %get3A_3429 = arith.constant 0 : i32
          %get3A_3430 = tpu.memref_slice %run_scoped3A[%rem3A_810, %get3A_3427, %get3A_3428, %get3A_3429] : memref<2x1x64x256xf32, #tpu.memory_space<vmem>> -> memref<1x1x64x256xf32, #tpu.memory_space<vmem>>
          %get3A_3431 = tpu.memref_squeeze %get3A_3430 : memref<1x1x64x256xf32, #tpu.memory_space<vmem>> -> memref<1x64x256xf32, #tpu.memory_space<vmem>>
          %get3A_3432 = arith.index_cast %get3A_3426 : i32 to index
          %get3A_3433 = arith.index_cast %scan3A_3365 : i32 to index
          %get3A_3434 = arith.constant 32 : index
          %get3A_3435 = tpu.vector_load %get3A_3431[%get3A_3432, %get3A_3433, %get3A_3434] {strides = array<i32>} : memref<1x64x256xf32, #tpu.memory_space<vmem>>, vector<1x1x16xf32>,
          %get3A_3436 = vector.shape_cast %get3A_3435 : vector<1x1x16xf32> to vector<16xf32>
          %add3A_3437 = arith.addf %add3A_3051, %get3A_3436 : vector<16xf32>
          %swap3A_3438 = arith.constant 0 : i32
          %swap3A_3439 = arith.constant 0 : i32
          %swap3A_3440 = arith.constant 0 : i32
          %swap3A_3441 = arith.constant 0 : i32
          %swap3A_3442 = tpu.memref_slice %run_scoped3A_102[%rem3A_812, %swap3A_3439, %swap3A_3440, %swap3A_3441] : memref<2x1x64x256xf32, #tpu.memory_space<vmem>> -> memref<1x1x64x256xf32, #tpu.memory_space<vmem>>
          %swap3A_3443 = tpu.memref_squeeze %swap3A_3442 : memref<1x1x64x256xf32, #tpu.memory_space<vmem>> -> memref<1x64x256xf32, #tpu.memory_space<vmem>>
          %swap3A_3444 = arith.index_cast %swap3A_3438 : i32 to index
          %swap3A_3445 = arith.index_cast %scan3A_3365 : i32 to index
          %swap3A_3446 = arith.constant 48 : index
          %swap3A_3447 = tpu.vector_load %swap3A_3443[%swap3A_3444, %swap3A_3445, %swap3A_3446] {strides = array<i32>} : memref<1x64x256xf32, #tpu.memory_space<vmem>>, vector<1x1x16xf32>,
          %swap3A_3448 = vector.shape_cast %swap3A_3447 : vector<1x1x16xf32> to vector<16xf32>
          %swap3A_3449 = vector.shape_cast %add3A_3075 : vector<16xf32> to vector<1x1x16xf32>
          tpu.vector_store %swap3A_3443[%swap3A_3444, %swap3A_3445, %swap3A_3446], %swap3A_3449 {strides = array<i32>} : memref<1x64x256xf32, #tpu.memory_space<vmem>>, vector<1x1x16xf32>,
          %get3A_3450 = arith.constant 0 : i32
          %get3A_3451 = arith.constant 0 : i32
          %get3A_3452 = arith.constant 0 : i32
          %get3A_3453 = arith.constant 0 : i32
          %get3A_3454 = tpu.memref_slice %run_scoped3A[%rem3A_810, %get3A_3451, %get3A_3452, %get3A_3453] : memref<2x1x64x256xf32, #tpu.memory_space<vmem>> -> memref<1x1x64x256xf32, #tpu.memory_space<vmem>>
          %get3A_3455 = tpu.memref_squeeze %get3A_3454 : memref<1x1x64x256xf32, #tpu.memory_space<vmem>> -> memref<1x64x256xf32, #tpu.memory_space<vmem>>
          %get3A_3456 = arith.index_cast %get3A_3450 : i32 to index
          %get3A_3457 = arith.index_cast %scan3A_3365 : i32 to index
          %get3A_3458 = arith.constant 48 : index
          %get3A_3459 = tpu.vector_load %get3A_3455[%get3A_3456, %get3A_3457, %get3A_3458] {strides = array<i32>} : memref<1x64x256xf32, #tpu.memory_space<vmem>>, vector<1x1x16xf32>,
          %get3A_3460 = vector.shape_cast %get3A_3459 : vector<1x1x16xf32> to vector<16xf32>
          %add3A_3461 = arith.addf %add3A_3075, %get3A_3460 : vector<16xf32>
          %swap3A_3462 = arith.constant 0 : i32
          %swap3A_3463 = arith.constant 0 : i32
          %swap3A_3464 = arith.constant 0 : i32
          %swap3A_3465 = arith.constant 0 : i32
          %swap3A_3466 = tpu.memref_slice %run_scoped3A_102[%rem3A_812, %swap3A_3463, %swap3A_3464, %swap3A_3465] : memref<2x1x64x256xf32, #tpu.memory_space<vmem>> -> memref<1x1x64x256xf32, #tpu.memory_space<vmem>>
          %swap3A_3467 = tpu.memref_squeeze %swap3A_3466 : memref<1x1x64x256xf32, #tpu.memory_space<vmem>> -> memref<1x64x256xf32, #tpu.memory_space<vmem>>
          %swap3A_3468 = arith.index_cast %swap3A_3462 : i32 to index
          %swap3A_3469 = arith.index_cast %scan3A_3365 : i32 to index
          %swap3A_3470 = arith.constant 64 : index
          %swap3A_3471 = tpu.vector_load %swap3A_3467[%swap3A_3468, %swap3A_3469, %swap3A_3470] {strides = array<i32>} : memref<1x64x256xf32, #tpu.memory_space<vmem>>, vector<1x1x16xf32>,
          %swap3A_3472 = vector.shape_cast %swap3A_3471 : vector<1x1x16xf32> to vector<16xf32>
          %swap3A_3473 = vector.shape_cast %add3A_3099 : vector<16xf32> to vector<1x1x16xf32>
          tpu.vector_store %swap3A_3467[%swap3A_3468, %swap3A_3469, %swap3A_3470], %swap3A_3473 {strides = array<i32>} : memref<1x64x256xf32, #tpu.memory_space<vmem>>, vector<1x1x16xf32>,
          %get3A_3474 = arith.constant 0 : i32
          %get3A_3475 = arith.constant 0 : i32
          %get3A_3476 = arith.constant 0 : i32
          %get3A_3477 = arith.constant 0 : i32
          %get3A_3478 = tpu.memref_slice %run_scoped3A[%rem3A_810, %get3A_3475, %get3A_3476, %get3A_3477] : memref<2x1x64x256xf32, #tpu.memory_space<vmem>> -> memref<1x1x64x256xf32, #tpu.memory_space<vmem>>
          %get3A_3479 = tpu.memref_squeeze %get3A_3478 : memref<1x1x64x256xf32, #tpu.memory_space<vmem>> -> memref<1x64x256xf32, #tpu.memory_space<vmem>>
          %get3A_3480 = arith.index_cast %get3A_3474 : i32 to index
          %get3A_3481 = arith.index_cast %scan3A_3365 : i32 to index
          %get3A_3482 = arith.constant 64 : index
          %get3A_3483 = tpu.vector_load %get3A_3479[%get3A_3480, %get3A_3481, %get3A_3482] {strides = array<i32>} : memref<1x64x256xf32, #tpu.memory_space<vmem>>, vector<1x1x16xf32>,
          %get3A_3484 = vector.shape_cast %get3A_3483 : vector<1x1x16xf32> to vector<16xf32>
          %add3A_3485 = arith.addf %add3A_3099, %get3A_3484 : vector<16xf32>
          %swap3A_3486 = arith.constant 0 : i32
          %swap3A_3487 = arith.constant 0 : i32
          %swap3A_3488 = arith.constant 0 : i32
          %swap3A_3489 = arith.constant 0 : i32
          %swap3A_3490 = tpu.memref_slice %run_scoped3A_102[%rem3A_812, %swap3A_3487, %swap3A_3488, %swap3A_3489] : memref<2x1x64x256xf32, #tpu.memory_space<vmem>> -> memref<1x1x64x256xf32, #tpu.memory_space<vmem>>
          %swap3A_3491 = tpu.memref_squeeze %swap3A_3490 : memref<1x1x64x256xf32, #tpu.memory_space<vmem>> -> memref<1x64x256xf32, #tpu.memory_space<vmem>>
          %swap3A_3492 = arith.index_cast %swap3A_3486 : i32 to index
          %swap3A_3493 = arith.index_cast %scan3A_3365 : i32 to index
          %swap3A_3494 = arith.constant 80 : index
          %swap3A_3495 = tpu.vector_load %swap3A_3491[%swap3A_3492, %swap3A_3493, %swap3A_3494] {strides = array<i32>} : memref<1x64x256xf32, #tpu.memory_space<vmem>>, vector<1x1x16xf32>,
          %swap3A_3496 = vector.shape_cast %swap3A_3495 : vector<1x1x16xf32> to vector<16xf32>
          %swap3A_3497 = vector.shape_cast %add3A_3123 : vector<16xf32> to vector<1x1x16xf32>
          tpu.vector_store %swap3A_3491[%swap3A_3492, %swap3A_3493, %swap3A_3494], %swap3A_3497 {strides = array<i32>} : memref<1x64x256xf32, #tpu.memory_space<vmem>>, vector<1x1x16xf32>,
          %get3A_3498 = arith.constant 0 : i32
          %get3A_3499 = arith.constant 0 : i32
          %get3A_3500 = arith.constant 0 : i32
          %get3A_3501 = arith.constant 0 : i32
          %get3A_3502 = tpu.memref_slice %run_scoped3A[%rem3A_810, %get3A_3499, %get3A_3500, %get3A_3501] : memref<2x1x64x256xf32, #tpu.memory_space<vmem>> -> memref<1x1x64x256xf32, #tpu.memory_space<vmem>>
          %get3A_3503 = tpu.memref_squeeze %get3A_3502 : memref<1x1x64x256xf32, #tpu.memory_space<vmem>> -> memref<1x64x256xf32, #tpu.memory_space<vmem>>
          %get3A_3504 = arith.index_cast %get3A_3498 : i32 to index
          %get3A_3505 = arith.index_cast %scan3A_3365 : i32 to index
          %get3A_3506 = arith.constant 80 : index
          %get3A_3507 = tpu.vector_load %get3A_3503[%get3A_3504, %get3A_3505, %get3A_3506] {strides = array<i32>} : memref<1x64x256xf32, #tpu.memory_space<vmem>>, vector<1x1x16xf32>,
          %get3A_3508 = vector.shape_cast %get3A_3507 : vector<1x1x16xf32> to vector<16xf32>
          %add3A_3509 = arith.addf %add3A_3123, %get3A_3508 : vector<16xf32>
          %swap3A_3510 = arith.constant 0 : i32
          %swap3A_3511 = arith.constant 0 : i32
          %swap3A_3512 = arith.constant 0 : i32
          %swap3A_3513 = arith.constant 0 : i32
          %swap3A_3514 = tpu.memref_slice %run_scoped3A_102[%rem3A_812, %swap3A_3511, %swap3A_3512, %swap3A_3513] : memref<2x1x64x256xf32, #tpu.memory_space<vmem>> -> memref<1x1x64x256xf32, #tpu.memory_space<vmem>>
          %swap3A_3515 = tpu.memref_squeeze %swap3A_3514 : memref<1x1x64x256xf32, #tpu.memory_space<vmem>> -> memref<1x64x256xf32, #tpu.memory_space<vmem>>
          %swap3A_3516 = arith.index_cast %swap3A_3510 : i32 to index
          %swap3A_3517 = arith.index_cast %scan3A_3365 : i32 to index
          %swap3A_3518 = arith.constant 96 : index
          %swap3A_3519 = tpu.vector_load %swap3A_3515[%swap3A_3516, %swap3A_3517, %swap3A_3518] {strides = array<i32>} : memref<1x64x256xf32, #tpu.memory_space<vmem>>, vector<1x1x16xf32>,
          %swap3A_3520 = vector.shape_cast %swap3A_3519 : vector<1x1x16xf32> to vector<16xf32>
          %swap3A_3521 = vector.shape_cast %add3A_3147 : vector<16xf32> to vector<1x1x16xf32>
          tpu.vector_store %swap3A_3515[%swap3A_3516, %swap3A_3517, %swap3A_3518], %swap3A_3521 {strides = array<i32>} : memref<1x64x256xf32, #tpu.memory_space<vmem>>, vector<1x1x16xf32>,
          %get3A_3522 = arith.constant 0 : i32
          %get3A_3523 = arith.constant 0 : i32
          %get3A_3524 = arith.constant 0 : i32
          %get3A_3525 = arith.constant 0 : i32
          %get3A_3526 = tpu.memref_slice %run_scoped3A[%rem3A_810, %get3A_3523, %get3A_3524, %get3A_3525] : memref<2x1x64x256xf32, #tpu.memory_space<vmem>> -> memref<1x1x64x256xf32, #tpu.memory_space<vmem>>
          %get3A_3527 = tpu.memref_squeeze %get3A_3526 : memref<1x1x64x256xf32, #tpu.memory_space<vmem>> -> memref<1x64x256xf32, #tpu.memory_space<vmem>>
          %get3A_3528 = arith.index_cast %get3A_3522 : i32 to index
          %get3A_3529 = arith.index_cast %scan3A_3365 : i32 to index
          %get3A_3530 = arith.constant 96 : index
          %get3A_3531 = tpu.vector_load %get3A_3527[%get3A_3528, %get3A_3529, %get3A_3530] {strides = array<i32>} : memref<1x64x256xf32, #tpu.memory_space<vmem>>, vector<1x1x16xf32>,
          %get3A_3532 = vector.shape_cast %get3A_3531 : vector<1x1x16xf32> to vector<16xf32>
          %add3A_3533 = arith.addf %add3A_3147, %get3A_3532 : vector<16xf32>
          %swap3A_3534 = arith.constant 0 : i32
          %swap3A_3535 = arith.constant 0 : i32
          %swap3A_3536 = arith.constant 0 : i32
          %swap3A_3537 = arith.constant 0 : i32
          %swap3A_3538 = tpu.memref_slice %run_scoped3A_102[%rem3A_812, %swap3A_3535, %swap3A_3536, %swap3A_3537] : memref<2x1x64x256xf32, #tpu.memory_space<vmem>> -> memref<1x1x64x256xf32, #tpu.memory_space<vmem>>
          %swap3A_3539 = tpu.memref_squeeze %swap3A_3538 : memref<1x1x64x256xf32, #tpu.memory_space<vmem>> -> memref<1x64x256xf32, #tpu.memory_space<vmem>>
          %swap3A_3540 = arith.index_cast %swap3A_3534 : i32 to index
          %swap3A_3541 = arith.index_cast %scan3A_3365 : i32 to index
          %swap3A_3542 = arith.constant 112 : index
          %swap3A_3543 = tpu.vector_load %swap3A_3539[%swap3A_3540, %swap3A_3541, %swap3A_3542] {strides = array<i32>} : memref<1x64x256xf32, #tpu.memory_space<vmem>>, vector<1x1x16xf32>,
          %swap3A_3544 = vector.shape_cast %swap3A_3543 : vector<1x1x16xf32> to vector<16xf32>
          %swap3A_3545 = vector.shape_cast %add3A_3171 : vector<16xf32> to vector<1x1x16xf32>
          tpu.vector_store %swap3A_3539[%swap3A_3540, %swap3A_3541, %swap3A_3542], %swap3A_3545 {strides = array<i32>} : memref<1x64x256xf32, #tpu.memory_space<vmem>>, vector<1x1x16xf32>,
          %get3A_3546 = arith.constant 0 : i32
          %get3A_3547 = arith.constant 0 : i32
          %get3A_3548 = arith.constant 0 : i32
          %get3A_3549 = arith.constant 0 : i32
          %get3A_3550 = tpu.memref_slice %run_scoped3A[%rem3A_810, %get3A_3547, %get3A_3548, %get3A_3549] : memref<2x1x64x256xf32, #tpu.memory_space<vmem>> -> memref<1x1x64x256xf32, #tpu.memory_space<vmem>>
          %get3A_3551 = tpu.memref_squeeze %get3A_3550 : memref<1x1x64x256xf32, #tpu.memory_space<vmem>> -> memref<1x64x256xf32, #tpu.memory_space<vmem>>
          %get3A_3552 = arith.index_cast %get3A_3546 : i32 to index
          %get3A_3553 = arith.index_cast %scan3A_3365 : i32 to index
          %get3A_3554 = arith.constant 112 : index
          %get3A_3555 = tpu.vector_load %get3A_3551[%get3A_3552, %get3A_3553, %get3A_3554] {strides = array<i32>} : memref<1x64x256xf32, #tpu.memory_space<vmem>>, vector<1x1x16xf32>,
          %get3A_3556 = vector.shape_cast %get3A_3555 : vector<1x1x16xf32> to vector<16xf32>
          %add3A_3557 = arith.addf %add3A_3171, %get3A_3556 : vector<16xf32>
          %swap3A_3558 = arith.constant 0 : i32
          %swap3A_3559 = arith.constant 0 : i32
          %swap3A_3560 = arith.constant 0 : i32
          %swap3A_3561 = arith.constant 0 : i32
          %swap3A_3562 = tpu.memref_slice %run_scoped3A_102[%rem3A_812, %swap3A_3559, %swap3A_3560, %swap3A_3561] : memref<2x1x64x256xf32, #tpu.memory_space<vmem>> -> memref<1x1x64x256xf32, #tpu.memory_space<vmem>>
          %swap3A_3563 = tpu.memref_squeeze %swap3A_3562 : memref<1x1x64x256xf32, #tpu.memory_space<vmem>> -> memref<1x64x256xf32, #tpu.memory_space<vmem>>
          %swap3A_3564 = arith.index_cast %swap3A_3558 : i32 to index
          %swap3A_3565 = arith.index_cast %scan3A_3365 : i32 to index
          %swap3A_3566 = arith.constant 128 : index
          %swap3A_3567 = tpu.vector_load %swap3A_3563[%swap3A_3564, %swap3A_3565, %swap3A_3566] {strides = array<i32>} : memref<1x64x256xf32, #tpu.memory_space<vmem>>, vector<1x1x16xf32>,
          %swap3A_3568 = vector.shape_cast %swap3A_3567 : vector<1x1x16xf32> to vector<16xf32>
          %swap3A_3569 = vector.shape_cast %add3A_3195 : vector<16xf32> to vector<1x1x16xf32>
          tpu.vector_store %swap3A_3563[%swap3A_3564, %swap3A_3565, %swap3A_3566], %swap3A_3569 {strides = array<i32>} : memref<1x64x256xf32, #tpu.memory_space<vmem>>, vector<1x1x16xf32>,
          %get3A_3570 = arith.constant 0 : i32
          %get3A_3571 = arith.constant 0 : i32
          %get3A_3572 = arith.constant 0 : i32
          %get3A_3573 = arith.constant 0 : i32
          %get3A_3574 = tpu.memref_slice %run_scoped3A[%rem3A_810, %get3A_3571, %get3A_3572, %get3A_3573] : memref<2x1x64x256xf32, #tpu.memory_space<vmem>> -> memref<1x1x64x256xf32, #tpu.memory_space<vmem>>
          %get3A_3575 = tpu.memref_squeeze %get3A_3574 : memref<1x1x64x256xf32, #tpu.memory_space<vmem>> -> memref<1x64x256xf32, #tpu.memory_space<vmem>>
          %get3A_3576 = arith.index_cast %get3A_3570 : i32 to index
          %get3A_3577 = arith.index_cast %scan3A_3365 : i32 to index
          %get3A_3578 = arith.constant 128 : index
          %get3A_3579 = tpu.vector_load %get3A_3575[%get3A_3576, %get3A_3577, %get3A_3578] {strides = array<i32>} : memref<1x64x256xf32, #tpu.memory_space<vmem>>, vector<1x1x16xf32>,
          %get3A_3580 = vector.shape_cast %get3A_3579 : vector<1x1x16xf32> to vector<16xf32>
          %add3A_3581 = arith.addf %add3A_3195, %get3A_3580 : vector<16xf32>
          %swap3A_3582 = arith.constant 0 : i32
          %swap3A_3583 = arith.constant 0 : i32
          %swap3A_3584 = arith.constant 0 : i32
          %swap3A_3585 = arith.constant 0 : i32
          %swap3A_3586 = tpu.memref_slice %run_scoped3A_102[%rem3A_812, %swap3A_3583, %swap3A_3584, %swap3A_3585] : memref<2x1x64x256xf32, #tpu.memory_space<vmem>> -> memref<1x1x64x256xf32, #tpu.memory_space<vmem>>
          %swap3A_3587 = tpu.memref_squeeze %swap3A_3586 : memref<1x1x64x256xf32, #tpu.memory_space<vmem>> -> memref<1x64x256xf32, #tpu.memory_space<vmem>>
          %swap3A_3588 = arith.index_cast %swap3A_3582 : i32 to index
          %swap3A_3589 = arith.index_cast %scan3A_3365 : i32 to index
          %swap3A_3590 = arith.constant 144 : index
          %swap3A_3591 = tpu.vector_load %swap3A_3587[%swap3A_3588, %swap3A_3589, %swap3A_3590] {strides = array<i32>} : memref<1x64x256xf32, #tpu.memory_space<vmem>>, vector<1x1x16xf32>,
          %swap3A_3592 = vector.shape_cast %swap3A_3591 : vector<1x1x16xf32> to vector<16xf32>
          %swap3A_3593 = vector.shape_cast %add3A_3219 : vector<16xf32> to vector<1x1x16xf32>
          tpu.vector_store %swap3A_3587[%swap3A_3588, %swap3A_3589, %swap3A_3590], %swap3A_3593 {strides = array<i32>} : memref<1x64x256xf32, #tpu.memory_space<vmem>>, vector<1x1x16xf32>,
          %get3A_3594 = arith.constant 0 : i32
          %get3A_3595 = arith.constant 0 : i32
          %get3A_3596 = arith.constant 0 : i32
          %get3A_3597 = arith.constant 0 : i32
          %get3A_3598 = tpu.memref_slice %run_scoped3A[%rem3A_810, %get3A_3595, %get3A_3596, %get3A_3597] : memref<2x1x64x256xf32, #tpu.memory_space<vmem>> -> memref<1x1x64x256xf32, #tpu.memory_space<vmem>>
          %get3A_3599 = tpu.memref_squeeze %get3A_3598 : memref<1x1x64x256xf32, #tpu.memory_space<vmem>> -> memref<1x64x256xf32, #tpu.memory_space<vmem>>
          %get3A_3600 = arith.index_cast %get3A_3594 : i32 to index
          %get3A_3601 = arith.index_cast %scan3A_3365 : i32 to index
          %get3A_3602 = arith.constant 144 : index
          %get3A_3603 = tpu.vector_load %get3A_3599[%get3A_3600, %get3A_3601, %get3A_3602] {strides = array<i32>} : memref<1x64x256xf32, #tpu.memory_space<vmem>>, vector<1x1x16xf32>,
          %get3A_3604 = vector.shape_cast %get3A_3603 : vector<1x1x16xf32> to vector<16xf32>
          %add3A_3605 = arith.addf %add3A_3219, %get3A_3604 : vector<16xf32>
          %swap3A_3606 = arith.constant 0 : i32
          %swap3A_3607 = arith.constant 0 : i32
          %swap3A_3608 = arith.constant 0 : i32
          %swap3A_3609 = arith.constant 0 : i32
          %swap3A_3610 = tpu.memref_slice %run_scoped3A_102[%rem3A_812, %swap3A_3607, %swap3A_3608, %swap3A_3609] : memref<2x1x64x256xf32, #tpu.memory_space<vmem>> -> memref<1x1x64x256xf32, #tpu.memory_space<vmem>>
          %swap3A_3611 = tpu.memref_squeeze %swap3A_3610 : memref<1x1x64x256xf32, #tpu.memory_space<vmem>> -> memref<1x64x256xf32, #tpu.memory_space<vmem>>
          %swap3A_3612 = arith.index_cast %swap3A_3606 : i32 to index
          %swap3A_3613 = arith.index_cast %scan3A_3365 : i32 to index
          %swap3A_3614 = arith.constant 160 : index
          %swap3A_3615 = tpu.vector_load %swap3A_3611[%swap3A_3612, %swap3A_3613, %swap3A_3614] {strides = array<i32>} : memref<1x64x256xf32, #tpu.memory_space<vmem>>, vector<1x1x16xf32>,
          %swap3A_3616 = vector.shape_cast %swap3A_3615 : vector<1x1x16xf32> to vector<16xf32>
          %swap3A_3617 = vector.shape_cast %add3A_3243 : vector<16xf32> to vector<1x1x16xf32>
          tpu.vector_store %swap3A_3611[%swap3A_3612, %swap3A_3613, %swap3A_3614], %swap3A_3617 {strides = array<i32>} : memref<1x64x256xf32, #tpu.memory_space<vmem>>, vector<1x1x16xf32>,
          %get3A_3618 = arith.constant 0 : i32
          %get3A_3619 = arith.constant 0 : i32
          %get3A_3620 = arith.constant 0 : i32
          %get3A_3621 = arith.constant 0 : i32
          %get3A_3622 = tpu.memref_slice %run_scoped3A[%rem3A_810, %get3A_3619, %get3A_3620, %get3A_3621] : memref<2x1x64x256xf32, #tpu.memory_space<vmem>> -> memref<1x1x64x256xf32, #tpu.memory_space<vmem>>
          %get3A_3623 = tpu.memref_squeeze %get3A_3622 : memref<1x1x64x256xf32, #tpu.memory_space<vmem>> -> memref<1x64x256xf32, #tpu.memory_space<vmem>>
          %get3A_3624 = arith.index_cast %get3A_3618 : i32 to index
          %get3A_3625 = arith.index_cast %scan3A_3365 : i32 to index
          %get3A_3626 = arith.constant 160 : index
          %get3A_3627 = tpu.vector_load %get3A_3623[%get3A_3624, %get3A_3625, %get3A_3626] {strides = array<i32>} : memref<1x64x256xf32, #tpu.memory_space<vmem>>, vector<1x1x16xf32>,
          %get3A_3628 = vector.shape_cast %get3A_3627 : vector<1x1x16xf32> to vector<16xf32>
          %add3A_3629 = arith.addf %add3A_3243, %get3A_3628 : vector<16xf32>
          %swap3A_3630 = arith.constant 0 : i32
          %swap3A_3631 = arith.constant 0 : i32
          %swap3A_3632 = arith.constant 0 : i32
          %swap3A_3633 = arith.constant 0 : i32
          %swap3A_3634 = tpu.memref_slice %run_scoped3A_102[%rem3A_812, %swap3A_3631, %swap3A_3632, %swap3A_3633] : memref<2x1x64x256xf32, #tpu.memory_space<vmem>> -> memref<1x1x64x256xf32, #tpu.memory_space<vmem>>
          %swap3A_3635 = tpu.memref_squeeze %swap3A_3634 : memref<1x1x64x256xf32, #tpu.memory_space<vmem>> -> memref<1x64x256xf32, #tpu.memory_space<vmem>>
          %swap3A_3636 = arith.index_cast %swap3A_3630 : i32 to index
          %swap3A_3637 = arith.index_cast %scan3A_3365 : i32 to index
          %swap3A_3638 = arith.constant 176 : index
          %swap3A_3639 = tpu.vector_load %swap3A_3635[%swap3A_3636, %swap3A_3637, %swap3A_3638] {strides = array<i32>} : memref<1x64x256xf32, #tpu.memory_space<vmem>>, vector<1x1x16xf32>,
          %swap3A_3640 = vector.shape_cast %swap3A_3639 : vector<1x1x16xf32> to vector<16xf32>
          %swap3A_3641 = vector.shape_cast %add3A_3267 : vector<16xf32> to vector<1x1x16xf32>
          tpu.vector_store %swap3A_3635[%swap3A_3636, %swap3A_3637, %swap3A_3638], %swap3A_3641 {strides = array<i32>} : memref<1x64x256xf32, #tpu.memory_space<vmem>>, vector<1x1x16xf32>,
          %get3A_3642 = arith.constant 0 : i32
          %get3A_3643 = arith.constant 0 : i32
          %get3A_3644 = arith.constant 0 : i32
          %get3A_3645 = arith.constant 0 : i32
          %get3A_3646 = tpu.memref_slice %run_scoped3A[%rem3A_810, %get3A_3643, %get3A_3644, %get3A_3645] : memref<2x1x64x256xf32, #tpu.memory_space<vmem>> -> memref<1x1x64x256xf32, #tpu.memory_space<vmem>>
          %get3A_3647 = tpu.memref_squeeze %get3A_3646 : memref<1x1x64x256xf32, #tpu.memory_space<vmem>> -> memref<1x64x256xf32, #tpu.memory_space<vmem>>
          %get3A_3648 = arith.index_cast %get3A_3642 : i32 to index
          %get3A_3649 = arith.index_cast %scan3A_3365 : i32 to index
          %get3A_3650 = arith.constant 176 : index
          %get3A_3651 = tpu.vector_load %get3A_3647[%get3A_3648, %get3A_3649, %get3A_3650] {strides = array<i32>} : memref<1x64x256xf32, #tpu.memory_space<vmem>>, vector<1x1x16xf32>,
          %get3A_3652 = vector.shape_cast %get3A_3651 : vector<1x1x16xf32> to vector<16xf32>
          %add3A_3653 = arith.addf %add3A_3267, %get3A_3652 : vector<16xf32>
          %swap3A_3654 = arith.constant 0 : i32
          %swap3A_3655 = arith.constant 0 : i32
          %swap3A_3656 = arith.constant 0 : i32
          %swap3A_3657 = arith.constant 0 : i32
          %swap3A_3658 = tpu.memref_slice %run_scoped3A_102[%rem3A_812, %swap3A_3655, %swap3A_3656, %swap3A_3657] : memref<2x1x64x256xf32, #tpu.memory_space<vmem>> -> memref<1x1x64x256xf32, #tpu.memory_space<vmem>>
          %swap3A_3659 = tpu.memref_squeeze %swap3A_3658 : memref<1x1x64x256xf32, #tpu.memory_space<vmem>> -> memref<1x64x256xf32, #tpu.memory_space<vmem>>
          %swap3A_3660 = arith.index_cast %swap3A_3654 : i32 to index
          %swap3A_3661 = arith.index_cast %scan3A_3365 : i32 to index
          %swap3A_3662 = arith.constant 192 : index
          %swap3A_3663 = tpu.vector_load %swap3A_3659[%swap3A_3660, %swap3A_3661, %swap3A_3662] {strides = array<i32>} : memref<1x64x256xf32, #tpu.memory_space<vmem>>, vector<1x1x16xf32>,
          %swap3A_3664 = vector.shape_cast %swap3A_3663 : vector<1x1x16xf32> to vector<16xf32>
          %swap3A_3665 = vector.shape_cast %add3A_3291 : vector<16xf32> to vector<1x1x16xf32>
          tpu.vector_store %swap3A_3659[%swap3A_3660, %swap3A_3661, %swap3A_3662], %swap3A_3665 {strides = array<i32>} : memref<1x64x256xf32, #tpu.memory_space<vmem>>, vector<1x1x16xf32>,
          %get3A_3666 = arith.constant 0 : i32
          %get3A_3667 = arith.constant 0 : i32
          %get3A_3668 = arith.constant 0 : i32
          %get3A_3669 = arith.constant 0 : i32
          %get3A_3670 = tpu.memref_slice %run_scoped3A[%rem3A_810, %get3A_3667, %get3A_3668, %get3A_3669] : memref<2x1x64x256xf32, #tpu.memory_space<vmem>> -> memref<1x1x64x256xf32, #tpu.memory_space<vmem>>
          %get3A_3671 = tpu.memref_squeeze %get3A_3670 : memref<1x1x64x256xf32, #tpu.memory_space<vmem>> -> memref<1x64x256xf32, #tpu.memory_space<vmem>>
          %get3A_3672 = arith.index_cast %get3A_3666 : i32 to index
          %get3A_3673 = arith.index_cast %scan3A_3365 : i32 to index
          %get3A_3674 = arith.constant 192 : index
          %get3A_3675 = tpu.vector_load %get3A_3671[%get3A_3672, %get3A_3673, %get3A_3674] {strides = array<i32>} : memref<1x64x256xf32, #tpu.memory_space<vmem>>, vector<1x1x16xf32>,
          %get3A_3676 = vector.shape_cast %get3A_3675 : vector<1x1x16xf32> to vector<16xf32>
          %add3A_3677 = arith.addf %add3A_3291, %get3A_3676 : vector<16xf32>
          %swap3A_3678 = arith.constant 0 : i32
          %swap3A_3679 = arith.constant 0 : i32
          %swap3A_3680 = arith.constant 0 : i32
          %swap3A_3681 = arith.constant 0 : i32
          %swap3A_3682 = tpu.memref_slice %run_scoped3A_102[%rem3A_812, %swap3A_3679, %swap3A_3680, %swap3A_3681] : memref<2x1x64x256xf32, #tpu.memory_space<vmem>> -> memref<1x1x64x256xf32, #tpu.memory_space<vmem>>
          %swap3A_3683 = tpu.memref_squeeze %swap3A_3682 : memref<1x1x64x256xf32, #tpu.memory_space<vmem>> -> memref<1x64x256xf32, #tpu.memory_space<vmem>>
          %swap3A_3684 = arith.index_cast %swap3A_3678 : i32 to index
          %swap3A_3685 = arith.index_cast %scan3A_3365 : i32 to index
          %swap3A_3686 = arith.constant 208 : index
          %swap3A_3687 = tpu.vector_load %swap3A_3683[%swap3A_3684, %swap3A_3685, %swap3A_3686] {strides = array<i32>} : memref<1x64x256xf32, #tpu.memory_space<vmem>>, vector<1x1x16xf32>,
          %swap3A_3688 = vector.shape_cast %swap3A_3687 : vector<1x1x16xf32> to vector<16xf32>
          %swap3A_3689 = vector.shape_cast %add3A_3315 : vector<16xf32> to vector<1x1x16xf32>
          tpu.vector_store %swap3A_3683[%swap3A_3684, %swap3A_3685, %swap3A_3686], %swap3A_3689 {strides = array<i32>} : memref<1x64x256xf32, #tpu.memory_space<vmem>>, vector<1x1x16xf32>,
          %get3A_3690 = arith.constant 0 : i32
          %get3A_3691 = arith.constant 0 : i32
          %get3A_3692 = arith.constant 0 : i32
          %get3A_3693 = arith.constant 0 : i32
          %get3A_3694 = tpu.memref_slice %run_scoped3A[%rem3A_810, %get3A_3691, %get3A_3692, %get3A_3693] : memref<2x1x64x256xf32, #tpu.memory_space<vmem>> -> memref<1x1x64x256xf32, #tpu.memory_space<vmem>>
          %get3A_3695 = tpu.memref_squeeze %get3A_3694 : memref<1x1x64x256xf32, #tpu.memory_space<vmem>> -> memref<1x64x256xf32, #tpu.memory_space<vmem>>
          %get3A_3696 = arith.index_cast %get3A_3690 : i32 to index
          %get3A_3697 = arith.index_cast %scan3A_3365 : i32 to index
          %get3A_3698 = arith.constant 208 : index
          %get3A_3699 = tpu.vector_load %get3A_3695[%get3A_3696, %get3A_3697, %get3A_3698] {strides = array<i32>} : memref<1x64x256xf32, #tpu.memory_space<vmem>>, vector<1x1x16xf32>,
          %get3A_3700 = vector.shape_cast %get3A_3699 : vector<1x1x16xf32> to vector<16xf32>
          %add3A_3701 = arith.addf %add3A_3315, %get3A_3700 : vector<16xf32>
          %swap3A_3702 = arith.constant 0 : i32
          %swap3A_3703 = arith.constant 0 : i32
          %swap3A_3704 = arith.constant 0 : i32
          %swap3A_3705 = arith.constant 0 : i32
          %swap3A_3706 = tpu.memref_slice %run_scoped3A_102[%rem3A_812, %swap3A_3703, %swap3A_3704, %swap3A_3705] : memref<2x1x64x256xf32, #tpu.memory_space<vmem>> -> memref<1x1x64x256xf32, #tpu.memory_space<vmem>>
          %swap3A_3707 = tpu.memref_squeeze %swap3A_3706 : memref<1x1x64x256xf32, #tpu.memory_space<vmem>> -> memref<1x64x256xf32, #tpu.memory_space<vmem>>
          %swap3A_3708 = arith.index_cast %swap3A_3702 : i32 to index
          %swap3A_3709 = arith.index_cast %scan3A_3365 : i32 to index
          %swap3A_3710 = arith.constant 224 : index
          %swap3A_3711 = tpu.vector_load %swap3A_3707[%swap3A_3708, %swap3A_3709, %swap3A_3710] {strides = array<i32>} : memref<1x64x256xf32, #tpu.memory_space<vmem>>, vector<1x1x16xf32>,
          %swap3A_3712 = vector.shape_cast %swap3A_3711 : vector<1x1x16xf32> to vector<16xf32>
          %swap3A_3713 = vector.shape_cast %add3A_3339 : vector<16xf32> to vector<1x1x16xf32>
          tpu.vector_store %swap3A_3707[%swap3A_3708, %swap3A_3709, %swap3A_3710], %swap3A_3713 {strides = array<i32>} : memref<1x64x256xf32, #tpu.memory_space<vmem>>, vector<1x1x16xf32>,
          %get3A_3714 = arith.constant 0 : i32
          %get3A_3715 = arith.constant 0 : i32
          %get3A_3716 = arith.constant 0 : i32
          %get3A_3717 = arith.constant 0 : i32
          %get3A_3718 = tpu.memref_slice %run_scoped3A[%rem3A_810, %get3A_3715, %get3A_3716, %get3A_3717] : memref<2x1x64x256xf32, #tpu.memory_space<vmem>> -> memref<1x1x64x256xf32, #tpu.memory_space<vmem>>
          %get3A_3719 = tpu.memref_squeeze %get3A_3718 : memref<1x1x64x256xf32, #tpu.memory_space<vmem>> -> memref<1x64x256xf32, #tpu.memory_space<vmem>>
          %get3A_3720 = arith.index_cast %get3A_3714 : i32 to index
          %get3A_3721 = arith.index_cast %scan3A_3365 : i32 to index
          %get3A_3722 = arith.constant 224 : index
          %get3A_3723 = tpu.vector_load %get3A_3719[%get3A_3720, %get3A_3721, %get3A_3722] {strides = array<i32>} : memref<1x64x256xf32, #tpu.memory_space<vmem>>, vector<1x1x16xf32>,
          %get3A_3724 = vector.shape_cast %get3A_3723 : vector<1x1x16xf32> to vector<16xf32>
          %add3A_3725 = arith.addf %add3A_3339, %get3A_3724 : vector<16xf32>
          %swap3A_3726 = arith.constant 0 : i32
          %swap3A_3727 = arith.constant 0 : i32
          %swap3A_3728 = arith.constant 0 : i32
          %swap3A_3729 = arith.constant 0 : i32
          %swap3A_3730 = tpu.memref_slice %run_scoped3A_102[%rem3A_812, %swap3A_3727, %swap3A_3728, %swap3A_3729] : memref<2x1x64x256xf32, #tpu.memory_space<vmem>> -> memref<1x1x64x256xf32, #tpu.memory_space<vmem>>
          %swap3A_3731 = tpu.memref_squeeze %swap3A_3730 : memref<1x1x64x256xf32, #tpu.memory_space<vmem>> -> memref<1x64x256xf32, #tpu.memory_space<vmem>>
          %swap3A_3732 = arith.index_cast %swap3A_3726 : i32 to index
          %swap3A_3733 = arith.index_cast %scan3A_3365 : i32 to index
          %swap3A_3734 = arith.constant 240 : index
          %swap3A_3735 = tpu.vector_load %swap3A_3731[%swap3A_3732, %swap3A_3733, %swap3A_3734] {strides = array<i32>} : memref<1x64x256xf32, #tpu.memory_space<vmem>>, vector<1x1x16xf32>,
          %swap3A_3736 = vector.shape_cast %swap3A_3735 : vector<1x1x16xf32> to vector<16xf32>
          %swap3A_3737 = vector.shape_cast %add3A_3363 : vector<16xf32> to vector<1x1x16xf32>
          tpu.vector_store %swap3A_3731[%swap3A_3732, %swap3A_3733, %swap3A_3734], %swap3A_3737 {strides = array<i32>} : memref<1x64x256xf32, #tpu.memory_space<vmem>>, vector<1x1x16xf32>,
          %get3A_3738 = arith.constant 0 : i32
          %get3A_3739 = arith.constant 0 : i32
          %get3A_3740 = arith.constant 0 : i32
          %get3A_3741 = arith.constant 0 : i32
          %get3A_3742 = tpu.memref_slice %run_scoped3A[%rem3A_810, %get3A_3739, %get3A_3740, %get3A_3741] : memref<2x1x64x256xf32, #tpu.memory_space<vmem>> -> memref<1x1x64x256xf32, #tpu.memory_space<vmem>>
          %get3A_3743 = tpu.memref_squeeze %get3A_3742 : memref<1x1x64x256xf32, #tpu.memory_space<vmem>> -> memref<1x64x256xf32, #tpu.memory_space<vmem>>
          %get3A_3744 = arith.index_cast %get3A_3738 : i32 to index
          %get3A_3745 = arith.index_cast %scan3A_3365 : i32 to index
          %get3A_3746 = arith.constant 240 : index
          %get3A_3747 = tpu.vector_load %get3A_3743[%get3A_3744, %get3A_3745, %get3A_3746] {strides = array<i32>} : memref<1x64x256xf32, #tpu.memory_space<vmem>>, vector<1x1x16xf32>,
          %get3A_3748 = vector.shape_cast %get3A_3747 : vector<1x1x16xf32> to vector<16xf32>
          %add3A_3749 = arith.addf %add3A_3363, %get3A_3748 : vector<16xf32>
          %scan3A_3750 = arith.constant 6 : i32
          %scan3A_3751 = arith.addi %scan3A_1419, %scan3A_3750 : i32
          %swap3A_3752 = arith.constant 0 : i32
          %swap3A_3753 = arith.constant 0 : i32
          %swap3A_3754 = arith.constant 0 : i32
          %swap3A_3755 = arith.constant 0 : i32
          %swap3A_3756 = tpu.memref_slice %run_scoped3A_102[%rem3A_812, %swap3A_3753, %swap3A_3754, %swap3A_3755] : memref<2x1x64x256xf32, #tpu.memory_space<vmem>> -> memref<1x1x64x256xf32, #tpu.memory_space<vmem>>
          %swap3A_3757 = tpu.memref_squeeze %swap3A_3756 : memref<1x1x64x256xf32, #tpu.memory_space<vmem>> -> memref<1x64x256xf32, #tpu.memory_space<vmem>>
          %swap3A_3758 = arith.index_cast %swap3A_3752 : i32 to index
          %swap3A_3759 = arith.index_cast %scan3A_3751 : i32 to index
          %swap3A_3760 = arith.constant 0 : index
          %swap3A_3761 = tpu.vector_load %swap3A_3757[%swap3A_3758, %swap3A_3759, %swap3A_3760] {strides = array<i32>} : memref<1x64x256xf32, #tpu.memory_space<vmem>>, vector<1x1x16xf32>,
          %swap3A_3762 = vector.shape_cast %swap3A_3761 : vector<1x1x16xf32> to vector<16xf32>
          %swap3A_3763 = vector.shape_cast %add3A_3389 : vector<16xf32> to vector<1x1x16xf32>
          tpu.vector_store %swap3A_3757[%swap3A_3758, %swap3A_3759, %swap3A_3760], %swap3A_3763 {strides = array<i32>} : memref<1x64x256xf32, #tpu.memory_space<vmem>>, vector<1x1x16xf32>,
          %get3A_3764 = arith.constant 0 : i32
          %get3A_3765 = arith.constant 0 : i32
          %get3A_3766 = arith.constant 0 : i32
          %get3A_3767 = arith.constant 0 : i32
          %get3A_3768 = tpu.memref_slice %run_scoped3A[%rem3A_810, %get3A_3765, %get3A_3766, %get3A_3767] : memref<2x1x64x256xf32, #tpu.memory_space<vmem>> -> memref<1x1x64x256xf32, #tpu.memory_space<vmem>>
          %get3A_3769 = tpu.memref_squeeze %get3A_3768 : memref<1x1x64x256xf32, #tpu.memory_space<vmem>> -> memref<1x64x256xf32, #tpu.memory_space<vmem>>
          %get3A_3770 = arith.index_cast %get3A_3764 : i32 to index
          %get3A_3771 = arith.index_cast %scan3A_3751 : i32 to index
          %get3A_3772 = arith.constant 0 : index
          %get3A_3773 = tpu.vector_load %get3A_3769[%get3A_3770, %get3A_3771, %get3A_3772] {strides = array<i32>} : memref<1x64x256xf32, #tpu.memory_space<vmem>>, vector<1x1x16xf32>,
          %get3A_3774 = vector.shape_cast %get3A_3773 : vector<1x1x16xf32> to vector<16xf32>
          %add3A_3775 = arith.addf %add3A_3389, %get3A_3774 : vector<16xf32>
          %swap3A_3776 = arith.constant 0 : i32
          %swap3A_3777 = arith.constant 0 : i32
          %swap3A_3778 = arith.constant 0 : i32
          %swap3A_3779 = arith.constant 0 : i32
          %swap3A_3780 = tpu.memref_slice %run_scoped3A_102[%rem3A_812, %swap3A_3777, %swap3A_3778, %swap3A_3779] : memref<2x1x64x256xf32, #tpu.memory_space<vmem>> -> memref<1x1x64x256xf32, #tpu.memory_space<vmem>>
          %swap3A_3781 = tpu.memref_squeeze %swap3A_3780 : memref<1x1x64x256xf32, #tpu.memory_space<vmem>> -> memref<1x64x256xf32, #tpu.memory_space<vmem>>
          %swap3A_3782 = arith.index_cast %swap3A_3776 : i32 to index
          %swap3A_3783 = arith.index_cast %scan3A_3751 : i32 to index
          %swap3A_3784 = arith.constant 16 : index
          %swap3A_3785 = tpu.vector_load %swap3A_3781[%swap3A_3782, %swap3A_3783, %swap3A_3784] {strides = array<i32>} : memref<1x64x256xf32, #tpu.memory_space<vmem>>, vector<1x1x16xf32>,
          %swap3A_3786 = vector.shape_cast %swap3A_3785 : vector<1x1x16xf32> to vector<16xf32>
          %swap3A_3787 = vector.shape_cast %add3A_3413 : vector<16xf32> to vector<1x1x16xf32>
          tpu.vector_store %swap3A_3781[%swap3A_3782, %swap3A_3783, %swap3A_3784], %swap3A_3787 {strides = array<i32>} : memref<1x64x256xf32, #tpu.memory_space<vmem>>, vector<1x1x16xf32>,
          %get3A_3788 = arith.constant 0 : i32
          %get3A_3789 = arith.constant 0 : i32
          %get3A_3790 = arith.constant 0 : i32
          %get3A_3791 = arith.constant 0 : i32
          %get3A_3792 = tpu.memref_slice %run_scoped3A[%rem3A_810, %get3A_3789, %get3A_3790, %get3A_3791] : memref<2x1x64x256xf32, #tpu.memory_space<vmem>> -> memref<1x1x64x256xf32, #tpu.memory_space<vmem>>
          %get3A_3793 = tpu.memref_squeeze %get3A_3792 : memref<1x1x64x256xf32, #tpu.memory_space<vmem>> -> memref<1x64x256xf32, #tpu.memory_space<vmem>>
          %get3A_3794 = arith.index_cast %get3A_3788 : i32 to index
          %get3A_3795 = arith.index_cast %scan3A_3751 : i32 to index
          %get3A_3796 = arith.constant 16 : index
          %get3A_3797 = tpu.vector_load %get3A_3793[%get3A_3794, %get3A_3795, %get3A_3796] {strides = array<i32>} : memref<1x64x256xf32, #tpu.memory_space<vmem>>, vector<1x1x16xf32>,
          %get3A_3798 = vector.shape_cast %get3A_3797 : vector<1x1x16xf32> to vector<16xf32>
          %add3A_3799 = arith.addf %add3A_3413, %get3A_3798 : vector<16xf32>
          %swap3A_3800 = arith.constant 0 : i32
          %swap3A_3801 = arith.constant 0 : i32
          %swap3A_3802 = arith.constant 0 : i32
          %swap3A_3803 = arith.constant 0 : i32
          %swap3A_3804 = tpu.memref_slice %run_scoped3A_102[%rem3A_812, %swap3A_3801, %swap3A_3802, %swap3A_3803] : memref<2x1x64x256xf32, #tpu.memory_space<vmem>> -> memref<1x1x64x256xf32, #tpu.memory_space<vmem>>
          %swap3A_3805 = tpu.memref_squeeze %swap3A_3804 : memref<1x1x64x256xf32, #tpu.memory_space<vmem>> -> memref<1x64x256xf32, #tpu.memory_space<vmem>>
          %swap3A_3806 = arith.index_cast %swap3A_3800 : i32 to index
          %swap3A_3807 = arith.index_cast %scan3A_3751 : i32 to index
          %swap3A_3808 = arith.constant 32 : index
          %swap3A_3809 = tpu.vector_load %swap3A_3805[%swap3A_3806, %swap3A_3807, %swap3A_3808] {strides = array<i32>} : memref<1x64x256xf32, #tpu.memory_space<vmem>>, vector<1x1x16xf32>,
          %swap3A_3810 = vector.shape_cast %swap3A_3809 : vector<1x1x16xf32> to vector<16xf32>
          %swap3A_3811 = vector.shape_cast %add3A_3437 : vector<16xf32> to vector<1x1x16xf32>
          tpu.vector_store %swap3A_3805[%swap3A_3806, %swap3A_3807, %swap3A_3808], %swap3A_3811 {strides = array<i32>} : memref<1x64x256xf32, #tpu.memory_space<vmem>>, vector<1x1x16xf32>,
          %get3A_3812 = arith.constant 0 : i32
          %get3A_3813 = arith.constant 0 : i32
          %get3A_3814 = arith.constant 0 : i32
          %get3A_3815 = arith.constant 0 : i32
          %get3A_3816 = tpu.memref_slice %run_scoped3A[%rem3A_810, %get3A_3813, %get3A_3814, %get3A_3815] : memref<2x1x64x256xf32, #tpu.memory_space<vmem>> -> memref<1x1x64x256xf32, #tpu.memory_space<vmem>>
          %get3A_3817 = tpu.memref_squeeze %get3A_3816 : memref<1x1x64x256xf32, #tpu.memory_space<vmem>> -> memref<1x64x256xf32, #tpu.memory_space<vmem>>
          %get3A_3818 = arith.index_cast %get3A_3812 : i32 to index
          %get3A_3819 = arith.index_cast %scan3A_3751 : i32 to index
          %get3A_3820 = arith.constant 32 : index
          %get3A_3821 = tpu.vector_load %get3A_3817[%get3A_3818, %get3A_3819, %get3A_3820] {strides = array<i32>} : memref<1x64x256xf32, #tpu.memory_space<vmem>>, vector<1x1x16xf32>,
          %get3A_3822 = vector.shape_cast %get3A_3821 : vector<1x1x16xf32> to vector<16xf32>
          %add3A_3823 = arith.addf %add3A_3437, %get3A_3822 : vector<16xf32>
          %swap3A_3824 = arith.constant 0 : i32
          %swap3A_3825 = arith.constant 0 : i32
          %swap3A_3826 = arith.constant 0 : i32
          %swap3A_3827 = arith.constant 0 : i32
          %swap3A_3828 = tpu.memref_slice %run_scoped3A_102[%rem3A_812, %swap3A_3825, %swap3A_3826, %swap3A_3827] : memref<2x1x64x256xf32, #tpu.memory_space<vmem>> -> memref<1x1x64x256xf32, #tpu.memory_space<vmem>>
          %swap3A_3829 = tpu.memref_squeeze %swap3A_3828 : memref<1x1x64x256xf32, #tpu.memory_space<vmem>> -> memref<1x64x256xf32, #tpu.memory_space<vmem>>
          %swap3A_3830 = arith.index_cast %swap3A_3824 : i32 to index
          %swap3A_3831 = arith.index_cast %scan3A_3751 : i32 to index
          %swap3A_3832 = arith.constant 48 : index
          %swap3A_3833 = tpu.vector_load %swap3A_3829[%swap3A_3830, %swap3A_3831, %swap3A_3832] {strides = array<i32>} : memref<1x64x256xf32, #tpu.memory_space<vmem>>, vector<1x1x16xf32>,
          %swap3A_3834 = vector.shape_cast %swap3A_3833 : vector<1x1x16xf32> to vector<16xf32>
          %swap3A_3835 = vector.shape_cast %add3A_3461 : vector<16xf32> to vector<1x1x16xf32>
          tpu.vector_store %swap3A_3829[%swap3A_3830, %swap3A_3831, %swap3A_3832], %swap3A_3835 {strides = array<i32>} : memref<1x64x256xf32, #tpu.memory_space<vmem>>, vector<1x1x16xf32>,
          %get3A_3836 = arith.constant 0 : i32
          %get3A_3837 = arith.constant 0 : i32
          %get3A_3838 = arith.constant 0 : i32
          %get3A_3839 = arith.constant 0 : i32
          %get3A_3840 = tpu.memref_slice %run_scoped3A[%rem3A_810, %get3A_3837, %get3A_3838, %get3A_3839] : memref<2x1x64x256xf32, #tpu.memory_space<vmem>> -> memref<1x1x64x256xf32, #tpu.memory_space<vmem>>
          %get3A_3841 = tpu.memref_squeeze %get3A_3840 : memref<1x1x64x256xf32, #tpu.memory_space<vmem>> -> memref<1x64x256xf32, #tpu.memory_space<vmem>>
          %get3A_3842 = arith.index_cast %get3A_3836 : i32 to index
          %get3A_3843 = arith.index_cast %scan3A_3751 : i32 to index
          %get3A_3844 = arith.constant 48 : index
          %get3A_3845 = tpu.vector_load %get3A_3841[%get3A_3842, %get3A_3843, %get3A_3844] {strides = array<i32>} : memref<1x64x256xf32, #tpu.memory_space<vmem>>, vector<1x1x16xf32>,
          %get3A_3846 = vector.shape_cast %get3A_3845 : vector<1x1x16xf32> to vector<16xf32>
          %add3A_3847 = arith.addf %add3A_3461, %get3A_3846 : vector<16xf32>
          %swap3A_3848 = arith.constant 0 : i32
          %swap3A_3849 = arith.constant 0 : i32
          %swap3A_3850 = arith.constant 0 : i32
          %swap3A_3851 = arith.constant 0 : i32
          %swap3A_3852 = tpu.memref_slice %run_scoped3A_102[%rem3A_812, %swap3A_3849, %swap3A_3850, %swap3A_3851] : memref<2x1x64x256xf32, #tpu.memory_space<vmem>> -> memref<1x1x64x256xf32, #tpu.memory_space<vmem>>
          %swap3A_3853 = tpu.memref_squeeze %swap3A_3852 : memref<1x1x64x256xf32, #tpu.memory_space<vmem>> -> memref<1x64x256xf32, #tpu.memory_space<vmem>>
          %swap3A_3854 = arith.index_cast %swap3A_3848 : i32 to index
          %swap3A_3855 = arith.index_cast %scan3A_3751 : i32 to index
          %swap3A_3856 = arith.constant 64 : index
          %swap3A_3857 = tpu.vector_load %swap3A_3853[%swap3A_3854, %swap3A_3855, %swap3A_3856] {strides = array<i32>} : memref<1x64x256xf32, #tpu.memory_space<vmem>>, vector<1x1x16xf32>,
          %swap3A_3858 = vector.shape_cast %swap3A_3857 : vector<1x1x16xf32> to vector<16xf32>
          %swap3A_3859 = vector.shape_cast %add3A_3485 : vector<16xf32> to vector<1x1x16xf32>
          tpu.vector_store %swap3A_3853[%swap3A_3854, %swap3A_3855, %swap3A_3856], %swap3A_3859 {strides = array<i32>} : memref<1x64x256xf32, #tpu.memory_space<vmem>>, vector<1x1x16xf32>,
          %get3A_3860 = arith.constant 0 : i32
          %get3A_3861 = arith.constant 0 : i32
          %get3A_3862 = arith.constant 0 : i32
          %get3A_3863 = arith.constant 0 : i32
          %get3A_3864 = tpu.memref_slice %run_scoped3A[%rem3A_810, %get3A_3861, %get3A_3862, %get3A_3863] : memref<2x1x64x256xf32, #tpu.memory_space<vmem>> -> memref<1x1x64x256xf32, #tpu.memory_space<vmem>>
          %get3A_3865 = tpu.memref_squeeze %get3A_3864 : memref<1x1x64x256xf32, #tpu.memory_space<vmem>> -> memref<1x64x256xf32, #tpu.memory_space<vmem>>
          %get3A_3866 = arith.index_cast %get3A_3860 : i32 to index
          %get3A_3867 = arith.index_cast %scan3A_3751 : i32 to index
          %get3A_3868 = arith.constant 64 : index
          %get3A_3869 = tpu.vector_load %get3A_3865[%get3A_3866, %get3A_3867, %get3A_3868] {strides = array<i32>} : memref<1x64x256xf32, #tpu.memory_space<vmem>>, vector<1x1x16xf32>,
          %get3A_3870 = vector.shape_cast %get3A_3869 : vector<1x1x16xf32> to vector<16xf32>
          %add3A_3871 = arith.addf %add3A_3485, %get3A_3870 : vector<16xf32>
          %swap3A_3872 = arith.constant 0 : i32
          %swap3A_3873 = arith.constant 0 : i32
          %swap3A_3874 = arith.constant 0 : i32
          %swap3A_3875 = arith.constant 0 : i32
          %swap3A_3876 = tpu.memref_slice %run_scoped3A_102[%rem3A_812, %swap3A_3873, %swap3A_3874, %swap3A_3875] : memref<2x1x64x256xf32, #tpu.memory_space<vmem>> -> memref<1x1x64x256xf32, #tpu.memory_space<vmem>>
          %swap3A_3877 = tpu.memref_squeeze %swap3A_3876 : memref<1x1x64x256xf32, #tpu.memory_space<vmem>> -> memref<1x64x256xf32, #tpu.memory_space<vmem>>
          %swap3A_3878 = arith.index_cast %swap3A_3872 : i32 to index
          %swap3A_3879 = arith.index_cast %scan3A_3751 : i32 to index
          %swap3A_3880 = arith.constant 80 : index
          %swap3A_3881 = tpu.vector_load %swap3A_3877[%swap3A_3878, %swap3A_3879, %swap3A_3880] {strides = array<i32>} : memref<1x64x256xf32, #tpu.memory_space<vmem>>, vector<1x1x16xf32>,
          %swap3A_3882 = vector.shape_cast %swap3A_3881 : vector<1x1x16xf32> to vector<16xf32>
          %swap3A_3883 = vector.shape_cast %add3A_3509 : vector<16xf32> to vector<1x1x16xf32>
          tpu.vector_store %swap3A_3877[%swap3A_3878, %swap3A_3879, %swap3A_3880], %swap3A_3883 {strides = array<i32>} : memref<1x64x256xf32, #tpu.memory_space<vmem>>, vector<1x1x16xf32>,
          %get3A_3884 = arith.constant 0 : i32
          %get3A_3885 = arith.constant 0 : i32
          %get3A_3886 = arith.constant 0 : i32
          %get3A_3887 = arith.constant 0 : i32
          %get3A_3888 = tpu.memref_slice %run_scoped3A[%rem3A_810, %get3A_3885, %get3A_3886, %get3A_3887] : memref<2x1x64x256xf32, #tpu.memory_space<vmem>> -> memref<1x1x64x256xf32, #tpu.memory_space<vmem>>
          %get3A_3889 = tpu.memref_squeeze %get3A_3888 : memref<1x1x64x256xf32, #tpu.memory_space<vmem>> -> memref<1x64x256xf32, #tpu.memory_space<vmem>>
          %get3A_3890 = arith.index_cast %get3A_3884 : i32 to index
          %get3A_3891 = arith.index_cast %scan3A_3751 : i32 to index
          %get3A_3892 = arith.constant 80 : index
          %get3A_3893 = tpu.vector_load %get3A_3889[%get3A_3890, %get3A_3891, %get3A_3892] {strides = array<i32>} : memref<1x64x256xf32, #tpu.memory_space<vmem>>, vector<1x1x16xf32>,
          %get3A_3894 = vector.shape_cast %get3A_3893 : vector<1x1x16xf32> to vector<16xf32>
          %add3A_3895 = arith.addf %add3A_3509, %get3A_3894 : vector<16xf32>
          %swap3A_3896 = arith.constant 0 : i32
          %swap3A_3897 = arith.constant 0 : i32
          %swap3A_3898 = arith.constant 0 : i32
          %swap3A_3899 = arith.constant 0 : i32
          %swap3A_3900 = tpu.memref_slice %run_scoped3A_102[%rem3A_812, %swap3A_3897, %swap3A_3898, %swap3A_3899] : memref<2x1x64x256xf32, #tpu.memory_space<vmem>> -> memref<1x1x64x256xf32, #tpu.memory_space<vmem>>
          %swap3A_3901 = tpu.memref_squeeze %swap3A_3900 : memref<1x1x64x256xf32, #tpu.memory_space<vmem>> -> memref<1x64x256xf32, #tpu.memory_space<vmem>>
          %swap3A_3902 = arith.index_cast %swap3A_3896 : i32 to index
          %swap3A_3903 = arith.index_cast %scan3A_3751 : i32 to index
          %swap3A_3904 = arith.constant 96 : index
          %swap3A_3905 = tpu.vector_load %swap3A_3901[%swap3A_3902, %swap3A_3903, %swap3A_3904] {strides = array<i32>} : memref<1x64x256xf32, #tpu.memory_space<vmem>>, vector<1x1x16xf32>,
          %swap3A_3906 = vector.shape_cast %swap3A_3905 : vector<1x1x16xf32> to vector<16xf32>
          %swap3A_3907 = vector.shape_cast %add3A_3533 : vector<16xf32> to vector<1x1x16xf32>
          tpu.vector_store %swap3A_3901[%swap3A_3902, %swap3A_3903, %swap3A_3904], %swap3A_3907 {strides = array<i32>} : memref<1x64x256xf32, #tpu.memory_space<vmem>>, vector<1x1x16xf32>,
          %get3A_3908 = arith.constant 0 : i32
          %get3A_3909 = arith.constant 0 : i32
          %get3A_3910 = arith.constant 0 : i32
          %get3A_3911 = arith.constant 0 : i32
          %get3A_3912 = tpu.memref_slice %run_scoped3A[%rem3A_810, %get3A_3909, %get3A_3910, %get3A_3911] : memref<2x1x64x256xf32, #tpu.memory_space<vmem>> -> memref<1x1x64x256xf32, #tpu.memory_space<vmem>>
          %get3A_3913 = tpu.memref_squeeze %get3A_3912 : memref<1x1x64x256xf32, #tpu.memory_space<vmem>> -> memref<1x64x256xf32, #tpu.memory_space<vmem>>
          %get3A_3914 = arith.index_cast %get3A_3908 : i32 to index
          %get3A_3915 = arith.index_cast %scan3A_3751 : i32 to index
          %get3A_3916 = arith.constant 96 : index
          %get3A_3917 = tpu.vector_load %get3A_3913[%get3A_3914, %get3A_3915, %get3A_3916] {strides = array<i32>} : memref<1x64x256xf32, #tpu.memory_space<vmem>>, vector<1x1x16xf32>,
          %get3A_3918 = vector.shape_cast %get3A_3917 : vector<1x1x16xf32> to vector<16xf32>
          %add3A_3919 = arith.addf %add3A_3533, %get3A_3918 : vector<16xf32>
          %swap3A_3920 = arith.constant 0 : i32
          %swap3A_3921 = arith.constant 0 : i32
          %swap3A_3922 = arith.constant 0 : i32
          %swap3A_3923 = arith.constant 0 : i32
          %swap3A_3924 = tpu.memref_slice %run_scoped3A_102[%rem3A_812, %swap3A_3921, %swap3A_3922, %swap3A_3923] : memref<2x1x64x256xf32, #tpu.memory_space<vmem>> -> memref<1x1x64x256xf32, #tpu.memory_space<vmem>>
          %swap3A_3925 = tpu.memref_squeeze %swap3A_3924 : memref<1x1x64x256xf32, #tpu.memory_space<vmem>> -> memref<1x64x256xf32, #tpu.memory_space<vmem>>
          %swap3A_3926 = arith.index_cast %swap3A_3920 : i32 to index
          %swap3A_3927 = arith.index_cast %scan3A_3751 : i32 to index
          %swap3A_3928 = arith.constant 112 : index
          %swap3A_3929 = tpu.vector_load %swap3A_3925[%swap3A_3926, %swap3A_3927, %swap3A_3928] {strides = array<i32>} : memref<1x64x256xf32, #tpu.memory_space<vmem>>, vector<1x1x16xf32>,
          %swap3A_3930 = vector.shape_cast %swap3A_3929 : vector<1x1x16xf32> to vector<16xf32>
          %swap3A_3931 = vector.shape_cast %add3A_3557 : vector<16xf32> to vector<1x1x16xf32>
          tpu.vector_store %swap3A_3925[%swap3A_3926, %swap3A_3927, %swap3A_3928], %swap3A_3931 {strides = array<i32>} : memref<1x64x256xf32, #tpu.memory_space<vmem>>, vector<1x1x16xf32>,
          %get3A_3932 = arith.constant 0 : i32
          %get3A_3933 = arith.constant 0 : i32
          %get3A_3934 = arith.constant 0 : i32
          %get3A_3935 = arith.constant 0 : i32
          %get3A_3936 = tpu.memref_slice %run_scoped3A[%rem3A_810, %get3A_3933, %get3A_3934, %get3A_3935] : memref<2x1x64x256xf32, #tpu.memory_space<vmem>> -> memref<1x1x64x256xf32, #tpu.memory_space<vmem>>
          %get3A_3937 = tpu.memref_squeeze %get3A_3936 : memref<1x1x64x256xf32, #tpu.memory_space<vmem>> -> memref<1x64x256xf32, #tpu.memory_space<vmem>>
          %get3A_3938 = arith.index_cast %get3A_3932 : i32 to index
          %get3A_3939 = arith.index_cast %scan3A_3751 : i32 to index
          %get3A_3940 = arith.constant 112 : index
          %get3A_3941 = tpu.vector_load %get3A_3937[%get3A_3938, %get3A_3939, %get3A_3940] {strides = array<i32>} : memref<1x64x256xf32, #tpu.memory_space<vmem>>, vector<1x1x16xf32>,
          %get3A_3942 = vector.shape_cast %get3A_3941 : vector<1x1x16xf32> to vector<16xf32>
          %add3A_3943 = arith.addf %add3A_3557, %get3A_3942 : vector<16xf32>
          %swap3A_3944 = arith.constant 0 : i32
          %swap3A_3945 = arith.constant 0 : i32
          %swap3A_3946 = arith.constant 0 : i32
          %swap3A_3947 = arith.constant 0 : i32
          %swap3A_3948 = tpu.memref_slice %run_scoped3A_102[%rem3A_812, %swap3A_3945, %swap3A_3946, %swap3A_3947] : memref<2x1x64x256xf32, #tpu.memory_space<vmem>> -> memref<1x1x64x256xf32, #tpu.memory_space<vmem>>
          %swap3A_3949 = tpu.memref_squeeze %swap3A_3948 : memref<1x1x64x256xf32, #tpu.memory_space<vmem>> -> memref<1x64x256xf32, #tpu.memory_space<vmem>>
          %swap3A_3950 = arith.index_cast %swap3A_3944 : i32 to index
          %swap3A_3951 = arith.index_cast %scan3A_3751 : i32 to index
          %swap3A_3952 = arith.constant 128 : index
          %swap3A_3953 = tpu.vector_load %swap3A_3949[%swap3A_3950, %swap3A_3951, %swap3A_3952] {strides = array<i32>} : memref<1x64x256xf32, #tpu.memory_space<vmem>>, vector<1x1x16xf32>,
          %swap3A_3954 = vector.shape_cast %swap3A_3953 : vector<1x1x16xf32> to vector<16xf32>
          %swap3A_3955 = vector.shape_cast %add3A_3581 : vector<16xf32> to vector<1x1x16xf32>
          tpu.vector_store %swap3A_3949[%swap3A_3950, %swap3A_3951, %swap3A_3952], %swap3A_3955 {strides = array<i32>} : memref<1x64x256xf32, #tpu.memory_space<vmem>>, vector<1x1x16xf32>,
          %get3A_3956 = arith.constant 0 : i32
          %get3A_3957 = arith.constant 0 : i32
          %get3A_3958 = arith.constant 0 : i32
          %get3A_3959 = arith.constant 0 : i32
          %get3A_3960 = tpu.memref_slice %run_scoped3A[%rem3A_810, %get3A_3957, %get3A_3958, %get3A_3959] : memref<2x1x64x256xf32, #tpu.memory_space<vmem>> -> memref<1x1x64x256xf32, #tpu.memory_space<vmem>>
          %get3A_3961 = tpu.memref_squeeze %get3A_3960 : memref<1x1x64x256xf32, #tpu.memory_space<vmem>> -> memref<1x64x256xf32, #tpu.memory_space<vmem>>
          %get3A_3962 = arith.index_cast %get3A_3956 : i32 to index
          %get3A_3963 = arith.index_cast %scan3A_3751 : i32 to index
          %get3A_3964 = arith.constant 128 : index
          %get3A_3965 = tpu.vector_load %get3A_3961[%get3A_3962, %get3A_3963, %get3A_3964] {strides = array<i32>} : memref<1x64x256xf32, #tpu.memory_space<vmem>>, vector<1x1x16xf32>,
          %get3A_3966 = vector.shape_cast %get3A_3965 : vector<1x1x16xf32> to vector<16xf32>
          %add3A_3967 = arith.addf %add3A_3581, %get3A_3966 : vector<16xf32>
          %swap3A_3968 = arith.constant 0 : i32
          %swap3A_3969 = arith.constant 0 : i32
          %swap3A_3970 = arith.constant 0 : i32
          %swap3A_3971 = arith.constant 0 : i32
          %swap3A_3972 = tpu.memref_slice %run_scoped3A_102[%rem3A_812, %swap3A_3969, %swap3A_3970, %swap3A_3971] : memref<2x1x64x256xf32, #tpu.memory_space<vmem>> -> memref<1x1x64x256xf32, #tpu.memory_space<vmem>>
          %swap3A_3973 = tpu.memref_squeeze %swap3A_3972 : memref<1x1x64x256xf32, #tpu.memory_space<vmem>> -> memref<1x64x256xf32, #tpu.memory_space<vmem>>
          %swap3A_3974 = arith.index_cast %swap3A_3968 : i32 to index
          %swap3A_3975 = arith.index_cast %scan3A_3751 : i32 to index
          %swap3A_3976 = arith.constant 144 : index
          %swap3A_3977 = tpu.vector_load %swap3A_3973[%swap3A_3974, %swap3A_3975, %swap3A_3976] {strides = array<i32>} : memref<1x64x256xf32, #tpu.memory_space<vmem>>, vector<1x1x16xf32>,
          %swap3A_3978 = vector.shape_cast %swap3A_3977 : vector<1x1x16xf32> to vector<16xf32>
          %swap3A_3979 = vector.shape_cast %add3A_3605 : vector<16xf32> to vector<1x1x16xf32>
          tpu.vector_store %swap3A_3973[%swap3A_3974, %swap3A_3975, %swap3A_3976], %swap3A_3979 {strides = array<i32>} : memref<1x64x256xf32, #tpu.memory_space<vmem>>, vector<1x1x16xf32>,
          %get3A_3980 = arith.constant 0 : i32
          %get3A_3981 = arith.constant 0 : i32
          %get3A_3982 = arith.constant 0 : i32
          %get3A_3983 = arith.constant 0 : i32
          %get3A_3984 = tpu.memref_slice %run_scoped3A[%rem3A_810, %get3A_3981, %get3A_3982, %get3A_3983] : memref<2x1x64x256xf32, #tpu.memory_space<vmem>> -> memref<1x1x64x256xf32, #tpu.memory_space<vmem>>
          %get3A_3985 = tpu.memref_squeeze %get3A_3984 : memref<1x1x64x256xf32, #tpu.memory_space<vmem>> -> memref<1x64x256xf32, #tpu.memory_space<vmem>>
          %get3A_3986 = arith.index_cast %get3A_3980 : i32 to index
          %get3A_3987 = arith.index_cast %scan3A_3751 : i32 to index
          %get3A_3988 = arith.constant 144 : index
          %get3A_3989 = tpu.vector_load %get3A_3985[%get3A_3986, %get3A_3987, %get3A_3988] {strides = array<i32>} : memref<1x64x256xf32, #tpu.memory_space<vmem>>, vector<1x1x16xf32>,
          %get3A_3990 = vector.shape_cast %get3A_3989 : vector<1x1x16xf32> to vector<16xf32>
          %add3A_3991 = arith.addf %add3A_3605, %get3A_3990 : vector<16xf32>
          %swap3A_3992 = arith.constant 0 : i32
          %swap3A_3993 = arith.constant 0 : i32
          %swap3A_3994 = arith.constant 0 : i32
          %swap3A_3995 = arith.constant 0 : i32
          %swap3A_3996 = tpu.memref_slice %run_scoped3A_102[%rem3A_812, %swap3A_3993, %swap3A_3994, %swap3A_3995] : memref<2x1x64x256xf32, #tpu.memory_space<vmem>> -> memref<1x1x64x256xf32, #tpu.memory_space<vmem>>
          %swap3A_3997 = tpu.memref_squeeze %swap3A_3996 : memref<1x1x64x256xf32, #tpu.memory_space<vmem>> -> memref<1x64x256xf32, #tpu.memory_space<vmem>>
          %swap3A_3998 = arith.index_cast %swap3A_3992 : i32 to index
          %swap3A_3999 = arith.index_cast %scan3A_3751 : i32 to index
          %swap3A_4000 = arith.constant 160 : index
          %swap3A_4001 = tpu.vector_load %swap3A_3997[%swap3A_3998, %swap3A_3999, %swap3A_4000] {strides = array<i32>} : memref<1x64x256xf32, #tpu.memory_space<vmem>>, vector<1x1x16xf32>,
          %swap3A_4002 = vector.shape_cast %swap3A_4001 : vector<1x1x16xf32> to vector<16xf32>
          %swap3A_4003 = vector.shape_cast %add3A_3629 : vector<16xf32> to vector<1x1x16xf32>
          tpu.vector_store %swap3A_3997[%swap3A_3998, %swap3A_3999, %swap3A_4000], %swap3A_4003 {strides = array<i32>} : memref<1x64x256xf32, #tpu.memory_space<vmem>>, vector<1x1x16xf32>,
          %get3A_4004 = arith.constant 0 : i32
          %get3A_4005 = arith.constant 0 : i32
          %get3A_4006 = arith.constant 0 : i32
          %get3A_4007 = arith.constant 0 : i32
          %get3A_4008 = tpu.memref_slice %run_scoped3A[%rem3A_810, %get3A_4005, %get3A_4006, %get3A_4007] : memref<2x1x64x256xf32, #tpu.memory_space<vmem>> -> memref<1x1x64x256xf32, #tpu.memory_space<vmem>>
          %get3A_4009 = tpu.memref_squeeze %get3A_4008 : memref<1x1x64x256xf32, #tpu.memory_space<vmem>> -> memref<1x64x256xf32, #tpu.memory_space<vmem>>
          %get3A_4010 = arith.index_cast %get3A_4004 : i32 to index
          %get3A_4011 = arith.index_cast %scan3A_3751 : i32 to index
          %get3A_4012 = arith.constant 160 : index
          %get3A_4013 = tpu.vector_load %get3A_4009[%get3A_4010, %get3A_4011, %get3A_4012] {strides = array<i32>} : memref<1x64x256xf32, #tpu.memory_space<vmem>>, vector<1x1x16xf32>,
          %get3A_4014 = vector.shape_cast %get3A_4013 : vector<1x1x16xf32> to vector<16xf32>
          %add3A_4015 = arith.addf %add3A_3629, %get3A_4014 : vector<16xf32>
          %swap3A_4016 = arith.constant 0 : i32
          %swap3A_4017 = arith.constant 0 : i32
          %swap3A_4018 = arith.constant 0 : i32
          %swap3A_4019 = arith.constant 0 : i32
          %swap3A_4020 = tpu.memref_slice %run_scoped3A_102[%rem3A_812, %swap3A_4017, %swap3A_4018, %swap3A_4019] : memref<2x1x64x256xf32, #tpu.memory_space<vmem>> -> memref<1x1x64x256xf32, #tpu.memory_space<vmem>>
          %swap3A_4021 = tpu.memref_squeeze %swap3A_4020 : memref<1x1x64x256xf32, #tpu.memory_space<vmem>> -> memref<1x64x256xf32, #tpu.memory_space<vmem>>
          %swap3A_4022 = arith.index_cast %swap3A_4016 : i32 to index
          %swap3A_4023 = arith.index_cast %scan3A_3751 : i32 to index
          %swap3A_4024 = arith.constant 176 : index
          %swap3A_4025 = tpu.vector_load %swap3A_4021[%swap3A_4022, %swap3A_4023, %swap3A_4024] {strides = array<i32>} : memref<1x64x256xf32, #tpu.memory_space<vmem>>, vector<1x1x16xf32>,
          %swap3A_4026 = vector.shape_cast %swap3A_4025 : vector<1x1x16xf32> to vector<16xf32>
          %swap3A_4027 = vector.shape_cast %add3A_3653 : vector<16xf32> to vector<1x1x16xf32>
          tpu.vector_store %swap3A_4021[%swap3A_4022, %swap3A_4023, %swap3A_4024], %swap3A_4027 {strides = array<i32>} : memref<1x64x256xf32, #tpu.memory_space<vmem>>, vector<1x1x16xf32>,
          %get3A_4028 = arith.constant 0 : i32
          %get3A_4029 = arith.constant 0 : i32
          %get3A_4030 = arith.constant 0 : i32
          %get3A_4031 = arith.constant 0 : i32
          %get3A_4032 = tpu.memref_slice %run_scoped3A[%rem3A_810, %get3A_4029, %get3A_4030, %get3A_4031] : memref<2x1x64x256xf32, #tpu.memory_space<vmem>> -> memref<1x1x64x256xf32, #tpu.memory_space<vmem>>
          %get3A_4033 = tpu.memref_squeeze %get3A_4032 : memref<1x1x64x256xf32, #tpu.memory_space<vmem>> -> memref<1x64x256xf32, #tpu.memory_space<vmem>>
          %get3A_4034 = arith.index_cast %get3A_4028 : i32 to index
          %get3A_4035 = arith.index_cast %scan3A_3751 : i32 to index
          %get3A_4036 = arith.constant 176 : index
          %get3A_4037 = tpu.vector_load %get3A_4033[%get3A_4034, %get3A_4035, %get3A_4036] {strides = array<i32>} : memref<1x64x256xf32, #tpu.memory_space<vmem>>, vector<1x1x16xf32>,
          %get3A_4038 = vector.shape_cast %get3A_4037 : vector<1x1x16xf32> to vector<16xf32>
          %add3A_4039 = arith.addf %add3A_3653, %get3A_4038 : vector<16xf32>
          %swap3A_4040 = arith.constant 0 : i32
          %swap3A_4041 = arith.constant 0 : i32
          %swap3A_4042 = arith.constant 0 : i32
          %swap3A_4043 = arith.constant 0 : i32
          %swap3A_4044 = tpu.memref_slice %run_scoped3A_102[%rem3A_812, %swap3A_4041, %swap3A_4042, %swap3A_4043] : memref<2x1x64x256xf32, #tpu.memory_space<vmem>> -> memref<1x1x64x256xf32, #tpu.memory_space<vmem>>
          %swap3A_4045 = tpu.memref_squeeze %swap3A_4044 : memref<1x1x64x256xf32, #tpu.memory_space<vmem>> -> memref<1x64x256xf32, #tpu.memory_space<vmem>>
          %swap3A_4046 = arith.index_cast %swap3A_4040 : i32 to index
          %swap3A_4047 = arith.index_cast %scan3A_3751 : i32 to index
          %swap3A_4048 = arith.constant 192 : index
          %swap3A_4049 = tpu.vector_load %swap3A_4045[%swap3A_4046, %swap3A_4047, %swap3A_4048] {strides = array<i32>} : memref<1x64x256xf32, #tpu.memory_space<vmem>>, vector<1x1x16xf32>,
          %swap3A_4050 = vector.shape_cast %swap3A_4049 : vector<1x1x16xf32> to vector<16xf32>
          %swap3A_4051 = vector.shape_cast %add3A_3677 : vector<16xf32> to vector<1x1x16xf32>
          tpu.vector_store %swap3A_4045[%swap3A_4046, %swap3A_4047, %swap3A_4048], %swap3A_4051 {strides = array<i32>} : memref<1x64x256xf32, #tpu.memory_space<vmem>>, vector<1x1x16xf32>,
          %get3A_4052 = arith.constant 0 : i32
          %get3A_4053 = arith.constant 0 : i32
          %get3A_4054 = arith.constant 0 : i32
          %get3A_4055 = arith.constant 0 : i32
          %get3A_4056 = tpu.memref_slice %run_scoped3A[%rem3A_810, %get3A_4053, %get3A_4054, %get3A_4055] : memref<2x1x64x256xf32, #tpu.memory_space<vmem>> -> memref<1x1x64x256xf32, #tpu.memory_space<vmem>>
          %get3A_4057 = tpu.memref_squeeze %get3A_4056 : memref<1x1x64x256xf32, #tpu.memory_space<vmem>> -> memref<1x64x256xf32, #tpu.memory_space<vmem>>
          %get3A_4058 = arith.index_cast %get3A_4052 : i32 to index
          %get3A_4059 = arith.index_cast %scan3A_3751 : i32 to index
          %get3A_4060 = arith.constant 192 : index
          %get3A_4061 = tpu.vector_load %get3A_4057[%get3A_4058, %get3A_4059, %get3A_4060] {strides = array<i32>} : memref<1x64x256xf32, #tpu.memory_space<vmem>>, vector<1x1x16xf32>,
          %get3A_4062 = vector.shape_cast %get3A_4061 : vector<1x1x16xf32> to vector<16xf32>
          %add3A_4063 = arith.addf %add3A_3677, %get3A_4062 : vector<16xf32>
          %swap3A_4064 = arith.constant 0 : i32
          %swap3A_4065 = arith.constant 0 : i32
          %swap3A_4066 = arith.constant 0 : i32
          %swap3A_4067 = arith.constant 0 : i32
          %swap3A_4068 = tpu.memref_slice %run_scoped3A_102[%rem3A_812, %swap3A_4065, %swap3A_4066, %swap3A_4067] : memref<2x1x64x256xf32, #tpu.memory_space<vmem>> -> memref<1x1x64x256xf32, #tpu.memory_space<vmem>>
          %swap3A_4069 = tpu.memref_squeeze %swap3A_4068 : memref<1x1x64x256xf32, #tpu.memory_space<vmem>> -> memref<1x64x256xf32, #tpu.memory_space<vmem>>
          %swap3A_4070 = arith.index_cast %swap3A_4064 : i32 to index
          %swap3A_4071 = arith.index_cast %scan3A_3751 : i32 to index
          %swap3A_4072 = arith.constant 208 : index
          %swap3A_4073 = tpu.vector_load %swap3A_4069[%swap3A_4070, %swap3A_4071, %swap3A_4072] {strides = array<i32>} : memref<1x64x256xf32, #tpu.memory_space<vmem>>, vector<1x1x16xf32>,
          %swap3A_4074 = vector.shape_cast %swap3A_4073 : vector<1x1x16xf32> to vector<16xf32>
          %swap3A_4075 = vector.shape_cast %add3A_3701 : vector<16xf32> to vector<1x1x16xf32>
          tpu.vector_store %swap3A_4069[%swap3A_4070, %swap3A_4071, %swap3A_4072], %swap3A_4075 {strides = array<i32>} : memref<1x64x256xf32, #tpu.memory_space<vmem>>, vector<1x1x16xf32>,
          %get3A_4076 = arith.constant 0 : i32
          %get3A_4077 = arith.constant 0 : i32
          %get3A_4078 = arith.constant 0 : i32
          %get3A_4079 = arith.constant 0 : i32
          %get3A_4080 = tpu.memref_slice %run_scoped3A[%rem3A_810, %get3A_4077, %get3A_4078, %get3A_4079] : memref<2x1x64x256xf32, #tpu.memory_space<vmem>> -> memref<1x1x64x256xf32, #tpu.memory_space<vmem>>
          %get3A_4081 = tpu.memref_squeeze %get3A_4080 : memref<1x1x64x256xf32, #tpu.memory_space<vmem>> -> memref<1x64x256xf32, #tpu.memory_space<vmem>>
          %get3A_4082 = arith.index_cast %get3A_4076 : i32 to index
          %get3A_4083 = arith.index_cast %scan3A_3751 : i32 to index
          %get3A_4084 = arith.constant 208 : index
          %get3A_4085 = tpu.vector_load %get3A_4081[%get3A_4082, %get3A_4083, %get3A_4084] {strides = array<i32>} : memref<1x64x256xf32, #tpu.memory_space<vmem>>, vector<1x1x16xf32>,
          %get3A_4086 = vector.shape_cast %get3A_4085 : vector<1x1x16xf32> to vector<16xf32>
          %add3A_4087 = arith.addf %add3A_3701, %get3A_4086 : vector<16xf32>
          %swap3A_4088 = arith.constant 0 : i32
          %swap3A_4089 = arith.constant 0 : i32
          %swap3A_4090 = arith.constant 0 : i32
          %swap3A_4091 = arith.constant 0 : i32
          %swap3A_4092 = tpu.memref_slice %run_scoped3A_102[%rem3A_812, %swap3A_4089, %swap3A_4090, %swap3A_4091] : memref<2x1x64x256xf32, #tpu.memory_space<vmem>> -> memref<1x1x64x256xf32, #tpu.memory_space<vmem>>
          %swap3A_4093 = tpu.memref_squeeze %swap3A_4092 : memref<1x1x64x256xf32, #tpu.memory_space<vmem>> -> memref<1x64x256xf32, #tpu.memory_space<vmem>>
          %swap3A_4094 = arith.index_cast %swap3A_4088 : i32 to index
          %swap3A_4095 = arith.index_cast %scan3A_3751 : i32 to index
          %swap3A_4096 = arith.constant 224 : index
          %swap3A_4097 = tpu.vector_load %swap3A_4093[%swap3A_4094, %swap3A_4095, %swap3A_4096] {strides = array<i32>} : memref<1x64x256xf32, #tpu.memory_space<vmem>>, vector<1x1x16xf32>,
          %swap3A_4098 = vector.shape_cast %swap3A_4097 : vector<1x1x16xf32> to vector<16xf32>
          %swap3A_4099 = vector.shape_cast %add3A_3725 : vector<16xf32> to vector<1x1x16xf32>
          tpu.vector_store %swap3A_4093[%swap3A_4094, %swap3A_4095, %swap3A_4096], %swap3A_4099 {strides = array<i32>} : memref<1x64x256xf32, #tpu.memory_space<vmem>>, vector<1x1x16xf32>,
          %get3A_4100 = arith.constant 0 : i32
          %get3A_4101 = arith.constant 0 : i32
          %get3A_4102 = arith.constant 0 : i32
          %get3A_4103 = arith.constant 0 : i32
          %get3A_4104 = tpu.memref_slice %run_scoped3A[%rem3A_810, %get3A_4101, %get3A_4102, %get3A_4103] : memref<2x1x64x256xf32, #tpu.memory_space<vmem>> -> memref<1x1x64x256xf32, #tpu.memory_space<vmem>>
          %get3A_4105 = tpu.memref_squeeze %get3A_4104 : memref<1x1x64x256xf32, #tpu.memory_space<vmem>> -> memref<1x64x256xf32, #tpu.memory_space<vmem>>
          %get3A_4106 = arith.index_cast %get3A_4100 : i32 to index
          %get3A_4107 = arith.index_cast %scan3A_3751 : i32 to index
          %get3A_4108 = arith.constant 224 : index
          %get3A_4109 = tpu.vector_load %get3A_4105[%get3A_4106, %get3A_4107, %get3A_4108] {strides = array<i32>} : memref<1x64x256xf32, #tpu.memory_space<vmem>>, vector<1x1x16xf32>,
          %get3A_4110 = vector.shape_cast %get3A_4109 : vector<1x1x16xf32> to vector<16xf32>
          %add3A_4111 = arith.addf %add3A_3725, %get3A_4110 : vector<16xf32>
          %swap3A_4112 = arith.constant 0 : i32
          %swap3A_4113 = arith.constant 0 : i32
          %swap3A_4114 = arith.constant 0 : i32
          %swap3A_4115 = arith.constant 0 : i32
          %swap3A_4116 = tpu.memref_slice %run_scoped3A_102[%rem3A_812, %swap3A_4113, %swap3A_4114, %swap3A_4115] : memref<2x1x64x256xf32, #tpu.memory_space<vmem>> -> memref<1x1x64x256xf32, #tpu.memory_space<vmem>>
          %swap3A_4117 = tpu.memref_squeeze %swap3A_4116 : memref<1x1x64x256xf32, #tpu.memory_space<vmem>> -> memref<1x64x256xf32, #tpu.memory_space<vmem>>
          %swap3A_4118 = arith.index_cast %swap3A_4112 : i32 to index
          %swap3A_4119 = arith.index_cast %scan3A_3751 : i32 to index
          %swap3A_4120 = arith.constant 240 : index
          %swap3A_4121 = tpu.vector_load %swap3A_4117[%swap3A_4118, %swap3A_4119, %swap3A_4120] {strides = array<i32>} : memref<1x64x256xf32, #tpu.memory_space<vmem>>, vector<1x1x16xf32>,
          %swap3A_4122 = vector.shape_cast %swap3A_4121 : vector<1x1x16xf32> to vector<16xf32>
          %swap3A_4123 = vector.shape_cast %add3A_3749 : vector<16xf32> to vector<1x1x16xf32>
          tpu.vector_store %swap3A_4117[%swap3A_4118, %swap3A_4119, %swap3A_4120], %swap3A_4123 {strides = array<i32>} : memref<1x64x256xf32, #tpu.memory_space<vmem>>, vector<1x1x16xf32>,
          %get3A_4124 = arith.constant 0 : i32
          %get3A_4125 = arith.constant 0 : i32
          %get3A_4126 = arith.constant 0 : i32
          %get3A_4127 = arith.constant 0 : i32
          %get3A_4128 = tpu.memref_slice %run_scoped3A[%rem3A_810, %get3A_4125, %get3A_4126, %get3A_4127] : memref<2x1x64x256xf32, #tpu.memory_space<vmem>> -> memref<1x1x64x256xf32, #tpu.memory_space<vmem>>
          %get3A_4129 = tpu.memref_squeeze %get3A_4128 : memref<1x1x64x256xf32, #tpu.memory_space<vmem>> -> memref<1x64x256xf32, #tpu.memory_space<vmem>>
          %get3A_4130 = arith.index_cast %get3A_4124 : i32 to index
          %get3A_4131 = arith.index_cast %scan3A_3751 : i32 to index
          %get3A_4132 = arith.constant 240 : index
          %get3A_4133 = tpu.vector_load %get3A_4129[%get3A_4130, %get3A_4131, %get3A_4132] {strides = array<i32>} : memref<1x64x256xf32, #tpu.memory_space<vmem>>, vector<1x1x16xf32>,
          %get3A_4134 = vector.shape_cast %get3A_4133 : vector<1x1x16xf32> to vector<16xf32>
          %add3A_4135 = arith.addf %add3A_3749, %get3A_4134 : vector<16xf32>
          %scan3A_4136 = arith.constant 7 : i32
          %scan3A_4137 = arith.addi %scan3A_1419, %scan3A_4136 : i32
          %swap3A_4138 = arith.constant 0 : i32
          %swap3A_4139 = arith.constant 0 : i32
          %swap3A_4140 = arith.constant 0 : i32
          %swap3A_4141 = arith.constant 0 : i32
          %swap3A_4142 = tpu.memref_slice %run_scoped3A_102[%rem3A_812, %swap3A_4139, %swap3A_4140, %swap3A_4141] : memref<2x1x64x256xf32, #tpu.memory_space<vmem>> -> memref<1x1x64x256xf32, #tpu.memory_space<vmem>>
          %swap3A_4143 = tpu.memref_squeeze %swap3A_4142 : memref<1x1x64x256xf32, #tpu.memory_space<vmem>> -> memref<1x64x256xf32, #tpu.memory_space<vmem>>
          %swap3A_4144 = arith.index_cast %swap3A_4138 : i32 to index
          %swap3A_4145 = arith.index_cast %scan3A_4137 : i32 to index
          %swap3A_4146 = arith.constant 0 : index
          %swap3A_4147 = tpu.vector_load %swap3A_4143[%swap3A_4144, %swap3A_4145, %swap3A_4146] {strides = array<i32>} : memref<1x64x256xf32, #tpu.memory_space<vmem>>, vector<1x1x16xf32>,
          %swap3A_4148 = vector.shape_cast %swap3A_4147 : vector<1x1x16xf32> to vector<16xf32>
          %swap3A_4149 = vector.shape_cast %add3A_3775 : vector<16xf32> to vector<1x1x16xf32>
          tpu.vector_store %swap3A_4143[%swap3A_4144, %swap3A_4145, %swap3A_4146], %swap3A_4149 {strides = array<i32>} : memref<1x64x256xf32, #tpu.memory_space<vmem>>, vector<1x1x16xf32>,
          %get3A_4150 = arith.constant 0 : i32
          %get3A_4151 = arith.constant 0 : i32
          %get3A_4152 = arith.constant 0 : i32
          %get3A_4153 = arith.constant 0 : i32
          %get3A_4154 = tpu.memref_slice %run_scoped3A[%rem3A_810, %get3A_4151, %get3A_4152, %get3A_4153] : memref<2x1x64x256xf32, #tpu.memory_space<vmem>> -> memref<1x1x64x256xf32, #tpu.memory_space<vmem>>
          %get3A_4155 = tpu.memref_squeeze %get3A_4154 : memref<1x1x64x256xf32, #tpu.memory_space<vmem>> -> memref<1x64x256xf32, #tpu.memory_space<vmem>>
          %get3A_4156 = arith.index_cast %get3A_4150 : i32 to index
          %get3A_4157 = arith.index_cast %scan3A_4137 : i32 to index
          %get3A_4158 = arith.constant 0 : index
          %get3A_4159 = tpu.vector_load %get3A_4155[%get3A_4156, %get3A_4157, %get3A_4158] {strides = array<i32>} : memref<1x64x256xf32, #tpu.memory_space<vmem>>, vector<1x1x16xf32>,
          %get3A_4160 = vector.shape_cast %get3A_4159 : vector<1x1x16xf32> to vector<16xf32>
          %add3A_4161 = arith.addf %add3A_3775, %get3A_4160 : vector<16xf32>
          %swap3A_4162 = arith.constant 0 : i32
          %swap3A_4163 = arith.constant 0 : i32
          %swap3A_4164 = arith.constant 0 : i32
          %swap3A_4165 = arith.constant 0 : i32
          %swap3A_4166 = tpu.memref_slice %run_scoped3A_102[%rem3A_812, %swap3A_4163, %swap3A_4164, %swap3A_4165] : memref<2x1x64x256xf32, #tpu.memory_space<vmem>> -> memref<1x1x64x256xf32, #tpu.memory_space<vmem>>
          %swap3A_4167 = tpu.memref_squeeze %swap3A_4166 : memref<1x1x64x256xf32, #tpu.memory_space<vmem>> -> memref<1x64x256xf32, #tpu.memory_space<vmem>>
          %swap3A_4168 = arith.index_cast %swap3A_4162 : i32 to index
          %swap3A_4169 = arith.index_cast %scan3A_4137 : i32 to index
          %swap3A_4170 = arith.constant 16 : index
          %swap3A_4171 = tpu.vector_load %swap3A_4167[%swap3A_4168, %swap3A_4169, %swap3A_4170] {strides = array<i32>} : memref<1x64x256xf32, #tpu.memory_space<vmem>>, vector<1x1x16xf32>,
          %swap3A_4172 = vector.shape_cast %swap3A_4171 : vector<1x1x16xf32> to vector<16xf32>
          %swap3A_4173 = vector.shape_cast %add3A_3799 : vector<16xf32> to vector<1x1x16xf32>
          tpu.vector_store %swap3A_4167[%swap3A_4168, %swap3A_4169, %swap3A_4170], %swap3A_4173 {strides = array<i32>} : memref<1x64x256xf32, #tpu.memory_space<vmem>>, vector<1x1x16xf32>,
          %get3A_4174 = arith.constant 0 : i32
          %get3A_4175 = arith.constant 0 : i32
          %get3A_4176 = arith.constant 0 : i32
          %get3A_4177 = arith.constant 0 : i32
          %get3A_4178 = tpu.memref_slice %run_scoped3A[%rem3A_810, %get3A_4175, %get3A_4176, %get3A_4177] : memref<2x1x64x256xf32, #tpu.memory_space<vmem>> -> memref<1x1x64x256xf32, #tpu.memory_space<vmem>>
          %get3A_4179 = tpu.memref_squeeze %get3A_4178 : memref<1x1x64x256xf32, #tpu.memory_space<vmem>> -> memref<1x64x256xf32, #tpu.memory_space<vmem>>
          %get3A_4180 = arith.index_cast %get3A_4174 : i32 to index
          %get3A_4181 = arith.index_cast %scan3A_4137 : i32 to index
          %get3A_4182 = arith.constant 16 : index
          %get3A_4183 = tpu.vector_load %get3A_4179[%get3A_4180, %get3A_4181, %get3A_4182] {strides = array<i32>} : memref<1x64x256xf32, #tpu.memory_space<vmem>>, vector<1x1x16xf32>,
          %get3A_4184 = vector.shape_cast %get3A_4183 : vector<1x1x16xf32> to vector<16xf32>
          %add3A_4185 = arith.addf %add3A_3799, %get3A_4184 : vector<16xf32>
          %swap3A_4186 = arith.constant 0 : i32
          %swap3A_4187 = arith.constant 0 : i32
          %swap3A_4188 = arith.constant 0 : i32
          %swap3A_4189 = arith.constant 0 : i32
          %swap3A_4190 = tpu.memref_slice %run_scoped3A_102[%rem3A_812, %swap3A_4187, %swap3A_4188, %swap3A_4189] : memref<2x1x64x256xf32, #tpu.memory_space<vmem>> -> memref<1x1x64x256xf32, #tpu.memory_space<vmem>>
          %swap3A_4191 = tpu.memref_squeeze %swap3A_4190 : memref<1x1x64x256xf32, #tpu.memory_space<vmem>> -> memref<1x64x256xf32, #tpu.memory_space<vmem>>
          %swap3A_4192 = arith.index_cast %swap3A_4186 : i32 to index
          %swap3A_4193 = arith.index_cast %scan3A_4137 : i32 to index
          %swap3A_4194 = arith.constant 32 : index
          %swap3A_4195 = tpu.vector_load %swap3A_4191[%swap3A_4192, %swap3A_4193, %swap3A_4194] {strides = array<i32>} : memref<1x64x256xf32, #tpu.memory_space<vmem>>, vector<1x1x16xf32>,
          %swap3A_4196 = vector.shape_cast %swap3A_4195 : vector<1x1x16xf32> to vector<16xf32>
          %swap3A_4197 = vector.shape_cast %add3A_3823 : vector<16xf32> to vector<1x1x16xf32>
          tpu.vector_store %swap3A_4191[%swap3A_4192, %swap3A_4193, %swap3A_4194], %swap3A_4197 {strides = array<i32>} : memref<1x64x256xf32, #tpu.memory_space<vmem>>, vector<1x1x16xf32>,
          %get3A_4198 = arith.constant 0 : i32
          %get3A_4199 = arith.constant 0 : i32
          %get3A_4200 = arith.constant 0 : i32
          %get3A_4201 = arith.constant 0 : i32
          %get3A_4202 = tpu.memref_slice %run_scoped3A[%rem3A_810, %get3A_4199, %get3A_4200, %get3A_4201] : memref<2x1x64x256xf32, #tpu.memory_space<vmem>> -> memref<1x1x64x256xf32, #tpu.memory_space<vmem>>
          %get3A_4203 = tpu.memref_squeeze %get3A_4202 : memref<1x1x64x256xf32, #tpu.memory_space<vmem>> -> memref<1x64x256xf32, #tpu.memory_space<vmem>>
          %get3A_4204 = arith.index_cast %get3A_4198 : i32 to index
          %get3A_4205 = arith.index_cast %scan3A_4137 : i32 to index
          %get3A_4206 = arith.constant 32 : index
          %get3A_4207 = tpu.vector_load %get3A_4203[%get3A_4204, %get3A_4205, %get3A_4206] {strides = array<i32>} : memref<1x64x256xf32, #tpu.memory_space<vmem>>, vector<1x1x16xf32>,
          %get3A_4208 = vector.shape_cast %get3A_4207 : vector<1x1x16xf32> to vector<16xf32>
          %add3A_4209 = arith.addf %add3A_3823, %get3A_4208 : vector<16xf32>
          %swap3A_4210 = arith.constant 0 : i32
          %swap3A_4211 = arith.constant 0 : i32
          %swap3A_4212 = arith.constant 0 : i32
          %swap3A_4213 = arith.constant 0 : i32
          %swap3A_4214 = tpu.memref_slice %run_scoped3A_102[%rem3A_812, %swap3A_4211, %swap3A_4212, %swap3A_4213] : memref<2x1x64x256xf32, #tpu.memory_space<vmem>> -> memref<1x1x64x256xf32, #tpu.memory_space<vmem>>
          %swap3A_4215 = tpu.memref_squeeze %swap3A_4214 : memref<1x1x64x256xf32, #tpu.memory_space<vmem>> -> memref<1x64x256xf32, #tpu.memory_space<vmem>>
          %swap3A_4216 = arith.index_cast %swap3A_4210 : i32 to index
          %swap3A_4217 = arith.index_cast %scan3A_4137 : i32 to index
          %swap3A_4218 = arith.constant 48 : index
          %swap3A_4219 = tpu.vector_load %swap3A_4215[%swap3A_4216, %swap3A_4217, %swap3A_4218] {strides = array<i32>} : memref<1x64x256xf32, #tpu.memory_space<vmem>>, vector<1x1x16xf32>,
          %swap3A_4220 = vector.shape_cast %swap3A_4219 : vector<1x1x16xf32> to vector<16xf32>
          %swap3A_4221 = vector.shape_cast %add3A_3847 : vector<16xf32> to vector<1x1x16xf32>
          tpu.vector_store %swap3A_4215[%swap3A_4216, %swap3A_4217, %swap3A_4218], %swap3A_4221 {strides = array<i32>} : memref<1x64x256xf32, #tpu.memory_space<vmem>>, vector<1x1x16xf32>,
          %get3A_4222 = arith.constant 0 : i32
          %get3A_4223 = arith.constant 0 : i32
          %get3A_4224 = arith.constant 0 : i32
          %get3A_4225 = arith.constant 0 : i32
          %get3A_4226 = tpu.memref_slice %run_scoped3A[%rem3A_810, %get3A_4223, %get3A_4224, %get3A_4225] : memref<2x1x64x256xf32, #tpu.memory_space<vmem>> -> memref<1x1x64x256xf32, #tpu.memory_space<vmem>>
          %get3A_4227 = tpu.memref_squeeze %get3A_4226 : memref<1x1x64x256xf32, #tpu.memory_space<vmem>> -> memref<1x64x256xf32, #tpu.memory_space<vmem>>
          %get3A_4228 = arith.index_cast %get3A_4222 : i32 to index
          %get3A_4229 = arith.index_cast %scan3A_4137 : i32 to index
          %get3A_4230 = arith.constant 48 : index
          %get3A_4231 = tpu.vector_load %get3A_4227[%get3A_4228, %get3A_4229, %get3A_4230] {strides = array<i32>} : memref<1x64x256xf32, #tpu.memory_space<vmem>>, vector<1x1x16xf32>,
          %get3A_4232 = vector.shape_cast %get3A_4231 : vector<1x1x16xf32> to vector<16xf32>
          %add3A_4233 = arith.addf %add3A_3847, %get3A_4232 : vector<16xf32>
          %swap3A_4234 = arith.constant 0 : i32
          %swap3A_4235 = arith.constant 0 : i32
          %swap3A_4236 = arith.constant 0 : i32
          %swap3A_4237 = arith.constant 0 : i32
          %swap3A_4238 = tpu.memref_slice %run_scoped3A_102[%rem3A_812, %swap3A_4235, %swap3A_4236, %swap3A_4237] : memref<2x1x64x256xf32, #tpu.memory_space<vmem>> -> memref<1x1x64x256xf32, #tpu.memory_space<vmem>>
          %swap3A_4239 = tpu.memref_squeeze %swap3A_4238 : memref<1x1x64x256xf32, #tpu.memory_space<vmem>> -> memref<1x64x256xf32, #tpu.memory_space<vmem>>
          %swap3A_4240 = arith.index_cast %swap3A_4234 : i32 to index
          %swap3A_4241 = arith.index_cast %scan3A_4137 : i32 to index
          %swap3A_4242 = arith.constant 64 : index
          %swap3A_4243 = tpu.vector_load %swap3A_4239[%swap3A_4240, %swap3A_4241, %swap3A_4242] {strides = array<i32>} : memref<1x64x256xf32, #tpu.memory_space<vmem>>, vector<1x1x16xf32>,
          %swap3A_4244 = vector.shape_cast %swap3A_4243 : vector<1x1x16xf32> to vector<16xf32>
          %swap3A_4245 = vector.shape_cast %add3A_3871 : vector<16xf32> to vector<1x1x16xf32>
          tpu.vector_store %swap3A_4239[%swap3A_4240, %swap3A_4241, %swap3A_4242], %swap3A_4245 {strides = array<i32>} : memref<1x64x256xf32, #tpu.memory_space<vmem>>, vector<1x1x16xf32>,
          %get3A_4246 = arith.constant 0 : i32
          %get3A_4247 = arith.constant 0 : i32
          %get3A_4248 = arith.constant 0 : i32
          %get3A_4249 = arith.constant 0 : i32
          %get3A_4250 = tpu.memref_slice %run_scoped3A[%rem3A_810, %get3A_4247, %get3A_4248, %get3A_4249] : memref<2x1x64x256xf32, #tpu.memory_space<vmem>> -> memref<1x1x64x256xf32, #tpu.memory_space<vmem>>
          %get3A_4251 = tpu.memref_squeeze %get3A_4250 : memref<1x1x64x256xf32, #tpu.memory_space<vmem>> -> memref<1x64x256xf32, #tpu.memory_space<vmem>>
          %get3A_4252 = arith.index_cast %get3A_4246 : i32 to index
          %get3A_4253 = arith.index_cast %scan3A_4137 : i32 to index
          %get3A_4254 = arith.constant 64 : index
          %get3A_4255 = tpu.vector_load %get3A_4251[%get3A_4252, %get3A_4253, %get3A_4254] {strides = array<i32>} : memref<1x64x256xf32, #tpu.memory_space<vmem>>, vector<1x1x16xf32>,
          %get3A_4256 = vector.shape_cast %get3A_4255 : vector<1x1x16xf32> to vector<16xf32>
          %add3A_4257 = arith.addf %add3A_3871, %get3A_4256 : vector<16xf32>
          %swap3A_4258 = arith.constant 0 : i32
          %swap3A_4259 = arith.constant 0 : i32
          %swap3A_4260 = arith.constant 0 : i32
          %swap3A_4261 = arith.constant 0 : i32
          %swap3A_4262 = tpu.memref_slice %run_scoped3A_102[%rem3A_812, %swap3A_4259, %swap3A_4260, %swap3A_4261] : memref<2x1x64x256xf32, #tpu.memory_space<vmem>> -> memref<1x1x64x256xf32, #tpu.memory_space<vmem>>
          %swap3A_4263 = tpu.memref_squeeze %swap3A_4262 : memref<1x1x64x256xf32, #tpu.memory_space<vmem>> -> memref<1x64x256xf32, #tpu.memory_space<vmem>>
          %swap3A_4264 = arith.index_cast %swap3A_4258 : i32 to index
          %swap3A_4265 = arith.index_cast %scan3A_4137 : i32 to index
          %swap3A_4266 = arith.constant 80 : index
          %swap3A_4267 = tpu.vector_load %swap3A_4263[%swap3A_4264, %swap3A_4265, %swap3A_4266] {strides = array<i32>} : memref<1x64x256xf32, #tpu.memory_space<vmem>>, vector<1x1x16xf32>,
          %swap3A_4268 = vector.shape_cast %swap3A_4267 : vector<1x1x16xf32> to vector<16xf32>
          %swap3A_4269 = vector.shape_cast %add3A_3895 : vector<16xf32> to vector<1x1x16xf32>
          tpu.vector_store %swap3A_4263[%swap3A_4264, %swap3A_4265, %swap3A_4266], %swap3A_4269 {strides = array<i32>} : memref<1x64x256xf32, #tpu.memory_space<vmem>>, vector<1x1x16xf32>,
          %get3A_4270 = arith.constant 0 : i32
          %get3A_4271 = arith.constant 0 : i32
          %get3A_4272 = arith.constant 0 : i32
          %get3A_4273 = arith.constant 0 : i32
          %get3A_4274 = tpu.memref_slice %run_scoped3A[%rem3A_810, %get3A_4271, %get3A_4272, %get3A_4273] : memref<2x1x64x256xf32, #tpu.memory_space<vmem>> -> memref<1x1x64x256xf32, #tpu.memory_space<vmem>>
          %get3A_4275 = tpu.memref_squeeze %get3A_4274 : memref<1x1x64x256xf32, #tpu.memory_space<vmem>> -> memref<1x64x256xf32, #tpu.memory_space<vmem>>
          %get3A_4276 = arith.index_cast %get3A_4270 : i32 to index
          %get3A_4277 = arith.index_cast %scan3A_4137 : i32 to index
          %get3A_4278 = arith.constant 80 : index
          %get3A_4279 = tpu.vector_load %get3A_4275[%get3A_4276, %get3A_4277, %get3A_4278] {strides = array<i32>} : memref<1x64x256xf32, #tpu.memory_space<vmem>>, vector<1x1x16xf32>,
          %get3A_4280 = vector.shape_cast %get3A_4279 : vector<1x1x16xf32> to vector<16xf32>
          %add3A_4281 = arith.addf %add3A_3895, %get3A_4280 : vector<16xf32>
          %swap3A_4282 = arith.constant 0 : i32
          %swap3A_4283 = arith.constant 0 : i32
          %swap3A_4284 = arith.constant 0 : i32
          %swap3A_4285 = arith.constant 0 : i32
          %swap3A_4286 = tpu.memref_slice %run_scoped3A_102[%rem3A_812, %swap3A_4283, %swap3A_4284, %swap3A_4285] : memref<2x1x64x256xf32, #tpu.memory_space<vmem>> -> memref<1x1x64x256xf32, #tpu.memory_space<vmem>>
          %swap3A_4287 = tpu.memref_squeeze %swap3A_4286 : memref<1x1x64x256xf32, #tpu.memory_space<vmem>> -> memref<1x64x256xf32, #tpu.memory_space<vmem>>
          %swap3A_4288 = arith.index_cast %swap3A_4282 : i32 to index
          %swap3A_4289 = arith.index_cast %scan3A_4137 : i32 to index
          %swap3A_4290 = arith.constant 96 : index
          %swap3A_4291 = tpu.vector_load %swap3A_4287[%swap3A_4288, %swap3A_4289, %swap3A_4290] {strides = array<i32>} : memref<1x64x256xf32, #tpu.memory_space<vmem>>, vector<1x1x16xf32>,
          %swap3A_4292 = vector.shape_cast %swap3A_4291 : vector<1x1x16xf32> to vector<16xf32>
          %swap3A_4293 = vector.shape_cast %add3A_3919 : vector<16xf32> to vector<1x1x16xf32>
          tpu.vector_store %swap3A_4287[%swap3A_4288, %swap3A_4289, %swap3A_4290], %swap3A_4293 {strides = array<i32>} : memref<1x64x256xf32, #tpu.memory_space<vmem>>, vector<1x1x16xf32>,
          %get3A_4294 = arith.constant 0 : i32
          %get3A_4295 = arith.constant 0 : i32
          %get3A_4296 = arith.constant 0 : i32
          %get3A_4297 = arith.constant 0 : i32
          %get3A_4298 = tpu.memref_slice %run_scoped3A[%rem3A_810, %get3A_4295, %get3A_4296, %get3A_4297] : memref<2x1x64x256xf32, #tpu.memory_space<vmem>> -> memref<1x1x64x256xf32, #tpu.memory_space<vmem>>
          %get3A_4299 = tpu.memref_squeeze %get3A_4298 : memref<1x1x64x256xf32, #tpu.memory_space<vmem>> -> memref<1x64x256xf32, #tpu.memory_space<vmem>>
          %get3A_4300 = arith.index_cast %get3A_4294 : i32 to index
          %get3A_4301 = arith.index_cast %scan3A_4137 : i32 to index
          %get3A_4302 = arith.constant 96 : index
          %get3A_4303 = tpu.vector_load %get3A_4299[%get3A_4300, %get3A_4301, %get3A_4302] {strides = array<i32>} : memref<1x64x256xf32, #tpu.memory_space<vmem>>, vector<1x1x16xf32>,
          %get3A_4304 = vector.shape_cast %get3A_4303 : vector<1x1x16xf32> to vector<16xf32>
          %add3A_4305 = arith.addf %add3A_3919, %get3A_4304 : vector<16xf32>
          %swap3A_4306 = arith.constant 0 : i32
          %swap3A_4307 = arith.constant 0 : i32
          %swap3A_4308 = arith.constant 0 : i32
          %swap3A_4309 = arith.constant 0 : i32
          %swap3A_4310 = tpu.memref_slice %run_scoped3A_102[%rem3A_812, %swap3A_4307, %swap3A_4308, %swap3A_4309] : memref<2x1x64x256xf32, #tpu.memory_space<vmem>> -> memref<1x1x64x256xf32, #tpu.memory_space<vmem>>
          %swap3A_4311 = tpu.memref_squeeze %swap3A_4310 : memref<1x1x64x256xf32, #tpu.memory_space<vmem>> -> memref<1x64x256xf32, #tpu.memory_space<vmem>>
          %swap3A_4312 = arith.index_cast %swap3A_4306 : i32 to index
          %swap3A_4313 = arith.index_cast %scan3A_4137 : i32 to index
          %swap3A_4314 = arith.constant 112 : index
          %swap3A_4315 = tpu.vector_load %swap3A_4311[%swap3A_4312, %swap3A_4313, %swap3A_4314] {strides = array<i32>} : memref<1x64x256xf32, #tpu.memory_space<vmem>>, vector<1x1x16xf32>,
          %swap3A_4316 = vector.shape_cast %swap3A_4315 : vector<1x1x16xf32> to vector<16xf32>
          %swap3A_4317 = vector.shape_cast %add3A_3943 : vector<16xf32> to vector<1x1x16xf32>
          tpu.vector_store %swap3A_4311[%swap3A_4312, %swap3A_4313, %swap3A_4314], %swap3A_4317 {strides = array<i32>} : memref<1x64x256xf32, #tpu.memory_space<vmem>>, vector<1x1x16xf32>,
          %get3A_4318 = arith.constant 0 : i32
          %get3A_4319 = arith.constant 0 : i32
          %get3A_4320 = arith.constant 0 : i32
          %get3A_4321 = arith.constant 0 : i32
          %get3A_4322 = tpu.memref_slice %run_scoped3A[%rem3A_810, %get3A_4319, %get3A_4320, %get3A_4321] : memref<2x1x64x256xf32, #tpu.memory_space<vmem>> -> memref<1x1x64x256xf32, #tpu.memory_space<vmem>>
          %get3A_4323 = tpu.memref_squeeze %get3A_4322 : memref<1x1x64x256xf32, #tpu.memory_space<vmem>> -> memref<1x64x256xf32, #tpu.memory_space<vmem>>
          %get3A_4324 = arith.index_cast %get3A_4318 : i32 to index
          %get3A_4325 = arith.index_cast %scan3A_4137 : i32 to index
          %get3A_4326 = arith.constant 112 : index
          %get3A_4327 = tpu.vector_load %get3A_4323[%get3A_4324, %get3A_4325, %get3A_4326] {strides = array<i32>} : memref<1x64x256xf32, #tpu.memory_space<vmem>>, vector<1x1x16xf32>,
          %get3A_4328 = vector.shape_cast %get3A_4327 : vector<1x1x16xf32> to vector<16xf32>
          %add3A_4329 = arith.addf %add3A_3943, %get3A_4328 : vector<16xf32>
          %swap3A_4330 = arith.constant 0 : i32
          %swap3A_4331 = arith.constant 0 : i32
          %swap3A_4332 = arith.constant 0 : i32
          %swap3A_4333 = arith.constant 0 : i32
          %swap3A_4334 = tpu.memref_slice %run_scoped3A_102[%rem3A_812, %swap3A_4331, %swap3A_4332, %swap3A_4333] : memref<2x1x64x256xf32, #tpu.memory_space<vmem>> -> memref<1x1x64x256xf32, #tpu.memory_space<vmem>>
          %swap3A_4335 = tpu.memref_squeeze %swap3A_4334 : memref<1x1x64x256xf32, #tpu.memory_space<vmem>> -> memref<1x64x256xf32, #tpu.memory_space<vmem>>
          %swap3A_4336 = arith.index_cast %swap3A_4330 : i32 to index
          %swap3A_4337 = arith.index_cast %scan3A_4137 : i32 to index
          %swap3A_4338 = arith.constant 128 : index
          %swap3A_4339 = tpu.vector_load %swap3A_4335[%swap3A_4336, %swap3A_4337, %swap3A_4338] {strides = array<i32>} : memref<1x64x256xf32, #tpu.memory_space<vmem>>, vector<1x1x16xf32>,
          %swap3A_4340 = vector.shape_cast %swap3A_4339 : vector<1x1x16xf32> to vector<16xf32>
          %swap3A_4341 = vector.shape_cast %add3A_3967 : vector<16xf32> to vector<1x1x16xf32>
          tpu.vector_store %swap3A_4335[%swap3A_4336, %swap3A_4337, %swap3A_4338], %swap3A_4341 {strides = array<i32>} : memref<1x64x256xf32, #tpu.memory_space<vmem>>, vector<1x1x16xf32>,
          %get3A_4342 = arith.constant 0 : i32
          %get3A_4343 = arith.constant 0 : i32
          %get3A_4344 = arith.constant 0 : i32
          %get3A_4345 = arith.constant 0 : i32
          %get3A_4346 = tpu.memref_slice %run_scoped3A[%rem3A_810, %get3A_4343, %get3A_4344, %get3A_4345] : memref<2x1x64x256xf32, #tpu.memory_space<vmem>> -> memref<1x1x64x256xf32, #tpu.memory_space<vmem>>
          %get3A_4347 = tpu.memref_squeeze %get3A_4346 : memref<1x1x64x256xf32, #tpu.memory_space<vmem>> -> memref<1x64x256xf32, #tpu.memory_space<vmem>>
          %get3A_4348 = arith.index_cast %get3A_4342 : i32 to index
          %get3A_4349 = arith.index_cast %scan3A_4137 : i32 to index
          %get3A_4350 = arith.constant 128 : index
          %get3A_4351 = tpu.vector_load %get3A_4347[%get3A_4348, %get3A_4349, %get3A_4350] {strides = array<i32>} : memref<1x64x256xf32, #tpu.memory_space<vmem>>, vector<1x1x16xf32>,
          %get3A_4352 = vector.shape_cast %get3A_4351 : vector<1x1x16xf32> to vector<16xf32>
          %add3A_4353 = arith.addf %add3A_3967, %get3A_4352 : vector<16xf32>
          %swap3A_4354 = arith.constant 0 : i32
          %swap3A_4355 = arith.constant 0 : i32
          %swap3A_4356 = arith.constant 0 : i32
          %swap3A_4357 = arith.constant 0 : i32
          %swap3A_4358 = tpu.memref_slice %run_scoped3A_102[%rem3A_812, %swap3A_4355, %swap3A_4356, %swap3A_4357] : memref<2x1x64x256xf32, #tpu.memory_space<vmem>> -> memref<1x1x64x256xf32, #tpu.memory_space<vmem>>
          %swap3A_4359 = tpu.memref_squeeze %swap3A_4358 : memref<1x1x64x256xf32, #tpu.memory_space<vmem>> -> memref<1x64x256xf32, #tpu.memory_space<vmem>>
          %swap3A_4360 = arith.index_cast %swap3A_4354 : i32 to index
          %swap3A_4361 = arith.index_cast %scan3A_4137 : i32 to index
          %swap3A_4362 = arith.constant 144 : index
          %swap3A_4363 = tpu.vector_load %swap3A_4359[%swap3A_4360, %swap3A_4361, %swap3A_4362] {strides = array<i32>} : memref<1x64x256xf32, #tpu.memory_space<vmem>>, vector<1x1x16xf32>,
          %swap3A_4364 = vector.shape_cast %swap3A_4363 : vector<1x1x16xf32> to vector<16xf32>
          %swap3A_4365 = vector.shape_cast %add3A_3991 : vector<16xf32> to vector<1x1x16xf32>
          tpu.vector_store %swap3A_4359[%swap3A_4360, %swap3A_4361, %swap3A_4362], %swap3A_4365 {strides = array<i32>} : memref<1x64x256xf32, #tpu.memory_space<vmem>>, vector<1x1x16xf32>,
          %get3A_4366 = arith.constant 0 : i32
          %get3A_4367 = arith.constant 0 : i32
          %get3A_4368 = arith.constant 0 : i32
          %get3A_4369 = arith.constant 0 : i32
          %get3A_4370 = tpu.memref_slice %run_scoped3A[%rem3A_810, %get3A_4367, %get3A_4368, %get3A_4369] : memref<2x1x64x256xf32, #tpu.memory_space<vmem>> -> memref<1x1x64x256xf32, #tpu.memory_space<vmem>>
          %get3A_4371 = tpu.memref_squeeze %get3A_4370 : memref<1x1x64x256xf32, #tpu.memory_space<vmem>> -> memref<1x64x256xf32, #tpu.memory_space<vmem>>
          %get3A_4372 = arith.index_cast %get3A_4366 : i32 to index
          %get3A_4373 = arith.index_cast %scan3A_4137 : i32 to index
          %get3A_4374 = arith.constant 144 : index
          %get3A_4375 = tpu.vector_load %get3A_4371[%get3A_4372, %get3A_4373, %get3A_4374] {strides = array<i32>} : memref<1x64x256xf32, #tpu.memory_space<vmem>>, vector<1x1x16xf32>,
          %get3A_4376 = vector.shape_cast %get3A_4375 : vector<1x1x16xf32> to vector<16xf32>
          %add3A_4377 = arith.addf %add3A_3991, %get3A_4376 : vector<16xf32>
          %swap3A_4378 = arith.constant 0 : i32
          %swap3A_4379 = arith.constant 0 : i32
          %swap3A_4380 = arith.constant 0 : i32
          %swap3A_4381 = arith.constant 0 : i32
          %swap3A_4382 = tpu.memref_slice %run_scoped3A_102[%rem3A_812, %swap3A_4379, %swap3A_4380, %swap3A_4381] : memref<2x1x64x256xf32, #tpu.memory_space<vmem>> -> memref<1x1x64x256xf32, #tpu.memory_space<vmem>>
          %swap3A_4383 = tpu.memref_squeeze %swap3A_4382 : memref<1x1x64x256xf32, #tpu.memory_space<vmem>> -> memref<1x64x256xf32, #tpu.memory_space<vmem>>
          %swap3A_4384 = arith.index_cast %swap3A_4378 : i32 to index
          %swap3A_4385 = arith.index_cast %scan3A_4137 : i32 to index
          %swap3A_4386 = arith.constant 160 : index
          %swap3A_4387 = tpu.vector_load %swap3A_4383[%swap3A_4384, %swap3A_4385, %swap3A_4386] {strides = array<i32>} : memref<1x64x256xf32, #tpu.memory_space<vmem>>, vector<1x1x16xf32>,
          %swap3A_4388 = vector.shape_cast %swap3A_4387 : vector<1x1x16xf32> to vector<16xf32>
          %swap3A_4389 = vector.shape_cast %add3A_4015 : vector<16xf32> to vector<1x1x16xf32>
          tpu.vector_store %swap3A_4383[%swap3A_4384, %swap3A_4385, %swap3A_4386], %swap3A_4389 {strides = array<i32>} : memref<1x64x256xf32, #tpu.memory_space<vmem>>, vector<1x1x16xf32>,
          %get3A_4390 = arith.constant 0 : i32
          %get3A_4391 = arith.constant 0 : i32
          %get3A_4392 = arith.constant 0 : i32
          %get3A_4393 = arith.constant 0 : i32
          %get3A_4394 = tpu.memref_slice %run_scoped3A[%rem3A_810, %get3A_4391, %get3A_4392, %get3A_4393] : memref<2x1x64x256xf32, #tpu.memory_space<vmem>> -> memref<1x1x64x256xf32, #tpu.memory_space<vmem>>
          %get3A_4395 = tpu.memref_squeeze %get3A_4394 : memref<1x1x64x256xf32, #tpu.memory_space<vmem>> -> memref<1x64x256xf32, #tpu.memory_space<vmem>>
          %get3A_4396 = arith.index_cast %get3A_4390 : i32 to index
          %get3A_4397 = arith.index_cast %scan3A_4137 : i32 to index
          %get3A_4398 = arith.constant 160 : index
          %get3A_4399 = tpu.vector_load %get3A_4395[%get3A_4396, %get3A_4397, %get3A_4398] {strides = array<i32>} : memref<1x64x256xf32, #tpu.memory_space<vmem>>, vector<1x1x16xf32>,
          %get3A_4400 = vector.shape_cast %get3A_4399 : vector<1x1x16xf32> to vector<16xf32>
          %add3A_4401 = arith.addf %add3A_4015, %get3A_4400 : vector<16xf32>
          %swap3A_4402 = arith.constant 0 : i32
          %swap3A_4403 = arith.constant 0 : i32
          %swap3A_4404 = arith.constant 0 : i32
          %swap3A_4405 = arith.constant 0 : i32
          %swap3A_4406 = tpu.memref_slice %run_scoped3A_102[%rem3A_812, %swap3A_4403, %swap3A_4404, %swap3A_4405] : memref<2x1x64x256xf32, #tpu.memory_space<vmem>> -> memref<1x1x64x256xf32, #tpu.memory_space<vmem>>
          %swap3A_4407 = tpu.memref_squeeze %swap3A_4406 : memref<1x1x64x256xf32, #tpu.memory_space<vmem>> -> memref<1x64x256xf32, #tpu.memory_space<vmem>>
          %swap3A_4408 = arith.index_cast %swap3A_4402 : i32 to index
          %swap3A_4409 = arith.index_cast %scan3A_4137 : i32 to index
          %swap3A_4410 = arith.constant 176 : index
          %swap3A_4411 = tpu.vector_load %swap3A_4407[%swap3A_4408, %swap3A_4409, %swap3A_4410] {strides = array<i32>} : memref<1x64x256xf32, #tpu.memory_space<vmem>>, vector<1x1x16xf32>,
          %swap3A_4412 = vector.shape_cast %swap3A_4411 : vector<1x1x16xf32> to vector<16xf32>
          %swap3A_4413 = vector.shape_cast %add3A_4039 : vector<16xf32> to vector<1x1x16xf32>
          tpu.vector_store %swap3A_4407[%swap3A_4408, %swap3A_4409, %swap3A_4410], %swap3A_4413 {strides = array<i32>} : memref<1x64x256xf32, #tpu.memory_space<vmem>>, vector<1x1x16xf32>,
          %get3A_4414 = arith.constant 0 : i32
          %get3A_4415 = arith.constant 0 : i32
          %get3A_4416 = arith.constant 0 : i32
          %get3A_4417 = arith.constant 0 : i32
          %get3A_4418 = tpu.memref_slice %run_scoped3A[%rem3A_810, %get3A_4415, %get3A_4416, %get3A_4417] : memref<2x1x64x256xf32, #tpu.memory_space<vmem>> -> memref<1x1x64x256xf32, #tpu.memory_space<vmem>>
          %get3A_4419 = tpu.memref_squeeze %get3A_4418 : memref<1x1x64x256xf32, #tpu.memory_space<vmem>> -> memref<1x64x256xf32, #tpu.memory_space<vmem>>
          %get3A_4420 = arith.index_cast %get3A_4414 : i32 to index
          %get3A_4421 = arith.index_cast %scan3A_4137 : i32 to index
          %get3A_4422 = arith.constant 176 : index
          %get3A_4423 = tpu.vector_load %get3A_4419[%get3A_4420, %get3A_4421, %get3A_4422] {strides = array<i32>} : memref<1x64x256xf32, #tpu.memory_space<vmem>>, vector<1x1x16xf32>,
          %get3A_4424 = vector.shape_cast %get3A_4423 : vector<1x1x16xf32> to vector<16xf32>
          %add3A_4425 = arith.addf %add3A_4039, %get3A_4424 : vector<16xf32>
          %swap3A_4426 = arith.constant 0 : i32
          %swap3A_4427 = arith.constant 0 : i32
          %swap3A_4428 = arith.constant 0 : i32
          %swap3A_4429 = arith.constant 0 : i32
          %swap3A_4430 = tpu.memref_slice %run_scoped3A_102[%rem3A_812, %swap3A_4427, %swap3A_4428, %swap3A_4429] : memref<2x1x64x256xf32, #tpu.memory_space<vmem>> -> memref<1x1x64x256xf32, #tpu.memory_space<vmem>>
          %swap3A_4431 = tpu.memref_squeeze %swap3A_4430 : memref<1x1x64x256xf32, #tpu.memory_space<vmem>> -> memref<1x64x256xf32, #tpu.memory_space<vmem>>
          %swap3A_4432 = arith.index_cast %swap3A_4426 : i32 to index
          %swap3A_4433 = arith.index_cast %scan3A_4137 : i32 to index
          %swap3A_4434 = arith.constant 192 : index
          %swap3A_4435 = tpu.vector_load %swap3A_4431[%swap3A_4432, %swap3A_4433, %swap3A_4434] {strides = array<i32>} : memref<1x64x256xf32, #tpu.memory_space<vmem>>, vector<1x1x16xf32>,
          %swap3A_4436 = vector.shape_cast %swap3A_4435 : vector<1x1x16xf32> to vector<16xf32>
          %swap3A_4437 = vector.shape_cast %add3A_4063 : vector<16xf32> to vector<1x1x16xf32>
          tpu.vector_store %swap3A_4431[%swap3A_4432, %swap3A_4433, %swap3A_4434], %swap3A_4437 {strides = array<i32>} : memref<1x64x256xf32, #tpu.memory_space<vmem>>, vector<1x1x16xf32>,
          %get3A_4438 = arith.constant 0 : i32
          %get3A_4439 = arith.constant 0 : i32
          %get3A_4440 = arith.constant 0 : i32
          %get3A_4441 = arith.constant 0 : i32
          %get3A_4442 = tpu.memref_slice %run_scoped3A[%rem3A_810, %get3A_4439, %get3A_4440, %get3A_4441] : memref<2x1x64x256xf32, #tpu.memory_space<vmem>> -> memref<1x1x64x256xf32, #tpu.memory_space<vmem>>
          %get3A_4443 = tpu.memref_squeeze %get3A_4442 : memref<1x1x64x256xf32, #tpu.memory_space<vmem>> -> memref<1x64x256xf32, #tpu.memory_space<vmem>>
          %get3A_4444 = arith.index_cast %get3A_4438 : i32 to index
          %get3A_4445 = arith.index_cast %scan3A_4137 : i32 to index
          %get3A_4446 = arith.constant 192 : index
          %get3A_4447 = tpu.vector_load %get3A_4443[%get3A_4444, %get3A_4445, %get3A_4446] {strides = array<i32>} : memref<1x64x256xf32, #tpu.memory_space<vmem>>, vector<1x1x16xf32>,
          %get3A_4448 = vector.shape_cast %get3A_4447 : vector<1x1x16xf32> to vector<16xf32>
          %add3A_4449 = arith.addf %add3A_4063, %get3A_4448 : vector<16xf32>
          %swap3A_4450 = arith.constant 0 : i32
          %swap3A_4451 = arith.constant 0 : i32
          %swap3A_4452 = arith.constant 0 : i32
          %swap3A_4453 = arith.constant 0 : i32
          %swap3A_4454 = tpu.memref_slice %run_scoped3A_102[%rem3A_812, %swap3A_4451, %swap3A_4452, %swap3A_4453] : memref<2x1x64x256xf32, #tpu.memory_space<vmem>> -> memref<1x1x64x256xf32, #tpu.memory_space<vmem>>
          %swap3A_4455 = tpu.memref_squeeze %swap3A_4454 : memref<1x1x64x256xf32, #tpu.memory_space<vmem>> -> memref<1x64x256xf32, #tpu.memory_space<vmem>>
          %swap3A_4456 = arith.index_cast %swap3A_4450 : i32 to index
          %swap3A_4457 = arith.index_cast %scan3A_4137 : i32 to index
          %swap3A_4458 = arith.constant 208 : index
          %swap3A_4459 = tpu.vector_load %swap3A_4455[%swap3A_4456, %swap3A_4457, %swap3A_4458] {strides = array<i32>} : memref<1x64x256xf32, #tpu.memory_space<vmem>>, vector<1x1x16xf32>,
          %swap3A_4460 = vector.shape_cast %swap3A_4459 : vector<1x1x16xf32> to vector<16xf32>
          %swap3A_4461 = vector.shape_cast %add3A_4087 : vector<16xf32> to vector<1x1x16xf32>
          tpu.vector_store %swap3A_4455[%swap3A_4456, %swap3A_4457, %swap3A_4458], %swap3A_4461 {strides = array<i32>} : memref<1x64x256xf32, #tpu.memory_space<vmem>>, vector<1x1x16xf32>,
          %get3A_4462 = arith.constant 0 : i32
          %get3A_4463 = arith.constant 0 : i32
          %get3A_4464 = arith.constant 0 : i32
          %get3A_4465 = arith.constant 0 : i32
          %get3A_4466 = tpu.memref_slice %run_scoped3A[%rem3A_810, %get3A_4463, %get3A_4464, %get3A_4465] : memref<2x1x64x256xf32, #tpu.memory_space<vmem>> -> memref<1x1x64x256xf32, #tpu.memory_space<vmem>>
          %get3A_4467 = tpu.memref_squeeze %get3A_4466 : memref<1x1x64x256xf32, #tpu.memory_space<vmem>> -> memref<1x64x256xf32, #tpu.memory_space<vmem>>
          %get3A_4468 = arith.index_cast %get3A_4462 : i32 to index
          %get3A_4469 = arith.index_cast %scan3A_4137 : i32 to index
          %get3A_4470 = arith.constant 208 : index
          %get3A_4471 = tpu.vector_load %get3A_4467[%get3A_4468, %get3A_4469, %get3A_4470] {strides = array<i32>} : memref<1x64x256xf32, #tpu.memory_space<vmem>>, vector<1x1x16xf32>,
          %get3A_4472 = vector.shape_cast %get3A_4471 : vector<1x1x16xf32> to vector<16xf32>
          %add3A_4473 = arith.addf %add3A_4087, %get3A_4472 : vector<16xf32>
          %swap3A_4474 = arith.constant 0 : i32
          %swap3A_4475 = arith.constant 0 : i32
          %swap3A_4476 = arith.constant 0 : i32
          %swap3A_4477 = arith.constant 0 : i32
          %swap3A_4478 = tpu.memref_slice %run_scoped3A_102[%rem3A_812, %swap3A_4475, %swap3A_4476, %swap3A_4477] : memref<2x1x64x256xf32, #tpu.memory_space<vmem>> -> memref<1x1x64x256xf32, #tpu.memory_space<vmem>>
          %swap3A_4479 = tpu.memref_squeeze %swap3A_4478 : memref<1x1x64x256xf32, #tpu.memory_space<vmem>> -> memref<1x64x256xf32, #tpu.memory_space<vmem>>
          %swap3A_4480 = arith.index_cast %swap3A_4474 : i32 to index
          %swap3A_4481 = arith.index_cast %scan3A_4137 : i32 to index
          %swap3A_4482 = arith.constant 224 : index
          %swap3A_4483 = tpu.vector_load %swap3A_4479[%swap3A_4480, %swap3A_4481, %swap3A_4482] {strides = array<i32>} : memref<1x64x256xf32, #tpu.memory_space<vmem>>, vector<1x1x16xf32>,
          %swap3A_4484 = vector.shape_cast %swap3A_4483 : vector<1x1x16xf32> to vector<16xf32>
          %swap3A_4485 = vector.shape_cast %add3A_4111 : vector<16xf32> to vector<1x1x16xf32>
          tpu.vector_store %swap3A_4479[%swap3A_4480, %swap3A_4481, %swap3A_4482], %swap3A_4485 {strides = array<i32>} : memref<1x64x256xf32, #tpu.memory_space<vmem>>, vector<1x1x16xf32>,
          %get3A_4486 = arith.constant 0 : i32
          %get3A_4487 = arith.constant 0 : i32
          %get3A_4488 = arith.constant 0 : i32
          %get3A_4489 = arith.constant 0 : i32
          %get3A_4490 = tpu.memref_slice %run_scoped3A[%rem3A_810, %get3A_4487, %get3A_4488, %get3A_4489] : memref<2x1x64x256xf32, #tpu.memory_space<vmem>> -> memref<1x1x64x256xf32, #tpu.memory_space<vmem>>
          %get3A_4491 = tpu.memref_squeeze %get3A_4490 : memref<1x1x64x256xf32, #tpu.memory_space<vmem>> -> memref<1x64x256xf32, #tpu.memory_space<vmem>>
          %get3A_4492 = arith.index_cast %get3A_4486 : i32 to index
          %get3A_4493 = arith.index_cast %scan3A_4137 : i32 to index
          %get3A_4494 = arith.constant 224 : index
          %get3A_4495 = tpu.vector_load %get3A_4491[%get3A_4492, %get3A_4493, %get3A_4494] {strides = array<i32>} : memref<1x64x256xf32, #tpu.memory_space<vmem>>, vector<1x1x16xf32>,
          %get3A_4496 = vector.shape_cast %get3A_4495 : vector<1x1x16xf32> to vector<16xf32>
          %add3A_4497 = arith.addf %add3A_4111, %get3A_4496 : vector<16xf32>
          %swap3A_4498 = arith.constant 0 : i32
          %swap3A_4499 = arith.constant 0 : i32
          %swap3A_4500 = arith.constant 0 : i32
          %swap3A_4501 = arith.constant 0 : i32
          %swap3A_4502 = tpu.memref_slice %run_scoped3A_102[%rem3A_812, %swap3A_4499, %swap3A_4500, %swap3A_4501] : memref<2x1x64x256xf32, #tpu.memory_space<vmem>> -> memref<1x1x64x256xf32, #tpu.memory_space<vmem>>
          %swap3A_4503 = tpu.memref_squeeze %swap3A_4502 : memref<1x1x64x256xf32, #tpu.memory_space<vmem>> -> memref<1x64x256xf32, #tpu.memory_space<vmem>>
          %swap3A_4504 = arith.index_cast %swap3A_4498 : i32 to index
          %swap3A_4505 = arith.index_cast %scan3A_4137 : i32 to index
          %swap3A_4506 = arith.constant 240 : index
          %swap3A_4507 = tpu.vector_load %swap3A_4503[%swap3A_4504, %swap3A_4505, %swap3A_4506] {strides = array<i32>} : memref<1x64x256xf32, #tpu.memory_space<vmem>>, vector<1x1x16xf32>,
          %swap3A_4508 = vector.shape_cast %swap3A_4507 : vector<1x1x16xf32> to vector<16xf32>
          %swap3A_4509 = vector.shape_cast %add3A_4135 : vector<16xf32> to vector<1x1x16xf32>
          tpu.vector_store %swap3A_4503[%swap3A_4504, %swap3A_4505, %swap3A_4506], %swap3A_4509 {strides = array<i32>} : memref<1x64x256xf32, #tpu.memory_space<vmem>>, vector<1x1x16xf32>,
          %get3A_4510 = arith.constant 0 : i32
          %get3A_4511 = arith.constant 0 : i32
          %get3A_4512 = arith.constant 0 : i32
          %get3A_4513 = arith.constant 0 : i32
          %get3A_4514 = tpu.memref_slice %run_scoped3A[%rem3A_810, %get3A_4511, %get3A_4512, %get3A_4513] : memref<2x1x64x256xf32, #tpu.memory_space<vmem>> -> memref<1x1x64x256xf32, #tpu.memory_space<vmem>>
          %get3A_4515 = tpu.memref_squeeze %get3A_4514 : memref<1x1x64x256xf32, #tpu.memory_space<vmem>> -> memref<1x64x256xf32, #tpu.memory_space<vmem>>
          %get3A_4516 = arith.index_cast %get3A_4510 : i32 to index
          %get3A_4517 = arith.index_cast %scan3A_4137 : i32 to index
          %get3A_4518 = arith.constant 240 : index
          %get3A_4519 = tpu.vector_load %get3A_4515[%get3A_4516, %get3A_4517, %get3A_4518] {strides = array<i32>} : memref<1x64x256xf32, #tpu.memory_space<vmem>>, vector<1x1x16xf32>,
          %get3A_4520 = vector.shape_cast %get3A_4519 : vector<1x1x16xf32> to vector<16xf32>
          %add3A_4521 = arith.addf %add3A_4135, %get3A_4520 : vector<16xf32>
          scf.yield %add3A_4161, %add3A_4185, %add3A_4209, %add3A_4233, %add3A_4257, %add3A_4281, %add3A_4305, %add3A_4329, %add3A_4353, %add3A_4377, %add3A_4401, %add3A_4425, %add3A_4449, %add3A_4473, %add3A_4497, %add3A_4521 : vector<16xf32>, vector<16xf32>, vector<16xf32>, vector<16xf32>, vector<16xf32>, vector<16xf32>, vector<16xf32>, vector<16xf32>, vector<16xf32>, vector<16xf32>, vector<16xf32>, vector<16xf32>, vector<16xf32>, vector<16xf32>, vector<16xf32>, vector<16xf32>
        }
        %scan3A_865 = arith.constant 64 : i32
        %swap3A_866 = arith.constant 0 : index
        %swap3A_867 = tpu.vector_load %arg4[%swap3A_866] {strides = array<i32>} : memref<256xf32, #tpu.memory_space<vmem>>, vector<16xf32>,
        %swap3A_868 = vector.shape_cast %swap3A_867 : vector<16xf32> to vector<16xf32>
        %swap3A_869 = vector.shape_cast %scan3A_864#0 : vector<16xf32> to vector<16xf32>
        tpu.vector_store %arg4[%swap3A_866], %swap3A_869 {strides = array<i32>} : memref<256xf32, #tpu.memory_space<vmem>>, vector<16xf32>,
        %swap3A_870 = arith.constant 16 : index
        %swap3A_871 = tpu.vector_load %arg4[%swap3A_870] {strides = array<i32>} : memref<256xf32, #tpu.memory_space<vmem>>, vector<16xf32>,
        %swap3A_872 = vector.shape_cast %swap3A_871 : vector<16xf32> to vector<16xf32>
        %swap3A_873 = vector.shape_cast %scan3A_864#1 : vector<16xf32> to vector<16xf32>
        tpu.vector_store %arg4[%swap3A_870], %swap3A_873 {strides = array<i32>} : memref<256xf32, #tpu.memory_space<vmem>>, vector<16xf32>,
        %swap3A_874 = arith.constant 32 : index
        %swap3A_875 = tpu.vector_load %arg4[%swap3A_874] {strides = array<i32>} : memref<256xf32, #tpu.memory_space<vmem>>, vector<16xf32>,
        %swap3A_876 = vector.shape_cast %swap3A_875 : vector<16xf32> to vector<16xf32>
        %swap3A_877 = vector.shape_cast %scan3A_864#2 : vector<16xf32> to vector<16xf32>
        tpu.vector_store %arg4[%swap3A_874], %swap3A_877 {strides = array<i32>} : memref<256xf32, #tpu.memory_space<vmem>>, vector<16xf32>,
        %swap3A_878 = arith.constant 48 : index
        %swap3A_879 = tpu.vector_load %arg4[%swap3A_878] {strides = array<i32>} : memref<256xf32, #tpu.memory_space<vmem>>, vector<16xf32>,
        %swap3A_880 = vector.shape_cast %swap3A_879 : vector<16xf32> to vector<16xf32>
        %swap3A_881 = vector.shape_cast %scan3A_864#3 : vector<16xf32> to vector<16xf32>
        tpu.vector_store %arg4[%swap3A_878], %swap3A_881 {strides = array<i32>} : memref<256xf32, #tpu.memory_space<vmem>>, vector<16xf32>,
        %swap3A_882 = arith.constant 64 : index
        %swap3A_883 = tpu.vector_load %arg4[%swap3A_882] {strides = array<i32>} : memref<256xf32, #tpu.memory_space<vmem>>, vector<16xf32>,
        %swap3A_884 = vector.shape_cast %swap3A_883 : vector<16xf32> to vector<16xf32>
        %swap3A_885 = vector.shape_cast %scan3A_864#4 : vector<16xf32> to vector<16xf32>
        tpu.vector_store %arg4[%swap3A_882], %swap3A_885 {strides = array<i32>} : memref<256xf32, #tpu.memory_space<vmem>>, vector<16xf32>,
        %swap3A_886 = arith.constant 80 : index
        %swap3A_887 = tpu.vector_load %arg4[%swap3A_886] {strides = array<i32>} : memref<256xf32, #tpu.memory_space<vmem>>, vector<16xf32>,
        %swap3A_888 = vector.shape_cast %swap3A_887 : vector<16xf32> to vector<16xf32>
        %swap3A_889 = vector.shape_cast %scan3A_864#5 : vector<16xf32> to vector<16xf32>
        tpu.vector_store %arg4[%swap3A_886], %swap3A_889 {strides = array<i32>} : memref<256xf32, #tpu.memory_space<vmem>>, vector<16xf32>,
        %swap3A_890 = arith.constant 96 : index
        %swap3A_891 = tpu.vector_load %arg4[%swap3A_890] {strides = array<i32>} : memref<256xf32, #tpu.memory_space<vmem>>, vector<16xf32>,
        %swap3A_892 = vector.shape_cast %swap3A_891 : vector<16xf32> to vector<16xf32>
        %swap3A_893 = vector.shape_cast %scan3A_864#6 : vector<16xf32> to vector<16xf32>
        tpu.vector_store %arg4[%swap3A_890], %swap3A_893 {strides = array<i32>} : memref<256xf32, #tpu.memory_space<vmem>>, vector<16xf32>,
        %swap3A_894 = arith.constant 112 : index
        %swap3A_895 = tpu.vector_load %arg4[%swap3A_894] {strides = array<i32>} : memref<256xf32, #tpu.memory_space<vmem>>, vector<16xf32>,
        %swap3A_896 = vector.shape_cast %swap3A_895 : vector<16xf32> to vector<16xf32>
        %swap3A_897 = vector.shape_cast %scan3A_864#7 : vector<16xf32> to vector<16xf32>
        tpu.vector_store %arg4[%swap3A_894], %swap3A_897 {strides = array<i32>} : memref<256xf32, #tpu.memory_space<vmem>>, vector<16xf32>,
        %swap3A_898 = arith.constant 128 : index
        %swap3A_899 = tpu.vector_load %arg4[%swap3A_898] {strides = array<i32>} : memref<256xf32, #tpu.memory_space<vmem>>, vector<16xf32>,
        %swap3A_900 = vector.shape_cast %swap3A_899 : vector<16xf32> to vector<16xf32>
        %swap3A_901 = vector.shape_cast %scan3A_864#8 : vector<16xf32> to vector<16xf32>
        tpu.vector_store %arg4[%swap3A_898], %swap3A_901 {strides = array<i32>} : memref<256xf32, #tpu.memory_space<vmem>>, vector<16xf32>,
        %swap3A_902 = arith.constant 144 : index
        %swap3A_903 = tpu.vector_load %arg4[%swap3A_902] {strides = array<i32>} : memref<256xf32, #tpu.memory_space<vmem>>, vector<16xf32>,
        %swap3A_904 = vector.shape_cast %swap3A_903 : vector<16xf32> to vector<16xf32>
        %swap3A_905 = vector.shape_cast %scan3A_864#9 : vector<16xf32> to vector<16xf32>
        tpu.vector_store %arg4[%swap3A_902], %swap3A_905 {strides = array<i32>} : memref<256xf32, #tpu.memory_space<vmem>>, vector<16xf32>,
        %swap3A_906 = arith.constant 160 : index
        %swap3A_907 = tpu.vector_load %arg4[%swap3A_906] {strides = array<i32>} : memref<256xf32, #tpu.memory_space<vmem>>, vector<16xf32>,
        %swap3A_908 = vector.shape_cast %swap3A_907 : vector<16xf32> to vector<16xf32>
        %swap3A_909 = vector.shape_cast %scan3A_864#10 : vector<16xf32> to vector<16xf32>
        tpu.vector_store %arg4[%swap3A_906], %swap3A_909 {strides = array<i32>} : memref<256xf32, #tpu.memory_space<vmem>>, vector<16xf32>,
        %swap3A_910 = arith.constant 176 : index
        %swap3A_911 = tpu.vector_load %arg4[%swap3A_910] {strides = array<i32>} : memref<256xf32, #tpu.memory_space<vmem>>, vector<16xf32>,
        %swap3A_912 = vector.shape_cast %swap3A_911 : vector<16xf32> to vector<16xf32>
        %swap3A_913 = vector.shape_cast %scan3A_864#11 : vector<16xf32> to vector<16xf32>
        tpu.vector_store %arg4[%swap3A_910], %swap3A_913 {strides = array<i32>} : memref<256xf32, #tpu.memory_space<vmem>>, vector<16xf32>,
        %swap3A_914 = arith.constant 192 : index
        %swap3A_915 = tpu.vector_load %arg4[%swap3A_914] {strides = array<i32>} : memref<256xf32, #tpu.memory_space<vmem>>, vector<16xf32>,
        %swap3A_916 = vector.shape_cast %swap3A_915 : vector<16xf32> to vector<16xf32>
        %swap3A_917 = vector.shape_cast %scan3A_864#12 : vector<16xf32> to vector<16xf32>
        tpu.vector_store %arg4[%swap3A_914], %swap3A_917 {strides = array<i32>} : memref<256xf32, #tpu.memory_space<vmem>>, vector<16xf32>,
        %swap3A_918 = arith.constant 208 : index
        %swap3A_919 = tpu.vector_load %arg4[%swap3A_918] {strides = array<i32>} : memref<256xf32, #tpu.memory_space<vmem>>, vector<16xf32>,
        %swap3A_920 = vector.shape_cast %swap3A_919 : vector<16xf32> to vector<16xf32>
        %swap3A_921 = vector.shape_cast %scan3A_864#13 : vector<16xf32> to vector<16xf32>
        tpu.vector_store %arg4[%swap3A_918], %swap3A_921 {strides = array<i32>} : memref<256xf32, #tpu.memory_space<vmem>>, vector<16xf32>,
        %swap3A_922 = arith.constant 224 : index
        %swap3A_923 = tpu.vector_load %arg4[%swap3A_922] {strides = array<i32>} : memref<256xf32, #tpu.memory_space<vmem>>, vector<16xf32>,
        %swap3A_924 = vector.shape_cast %swap3A_923 : vector<16xf32> to vector<16xf32>
        %swap3A_925 = vector.shape_cast %scan3A_864#14 : vector<16xf32> to vector<16xf32>
        tpu.vector_store %arg4[%swap3A_922], %swap3A_925 {strides = array<i32>} : memref<256xf32, #tpu.memory_space<vmem>>, vector<16xf32>,
        %swap3A_926 = arith.constant 240 : index
        %swap3A_927 = tpu.vector_load %arg4[%swap3A_926] {strides = array<i32>} : memref<256xf32, #tpu.memory_space<vmem>>, vector<16xf32>,
        %swap3A_928 = vector.shape_cast %swap3A_927 : vector<16xf32> to vector<16xf32>
        %swap3A_929 = vector.shape_cast %scan3A_864#15 : vector<16xf32> to vector<16xf32>
        tpu.vector_store %arg4[%swap3A_926], %swap3A_929 {strides = array<i32>} : memref<256xf32, #tpu.memory_space<vmem>>, vector<16xf32>,
        %jit3A_930 = arith.constant 8 : i32
        "tpu.trace_stop"() : () -> ()
        %div3A_931 = arith.divsi %add3A_380, %jit3A_930 : i32
        %sign3A_932 = arith.constant 0 : i32
        %sign3A_933 = arith.cmpi sgt, %add3A_380, %sign3A_932 : i32
        %sign3A_934 = arith.extui %sign3A_933 : i1 to i32
        %sign3A_935 = arith.constant 0 : i32
        %sign3A_936 = arith.cmpi slt, %add3A_380, %sign3A_935 : i32
        %sign3A_937 = arith.extui %sign3A_936 : i1 to i32
        %sign3A_938 = arith.subi %sign3A_934, %sign3A_937 : i32
        %sign3A_939 = arith.constant 0 : i32
        %sign3A_940 = arith.cmpi sgt, %jit3A_930, %sign3A_939 : i32
        %sign3A_941 = arith.extui %sign3A_940 : i1 to i32
        %sign3A_942 = arith.constant 0 : i32
        %sign3A_943 = arith.cmpi slt, %jit3A_930, %sign3A_942 : i32
        %sign3A_944 = arith.extui %sign3A_943 : i1 to i32
        %sign3A_945 = arith.subi %sign3A_941, %sign3A_944 : i32
        %ne3A_946 = arith.cmpi ne, %sign3A_938, %sign3A_945 : i32
        %rem3A_947 = arith.remsi %add3A_380, %jit3A_930 : i32
        %ne3A_948 = arith.constant 0 : i32
        %ne3A_949 = arith.cmpi ne, %rem3A_947, %ne3A_948 : i32
        %and3A_950 = arith.andi %ne3A_946, %ne3A_949 : i1
        %sub3A_951 = arith.constant 1 : i32
        %sub3A_952 = arith.subi %div3A_931, %sub3A_951 : i32
        %select_n3A_953 = arith.select %and3A_950, %sub3A_952, %div3A_931 : i32
        %jit3A_954 = arith.constant 8 : i32
        %eq3A_955 = arith.constant 0 : i32
        %eq3A_956 = arith.cmpi eq, %jit3A_954, %eq3A_955 : i32
        %jit3A_957 = arith.constant 1 : i32
        %select_n3A_958 = arith.select %eq3A_956, %jit3A_957, %jit3A_954 : i32
        %rem3A_959 = arith.remsi %add3A_380, %select_n3A_958 : i32
        %ne3A_960 = arith.constant 0 : i32
        %ne3A_961 = arith.cmpi ne, %rem3A_959, %ne3A_960 : i32
        %lt3A_962 = arith.constant 0 : i32
        %lt3A_963 = arith.cmpi slt, %rem3A_959, %lt3A_962 : i32
        %lt3A_964 = arith.constant 0 : i32
        %lt3A_965 = arith.cmpi slt, %select_n3A_958, %lt3A_964 : i32
        %ne3A_966 = arith.xori %lt3A_963, %lt3A_965 : i1
        %and3A_967 = arith.andi %ne3A_966, %ne3A_961 : i1
        %add3A_968 = arith.addi %rem3A_959, %select_n3A_958 : i32
        %select_n3A_969 = arith.select %and3A_967, %add3A_968, %rem3A_959 : i32
        %jit3A_970 = arith.constant 8 : i32
        %div3A_971 = arith.divsi %add3A_418, %jit3A_970 : i32
        %sign3A_972 = arith.constant 0 : i32
        %sign3A_973 = arith.cmpi sgt, %add3A_418, %sign3A_972 : i32
        %sign3A_974 = arith.extui %sign3A_973 : i1 to i32
        %sign3A_975 = arith.constant 0 : i32
        %sign3A_976 = arith.cmpi slt, %add3A_418, %sign3A_975 : i32
        %sign3A_977 = arith.extui %sign3A_976 : i1 to i32
        %sign3A_978 = arith.subi %sign3A_974, %sign3A_977 : i32
        %sign3A_979 = arith.constant 0 : i32
        %sign3A_980 = arith.cmpi sgt, %jit3A_970, %sign3A_979 : i32
        %sign3A_981 = arith.extui %sign3A_980 : i1 to i32
        %sign3A_982 = arith.constant 0 : i32
        %sign3A_983 = arith.cmpi slt, %jit3A_970, %sign3A_982 : i32
        %sign3A_984 = arith.extui %sign3A_983 : i1 to i32
        %sign3A_985 = arith.subi %sign3A_981, %sign3A_984 : i32
        %ne3A_986 = arith.cmpi ne, %sign3A_978, %sign3A_985 : i32
        %rem3A_987 = arith.remsi %add3A_418, %jit3A_970 : i32
        %ne3A_988 = arith.constant 0 : i32
        %ne3A_989 = arith.cmpi ne, %rem3A_987, %ne3A_988 : i32
        %and3A_990 = arith.andi %ne3A_986, %ne3A_989 : i1
        %sub3A_991 = arith.constant 1 : i32
        %sub3A_992 = arith.subi %div3A_971, %sub3A_991 : i32
        %select_n3A_993 = arith.select %and3A_990, %sub3A_992, %div3A_971 : i32
        %jit3A_994 = arith.constant 8 : i32
        %eq3A_995 = arith.constant 0 : i32
        %eq3A_996 = arith.cmpi eq, %jit3A_994, %eq3A_995 : i32
        %jit3A_997 = arith.constant 1 : i32
        %select_n3A_998 = arith.select %eq3A_996, %jit3A_997, %jit3A_994 : i32
        %rem3A_999 = arith.remsi %add3A_418, %select_n3A_998 : i32
        %ne3A_1000 = arith.constant 0 : i32
        %ne3A_1001 = arith.cmpi ne, %rem3A_999, %ne3A_1000 : i32
        %lt3A_1002 = arith.constant 0 : i32
        %lt3A_1003 = arith.cmpi slt, %rem3A_999, %lt3A_1002 : i32
        %lt3A_1004 = arith.constant 0 : i32
        %lt3A_1005 = arith.cmpi slt, %select_n3A_998, %lt3A_1004 : i32
        %ne3A_1006 = arith.xori %lt3A_1003, %lt3A_1005 : i1
        %and3A_1007 = arith.andi %ne3A_1006, %ne3A_1001 : i1
        %add3A_1008 = arith.addi %rem3A_999, %select_n3A_998 : i32
        %select_n3A_1009 = arith.select %and3A_1007, %add3A_1008, %rem3A_999 : i32
        %ne3A_1010 = arith.cmpi ne, %select_n3A_953, %select_n3A_993 : i32
        %ne3A_1011 = arith.cmpi ne, %add3A_382, %add3A_420 : i32
        %ne3A_1012 = arith.cmpi ne, %select_n3A_969, %select_n3A_1009 : i32
        %or3A_1013 = arith.constant false
        %or3A_1014 = arith.ori %or3A_1013, %ne3A_1010 : i1
        %or3A_1015 = arith.ori %or3A_1014, %ne3A_1011 : i1
        %or3A_1016 = arith.ori %or3A_1015, %ne3A_1012 : i1
        %or3A_1017 = arith.ori %or3A_1016, %eq3A_378 : i1
        %convert_element_type3A_1018 = arith.extui %or3A_1017 : i1 to i32
        %cond3A_1019 = arith.constant 0 : i32
        %cond3A_1020 = arith.cmpi ne, %convert_element_type3A_1018, %cond3A_1019 : i32
        scf.if %cond3A_1020 {
        } else {
        }
        %and3A_1021 = arith.constant false
        %and3A_1022 = arith.andi %or3A_1017, %and3A_1021 : i1
        %jit3A_1023 = arith.constant 8 : i32
        %div3A_1024 = arith.divsi %add3A_380, %jit3A_1023 : i32
        %sign3A_1025 = arith.constant 0 : i32
        %sign3A_1026 = arith.cmpi sgt, %add3A_380, %sign3A_1025 : i32
        %sign3A_1027 = arith.extui %sign3A_1026 : i1 to i32
        %sign3A_1028 = arith.constant 0 : i32
        %sign3A_1029 = arith.cmpi slt, %add3A_380, %sign3A_1028 : i32
        %sign3A_1030 = arith.extui %sign3A_1029 : i1 to i32
        %sign3A_1031 = arith.subi %sign3A_1027, %sign3A_1030 : i32
        %sign3A_1032 = arith.constant 0 : i32
        %sign3A_1033 = arith.cmpi sgt, %jit3A_1023, %sign3A_1032 : i32
        %sign3A_1034 = arith.extui %sign3A_1033 : i1 to i32
        %sign3A_1035 = arith.constant 0 : i32
        %sign3A_1036 = arith.cmpi slt, %jit3A_1023, %sign3A_1035 : i32
        %sign3A_1037 = arith.extui %sign3A_1036 : i1 to i32
        %sign3A_1038 = arith.subi %sign3A_1034, %sign3A_1037 : i32
        %ne3A_1039 = arith.cmpi ne, %sign3A_1031, %sign3A_1038 : i32
        %rem3A_1040 = arith.remsi %add3A_380, %jit3A_1023 : i32
        %ne3A_1041 = arith.constant 0 : i32
        %ne3A_1042 = arith.cmpi ne, %rem3A_1040, %ne3A_1041 : i32
        %and3A_1043 = arith.andi %ne3A_1039, %ne3A_1042 : i1
        %sub3A_1044 = arith.constant 1 : i32
        %sub3A_1045 = arith.subi %div3A_1024, %sub3A_1044 : i32
        %select_n3A_1046 = arith.select %and3A_1043, %sub3A_1045, %div3A_1024 : i32
        %jit3A_1047 = arith.constant 8 : i32
        %eq3A_1048 = arith.constant 0 : i32
        %eq3A_1049 = arith.cmpi eq, %jit3A_1047, %eq3A_1048 : i32
        %jit3A_1050 = arith.constant 1 : i32
        %select_n3A_1051 = arith.select %eq3A_1049, %jit3A_1050, %jit3A_1047 : i32
        %rem3A_1052 = arith.remsi %add3A_380, %select_n3A_1051 : i32
        %ne3A_1053 = arith.constant 0 : i32
        %ne3A_1054 = arith.cmpi ne, %rem3A_1052, %ne3A_1053 : i32
        %lt3A_1055 = arith.constant 0 : i32
        %lt3A_1056 = arith.cmpi slt, %rem3A_1052, %lt3A_1055 : i32
        %lt3A_1057 = arith.constant 0 : i32
        %lt3A_1058 = arith.cmpi slt, %select_n3A_1051, %lt3A_1057 : i32
        %ne3A_1059 = arith.xori %lt3A_1056, %lt3A_1058 : i1
        %and3A_1060 = arith.andi %ne3A_1059, %ne3A_1054 : i1
        %add3A_1061 = arith.addi %rem3A_1052, %select_n3A_1051 : i32
        %select_n3A_1062 = arith.select %and3A_1060, %add3A_1061, %rem3A_1052 : i32
        %jit3A_1063 = arith.constant 8 : i32
        %div3A_1064 = arith.divsi %add3A_418, %jit3A_1063 : i32
        %sign3A_1065 = arith.constant 0 : i32
        %sign3A_1066 = arith.cmpi sgt, %add3A_418, %sign3A_1065 : i32
        %sign3A_1067 = arith.extui %sign3A_1066 : i1 to i32
        %sign3A_1068 = arith.constant 0 : i32
        %sign3A_1069 = arith.cmpi slt, %add3A_418, %sign3A_1068 : i32
        %sign3A_1070 = arith.extui %sign3A_1069 : i1 to i32
        %sign3A_1071 = arith.subi %sign3A_1067, %sign3A_1070 : i32
        %sign3A_1072 = arith.constant 0 : i32
        %sign3A_1073 = arith.cmpi sgt, %jit3A_1063, %sign3A_1072 : i32
        %sign3A_1074 = arith.extui %sign3A_1073 : i1 to i32
        %sign3A_1075 = arith.constant 0 : i32
        %sign3A_1076 = arith.cmpi slt, %jit3A_1063, %sign3A_1075 : i32
        %sign3A_1077 = arith.extui %sign3A_1076 : i1 to i32
        %sign3A_1078 = arith.subi %sign3A_1074, %sign3A_1077 : i32
        %ne3A_1079 = arith.cmpi ne, %sign3A_1071, %sign3A_1078 : i32
        %rem3A_1080 = arith.remsi %add3A_418, %jit3A_1063 : i32
        %ne3A_1081 = arith.constant 0 : i32
        %ne3A_1082 = arith.cmpi ne, %rem3A_1080, %ne3A_1081 : i32
        %and3A_1083 = arith.andi %ne3A_1079, %ne3A_1082 : i1
        %sub3A_1084 = arith.constant 1 : i32
        %sub3A_1085 = arith.subi %div3A_1064, %sub3A_1084 : i32
        %select_n3A_1086 = arith.select %and3A_1083, %sub3A_1085, %div3A_1064 : i32
        %jit3A_1087 = arith.constant 8 : i32
        %eq3A_1088 = arith.constant 0 : i32
        %eq3A_1089 = arith.cmpi eq, %jit3A_1087, %eq3A_1088 : i32
        %jit3A_1090 = arith.constant 1 : i32
        %select_n3A_1091 = arith.select %eq3A_1089, %jit3A_1090, %jit3A_1087 : i32
        %rem3A_1092 = arith.remsi %add3A_418, %select_n3A_1091 : i32
        %ne3A_1093 = arith.constant 0 : i32
        %ne3A_1094 = arith.cmpi ne, %rem3A_1092, %ne3A_1093 : i32
        %lt3A_1095 = arith.constant 0 : i32
        %lt3A_1096 = arith.cmpi slt, %rem3A_1092, %lt3A_1095 : i32
        %lt3A_1097 = arith.constant 0 : i32
        %lt3A_1098 = arith.cmpi slt, %select_n3A_1091, %lt3A_1097 : i32
        %ne3A_1099 = arith.xori %lt3A_1096, %lt3A_1098 : i1
        %and3A_1100 = arith.andi %ne3A_1099, %ne3A_1094 : i1
        %add3A_1101 = arith.addi %rem3A_1092, %select_n3A_1091 : i32
        %select_n3A_1102 = arith.select %and3A_1100, %add3A_1101, %rem3A_1092 : i32
        %ne3A_1103 = arith.cmpi ne, %select_n3A_1046, %select_n3A_1086 : i32
        %ne3A_1104 = arith.cmpi ne, %add3A_382, %add3A_420 : i32
        %ne3A_1105 = arith.cmpi ne, %select_n3A_1062, %select_n3A_1102 : i32
        %or3A_1106 = arith.constant false
        %or3A_1107 = arith.ori %or3A_1106, %ne3A_1103 : i1
        %or3A_1108 = arith.ori %or3A_1107, %ne3A_1104 : i1
        %or3A_1109 = arith.ori %or3A_1108, %ne3A_1105 : i1
        %or3A_1110 = arith.ori %or3A_1109, %eq3A_378 : i1
        %convert_element_type3A_1111 = arith.extui %or3A_1110 : i1 to i32
        %cond3A_1112 = arith.constant 0 : i32
        %cond3A_1113 = arith.cmpi ne, %convert_element_type3A_1111, %cond3A_1112 : i32
        scf.if %cond3A_1113 {
          "tpu.trace_start"() <{level = 10 : i32, message = "ep_copy_out"}> : () -> ()
          %rem3A_1419 = arith.constant 2 : i32
          %rem3A_1420 = arith.remui %scan3A_371, %rem3A_1419 : i32
          %jit3A_1421 = arith.constant 8 : i32
          %div3A_1422 = arith.divsi %add3A_380, %jit3A_1421 : i32
          %sign3A_1423 = arith.constant 0 : i32
          %sign3A_1424 = arith.cmpi sgt, %add3A_380, %sign3A_1423 : i32
          %sign3A_1425 = arith.extui %sign3A_1424 : i1 to i32
          %sign3A_1426 = arith.constant 0 : i32
          %sign3A_1427 = arith.cmpi slt, %add3A_380, %sign3A_1426 : i32
          %sign3A_1428 = arith.extui %sign3A_1427 : i1 to i32
          %sign3A_1429 = arith.subi %sign3A_1425, %sign3A_1428 : i32
          %sign3A_1430 = arith.constant 0 : i32
          %sign3A_1431 = arith.cmpi sgt, %jit3A_1421, %sign3A_1430 : i32
          %sign3A_1432 = arith.extui %sign3A_1431 : i1 to i32
          %sign3A_1433 = arith.constant 0 : i32
          %sign3A_1434 = arith.cmpi slt, %jit3A_1421, %sign3A_1433 : i32
          %sign3A_1435 = arith.extui %sign3A_1434 : i1 to i32
          %sign3A_1436 = arith.subi %sign3A_1432, %sign3A_1435 : i32
          %ne3A_1437 = arith.cmpi ne, %sign3A_1429, %sign3A_1436 : i32
          %rem3A_1438 = arith.remsi %add3A_380, %jit3A_1421 : i32
          %ne3A_1439 = arith.constant 0 : i32
          %ne3A_1440 = arith.cmpi ne, %rem3A_1438, %ne3A_1439 : i32
          %and3A_1441 = arith.andi %ne3A_1437, %ne3A_1440 : i1
          %sub3A_1442 = arith.constant 1 : i32
          %sub3A_1443 = arith.subi %div3A_1422, %sub3A_1442 : i32
          %select_n3A_1444 = arith.select %and3A_1441, %sub3A_1443, %div3A_1422 : i32
          %jit3A_1445 = arith.constant 8 : i32
          %eq3A_1446 = arith.constant 0 : i32
          %eq3A_1447 = arith.cmpi eq, %jit3A_1445, %eq3A_1446 : i32
          %jit3A_1448 = arith.constant 1 : i32
          %select_n3A_1449 = arith.select %eq3A_1447, %jit3A_1448, %jit3A_1445 : i32
          %rem3A_1450 = arith.remsi %add3A_380, %select_n3A_1449 : i32
          %ne3A_1451 = arith.constant 0 : i32
          %ne3A_1452 = arith.cmpi ne, %rem3A_1450, %ne3A_1451 : i32
          %lt3A_1453 = arith.constant 0 : i32
          %lt3A_1454 = arith.cmpi slt, %rem3A_1450, %lt3A_1453 : i32
          %lt3A_1455 = arith.constant 0 : i32
          %lt3A_1456 = arith.cmpi slt, %select_n3A_1449, %lt3A_1455 : i32
          %ne3A_1457 = arith.xori %lt3A_1454, %lt3A_1456 : i1
          %and3A_1458 = arith.andi %ne3A_1457, %ne3A_1452 : i1
          %add3A_1459 = arith.addi %rem3A_1450, %select_n3A_1449 : i32
          %select_n3A_1460 = arith.select %and3A_1458, %add3A_1459, %rem3A_1450 : i32
          %mul3A_1461 = arith.constant 1 : i32
          %mul3A_1462 = arith.muli %mul3A_1461, %select_n3A_1444 : i32
          %mul3A_1463 = arith.constant 64 : i32
          %mul3A_1464 = arith.muli %mul3A_1463, %add3A_382 : i32
          %mul3A_1465 = arith.constant 256 : i32
          %mul3A_1466 = arith.muli %mul3A_1465, %select_n3A_1460 : i32
          %dma_start3A_1467 = arith.constant 0 : i32
          %dma_start3A_1468 = arith.constant 0 : i32
          %dma_start3A_1469 = arith.constant 0 : i32
          %dma_start3A_1470 = tpu.memref_slice %run_scoped3A_102[%rem3A_1420, %dma_start3A_1467, %dma_start3A_1468, %dma_start3A_1469] : memref<2x1x64x256xf32, #tpu.memory_space<vmem>> -> memref<1x1x64x256xf32, #tpu.memory_space<vmem>>
          %dma_start3A_1471 = tpu.memref_squeeze %dma_start3A_1470 : memref<1x1x64x256xf32, #tpu.memory_space<vmem>> -> memref<1x64x256xf32, #tpu.memory_space<vmem>>
          %dma_start3A_1472 = tpu.memref_slice %arg3[%mul3A_1462, %mul3A_1464, %mul3A_1466] : memref<4x4096x2048xf32, #tpu.memory_space<hbm>> -> memref<1x64x256xf32, #tpu.memory_space<hbm>>
          %dma_start3A_1473 = tpu.memref_slice %run_scoped3A_103[%rem3A_1420] : memref<2x!tpu.dma_semaphore, #tpu.memory_space<semaphore_mem>> -> memref<1x!tpu.dma_semaphore, #tpu.memory_space<semaphore_mem>>
          %dma_start3A_1474 = tpu.memref_squeeze %dma_start3A_1473 : memref<1x!tpu.dma_semaphore, #tpu.memory_space<semaphore_mem>> -> memref<!tpu.dma_semaphore, #tpu.memory_space<semaphore_mem>>
          %dma_start3A_1475 = tpu.memref_slice %arg3[%mul3A_1462, %mul3A_1464, %mul3A_1466] : memref<4x4096x2048xf32, #tpu.memory_space<hbm>> -> memref<1x64x256xf32, #tpu.memory_space<hbm>>
          %dma_start3A_1476 = arith.constant 0 : i32
          %dma_start3A_1477 = arith.constant 0 : i32
          %dma_start3A_1478 = arith.constant 0 : i32
          %dma_start3A_1479 = tpu.memref_slice %run_scoped3A_102[%rem3A_1420, %dma_start3A_1476, %dma_start3A_1477, %dma_start3A_1478] : memref<2x1x64x256xf32, #tpu.memory_space<vmem>> -> memref<1x1x64x256xf32, #tpu.memory_space<vmem>>
          %dma_start3A_1480 = tpu.memref_squeeze %dma_start3A_1479 : memref<1x1x64x256xf32, #tpu.memory_space<vmem>> -> memref<1x64x256xf32, #tpu.memory_space<vmem>>
          tpu.enqueue_dma source(%dma_start3A_1480 : memref<1x64x256xf32, #tpu.memory_space<vmem>>) target(%dma_start3A_1475 : memref<1x64x256xf32, #tpu.memory_space<hbm>>) target_semaphore(%dma_start3A_1474 : memref<!tpu.dma_semaphore, #tpu.memory_space<semaphore_mem>>)
          "tpu.trace_stop"() : () -> ()
        } else {
        }
        %and3A_1114 = arith.constant true
        %and3A_1115 = arith.andi %or3A_1110, %and3A_1114 : i1
        %add3A_1116 = arith.constant 1 : i32
        %add3A_1117 = arith.addi %scan3A_371, %add3A_1116 : i32
        %select_n3A_1118 = arith.select %and3A_1115, %add3A_1117, %scan3A_371 : i32
        %jit3A_1119 = arith.constant 8 : i32
        %div3A_1120 = arith.divsi %add3A_380, %jit3A_1119 : i32
        %sign3A_1121 = arith.constant 0 : i32
        %sign3A_1122 = arith.cmpi sgt, %add3A_380, %sign3A_1121 : i32
        %sign3A_1123 = arith.extui %sign3A_1122 : i1 to i32
        %sign3A_1124 = arith.constant 0 : i32
        %sign3A_1125 = arith.cmpi slt, %add3A_380, %sign3A_1124 : i32
        %sign3A_1126 = arith.extui %sign3A_1125 : i1 to i32
        %sign3A_1127 = arith.subi %sign3A_1123, %sign3A_1126 : i32
        %sign3A_1128 = arith.constant 0 : i32
        %sign3A_1129 = arith.cmpi sgt, %jit3A_1119, %sign3A_1128 : i32
        %sign3A_1130 = arith.extui %sign3A_1129 : i1 to i32
        %sign3A_1131 = arith.constant 0 : i32
        %sign3A_1132 = arith.cmpi slt, %jit3A_1119, %sign3A_1131 : i32
        %sign3A_1133 = arith.extui %sign3A_1132 : i1 to i32
        %sign3A_1134 = arith.subi %sign3A_1130, %sign3A_1133 : i32
        %ne3A_1135 = arith.cmpi ne, %sign3A_1127, %sign3A_1134 : i32
        %rem3A_1136 = arith.remsi %add3A_380, %jit3A_1119 : i32
        %ne3A_1137 = arith.constant 0 : i32
        %ne3A_1138 = arith.cmpi ne, %rem3A_1136, %ne3A_1137 : i32
        %and3A_1139 = arith.andi %ne3A_1135, %ne3A_1138 : i1
        %sub3A_1140 = arith.constant 1 : i32
        %sub3A_1141 = arith.subi %div3A_1120, %sub3A_1140 : i32
        %select_n3A_1142 = arith.select %and3A_1139, %sub3A_1141, %div3A_1120 : i32
        %jit3A_1143 = arith.constant 8 : i32
        %eq3A_1144 = arith.constant 0 : i32
        %eq3A_1145 = arith.cmpi eq, %jit3A_1143, %eq3A_1144 : i32
        %jit3A_1146 = arith.constant 1 : i32
        %select_n3A_1147 = arith.select %eq3A_1145, %jit3A_1146, %jit3A_1143 : i32
        %rem3A_1148 = arith.remsi %add3A_380, %select_n3A_1147 : i32
        %ne3A_1149 = arith.constant 0 : i32
        %ne3A_1150 = arith.cmpi ne, %rem3A_1148, %ne3A_1149 : i32
        %lt3A_1151 = arith.constant 0 : i32
        %lt3A_1152 = arith.cmpi slt, %rem3A_1148, %lt3A_1151 : i32
        %lt3A_1153 = arith.constant 0 : i32
        %lt3A_1154 = arith.cmpi slt, %select_n3A_1147, %lt3A_1153 : i32
        %ne3A_1155 = arith.xori %lt3A_1152, %lt3A_1154 : i1
        %and3A_1156 = arith.andi %ne3A_1155, %ne3A_1150 : i1
        %add3A_1157 = arith.addi %rem3A_1148, %select_n3A_1147 : i32
        %select_n3A_1158 = arith.select %and3A_1156, %add3A_1157, %rem3A_1148 : i32
        %jit3A_1159 = arith.constant 8 : i32
        %div3A_1160 = arith.divsi %add3A_399, %jit3A_1159 : i32
        %sign3A_1161 = arith.constant 0 : i32
        %sign3A_1162 = arith.cmpi sgt, %add3A_399, %sign3A_1161 : i32
        %sign3A_1163 = arith.extui %sign3A_1162 : i1 to i32
        %sign3A_1164 = arith.constant 0 : i32
        %sign3A_1165 = arith.cmpi slt, %add3A_399, %sign3A_1164 : i32
        %sign3A_1166 = arith.extui %sign3A_1165 : i1 to i32
        %sign3A_1167 = arith.subi %sign3A_1163, %sign3A_1166 : i32
        %sign3A_1168 = arith.constant 0 : i32
        %sign3A_1169 = arith.cmpi sgt, %jit3A_1159, %sign3A_1168 : i32
        %sign3A_1170 = arith.extui %sign3A_1169 : i1 to i32
        %sign3A_1171 = arith.constant 0 : i32
        %sign3A_1172 = arith.cmpi slt, %jit3A_1159, %sign3A_1171 : i32
        %sign3A_1173 = arith.extui %sign3A_1172 : i1 to i32
        %sign3A_1174 = arith.subi %sign3A_1170, %sign3A_1173 : i32
        %ne3A_1175 = arith.cmpi ne, %sign3A_1167, %sign3A_1174 : i32
        %rem3A_1176 = arith.remsi %add3A_399, %jit3A_1159 : i32
        %ne3A_1177 = arith.constant 0 : i32
        %ne3A_1178 = arith.cmpi ne, %rem3A_1176, %ne3A_1177 : i32
        %and3A_1179 = arith.andi %ne3A_1175, %ne3A_1178 : i1
        %sub3A_1180 = arith.constant 1 : i32
        %sub3A_1181 = arith.subi %div3A_1160, %sub3A_1180 : i32
        %select_n3A_1182 = arith.select %and3A_1179, %sub3A_1181, %div3A_1160 : i32
        %jit3A_1183 = arith.constant 8 : i32
        %eq3A_1184 = arith.constant 0 : i32
        %eq3A_1185 = arith.cmpi eq, %jit3A_1183, %eq3A_1184 : i32
        %jit3A_1186 = arith.constant 1 : i32
        %select_n3A_1187 = arith.select %eq3A_1185, %jit3A_1186, %jit3A_1183 : i32
        %rem3A_1188 = arith.remsi %add3A_399, %select_n3A_1187 : i32
        %ne3A_1189 = arith.constant 0 : i32
        %ne3A_1190 = arith.cmpi ne, %rem3A_1188, %ne3A_1189 : i32
        %lt3A_1191 = arith.constant 0 : i32
        %lt3A_1192 = arith.cmpi slt, %rem3A_1188, %lt3A_1191 : i32
        %lt3A_1193 = arith.constant 0 : i32
        %lt3A_1194 = arith.cmpi slt, %select_n3A_1187, %lt3A_1193 : i32
        %ne3A_1195 = arith.xori %lt3A_1192, %lt3A_1194 : i1
        %and3A_1196 = arith.andi %ne3A_1195, %ne3A_1190 : i1
        %add3A_1197 = arith.addi %rem3A_1188, %select_n3A_1187 : i32
        %select_n3A_1198 = arith.select %and3A_1196, %add3A_1197, %rem3A_1188 : i32
        %ne3A_1199 = arith.cmpi ne, %select_n3A_1142, %select_n3A_1182 : i32
        %ne3A_1200 = arith.cmpi ne, %add3A_382, %add3A_401 : i32
        %ne3A_1201 = arith.cmpi ne, %select_n3A_1158, %select_n3A_1198 : i32
        %or3A_1202 = arith.constant false
        %or3A_1203 = arith.ori %or3A_1202, %ne3A_1199 : i1
        %or3A_1204 = arith.ori %or3A_1203, %ne3A_1200 : i1
        %or3A_1205 = arith.ori %or3A_1204, %ne3A_1201 : i1
        %not3A_1206 = arith.constant true
        %not3A_1207 = arith.xori %eq3A_376, %not3A_1206 : i1
        %and3A_1208 = arith.andi %or3A_1205, %not3A_1207 : i1
        %convert_element_type3A_1209 = arith.extui %and3A_1208 : i1 to i32
        %cond3A_1210 = arith.constant 0 : i32
        %cond3A_1211 = arith.cmpi ne, %convert_element_type3A_1209, %cond3A_1210 : i32
        scf.if %cond3A_1211 {
        } else {
        }
        %and3A_1212 = arith.constant false
        %and3A_1213 = arith.andi %and3A_1208, %and3A_1212 : i1
        %jit3A_1214 = arith.constant 8 : i32
        %div3A_1215 = arith.divsi %add3A_380, %jit3A_1214 : i32
        %sign3A_1216 = arith.constant 0 : i32
        %sign3A_1217 = arith.cmpi sgt, %add3A_380, %sign3A_1216 : i32
        %sign3A_1218 = arith.extui %sign3A_1217 : i1 to i32
        %sign3A_1219 = arith.constant 0 : i32
        %sign3A_1220 = arith.cmpi slt, %add3A_380, %sign3A_1219 : i32
        %sign3A_1221 = arith.extui %sign3A_1220 : i1 to i32
        %sign3A_1222 = arith.subi %sign3A_1218, %sign3A_1221 : i32
        %sign3A_1223 = arith.constant 0 : i32
        %sign3A_1224 = arith.cmpi sgt, %jit3A_1214, %sign3A_1223 : i32
        %sign3A_1225 = arith.extui %sign3A_1224 : i1 to i32
        %sign3A_1226 = arith.constant 0 : i32
        %sign3A_1227 = arith.cmpi slt, %jit3A_1214, %sign3A_1226 : i32
        %sign3A_1228 = arith.extui %sign3A_1227 : i1 to i32
        %sign3A_1229 = arith.subi %sign3A_1225, %sign3A_1228 : i32
        %ne3A_1230 = arith.cmpi ne, %sign3A_1222, %sign3A_1229 : i32
        %rem3A_1231 = arith.remsi %add3A_380, %jit3A_1214 : i32
        %ne3A_1232 = arith.constant 0 : i32
        %ne3A_1233 = arith.cmpi ne, %rem3A_1231, %ne3A_1232 : i32
        %and3A_1234 = arith.andi %ne3A_1230, %ne3A_1233 : i1
        %sub3A_1235 = arith.constant 1 : i32
        %sub3A_1236 = arith.subi %div3A_1215, %sub3A_1235 : i32
        %select_n3A_1237 = arith.select %and3A_1234, %sub3A_1236, %div3A_1215 : i32
        %jit3A_1238 = arith.constant 8 : i32
        %eq3A_1239 = arith.constant 0 : i32
        %eq3A_1240 = arith.cmpi eq, %jit3A_1238, %eq3A_1239 : i32
        %jit3A_1241 = arith.constant 1 : i32
        %select_n3A_1242 = arith.select %eq3A_1240, %jit3A_1241, %jit3A_1238 : i32
        %rem3A_1243 = arith.remsi %add3A_380, %select_n3A_1242 : i32
        %ne3A_1244 = arith.constant 0 : i32
        %ne3A_1245 = arith.cmpi ne, %rem3A_1243, %ne3A_1244 : i32
        %lt3A_1246 = arith.constant 0 : i32
        %lt3A_1247 = arith.cmpi slt, %rem3A_1243, %lt3A_1246 : i32
        %lt3A_1248 = arith.constant 0 : i32
        %lt3A_1249 = arith.cmpi slt, %select_n3A_1242, %lt3A_1248 : i32
        %ne3A_1250 = arith.xori %lt3A_1247, %lt3A_1249 : i1
        %and3A_1251 = arith.andi %ne3A_1250, %ne3A_1245 : i1
        %add3A_1252 = arith.addi %rem3A_1243, %select_n3A_1242 : i32
        %select_n3A_1253 = arith.select %and3A_1251, %add3A_1252, %rem3A_1243 : i32
        %jit3A_1254 = arith.constant 8 : i32
        %div3A_1255 = arith.divsi %add3A_399, %jit3A_1254 : i32
        %sign3A_1256 = arith.constant 0 : i32
        %sign3A_1257 = arith.cmpi sgt, %add3A_399, %sign3A_1256 : i32
        %sign3A_1258 = arith.extui %sign3A_1257 : i1 to i32
        %sign3A_1259 = arith.constant 0 : i32
        %sign3A_1260 = arith.cmpi slt, %add3A_399, %sign3A_1259 : i32
        %sign3A_1261 = arith.extui %sign3A_1260 : i1 to i32
        %sign3A_1262 = arith.subi %sign3A_1258, %sign3A_1261 : i32
        %sign3A_1263 = arith.constant 0 : i32
        %sign3A_1264 = arith.cmpi sgt, %jit3A_1254, %sign3A_1263 : i32
        %sign3A_1265 = arith.extui %sign3A_1264 : i1 to i32
        %sign3A_1266 = arith.constant 0 : i32
        %sign3A_1267 = arith.cmpi slt, %jit3A_1254, %sign3A_1266 : i32
        %sign3A_1268 = arith.extui %sign3A_1267 : i1 to i32
        %sign3A_1269 = arith.subi %sign3A_1265, %sign3A_1268 : i32
        %ne3A_1270 = arith.cmpi ne, %sign3A_1262, %sign3A_1269 : i32
        %rem3A_1271 = arith.remsi %add3A_399, %jit3A_1254 : i32
        %ne3A_1272 = arith.constant 0 : i32
        %ne3A_1273 = arith.cmpi ne, %rem3A_1271, %ne3A_1272 : i32
        %and3A_1274 = arith.andi %ne3A_1270, %ne3A_1273 : i1
        %sub3A_1275 = arith.constant 1 : i32
        %sub3A_1276 = arith.subi %div3A_1255, %sub3A_1275 : i32
        %select_n3A_1277 = arith.select %and3A_1274, %sub3A_1276, %div3A_1255 : i32
        %jit3A_1278 = arith.constant 8 : i32
        %eq3A_1279 = arith.constant 0 : i32
        %eq3A_1280 = arith.cmpi eq, %jit3A_1278, %eq3A_1279 : i32
        %jit3A_1281 = arith.constant 1 : i32
        %select_n3A_1282 = arith.select %eq3A_1280, %jit3A_1281, %jit3A_1278 : i32
        %rem3A_1283 = arith.remsi %add3A_399, %select_n3A_1282 : i32
        %ne3A_1284 = arith.constant 0 : i32
        %ne3A_1285 = arith.cmpi ne, %rem3A_1283, %ne3A_1284 : i32
        %lt3A_1286 = arith.constant 0 : i32
        %lt3A_1287 = arith.cmpi slt, %rem3A_1283, %lt3A_1286 : i32
        %lt3A_1288 = arith.constant 0 : i32
        %lt3A_1289 = arith.cmpi slt, %select_n3A_1282, %lt3A_1288 : i32
        %ne3A_1290 = arith.xori %lt3A_1287, %lt3A_1289 : i1
        %and3A_1291 = arith.andi %ne3A_1290, %ne3A_1285 : i1
        %add3A_1292 = arith.addi %rem3A_1283, %select_n3A_1282 : i32
        %select_n3A_1293 = arith.select %and3A_1291, %add3A_1292, %rem3A_1283 : i32
        %ne3A_1294 = arith.cmpi ne, %select_n3A_1237, %select_n3A_1277 : i32
        %ne3A_1295 = arith.cmpi ne, %add3A_382, %add3A_401 : i32
        %ne3A_1296 = arith.cmpi ne, %select_n3A_1253, %select_n3A_1293 : i32
        %or3A_1297 = arith.constant false
        %or3A_1298 = arith.ori %or3A_1297, %ne3A_1294 : i1
        %or3A_1299 = arith.ori %or3A_1298, %ne3A_1295 : i1
        %or3A_1300 = arith.ori %or3A_1299, %ne3A_1296 : i1
        %not3A_1301 = arith.constant true
        %not3A_1302 = arith.xori %eq3A_376, %not3A_1301 : i1
        %and3A_1303 = arith.andi %or3A_1300, %not3A_1302 : i1
        %convert_element_type3A_1304 = arith.extui %and3A_1303 : i1 to i32
        %cond3A_1305 = arith.constant 0 : i32
        %cond3A_1306 = arith.cmpi ne, %convert_element_type3A_1304, %cond3A_1305 : i32
        scf.if %cond3A_1306 {
          "tpu.trace_start"() <{level = 10 : i32, message = "ep_wait_out"}> : () -> ()
          %rem3A_1419 = arith.constant 2 : i32
          %rem3A_1420 = arith.remui %scan3A_372, %rem3A_1419 : i32
          %jit3A_1421 = arith.constant 8 : i32
          %div3A_1422 = arith.divsi %add3A_399, %jit3A_1421 : i32
          %sign3A_1423 = arith.constant 0 : i32
          %sign3A_1424 = arith.cmpi sgt, %add3A_399, %sign3A_1423 : i32
          %sign3A_1425 = arith.extui %sign3A_1424 : i1 to i32
          %sign3A_1426 = arith.constant 0 : i32
          %sign3A_1427 = arith.cmpi slt, %add3A_399, %sign3A_1426 : i32
          %sign3A_1428 = arith.extui %sign3A_1427 : i1 to i32
          %sign3A_1429 = arith.subi %sign3A_1425, %sign3A_1428 : i32
          %sign3A_1430 = arith.constant 0 : i32
          %sign3A_1431 = arith.cmpi sgt, %jit3A_1421, %sign3A_1430 : i32
          %sign3A_1432 = arith.extui %sign3A_1431 : i1 to i32
          %sign3A_1433 = arith.constant 0 : i32
          %sign3A_1434 = arith.cmpi slt, %jit3A_1421, %sign3A_1433 : i32
          %sign3A_1435 = arith.extui %sign3A_1434 : i1 to i32
          %sign3A_1436 = arith.subi %sign3A_1432, %sign3A_1435 : i32
          %ne3A_1437 = arith.cmpi ne, %sign3A_1429, %sign3A_1436 : i32
          %rem3A_1438 = arith.remsi %add3A_399, %jit3A_1421 : i32
          %ne3A_1439 = arith.constant 0 : i32
          %ne3A_1440 = arith.cmpi ne, %rem3A_1438, %ne3A_1439 : i32
          %and3A_1441 = arith.andi %ne3A_1437, %ne3A_1440 : i1
          %sub3A_1442 = arith.constant 1 : i32
          %sub3A_1443 = arith.subi %div3A_1422, %sub3A_1442 : i32
          %select_n3A_1444 = arith.select %and3A_1441, %sub3A_1443, %div3A_1422 : i32
          %jit3A_1445 = arith.constant 8 : i32
          %eq3A_1446 = arith.constant 0 : i32
          %eq3A_1447 = arith.cmpi eq, %jit3A_1445, %eq3A_1446 : i32
          %jit3A_1448 = arith.constant 1 : i32
          %select_n3A_1449 = arith.select %eq3A_1447, %jit3A_1448, %jit3A_1445 : i32
          %rem3A_1450 = arith.remsi %add3A_399, %select_n3A_1449 : i32
          %ne3A_1451 = arith.constant 0 : i32
          %ne3A_1452 = arith.cmpi ne, %rem3A_1450, %ne3A_1451 : i32
          %lt3A_1453 = arith.constant 0 : i32
          %lt3A_1454 = arith.cmpi slt, %rem3A_1450, %lt3A_1453 : i32
          %lt3A_1455 = arith.constant 0 : i32
          %lt3A_1456 = arith.cmpi slt, %select_n3A_1449, %lt3A_1455 : i32
          %ne3A_1457 = arith.xori %lt3A_1454, %lt3A_1456 : i1
          %and3A_1458 = arith.andi %ne3A_1457, %ne3A_1452 : i1
          %add3A_1459 = arith.addi %rem3A_1450, %select_n3A_1449 : i32
          %select_n3A_1460 = arith.select %and3A_1458, %add3A_1459, %rem3A_1450 : i32
          %mul3A_1461 = arith.constant 1 : i32
          %mul3A_1462 = arith.muli %mul3A_1461, %select_n3A_1444 : i32
          %mul3A_1463 = arith.constant 64 : i32
          %mul3A_1464 = arith.muli %mul3A_1463, %add3A_401 : i32
          %mul3A_1465 = arith.constant 256 : i32
          %mul3A_1466 = arith.muli %mul3A_1465, %select_n3A_1460 : i32
          %dma_wait3A_1467 = arith.constant 0 : i32
          %dma_wait3A_1468 = arith.constant 0 : i32
          %dma_wait3A_1469 = arith.constant 0 : i32
          %dma_wait3A_1470 = tpu.memref_slice %run_scoped3A_102[%rem3A_1420, %dma_wait3A_1467, %dma_wait3A_1468, %dma_wait3A_1469] : memref<2x1x64x256xf32, #tpu.memory_space<vmem>> -> memref<1x1x64x256xf32, #tpu.memory_space<vmem>>
          %dma_wait3A_1471 = tpu.memref_squeeze %dma_wait3A_1470 : memref<1x1x64x256xf32, #tpu.memory_space<vmem>> -> memref<1x64x256xf32, #tpu.memory_space<vmem>>
          %dma_wait3A_1472 = tpu.memref_slice %arg3[%mul3A_1462, %mul3A_1464, %mul3A_1466] : memref<4x4096x2048xf32, #tpu.memory_space<hbm>> -> memref<1x64x256xf32, #tpu.memory_space<hbm>>
          %dma_wait3A_1473 = tpu.memref_slice %run_scoped3A_103[%rem3A_1420] : memref<2x!tpu.dma_semaphore, #tpu.memory_space<semaphore_mem>> -> memref<1x!tpu.dma_semaphore, #tpu.memory_space<semaphore_mem>>
          %dma_wait3A_1474 = tpu.memref_squeeze %dma_wait3A_1473 : memref<1x!tpu.dma_semaphore, #tpu.memory_space<semaphore_mem>> -> memref<!tpu.dma_semaphore, #tpu.memory_space<semaphore_mem>>
          %dma_wait3A_1475 = tpu.memref_slice %arg3[%mul3A_1462, %mul3A_1464, %mul3A_1466] : memref<4x4096x2048xf32, #tpu.memory_space<hbm>> -> memref<1x64x256xf32, #tpu.memory_space<hbm>>
          %dma_wait3A_1476 = arith.constant 0 : i32
          %dma_wait3A_1477 = arith.constant 0 : i32
          %dma_wait3A_1478 = arith.constant 0 : i32
          %dma_wait3A_1479 = tpu.memref_slice %run_scoped3A_102[%rem3A_1420, %dma_wait3A_1476, %dma_wait3A_1477, %dma_wait3A_1478] : memref<2x1x64x256xf32, #tpu.memory_space<vmem>> -> memref<1x1x64x256xf32, #tpu.memory_space<vmem>>
          %dma_wait3A_1480 = tpu.memref_squeeze %dma_wait3A_1479 : memref<1x1x64x256xf32, #tpu.memory_space<vmem>> -> memref<1x64x256xf32, #tpu.memory_space<vmem>>
          tpu.wait_dma2 semaphore(%dma_wait3A_1474 : memref<!tpu.dma_semaphore, #tpu.memory_space<semaphore_mem>>) src(%dma_wait3A_1480 : memref<1x64x256xf32, #tpu.memory_space<vmem>>) dst(%dma_wait3A_1475 : memref<1x64x256xf32, #tpu.memory_space<hbm>>)
          "tpu.trace_stop"() : () -> ()
        } else {
        }
        %and3A_1307 = arith.constant true
        %and3A_1308 = arith.andi %and3A_1303, %and3A_1307 : i1
        %add3A_1309 = arith.constant 1 : i32
        %add3A_1310 = arith.addi %scan3A_372, %add3A_1309 : i32
        %select_n3A_1311 = arith.select %and3A_1308, %add3A_1310, %scan3A_372 : i32
        %jit3A_1312 = arith.constant 8 : i32
        %div3A_1313 = arith.divsi %add3A_380, %jit3A_1312 : i32
        %sign3A_1314 = arith.constant 0 : i32
        %sign3A_1315 = arith.cmpi sgt, %add3A_380, %sign3A_1314 : i32
        %sign3A_1316 = arith.extui %sign3A_1315 : i1 to i32
        %sign3A_1317 = arith.constant 0 : i32
        %sign3A_1318 = arith.cmpi slt, %add3A_380, %sign3A_1317 : i32
        %sign3A_1319 = arith.extui %sign3A_1318 : i1 to i32
        %sign3A_1320 = arith.subi %sign3A_1316, %sign3A_1319 : i32
        %sign3A_1321 = arith.constant 0 : i32
        %sign3A_1322 = arith.cmpi sgt, %jit3A_1312, %sign3A_1321 : i32
        %sign3A_1323 = arith.extui %sign3A_1322 : i1 to i32
        %sign3A_1324 = arith.constant 0 : i32
        %sign3A_1325 = arith.cmpi slt, %jit3A_1312, %sign3A_1324 : i32
        %sign3A_1326 = arith.extui %sign3A_1325 : i1 to i32
        %sign3A_1327 = arith.subi %sign3A_1323, %sign3A_1326 : i32
        %ne3A_1328 = arith.cmpi ne, %sign3A_1320, %sign3A_1327 : i32
        %rem3A_1329 = arith.remsi %add3A_380, %jit3A_1312 : i32
        %ne3A_1330 = arith.constant 0 : i32
        %ne3A_1331 = arith.cmpi ne, %rem3A_1329, %ne3A_1330 : i32
        %and3A_1332 = arith.andi %ne3A_1328, %ne3A_1331 : i1
        %sub3A_1333 = arith.constant 1 : i32
        %sub3A_1334 = arith.subi %div3A_1313, %sub3A_1333 : i32
        %select_n3A_1335 = arith.select %and3A_1332, %sub3A_1334, %div3A_1313 : i32
        %jit3A_1336 = arith.constant 8 : i32
        %eq3A_1337 = arith.constant 0 : i32
        %eq3A_1338 = arith.cmpi eq, %jit3A_1336, %eq3A_1337 : i32
        %jit3A_1339 = arith.constant 1 : i32
        %select_n3A_1340 = arith.select %eq3A_1338, %jit3A_1339, %jit3A_1336 : i32
        %rem3A_1341 = arith.remsi %add3A_380, %select_n3A_1340 : i32
        %ne3A_1342 = arith.constant 0 : i32
        %ne3A_1343 = arith.cmpi ne, %rem3A_1341, %ne3A_1342 : i32
        %lt3A_1344 = arith.constant 0 : i32
        %lt3A_1345 = arith.cmpi slt, %rem3A_1341, %lt3A_1344 : i32
        %lt3A_1346 = arith.constant 0 : i32
        %lt3A_1347 = arith.cmpi slt, %select_n3A_1340, %lt3A_1346 : i32
        %ne3A_1348 = arith.xori %lt3A_1345, %lt3A_1347 : i1
        %and3A_1349 = arith.andi %ne3A_1348, %ne3A_1343 : i1
        %add3A_1350 = arith.addi %rem3A_1341, %select_n3A_1340 : i32
        %select_n3A_1351 = arith.select %and3A_1349, %add3A_1350, %rem3A_1341 : i32
        %jit3A_1352 = arith.constant 8 : i32
        %div3A_1353 = arith.divsi %add3A_418, %jit3A_1352 : i32
        %sign3A_1354 = arith.constant 0 : i32
        %sign3A_1355 = arith.cmpi sgt, %add3A_418, %sign3A_1354 : i32
        %sign3A_1356 = arith.extui %sign3A_1355 : i1 to i32
        %sign3A_1357 = arith.constant 0 : i32
        %sign3A_1358 = arith.cmpi slt, %add3A_418, %sign3A_1357 : i32
        %sign3A_1359 = arith.extui %sign3A_1358 : i1 to i32
        %sign3A_1360 = arith.subi %sign3A_1356, %sign3A_1359 : i32
        %sign3A_1361 = arith.constant 0 : i32
        %sign3A_1362 = arith.cmpi sgt, %jit3A_1352, %sign3A_1361 : i32
        %sign3A_1363 = arith.extui %sign3A_1362 : i1 to i32
        %sign3A_1364 = arith.constant 0 : i32
        %sign3A_1365 = arith.cmpi slt, %jit3A_1352, %sign3A_1364 : i32
        %sign3A_1366 = arith.extui %sign3A_1365 : i1 to i32
        %sign3A_1367 = arith.subi %sign3A_1363, %sign3A_1366 : i32
        %ne3A_1368 = arith.cmpi ne, %sign3A_1360, %sign3A_1367 : i32
        %rem3A_1369 = arith.remsi %add3A_418, %jit3A_1352 : i32
        %ne3A_1370 = arith.constant 0 : i32
        %ne3A_1371 = arith.cmpi ne, %rem3A_1369, %ne3A_1370 : i32
        %and3A_1372 = arith.andi %ne3A_1368, %ne3A_1371 : i1
        %sub3A_1373 = arith.constant 1 : i32
        %sub3A_1374 = arith.subi %div3A_1353, %sub3A_1373 : i32
        %select_n3A_1375 = arith.select %and3A_1372, %sub3A_1374, %div3A_1353 : i32
        %jit3A_1376 = arith.constant 8 : i32
        %eq3A_1377 = arith.constant 0 : i32
        %eq3A_1378 = arith.cmpi eq, %jit3A_1376, %eq3A_1377 : i32
        %jit3A_1379 = arith.constant 1 : i32
        %select_n3A_1380 = arith.select %eq3A_1378, %jit3A_1379, %jit3A_1376 : i32
        %rem3A_1381 = arith.remsi %add3A_418, %select_n3A_1380 : i32
        %ne3A_1382 = arith.constant 0 : i32
        %ne3A_1383 = arith.cmpi ne, %rem3A_1381, %ne3A_1382 : i32
        %lt3A_1384 = arith.constant 0 : i32
        %lt3A_1385 = arith.cmpi slt, %rem3A_1381, %lt3A_1384 : i32
        %lt3A_1386 = arith.constant 0 : i32
        %lt3A_1387 = arith.cmpi slt, %select_n3A_1380, %lt3A_1386 : i32
        %ne3A_1388 = arith.xori %lt3A_1385, %lt3A_1387 : i1
        %and3A_1389 = arith.andi %ne3A_1388, %ne3A_1383 : i1
        %add3A_1390 = arith.addi %rem3A_1381, %select_n3A_1380 : i32
        %select_n3A_1391 = arith.select %and3A_1389, %add3A_1390, %rem3A_1381 : i32
        %ne3A_1392 = arith.cmpi ne, %select_n3A_1335, %select_n3A_1375 : i32
        %ne3A_1393 = arith.cmpi ne, %add3A_382, %add3A_420 : i32
        %ne3A_1394 = arith.cmpi ne, %select_n3A_1351, %select_n3A_1391 : i32
        %or3A_1395 = arith.constant false
        %or3A_1396 = arith.ori %or3A_1395, %ne3A_1392 : i1
        %or3A_1397 = arith.ori %or3A_1396, %ne3A_1393 : i1
        %or3A_1398 = arith.ori %or3A_1397, %ne3A_1394 : i1
        %or3A_1399 = arith.ori %or3A_1398, %eq3A_378 : i1
        %add3A_1400 = arith.constant 1 : i32
        %add3A_1401 = arith.addi %scan3A_370, %add3A_1400 : i32
        %select_n3A_1402 = arith.select %or3A_1399, %add3A_1401, %scan3A_370 : i32
        %add3A_1403 = arith.constant 1 : i32
        %add3A_1404 = arith.addi %scan3A_374, %add3A_1403 : i32
        %select_n3A_1405 = arith.constant true
        %select_n3A_1406 = arith.select %select_n3A_1405, %add3A_1404, %scan3A_374 : i32
        %eq3A_1407 = arith.constant 64 : i32
        %eq3A_1408 = arith.cmpi eq, %select_n3A_1406, %eq3A_1407 : i32
        %select_n3A_1409 = arith.constant 0 : i32
        %select_n3A_1410 = arith.select %eq3A_1408, %select_n3A_1409, %select_n3A_1406 : i32
        %select_n3A_1411 = arith.constant 0 : i32
        %select_n3A_1412 = arith.constant 1 : i32
        %select_n3A_1413 = arith.select %eq3A_1408, %select_n3A_1412, %select_n3A_1411 : i32
        %eq3A_1414 = arith.constant 1 : i32
        %eq3A_1415 = arith.cmpi eq, %select_n3A_1413, %eq3A_1414 : i32
        %select_n3A_1416 = arith.constant 0 : i32
        %select_n3A_1417 = arith.select %eq3A_1415, %select_n3A_1416, %select_n3A_1413 : i32
        %scan3A_1418 = arith.constant 0 : i32
        scf.yield %select_n3A_534, %select_n3A_1402, %select_n3A_1118, %select_n3A_1311, %scan3A_1418, %select_n3A_1410 : i32, i32, i32, i32, i32, i32
      }
      %scan3A_230 = arith.constant 64 : i32
      %sub3A_231 = arith.constant 1 : i32
      %sub3A_232 = arith.subi %scan3A_229#5, %sub3A_231 : i32
      %select_n3A_233 = arith.constant true
      %select_n3A_234 = arith.select %select_n3A_233, %sub3A_232, %scan3A_229#5 : i32
      %eq3A_235 = arith.constant -1 : i32
      %eq3A_236 = arith.cmpi eq, %select_n3A_234, %eq3A_235 : i32
      %select_n3A_237 = arith.constant 63 : i32
      %select_n3A_238 = arith.select %eq3A_236, %select_n3A_237, %select_n3A_234 : i32
      %sub3A_239 = arith.constant 1 : i32
      %sub3A_240 = arith.subi %scan3A_229#4, %sub3A_239 : i32
      %select_n3A_241 = arith.select %eq3A_236, %sub3A_240, %scan3A_229#4 : i32
      %eq3A_242 = arith.constant -1 : i32
      %eq3A_243 = arith.cmpi eq, %select_n3A_241, %eq3A_242 : i32
      %select_n3A_244 = arith.constant 0 : i32
      %select_n3A_245 = arith.select %eq3A_243, %select_n3A_244, %select_n3A_241 : i32
      %add3A_246 = arith.constant 0 : i32
      %add3A_247 = arith.addi %add3A_246, %mul3A_100 : i32
      %add3A_248 = arith.constant 0 : i32
      %add3A_249 = arith.addi %select_n3A_238, %add3A_248 : i32
      %sub3A_250 = arith.constant 1 : i32
      %sub3A_251 = arith.subi %select_n3A_238, %sub3A_250 : i32
      %select_n3A_252 = arith.constant true
      %select_n3A_253 = arith.select %select_n3A_252, %sub3A_251, %select_n3A_238 : i32
      %eq3A_254 = arith.constant -1 : i32
      %eq3A_255 = arith.cmpi eq, %select_n3A_253, %eq3A_254 : i32
      %select_n3A_256 = arith.constant 63 : i32
      %select_n3A_257 = arith.select %eq3A_255, %select_n3A_256, %select_n3A_253 : i32
      %select_n3A_258 = arith.constant 0 : i32
      %select_n3A_259 = arith.constant -1 : i32
      %select_n3A_260 = arith.select %eq3A_255, %select_n3A_259, %select_n3A_258 : i32
      %eq3A_261 = arith.constant -1 : i32
      %eq3A_262 = arith.cmpi eq, %select_n3A_260, %eq3A_261 : i32
      %select_n3A_263 = arith.constant 0 : i32
      %select_n3A_264 = arith.select %eq3A_262, %select_n3A_263, %select_n3A_260 : i32
      %add3A_265 = arith.constant 0 : i32
      %add3A_266 = arith.addi %add3A_265, %mul3A_100 : i32
      %add3A_267 = arith.constant 0 : i32
      %add3A_268 = arith.addi %select_n3A_257, %add3A_267 : i32
      %add3A_269 = arith.constant 1 : i32
      %add3A_270 = arith.addi %select_n3A_238, %add3A_269 : i32
      %select_n3A_271 = arith.constant true
      %select_n3A_272 = arith.select %select_n3A_271, %add3A_270, %select_n3A_238 : i32
      %eq3A_273 = arith.constant 64 : i32
      %eq3A_274 = arith.cmpi eq, %select_n3A_272, %eq3A_273 : i32
      %select_n3A_275 = arith.constant 0 : i32
      %select_n3A_276 = arith.select %eq3A_274, %select_n3A_275, %select_n3A_272 : i32
      %select_n3A_277 = arith.constant 0 : i32
      %select_n3A_278 = arith.constant 1 : i32
      %select_n3A_279 = arith.select %eq3A_274, %select_n3A_278, %select_n3A_277 : i32
      %eq3A_280 = arith.constant 1 : i32
      %eq3A_281 = arith.cmpi eq, %select_n3A_279, %eq3A_280 : i32
      %select_n3A_282 = arith.constant 0 : i32
      %select_n3A_283 = arith.select %eq3A_281, %select_n3A_282, %select_n3A_279 : i32
      %add3A_284 = arith.constant 0 : i32
      %add3A_285 = arith.addi %add3A_284, %mul3A_100 : i32
      %add3A_286 = arith.constant 0 : i32
      %add3A_287 = arith.addi %select_n3A_276, %add3A_286 : i32
      %add3A_288 = arith.constant 1 : i32
      %add3A_289 = arith.addi %select_n3A_276, %add3A_288 : i32
      %select_n3A_290 = arith.constant true
      %select_n3A_291 = arith.select %select_n3A_290, %add3A_289, %select_n3A_276 : i32
      %eq3A_292 = arith.constant 64 : i32
      %eq3A_293 = arith.cmpi eq, %select_n3A_291, %eq3A_292 : i32
      %select_n3A_294 = arith.constant 0 : i32
      %select_n3A_295 = arith.select %eq3A_293, %select_n3A_294, %select_n3A_291 : i32
      %select_n3A_296 = arith.constant 0 : i32
      %select_n3A_297 = arith.constant 1 : i32
      %select_n3A_298 = arith.select %eq3A_293, %select_n3A_297, %select_n3A_296 : i32
      %eq3A_299 = arith.constant 1 : i32
      %eq3A_300 = arith.cmpi eq, %select_n3A_298, %eq3A_299 : i32
      %select_n3A_301 = arith.constant 0 : i32
      %select_n3A_302 = arith.select %eq3A_300, %select_n3A_301, %select_n3A_298 : i32
      %add3A_303 = arith.constant 0 : i32
      %add3A_304 = arith.addi %add3A_303, %mul3A_100 : i32
      %add3A_305 = arith.constant 0 : i32
      %add3A_306 = arith.addi %select_n3A_295, %add3A_305 : i32
      "tpu.trace_start"() <{level = 10 : i32, message = "ep_finalize"}> : () -> ()
      %rem3A_307 = arith.constant 2 : i32
      %rem3A_308 = arith.remui %scan3A_229#3, %rem3A_307 : i32
      %jit3A_309 = arith.constant 8 : i32
      %div3A_310 = arith.divsi %add3A_247, %jit3A_309 : i32
      %sign3A_311 = arith.constant 0 : i32
      %sign3A_312 = arith.cmpi sgt, %add3A_247, %sign3A_311 : i32
      %sign3A_313 = arith.extui %sign3A_312 : i1 to i32
      %sign3A_314 = arith.constant 0 : i32
      %sign3A_315 = arith.cmpi slt, %add3A_247, %sign3A_314 : i32
      %sign3A_316 = arith.extui %sign3A_315 : i1 to i32
      %sign3A_317 = arith.subi %sign3A_313, %sign3A_316 : i32
      %sign3A_318 = arith.constant 0 : i32
      %sign3A_319 = arith.cmpi sgt, %jit3A_309, %sign3A_318 : i32
      %sign3A_320 = arith.extui %sign3A_319 : i1 to i32
      %sign3A_321 = arith.constant 0 : i32
      %sign3A_322 = arith.cmpi slt, %jit3A_309, %sign3A_321 : i32
      %sign3A_323 = arith.extui %sign3A_322 : i1 to i32
      %sign3A_324 = arith.subi %sign3A_320, %sign3A_323 : i32
      %ne3A_325 = arith.cmpi ne, %sign3A_317, %sign3A_324 : i32
      %rem3A_326 = arith.remsi %add3A_247, %jit3A_309 : i32
      %ne3A_327 = arith.constant 0 : i32
      %ne3A_328 = arith.cmpi ne, %rem3A_326, %ne3A_327 : i32
      %and3A_329 = arith.andi %ne3A_325, %ne3A_328 : i1
      %sub3A_330 = arith.constant 1 : i32
      %sub3A_331 = arith.subi %div3A_310, %sub3A_330 : i32
      %select_n3A_332 = arith.select %and3A_329, %sub3A_331, %div3A_310 : i32
      %jit3A_333 = arith.constant 8 : i32
      %eq3A_334 = arith.constant 0 : i32
      %eq3A_335 = arith.cmpi eq, %jit3A_333, %eq3A_334 : i32
      %jit3A_336 = arith.constant 1 : i32
      %select_n3A_337 = arith.select %eq3A_335, %jit3A_336, %jit3A_333 : i32
      %rem3A_338 = arith.remsi %add3A_247, %select_n3A_337 : i32
      %ne3A_339 = arith.constant 0 : i32
      %ne3A_340 = arith.cmpi ne, %rem3A_338, %ne3A_339 : i32
      %lt3A_341 = arith.constant 0 : i32
      %lt3A_342 = arith.cmpi slt, %rem3A_338, %lt3A_341 : i32
      %lt3A_343 = arith.constant 0 : i32
      %lt3A_344 = arith.cmpi slt, %select_n3A_337, %lt3A_343 : i32
      %ne3A_345 = arith.xori %lt3A_342, %lt3A_344 : i1
      %and3A_346 = arith.andi %ne3A_345, %ne3A_340 : i1
      %add3A_347 = arith.addi %rem3A_338, %select_n3A_337 : i32
      %select_n3A_348 = arith.select %and3A_346, %add3A_347, %rem3A_338 : i32
      %mul3A_349 = arith.constant 1 : i32
      %mul3A_350 = arith.muli %mul3A_349, %select_n3A_332 : i32
      %mul3A_351 = arith.constant 64 : i32
      %mul3A_352 = arith.muli %mul3A_351, %add3A_249 : i32
      %mul3A_353 = arith.constant 256 : i32
      %mul3A_354 = arith.muli %mul3A_353, %select_n3A_348 : i32
      %dma_wait3A = arith.constant 0 : i32
      %dma_wait3A_355 = arith.constant 0 : i32
      %dma_wait3A_356 = arith.constant 0 : i32
      %dma_wait3A_357 = tpu.memref_slice %run_scoped3A_102[%rem3A_308, %dma_wait3A, %dma_wait3A_355, %dma_wait3A_356] : memref<2x1x64x256xf32, #tpu.memory_space<vmem>> -> memref<1x1x64x256xf32, #tpu.memory_space<vmem>>
      %dma_wait3A_358 = tpu.memref_squeeze %dma_wait3A_357 : memref<1x1x64x256xf32, #tpu.memory_space<vmem>> -> memref<1x64x256xf32, #tpu.memory_space<vmem>>
      %dma_wait3A_359 = tpu.memref_slice %arg3[%mul3A_350, %mul3A_352, %mul3A_354] : memref<4x4096x2048xf32, #tpu.memory_space<hbm>> -> memref<1x64x256xf32, #tpu.memory_space<hbm>>
      %dma_wait3A_360 = tpu.memref_slice %run_scoped3A_103[%rem3A_308] : memref<2x!tpu.dma_semaphore, #tpu.memory_space<semaphore_mem>> -> memref<1x!tpu.dma_semaphore, #tpu.memory_space<semaphore_mem>>
      %dma_wait3A_361 = tpu.memref_squeeze %dma_wait3A_360 : memref<1x!tpu.dma_semaphore, #tpu.memory_space<semaphore_mem>> -> memref<!tpu.dma_semaphore, #tpu.memory_space<semaphore_mem>>
      %dma_wait3A_362 = tpu.memref_slice %arg3[%mul3A_350, %mul3A_352, %mul3A_354] : memref<4x4096x2048xf32, #tpu.memory_space<hbm>> -> memref<1x64x256xf32, #tpu.memory_space<hbm>>
      %dma_wait3A_363 = arith.constant 0 : i32
      %dma_wait3A_364 = arith.constant 0 : i32
      %dma_wait3A_365 = arith.constant 0 : i32
      %dma_wait3A_366 = tpu.memref_slice %run_scoped3A_102[%rem3A_308, %dma_wait3A_363, %dma_wait3A_364, %dma_wait3A_365] : memref<2x1x64x256xf32, #tpu.memory_space<vmem>> -> memref<1x1x64x256xf32, #tpu.memory_space<vmem>>
      %dma_wait3A_367 = tpu.memref_squeeze %dma_wait3A_366 : memref<1x1x64x256xf32, #tpu.memory_space<vmem>> -> memref<1x64x256xf32, #tpu.memory_space<vmem>>
      tpu.wait_dma2 semaphore(%dma_wait3A_361 : memref<!tpu.dma_semaphore, #tpu.memory_space<semaphore_mem>>) src(%dma_wait3A_367 : memref<1x64x256xf32, #tpu.memory_space<vmem>>) dst(%dma_wait3A_362 : memref<1x64x256xf32, #tpu.memory_space<hbm>>)
      "tpu.trace_stop"() : () -> ()
      tpu.yield
    }) : () -> ()
    return
  }
}

</mosaic_0001>

<sc_bundles>
// kernel: kernel.3.cloned.1.call-start
scs
__scs_entry_jumppad:
0x0: {  	(pc) =	sbr.rel $0x88, $3  }
0x1: {  	(tag) =	ssettag $0x0;
	lr =	simm.s32 $0x1  }
0x2: {  	[smem:$0x3FA0] =	sst lr;
	_ =	strace $0xD0000000  }
0x3: {  	_ = 	snop  }
0x4: {  	_ = 	snop  }
0x5: {  	_ = 	snop  }
0x6: {  	_ = 	snop  }
0x7: {  	_ = 	snop  }
__scs_overlays_trampoline_lowered:
0x8: {  	[smem:$0x3FAF] =	sst s0  }
0x9: {  	[smem:$0x3FB0] =	sst s1  }
0xa: {  	[smem:$0x3FB1] =	sst s2  }
0xb: {  	[smem:$0x3FB2] =	sst s3  }
0xc: {  	[smem:$0x3FB3] =	sst s4  }
0xd: {  	[smem:$0x3FB4] =	sst s5  }
0xe: {  	[smem:$0x3FB5] =	sst s6  }
0xf: {  	[smem:$0x3FB6] =	sst s7  }
0x10: {  	[smem:$0x3FB7] =	sst s8  }
0x11: {  	[smem:$0x3FB8] =	sst s9;
	s0 =	simm.s32 @!p0 $0x0  }
0x12: {  	s1 =	sld [smem:$0x3F9E];
	s0 =	simm.s32 @p0 $0x1  }
0x13: {  	[smem:$0x3FB9] =	sst s0;
	s0 =	simm.s32 @!p1 $0x0  }
0x14: {  	s2 =	sld [smem:$0x3F9D];
	s0 =	simm.s32 @p1 $0x1  }
0x15: {  	[smem:$0x3FBA] =	sst s0;
	s0 =	simm.s32 @!p2 $0x0  }
0x16: {  	s3 =	sld [smem:$0x3FDB];
	s0 =	simm.s32 @p2 $0x1  }
0x17: {  	s4 =	simm.s32 $0x1BF5;
	[smem:$0x3FBC] =	sst s0  }
0x18: {  	s0 =	sld [smem:$0x3F9F];
	_ =	swait.ge [sflag:s4], $0x0  }
0x19: {  	s7 =	sld [smem:$0x3FA0]  }
0x1a: {  	s8 =	sadd.s32 $0xFFFFE003, lr  }
0x1b: {  	s9 =	sadd.s32 $0xFFFFFEF7, lr;
	s5 =	simm.s32 $0xFFFFFFFF;
	p2 =	slt.u32 s8, $0xFFFFF086  }
0x1c: {  	p1 =	slt.u32 s9, $0xF7A;
	s5 =	simm.s32 @!p2 $0x0  }
0x1d: {  	s5 =	simm.s32 @p1 $0x1;
	p0 =	seq.s32 s7, s2  }
0x1e: {  	s7 =	smul.u32 @!p0 $0xF7A, s2;
	p2 =	seq.s32 @!p0 s5, $0x0  }
0x1f: {  	s9 =	smul.u32 $0xF7A, s1;
	s8 =	simm.s32 @!p0 $0x1BF5;
	p2 =	por !p2, p0  }
0x20: {  	[sflag:s8] =	ssyncset.s32 @!p0 $0xFFFFF086;
	s6 =	sadd.s32 @!p0 s3, s7;
	s7 =	simm.s32 @!p0 $0x108  }
0x21: {  	s3 =	sadd.s32 s3, s9;
	s6 =	sadd.s32 @!p0 $0x88, s6;
	s7 =	simm.s32 @p2 $0x1082  }
0x22: {  	[simem:s7], [sflag:s8] =	dma.local @!p0 [hbm:s6], $0xF7A  }
0x23: {  	s9 =	sor.u32 $0xD0000000, s2;
	s6 =	simm.s32 $0x108;
	_ =	swait.ge @!p0 [sflag:s8], $0x0  }
0x24: {  	s3 =	sadd.s32 $0x88, s3;
	s6 =	simm.s32 @!p1 $0x1082;
	[sflag:s4] =	ssyncset.s32 $0xFFFFF086  }
0x25: {  	[simem:s6], [sflag:s4] =	dma.local [hbm:s3], $0xF7A  }
0x26: {  	[smem:$0x3FA0] =	sst s1;
	(tag) =	ssettag s2;
	_ =	strace s9  }
0x27: {  	s1 =	sld [smem:$0x3FB0]  }
0x28: {  	s2 =	sld [smem:$0x3FB1]  }
0x29: {  	s4 =	sld [smem:$0x3FB3]  }
0x2a: {  	p0 =	seq.s32 s5, $0x0;
	s5 =	sld [smem:$0x3FB4]  }
0x2b: {  	s6 =	sld [smem:$0x3FB5]  }
0x2c: {  	s7 =	sld [smem:$0x3FB6]  }
0x2d: {  	s3 =	simm.s32 $0x108;
	s8 =	sld [smem:$0x3FB7]  }
0x2e: {  	s3 =	simm.s32 @!p0 $0x1082;
	s9 =	sld [smem:$0x3FB8]  }
0x2f: {  	lr =	sadd.s32 s0, s3;
	s0 =	sld [smem:$0x3FAF]  }
0x30: {  	s3 =	sld [smem:$0x3FB2]  }
0x31: {  	[smem:$0x3FBB] =	sst s10  }
0x32: {  	s10 =	sld [smem:$0x3FB9];
	_ =	sdelay $0x3  }
0x33: {  	p0 =	seq.s32 s10, $0x1;
	s10 =	sld [smem:$0x3FBB];
	_ =	sdelay $0x3  }
0x34: {  	[smem:$0x3FBB] =	sst s10  }
0x35: {  	s10 =	sld [smem:$0x3FBA];
	_ =	sdelay $0x3  }
0x36: {  	p1 =	seq.s32 s10, $0x1;
	s10 =	sld [smem:$0x3FBB];
	_ =	sdelay $0x3  }
0x37: {  	[smem:$0x3FBB] =	sst s10  }
0x38: {  	s10 =	sld [smem:$0x3FBC]  }
0x39: {  	_ = 	snop;
	(pc) =	sbr.ind lr, $3  }
0x3a: {  	_ = 	snop  }
0x3b: {  	_ = 	snop  }
0x3c: {  	p2 =	seq.s32 s10, $0x1;
	s10 =	sld [smem:$0x3FBB]  }
0x3d: {  	_ =	shalt  }
0x3e: {  	_ =	shalt  }
0x3f: {  	_ =	shalt  }
0x40: {  	_ =	shalt  }
0x41: {  	_ =	shalt  }
0x42: {  	_ =	shalt  }
0x43: {  	_ =	shalt  }
0x44: {  	_ =	shalt  }
0x45: {  	_ =	shalt  }
0x46: {  	_ =	shalt  }
0x47: {  	_ =	shalt  }
0x48: {  	_ =	shalt  }
0x49: {  	_ =	shalt  }
0x4a: {  	_ =	shalt  }
0x4b: {  	_ =	shalt  }
0x4c: {  	_ =	shalt  }
0x4d: {  	_ =	shalt  }
0x4e: {  	_ =	shalt  }
0x4f: {  	_ =	shalt  }
0x50: {  	_ =	shalt  }
0x51: {  	_ =	shalt  }
0x52: {  	_ =	shalt  }
0x53: {  	_ =	shalt  }
0x54: {  	_ =	shalt  }
0x55: {  	_ =	shalt  }
0x56: {  	_ =	shalt  }
0x57: {  	_ =	shalt  }
0x58: {  	_ =	shalt  }
0x59: {  	_ =	shalt  }
0x5a: {  	_ =	shalt  }
0x5b: {  	_ =	shalt  }
0x5c: {  	_ =	shalt  }
0x5d: {  	_ =	shalt  }
0x5e: {  	_ =	shalt  }
0x5f: {  	_ =	shalt  }
0x60: {  	_ =	shalt  }
0x61: {  	_ =	shalt  }
0x62: {  	_ =	shalt  }
0x63: {  	_ =	shalt  }
0x64: {  	_ =	shalt  }
0x65: {  	_ =	shalt  }
0x66: {  	_ =	shalt  }
0x67: {  	_ =	shalt  }
0x68: {  	_ =	shalt  }
0x69: {  	_ =	shalt  }
0x6a: {  	_ =	shalt  }
0x6b: {  	_ =	shalt  }
0x6c: {  	_ =	shalt  }
0x6d: {  	_ =	shalt  }
0x6e: {  	_ =	shalt  }
0x6f: {  	_ =	shalt  }
0x70: {  	_ =	shalt  }
0x71: {  	_ =	shalt  }
0x72: {  	_ =	shalt  }
0x73: {  	_ =	shalt  }
0x74: {  	_ =	shalt  }
0x75: {  	_ =	shalt  }
0x76: {  	_ =	shalt  }
0x77: {  	_ =	shalt  }
0x78: {  	_ =	shalt  }
0x79: {  	_ =	shalt  }
0x7a: {  	_ =	shalt  }
0x7b: {  	_ =	shalt  }
0x7c: {  	_ =	shalt  }
0x7d: {  	_ =	shalt  }
0x7e: {  	_ =	shalt  }
0x7f: {  	_ =	shalt  }
0x80: {  	_ =	shalt  }
0x81: {  	_ =	shalt  }
0x82: {  	_ =	shalt  }
0x83: {  	_ =	shalt  }
0x84: {  	_ =	shalt  }
0x85: {  	_ =	shalt  }
0x86: {  	_ =	shalt  }
0x87: {  	_ =	shalt  }
.Lfunc_end0:
.L_simem_size_0:
called_computation_lowered:
.L_overlay_start_0:
0x88: {  	s2 =	sld [smem:$0x3FD9]  }
0x89: {  	s3 =	sld [smem:$0x3FFE];
	_ =	sdelay $0x1  }
0x8a: {  	s1 =	srdreg.scid  }
0x8b: {  	s0 =	sand.u32 $0x1, s1  }
0x8c: {  	s18 =	sshll.u32 s0, $0xA;
	s2 =	sadd.s32 s3, s2  }
0x8d: {  	s2 =	sadd.s32 s2, s18  }
0x8e: {  	[smem:$0x3FC7] =	sst s2  }
0x8f: {  	_ = 	snop  }
0x90: {  	s2 =	sld [smem:$0x3FC9]  }
0x91: {  	s19 =	sld [smem:$0x3FD0];
	(tm) =	ssettm $0x1  }
0x92: {  	s4 =	sld [smem:$0x3FFB];
	_ =	sdelay $0x3  }
0x93: {  	_ =	strace s4  }
0x94: {  	s4 =	sld [smem:$0x3FFC];
	_ =	sdelay $0x3  }
0x95: {  	_ =	strace s4  }
0x96: {  	s4 =	sld [smem:$0x3FFD];
	_ =	sdelay $0x3  }
0x97: {  	_ =	strace s4  }
0x98: {  	_ =	strace $0x8FFFFFFF  }
0x99: {  	s20 =	sld [smem:$0x3FDB];
	_ =	sdelay $0x1  }
0x9a: {  	s5 =	simm.s32 $_scs_section_size  }
0x9b: {  	s6 =	simm.s32 $_size__tile_overlayer_lowered;
	s7 =	simm.s32 $_tile_overlayer_lowered  }
0x9c: {  	s23 =	simm.s32 $0x1BFF;
	s22 =	sshll.u32 s7, $0x1;
	s4 =	sadd.s32 s5, s20  }
0x9d: {  	s8 =	simm.s32 $0x0;
	s21 =	sshll.u32 s6, $0x1;
	s6 =	sadd.s32 s22, s4  }
0x9e: {  	[timem:s8], [sflag:s23] =	dma.local [hbm:s6], s21  }
0x9f: {  	_ =	swait.ge [sflag:s23], s21  }
0xa0: {  	s5 =	ssub.s32 $0x0, s21;
	[sflag:s23] =	ssyncset.done $0x0  }
0xa1: {  	[sflag:s23] =	ssyncadd.s32 s5;
	_ =	sdelay $0x1  }
0xa2: {  	s24 =	simm.s32 $0x1B8B  }
0xa3: {  	_ =	swait.ge [sflag:s24], $0x1  }
0xa4: {  	[sflag:s24] =	ssyncset.done $0x0  }
0xa5: {  	s25 =	simm.s32 $0x1B8E;
	[sflag:s24] =	ssyncadd.s32 $0xFFFFFFFF  }
0xa6: {  	s26 =	simm.s32 $execute0_lowered;
	[smem:$0x3FD2] =	sst s25  }
0xa7: {  	s5 =	sshll.u32 s26, $0x1;
	_ =	strace $0x80000046;
	[dreg:$0x1] =	wrdreg $0xFFFFFFFF  }
0xa8: {  	s28 =	simm.s32 $_size_execute0_lowered;
	s4 =	sadd.s32 s4, s5;
	[dreg:$0x0] =	wrdreg $0x0  }
0xa9: {  	s5 =	sshll.u32 s28, $0x1;
	[dreg:$0x2] =	wrdreg s4  }
0xaa: {  	[dreg:$0x3] =	wrdreg s5  }
0xab: {  	[dreg:$0x4] =	wrdreg $0xC0  }
0xac: {  	_ =	task [dreg:s8], $0x5FFFF  }
0xad: {  	[dreg:$0x1] =	wrdreg $0xFFFFFFFF  }
0xae: {  	[dreg:$0x0] =	wrdreg $0x60  }
0xaf: {  	[dreg:$0x2] =	wrdreg s2  }
0xb0: {  	[dreg:$0x3] =	wrdreg s19  }
0xb1: {  	[dreg:$0x4] =	wrdreg $0x9  }
0xb2: {  	_ =	task.clear_ibuf [dreg:s8], $0x5FFFF;
	_ =	strace $0x90000046  }
0xb3: {  	s29 =	simm.s32 $0x9;
	_ =	strace $0x8000004F  }
0xb4: {  	_ =	swait.ge [sflag:s29], $0x1  }
0xb5: {  	[sflag:s29] =	ssyncadd.s32 $0xFFFFFFFF  }
0xb6: {  	_ =	strace $0x9000004F  }
0xb7: {  	_ =	sfence  }
0xb8: {  	s30 =	sld [smem:$0x0];
	_ =	sdelay $0x2  }
0xb9: {  	s31 =	sshll.u32 s1, $0xD;
	s1 =	sshrl.u32 s1, $0x2  }
0xba: {  	s3 =	sand.u32 $0x4000, s31;
	s1 =	sadd.s32 s1, s30  }
0xbb: {  	s0 =	sor.u32 s3, s0;
	s1 =	sshll.u32 s1, $0x11  }
0xbc: {  	s0 =	sor.u32 s1, s0  }
0xbd: {  	s0 =	sadd.s32 $0x8F2B, s0  }
0xbe: {  	[sflag:s0] =	ssyncadd.remote.s32 $0x1  }
0xbf: {  	_ =	sfence.sel $0xFFFF  }
0xc0: {  	[dreg:$0x0] =	wrdreg $0xFFFFFFFF;
	(pc) =	sbr.abs _section_cstart, $3  }
0xc1: {  	[dreg:$0x1] =	wrdreg $0xFFFFFFFF  }
0xc2: {  	_ =	task.clear_ibuf [dreg:s8], $0x2FFFF;
	_ =	strace $0x9FFFFFFF  }
0xc3: {  	(tm) =	ssettm $0x7FFFFFFF  }
tec
execute0_lowered:
.L_overlay_start_1:
0x0: {  	(tag) =	ssettag $0x1  }
0x1: {  	s0 =	srdreg.scid  }
0x2: {  	s5 =	sand.u32 $0x1, s0  }
0x3: {  	s0 =	stileid.u32;
	s1 =	sshll.u32 s5, $0x4  }
0x4: {  	s6 =	sand.u32 $0x7, s0;
	s1 =	sor.u32 s0, s1  }
0x5: {  	s2 =	rddreg [dreg:$0x0];
	p1 =	sne.s32 s6, $0x0;
	p0 =	seq.s32 s1, $0x0  }
0x6: {  	s7 =	simm.s32 $0x1;
	s3 =	rddreg [dreg:$0x1];
	p0 =	por !p1, !p0  }
0x7: {  	s4 =	simm.s32 $0x0;
	s9 =	simm.s32 $0x4000;
	p0 =	por !p0, !p0  }
0x8: {  	s10 =	simm.s32 $0x100;
	s8 =	sshrl.u32 s1, $0x3;
	s7 =	simm.s32 @!p0 $0x0  }
0x9: {  	s11 =	simm.s32 $0x4;
	[smem:$0x7FF] =	sst s4;
	s7 =	ssub.s32 s8, s7  }
0xa: {  	s28 =	ssub.s32 $0x2, s5;
	s29 =	sshll.u32 s6, $0xB;
	s30 =	sshll.u32 s7, $0x17  }
0xb: {  	s31 =	sshrl.u32 s28, $0x1;
	s1 =	rddreg [dreg:$0x2];
	s5 =	sor.u32 s29, s30  }
0xc: {  	_ =	strace $0x80000047;
	s7 =	ssub.s32 s28, s31;
	s6 =	sshrl.u32 s5, $0x3  }
0xd: {  	v0 =	vimm.f32 $0.0e+00;
	s8 =	simm.s32 $0x800;
	s7 =	smax.u32 s7, $0x1;
	s6 =	sadd.s32 s2, s6  }
.LBB2_1:
0xe: {  	[tilespmem:$0x0] =	vst v0  }
0xf: {  	[tilespmem:$0x10] =	vst v0  }
0x10: {  	[tilespmem:$0x20] =	vst v0  }
0x11: {  	[tilespmem:$0x30] =	vst v0  }
0x12: {  	[tilespmem:$0x40] =	vst v0  }
0x13: {  	[tilespmem:$0x50] =	vst v0  }
0x14: {  	[tilespmem:$0x60] =	vst v0  }
0x15: {  	[tilespmem:$0x70] =	vst v0  }
0x16: {  	[tilespmem:$0x80] =	vst v0  }
0x17: {  	[tilespmem:$0x90] =	vst v0  }
0x18: {  	[tilespmem:$0xA0] =	vst v0  }
0x19: {  	[tilespmem:$0xB0] =	vst v0  }
0x1a: {  	[tilespmem:$0xC0] =	vst v0  }
0x1b: {  	[tilespmem:$0xD0] =	vst v0  }
0x1c: {  	[tilespmem:$0xE0] =	vst v0  }
0x1d: {  	[tilespmem:$0xF0] =	vst v0;
	s18 =	simm.s32 $0x0;
	s12 =	simm.s32 $0x0  }
0x1e: {  	s13 =	simm.s32 $0x0;
	s14 =	simm.s32 $0x0;
	_ =	strace $0x80000048  }
0x1f: {  	[tilespmem:s10], [sflag:$0x1] =	stream.strided.gather [hbm4b:s6+s8], $0x4000, s9, s8, $0x200038;
	[tilespmem:$0x10100] =	vst v63  }
0x20: {  	s15 =	simm.s32 $0x1;
	s16 =	simm.s32 $0x0;
	_ =	strace $0x90000048  }
.LBB2_2:
0x21: {  	s17 =	sadd.s32 $0x1, s18  }
0x22: {  	p0 =	seq.s32 s17, $0x40  }
0x23: {  	s17 =	simm.s32 @p0 $0x0  }
0x24: {  	p6 =	sne.s32 s16, $0x3F;
	p1 =	sne.s32 s18, s17  }
0x25: {  	p0 =	por !p6, !p1  }
0x26: {  	p0 =	por !p0, !p0  }
0x27: {  	s19 =	sshll.u32 @p0 s17, $0x11;
	s20 =	sand.u32 @p0 $0x1, s15  }
0x28: {  	_ =	strace @p0 $0x80000049;
	s22 =	simm.s32 @p0 $0x800;
	s19 =	sadd.s32 @p0 s5, s19  }
0x29: {  	s23 =	simm.s32 @p0 $0x4000;
	s21 =	sshll.u32 @p0 s20, $0xE;
	s19 =	sshrl.u32 @p0 s19, $0x3  }
0x2a: {  	s20 =	sadd.s32 @p0 $0x1, s20;
	s21 =	sor.u32 @p0 $0x100, s21;
	s19 =	sadd.s32 @p0 s2, s19  }
0x2b: {  	[tilespmem:s21], [sflag:s20] =	stream.strided.gather @p0 [hbm4b:s19+s22], $0x4000, s23, s22, $0x200038;
	[tilespmem:$0x10100] =	vst v63  }
0x2c: {  	s28 =	sand.u32 $0x1, s14;
	_ =	strace @p0 $0x90000049  }
0x2d: {  	s19 =	sadd.s32 $0x1, s28;
	_ =	strace $0x8000004A  }
0x2e: {  	_ =	swait.ge [sflag:s19], $0x4000  }
0x2f: {  	[sflag:s19] =	ssyncset.done $0x0  }
0x30: {  	[sflag:s19] =	ssyncadd.s32 $0xFFFFC000  }
0x31: {  	_ =	strace $0x9000004A  }
0x32: {  	_ =	strace $0x8000004B  }
0x33: {  	v18 =	vld [tilespmem:$0x0]  }
0x34: {  	v17 =	vld [tilespmem:$0x10]  }
0x35: {  	v16 =	vld [tilespmem:$0x20]  }
0x36: {  	v15 =	vld [tilespmem:$0x30]  }
0x37: {  	v14 =	vld [tilespmem:$0x40]  }
0x38: {  	v13 =	vld [tilespmem:$0x50]  }
0x39: {  	v12 =	vld [tilespmem:$0x60]  }
0x3a: {  	v11 =	vld [tilespmem:$0x70]  }
0x3b: {  	v10 =	vld [tilespmem:$0x80]  }
0x3c: {  	s19 =	sand.u32 $0x1, s13;
	v9 =	vld [tilespmem:$0x90]  }
0x3d: {  	s29 =	sshll.u32 s14, $0xE;
	s30 =	sshll.u32 s19, $0xE;
	v8 =	vld [tilespmem:$0xA0]  }
0x3e: {  	s31 =	sand.u32 $0x4000, s29;
	s20 =	sor.u32 $0x8100, s30;
	v7 =	vld [tilespmem:$0xB0]  }
0x3f: {  	s22 =	sor.u32 $0x100, s31;
	v6 =	vld [tilespmem:$0xC0];
	v1 =	vmov s20  }
0x40: {  	v2 =	vmov s22;
	v4 =	vld [tilespmem:$0xD0]  }
0x41: {  	v5 =	vld [tilespmem:$0xE0]  }
0x42: {  	s21 =	simm.s32 $0x0;
	v3 =	vld [tilespmem:$0xF0]  }
.LBB2_3:
0x43: {  	s22 =	sshll.u32 s21, $0x8  }
0x44: {  	[tilespmem:v1+s22+$0x0 ss:$0x1] =	vst.idx.msk $0xffff, v18;
	s23 =	sor.u32 $0x10, s22  }
0x45: {  	s24 =	sor.u32 $0x20, s22;
	v19 =	vld.idx.msk [tilespmem:v2+s22+$0x0 ss:$0x1], $0xffff;
	[tilespmem:v1+s23+$0x0 ss:$0x1] =	vst.idx.msk $0xffff, v17  }
0x46: {  	s25 =	sor.u32 $0x30, s22;
	v20 =	vld.idx.msk [tilespmem:v2+s23+$0x0 ss:$0x1], $0xffff;
	[tilespmem:v1+s24+$0x0 ss:$0x1] =	vst.idx.msk $0xffff, v16  }
0x47: {  	s26 =	sor.u32 $0x40, s22;
	v21 =	vld.idx.msk [tilespmem:v2+s24+$0x0 ss:$0x1], $0xffff;
	[tilespmem:v1+s25+$0x0 ss:$0x1] =	vst.idx.msk $0xffff, v15  }
0x48: {  	s28 =	sor.u32 $0x50, s22;
	v22 =	vld.idx.msk [tilespmem:v2+s25+$0x0 ss:$0x1], $0xffff;
	[tilespmem:v1+s26+$0x0 ss:$0x1] =	vst.idx.msk $0xffff, v14  }
0x49: {  	s29 =	sor.u32 $0x60, s22;
	v23 =	vld.idx.msk [tilespmem:v2+s26+$0x0 ss:$0x1], $0xffff;
	[tilespmem:v1+s28+$0x0 ss:$0x1] =	vst.idx.msk $0xffff, v13  }
0x4a: {  	s30 =	sor.u32 $0x70, s22;
	v24 =	vld.idx.msk [tilespmem:v2+s28+$0x0 ss:$0x1], $0xffff;
	[tilespmem:v1+s29+$0x0 ss:$0x1] =	vst.idx.msk $0xffff, v12  }
0x4b: {  	s31 =	sor.u32 $0x400, s22;
	v25 =	vld.idx.msk [tilespmem:v2+s29+$0x0 ss:$0x1], $0xffff;
	[tilespmem:v1+s30+$0x0 ss:$0x1] =	vst.idx.msk $0xffff, v11  }
0x4c: {  	s24 =	sor.u32 $0x410, s22;
	v26 =	vld.idx.msk [tilespmem:v2+s30+$0x0 ss:$0x1], $0xffff;
	[tilespmem:v1+s31+$0x0 ss:$0x1] =	vst.idx.msk $0xffff, v10  }
0x4d: {  	s25 =	sor.u32 $0x420, s22;
	v27 =	vld.idx.msk [tilespmem:v2+s31+$0x0 ss:$0x1], $0xffff;
	[tilespmem:v1+s24+$0x0 ss:$0x1] =	vst.idx.msk $0xffff, v9  }
0x4e: {  	s26 =	sor.u32 $0x430, s22;
	v28 =	vld.idx.msk [tilespmem:v2+s24+$0x0 ss:$0x1], $0xffff;
	[tilespmem:v1+s25+$0x0 ss:$0x1] =	vst.idx.msk $0xffff, v8  }
0x4f: {  	s28 =	sor.u32 $0x440, s22;
	v29 =	vld.idx.msk [tilespmem:v2+s25+$0x0 ss:$0x1], $0xffff;
	[tilespmem:v1+s26+$0x0 ss:$0x1] =	vst.idx.msk $0xffff, v7  }
0x50: {  	s29 =	sor.u32 $0x450, s22;
	v30 =	vld.idx.msk [tilespmem:v2+s26+$0x0 ss:$0x1], $0xffff;
	[tilespmem:v1+s28+$0x0 ss:$0x1] =	vst.idx.msk $0xffff, v6  }
0x51: {  	s30 =	sor.u32 $0x460, s22;
	v31 =	vld.idx.msk [tilespmem:v2+s28+$0x0 ss:$0x1], $0xffff;
	[tilespmem:v1+s29+$0x0 ss:$0x1] =	vst.idx.msk $0xffff, v4  }
0x52: {  	v18 =	vadd.f32 v19, v18;
	s31 =	sor.u32 $0x470, s22;
	v32 =	vld.idx.msk [tilespmem:v2+s29+$0x0 ss:$0x1], $0xffff;
	[tilespmem:v1+s30+$0x0 ss:$0x1] =	vst.idx.msk $0xffff, v5  }
0x53: {  	v17 =	vadd.f32 v20, v17;
	s24 =	sor.u32 $0x80, s22;
	v33 =	vld.idx.msk [tilespmem:v2+s30+$0x0 ss:$0x1], $0xffff;
	[tilespmem:v1+s31+$0x0 ss:$0x1] =	vst.idx.msk $0xffff, v3  }
0x54: {  	v16 =	vadd.f32 v21, v16;
	s25 =	sor.u32 $0x90, s22;
	v19 =	vld.idx.msk [tilespmem:v2+s31+$0x0 ss:$0x1], $0xffff;
	[tilespmem:v1+s24+$0x0 ss:$0x1] =	vst.idx.msk $0xffff, v18  }
0x55: {  	v15 =	vadd.f32 v22, v15;
	s26 =	sor.u32 $0xA0, s22;
	v20 =	vld.idx.msk [tilespmem:v2+s24+$0x0 ss:$0x1], $0xffff;
	[tilespmem:v1+s25+$0x0 ss:$0x1] =	vst.idx.msk $0xffff, v17  }
0x56: {  	v14 =	vadd.f32 v23, v14;
	s28 =	sor.u32 $0xB0, s22;
	v51 =	vld.idx.msk [tilespmem:v2+s25+$0x0 ss:$0x1], $0xffff;
	[tilespmem:v1+s26+$0x0 ss:$0x1] =	vst.idx.msk $0xffff, v16  }
0x57: {  	v13 =	vadd.f32 v24, v13;
	s29 =	sor.u32 $0xC0, s22;
	v52 =	vld.idx.msk [tilespmem:v2+s26+$0x0 ss:$0x1], $0xffff;
	[tilespmem:v1+s28+$0x0 ss:$0x1] =	vst.idx.msk $0xffff, v15  }
0x58: {  	v12 =	vadd.f32 v25, v12;
	s30 =	sor.u32 $0xD0, s22;
	v53 =	vld.idx.msk [tilespmem:v2+s28+$0x0 ss:$0x1], $0xffff;
	[tilespmem:v1+s29+$0x0 ss:$0x1] =	vst.idx.msk $0xffff, v14  }
0x59: {  	v11 =	vadd.f32 v26, v11;
	s31 =	sor.u32 $0xE0, s22;
	v54 =	vld.idx.msk [tilespmem:v2+s29+$0x0 ss:$0x1], $0xffff;
	[tilespmem:v1+s30+$0x0 ss:$0x1] =	vst.idx.msk $0xffff, v13  }
0x5a: {  	v10 =	vadd.f32 v27, v10;
	s24 =	sor.u32 $0xF0, s22;
	v55 =	vld.idx.msk [tilespmem:v2+s30+$0x0 ss:$0x1], $0xffff;
	[tilespmem:v1+s31+$0x0 ss:$0x1] =	vst.idx.msk $0xffff, v12  }
0x5b: {  	v9 =	vadd.f32 v28, v9;
	s25 =	sor.u32 $0x480, s22;
	v56 =	vld.idx.msk [tilespmem:v2+s31+$0x0 ss:$0x1], $0xffff;
	[tilespmem:v1+s24+$0x0 ss:$0x1] =	vst.idx.msk $0xffff, v11  }
0x5c: {  	v8 =	vadd.f32 v29, v8;
	s26 =	sor.u32 $0x490, s22;
	v57 =	vld.idx.msk [tilespmem:v2+s24+$0x0 ss:$0x1], $0xffff;
	[tilespmem:v1+s25+$0x0 ss:$0x1] =	vst.idx.msk $0xffff, v10  }
0x5d: {  	v7 =	vadd.f32 v30, v7;
	s28 =	sor.u32 $0x4A0, s22;
	v58 =	vld.idx.msk [tilespmem:v2+s25+$0x0 ss:$0x1], $0xffff;
	[tilespmem:v1+s26+$0x0 ss:$0x1] =	vst.idx.msk $0xffff, v9  }
0x5e: {  	v6 =	vadd.f32 v31, v6;
	s29 =	sor.u32 $0x4B0, s22;
	v59 =	vld.idx.msk [tilespmem:v2+s26+$0x0 ss:$0x1], $0xffff;
	[tilespmem:v1+s28+$0x0 ss:$0x1] =	vst.idx.msk $0xffff, v8  }
0x5f: {  	v4 =	vadd.f32 v32, v4;
	s30 =	sor.u32 $0x4C0, s22;
	v60 =	vld.idx.msk [tilespmem:v2+s28+$0x0 ss:$0x1], $0xffff;
	[tilespmem:v1+s29+$0x0 ss:$0x1] =	vst.idx.msk $0xffff, v7  }
0x60: {  	v5 =	vadd.f32 v33, v5;
	s31 =	sor.u32 $0x4D0, s22;
	v61 =	vld.idx.msk [tilespmem:v2+s29+$0x0 ss:$0x1], $0xffff;
	[tilespmem:v1+s30+$0x0 ss:$0x1] =	vst.idx.msk $0xffff, v6  }
0x61: {  	v3 =	vadd.f32 v19, v3;
	s24 =	sor.u32 $0x4E0, s22;
	v62 =	vld.idx.msk [tilespmem:v2+s30+$0x0 ss:$0x1], $0xffff;
	[tilespmem:v1+s31+$0x0 ss:$0x1] =	vst.idx.msk $0xffff, v4  }
0x62: {  	v18 =	vadd.f32 v20, v18;
	s25 =	sor.u32 $0x4F0, s22;
	v63 =	vld.idx.msk [tilespmem:v2+s31+$0x0 ss:$0x1], $0xffff;
	[tilespmem:v1+s24+$0x0 ss:$0x1] =	vst.idx.msk $0xffff, v5  }
0x63: {  	v17 =	vadd.f32 v51, v17;
	s26 =	sor.u32 $0x100, s22;
	v19 =	vld.idx.msk [tilespmem:v2+s24+$0x0 ss:$0x1], $0xffff;
	[tilespmem:v1+s25+$0x0 ss:$0x1] =	vst.idx.msk $0xffff, v3  }
0x64: {  	v16 =	vadd.f32 v52, v16;
	s28 =	sor.u32 $0x110, s22;
	v20 =	vld.idx.msk [tilespmem:v2+s25+$0x0 ss:$0x1], $0xffff;
	[tilespmem:v1+s26+$0x0 ss:$0x1] =	vst.idx.msk $0xffff, v18  }
0x65: {  	v15 =	vadd.f32 v53, v15;
	s29 =	sor.u32 $0x120, s22;
	v36 =	vld.idx.msk [tilespmem:v2+s26+$0x0 ss:$0x1], $0xffff;
	[tilespmem:v1+s28+$0x0 ss:$0x1] =	vst.idx.msk $0xffff, v17  }
0x66: {  	v14 =	vadd.f32 v54, v14;
	s30 =	sor.u32 $0x130, s22;
	v37 =	vld.idx.msk [tilespmem:v2+s28+$0x0 ss:$0x1], $0xffff;
	[tilespmem:v1+s29+$0x0 ss:$0x1] =	vst.idx.msk $0xffff, v16  }
0x67: {  	v13 =	vadd.f32 v55, v13;
	s31 =	sor.u32 $0x140, s22;
	v38 =	vld.idx.msk [tilespmem:v2+s29+$0x0 ss:$0x1], $0xffff;
	[tilespmem:v1+s30+$0x0 ss:$0x1] =	vst.idx.msk $0xffff, v15  }
0x68: {  	v12 =	vadd.f32 v56, v12;
	s24 =	sor.u32 $0x150, s22;
	v39 =	vld.idx.msk [tilespmem:v2+s30+$0x0 ss:$0x1], $0xffff;
	[tilespmem:v1+s31+$0x0 ss:$0x1] =	vst.idx.msk $0xffff, v14  }
0x69: {  	v11 =	vadd.f32 v57, v11;
	s25 =	sor.u32 $0x160, s22;
	v40 =	vld.idx.msk [tilespmem:v2+s31+$0x0 ss:$0x1], $0xffff;
	[tilespmem:v1+s24+$0x0 ss:$0x1] =	vst.idx.msk $0xffff, v13  }
0x6a: {  	v10 =	vadd.f32 v58, v10;
	s26 =	sor.u32 $0x170, s22;
	v41 =	vld.idx.msk [tilespmem:v2+s24+$0x0 ss:$0x1], $0xffff;
	[tilespmem:v1+s25+$0x0 ss:$0x1] =	vst.idx.msk $0xffff, v12  }
0x6b: {  	v9 =	vadd.f32 v59, v9;
	s28 =	sor.u32 $0x500, s22;
	v42 =	vld.idx.msk [tilespmem:v2+s25+$0x0 ss:$0x1], $0xffff;
	[tilespmem:v1+s26+$0x0 ss:$0x1] =	vst.idx.msk $0xffff, v11  }
0x6c: {  	v8 =	vadd.f32 v60, v8;
	s29 =	sor.u32 $0x510, s22;
	v43 =	vld.idx.msk [tilespmem:v2+s26+$0x0 ss:$0x1], $0xffff;
	[tilespmem:v1+s28+$0x0 ss:$0x1] =	vst.idx.msk $0xffff, v10  }
0x6d: {  	v7 =	vadd.f32 v61, v7;
	s30 =	sor.u32 $0x520, s22;
	v44 =	vld.idx.msk [tilespmem:v2+s28+$0x0 ss:$0x1], $0xffff;
	[tilespmem:v1+s29+$0x0 ss:$0x1] =	vst.idx.msk $0xffff, v9  }
0x6e: {  	v6 =	vadd.f32 v62, v6;
	s31 =	sor.u32 $0x530, s22;
	v45 =	vld.idx.msk [tilespmem:v2+s29+$0x0 ss:$0x1], $0xffff;
	[tilespmem:v1+s30+$0x0 ss:$0x1] =	vst.idx.msk $0xffff, v8  }
0x6f: {  	v4 =	vadd.f32 v63, v4;
	s24 =	sor.u32 $0x540, s22;
	v46 =	vld.idx.msk [tilespmem:v2+s30+$0x0 ss:$0x1], $0xffff;
	[tilespmem:v1+s31+$0x0 ss:$0x1] =	vst.idx.msk $0xffff, v7  }
0x70: {  	v5 =	vadd.f32 v19, v5;
	s25 =	sor.u32 $0x550, s22;
	v47 =	vld.idx.msk [tilespmem:v2+s31+$0x0 ss:$0x1], $0xffff;
	[tilespmem:v1+s24+$0x0 ss:$0x1] =	vst.idx.msk $0xffff, v6  }
0x71: {  	v3 =	vadd.f32 v20, v3;
	s26 =	sor.u32 $0x560, s22;
	v48 =	vld.idx.msk [tilespmem:v2+s24+$0x0 ss:$0x1], $0xffff;
	[tilespmem:v1+s25+$0x0 ss:$0x1] =	vst.idx.msk $0xffff, v4  }
0x72: {  	v18 =	vadd.f32 v36, v18;
	s28 =	sor.u32 $0x570, s22;
	v19 =	vld.idx.msk [tilespmem:v2+s25+$0x0 ss:$0x1], $0xffff;
	[tilespmem:v1+s26+$0x0 ss:$0x1] =	vst.idx.msk $0xffff, v5  }
0x73: {  	v17 =	vadd.f32 v37, v17;
	s29 =	sor.u32 $0x180, s22;
	v20 =	vld.idx.msk [tilespmem:v2+s26+$0x0 ss:$0x1], $0xffff;
	[tilespmem:v1+s28+$0x0 ss:$0x1] =	vst.idx.msk $0xffff, v3  }
0x74: {  	v16 =	vadd.f32 v38, v16;
	s30 =	sor.u32 $0x190, s22;
	v49 =	vld.idx.msk [tilespmem:v2+s28+$0x0 ss:$0x1], $0xffff;
	[tilespmem:v1+s29+$0x0 ss:$0x1] =	vst.idx.msk $0xffff, v18  }
0x75: {  	v15 =	vadd.f32 v39, v15;
	s31 =	sor.u32 $0x1A0, s22;
	v50 =	vld.idx.msk [tilespmem:v2+s29+$0x0 ss:$0x1], $0xffff;
	[tilespmem:v1+s30+$0x0 ss:$0x1] =	vst.idx.msk $0xffff, v17  }
0x76: {  	v14 =	vadd.f32 v40, v14;
	s24 =	sor.u32 $0x1B0, s22;
	v51 =	vld.idx.msk [tilespmem:v2+s30+$0x0 ss:$0x1], $0xffff;
	[tilespmem:v1+s31+$0x0 ss:$0x1] =	vst.idx.msk $0xffff, v16  }
0x77: {  	v13 =	vadd.f32 v41, v13;
	s25 =	sor.u32 $0x1C0, s22;
	v52 =	vld.idx.msk [tilespmem:v2+s31+$0x0 ss:$0x1], $0xffff;
	[tilespmem:v1+s24+$0x0 ss:$0x1] =	vst.idx.msk $0xffff, v15  }
0x78: {  	v12 =	vadd.f32 v42, v12;
	s26 =	sor.u32 $0x1D0, s22;
	v53 =	vld.idx.msk [tilespmem:v2+s24+$0x0 ss:$0x1], $0xffff;
	[tilespmem:v1+s25+$0x0 ss:$0x1] =	vst.idx.msk $0xffff, v14  }
0x79: {  	v11 =	vadd.f32 v43, v11;
	s28 =	sor.u32 $0x1E0, s22;
	v54 =	vld.idx.msk [tilespmem:v2+s25+$0x0 ss:$0x1], $0xffff;
	[tilespmem:v1+s26+$0x0 ss:$0x1] =	vst.idx.msk $0xffff, v13  }
0x7a: {  	v10 =	vadd.f32 v44, v10;
	s29 =	sor.u32 $0x1F0, s22;
	v55 =	vld.idx.msk [tilespmem:v2+s26+$0x0 ss:$0x1], $0xffff;
	[tilespmem:v1+s28+$0x0 ss:$0x1] =	vst.idx.msk $0xffff, v12  }
0x7b: {  	v9 =	vadd.f32 v45, v9;
	s30 =	sor.u32 $0x580, s22;
	v56 =	vld.idx.msk [tilespmem:v2+s28+$0x0 ss:$0x1], $0xffff;
	[tilespmem:v1+s29+$0x0 ss:$0x1] =	vst.idx.msk $0xffff, v11  }
0x7c: {  	v8 =	vadd.f32 v46, v8;
	s31 =	sor.u32 $0x590, s22;
	v57 =	vld.idx.msk [tilespmem:v2+s29+$0x0 ss:$0x1], $0xffff;
	[tilespmem:v1+s30+$0x0 ss:$0x1] =	vst.idx.msk $0xffff, v10  }
0x7d: {  	v7 =	vadd.f32 v47, v7;
	s24 =	sor.u32 $0x5A0, s22;
	v58 =	vld.idx.msk [tilespmem:v2+s30+$0x0 ss:$0x1], $0xffff;
	[tilespmem:v1+s31+$0x0 ss:$0x1] =	vst.idx.msk $0xffff, v9  }
0x7e: {  	v6 =	vadd.f32 v48, v6;
	s25 =	sor.u32 $0x5B0, s22;
	v59 =	vld.idx.msk [tilespmem:v2+s31+$0x0 ss:$0x1], $0xffff;
	[tilespmem:v1+s24+$0x0 ss:$0x1] =	vst.idx.msk $0xffff, v8  }
0x7f: {  	v4 =	vadd.f32 v19, v4;
	s26 =	sor.u32 $0x5C0, s22;
	v60 =	vld.idx.msk [tilespmem:v2+s24+$0x0 ss:$0x1], $0xffff;
	[tilespmem:v1+s25+$0x0 ss:$0x1] =	vst.idx.msk $0xffff, v7  }
0x80: {  	v5 =	vadd.f32 v20, v5;
	s28 =	sor.u32 $0x5D0, s22;
	v61 =	vld.idx.msk [tilespmem:v2+s25+$0x0 ss:$0x1], $0xffff;
	[tilespmem:v1+s26+$0x0 ss:$0x1] =	vst.idx.msk $0xffff, v6  }
0x81: {  	v3 =	vadd.f32 v49, v3;
	s29 =	sor.u32 $0x5E0, s22;
	v19 =	vld.idx.msk [tilespmem:v2+s26+$0x0 ss:$0x1], $0xffff;
	[tilespmem:v1+s28+$0x0 ss:$0x1] =	vst.idx.msk $0xffff, v4  }
0x82: {  	v18 =	vadd.f32 v50, v18;
	s30 =	sor.u32 $0x5F0, s22;
	v20 =	vld.idx.msk [tilespmem:v2+s28+$0x0 ss:$0x1], $0xffff;
	[tilespmem:v1+s29+$0x0 ss:$0x1] =	vst.idx.msk $0xffff, v5  }
0x83: {  	v17 =	vadd.f32 v51, v17;
	s31 =	sor.u32 $0x200, s22;
	v62 =	vld.idx.msk [tilespmem:v2+s29+$0x0 ss:$0x1], $0xffff;
	[tilespmem:v1+s30+$0x0 ss:$0x1] =	vst.idx.msk $0xffff, v3  }
0x84: {  	v16 =	vadd.f32 v52, v16;
	s24 =	sor.u32 $0x210, s22;
	v63 =	vld.idx.msk [tilespmem:v2+s30+$0x0 ss:$0x1], $0xffff;
	[tilespmem:v1+s31+$0x0 ss:$0x1] =	vst.idx.msk $0xffff, v18  }
0x85: {  	v15 =	vadd.f32 v53, v15;
	s25 =	sor.u32 $0x220, s22;
	v36 =	vld.idx.msk [tilespmem:v2+s31+$0x0 ss:$0x1], $0xffff;
	[tilespmem:v1+s24+$0x0 ss:$0x1] =	vst.idx.msk $0xffff, v17  }
0x86: {  	v14 =	vadd.f32 v54, v14;
	s26 =	sor.u32 $0x230, s22;
	v37 =	vld.idx.msk [tilespmem:v2+s24+$0x0 ss:$0x1], $0xffff;
	[tilespmem:v1+s25+$0x0 ss:$0x1] =	vst.idx.msk $0xffff, v16  }
0x87: {  	v13 =	vadd.f32 v55, v13;
	s28 =	sor.u32 $0x240, s22;
	v38 =	vld.idx.msk [tilespmem:v2+s25+$0x0 ss:$0x1], $0xffff;
	[tilespmem:v1+s26+$0x0 ss:$0x1] =	vst.idx.msk $0xffff, v15  }
0x88: {  	v12 =	vadd.f32 v56, v12;
	s29 =	sor.u32 $0x250, s22;
	v39 =	vld.idx.msk [tilespmem:v2+s26+$0x0 ss:$0x1], $0xffff;
	[tilespmem:v1+s28+$0x0 ss:$0x1] =	vst.idx.msk $0xffff, v14  }
0x89: {  	v11 =	vadd.f32 v57, v11;
	s30 =	sor.u32 $0x260, s22;
	v40 =	vld.idx.msk [tilespmem:v2+s28+$0x0 ss:$0x1], $0xffff;
	[tilespmem:v1+s29+$0x0 ss:$0x1] =	vst.idx.msk $0xffff, v13  }
0x8a: {  	v10 =	vadd.f32 v58, v10;
	s31 =	sor.u32 $0x270, s22;
	v41 =	vld.idx.msk [tilespmem:v2+s29+$0x0 ss:$0x1], $0xffff;
	[tilespmem:v1+s30+$0x0 ss:$0x1] =	vst.idx.msk $0xffff, v12  }
0x8b: {  	v9 =	vadd.f32 v59, v9;
	s24 =	sor.u32 $0x600, s22;
	v42 =	vld.idx.msk [tilespmem:v2+s30+$0x0 ss:$0x1], $0xffff;
	[tilespmem:v1+s31+$0x0 ss:$0x1] =	vst.idx.msk $0xffff, v11  }
0x8c: {  	v8 =	vadd.f32 v60, v8;
	s25 =	sor.u32 $0x610, s22;
	v43 =	vld.idx.msk [tilespmem:v2+s31+$0x0 ss:$0x1], $0xffff;
	[tilespmem:v1+s24+$0x0 ss:$0x1] =	vst.idx.msk $0xffff, v10  }
0x8d: {  	v7 =	vadd.f32 v61, v7;
	s26 =	sor.u32 $0x620, s22;
	v44 =	vld.idx.msk [tilespmem:v2+s24+$0x0 ss:$0x1], $0xffff;
	[tilespmem:v1+s25+$0x0 ss:$0x1] =	vst.idx.msk $0xffff, v9  }
0x8e: {  	v6 =	vadd.f32 v19, v6;
	s28 =	sor.u32 $0x630, s22;
	v45 =	vld.idx.msk [tilespmem:v2+s25+$0x0 ss:$0x1], $0xffff;
	[tilespmem:v1+s26+$0x0 ss:$0x1] =	vst.idx.msk $0xffff, v8  }
0x8f: {  	v4 =	vadd.f32 v20, v4;
	s29 =	sor.u32 $0x640, s22;
	v46 =	vld.idx.msk [tilespmem:v2+s26+$0x0 ss:$0x1], $0xffff;
	[tilespmem:v1+s28+$0x0 ss:$0x1] =	vst.idx.msk $0xffff, v7  }
0x90: {  	v5 =	vadd.f32 v62, v5;
	s30 =	sor.u32 $0x650, s22;
	v19 =	vld.idx.msk [tilespmem:v2+s28+$0x0 ss:$0x1], $0xffff;
	[tilespmem:v1+s29+$0x0 ss:$0x1] =	vst.idx.msk $0xffff, v6  }
0x91: {  	v3 =	vadd.f32 v63, v3;
	s31 =	sor.u32 $0x660, s22;
	v20 =	vld.idx.msk [tilespmem:v2+s29+$0x0 ss:$0x1], $0xffff;
	[tilespmem:v1+s30+$0x0 ss:$0x1] =	vst.idx.msk $0xffff, v4  }
0x92: {  	v18 =	vadd.f32 v36, v18;
	s24 =	sor.u32 $0x670, s22;
	v47 =	vld.idx.msk [tilespmem:v2+s30+$0x0 ss:$0x1], $0xffff;
	[tilespmem:v1+s31+$0x0 ss:$0x1] =	vst.idx.msk $0xffff, v5  }
0x93: {  	v17 =	vadd.f32 v37, v17;
	s25 =	sor.u32 $0x280, s22;
	v48 =	vld.idx.msk [tilespmem:v2+s31+$0x0 ss:$0x1], $0xffff;
	[tilespmem:v1+s24+$0x0 ss:$0x1] =	vst.idx.msk $0xffff, v3  }
0x94: {  	v16 =	vadd.f32 v38, v16;
	s26 =	sor.u32 $0x290, s22;
	v49 =	vld.idx.msk [tilespmem:v2+s24+$0x0 ss:$0x1], $0xffff;
	[tilespmem:v1+s25+$0x0 ss:$0x1] =	vst.idx.msk $0xffff, v18  }
0x95: {  	v15 =	vadd.f32 v39, v15;
	s28 =	sor.u32 $0x2A0, s22;
	v50 =	vld.idx.msk [tilespmem:v2+s25+$0x0 ss:$0x1], $0xffff;
	[tilespmem:v1+s26+$0x0 ss:$0x1] =	vst.idx.msk $0xffff, v17  }
0x96: {  	v14 =	vadd.f32 v40, v14;
	s29 =	sor.u32 $0x2B0, s22;
	v51 =	vld.idx.msk [tilespmem:v2+s26+$0x0 ss:$0x1], $0xffff;
	[tilespmem:v1+s28+$0x0 ss:$0x1] =	vst.idx.msk $0xffff, v16  }
0x97: {  	v13 =	vadd.f32 v41, v13;
	s30 =	sor.u32 $0x2C0, s22;
	v52 =	vld.idx.msk [tilespmem:v2+s28+$0x0 ss:$0x1], $0xffff;
	[tilespmem:v1+s29+$0x0 ss:$0x1] =	vst.idx.msk $0xffff, v15  }
0x98: {  	v12 =	vadd.f32 v42, v12;
	s31 =	sor.u32 $0x2D0, s22;
	v53 =	vld.idx.msk [tilespmem:v2+s29+$0x0 ss:$0x1], $0xffff;
	[tilespmem:v1+s30+$0x0 ss:$0x1] =	vst.idx.msk $0xffff, v14  }
0x99: {  	v11 =	vadd.f32 v43, v11;
	s24 =	sor.u32 $0x2E0, s22;
	v54 =	vld.idx.msk [tilespmem:v2+s30+$0x0 ss:$0x1], $0xffff;
	[tilespmem:v1+s31+$0x0 ss:$0x1] =	vst.idx.msk $0xffff, v13  }
0x9a: {  	v10 =	vadd.f32 v44, v10;
	s25 =	sor.u32 $0x2F0, s22;
	v55 =	vld.idx.msk [tilespmem:v2+s31+$0x0 ss:$0x1], $0xffff;
	[tilespmem:v1+s24+$0x0 ss:$0x1] =	vst.idx.msk $0xffff, v12  }
0x9b: {  	v9 =	vadd.f32 v45, v9;
	s26 =	sor.u32 $0x680, s22;
	v56 =	vld.idx.msk [tilespmem:v2+s24+$0x0 ss:$0x1], $0xffff;
	[tilespmem:v1+s25+$0x0 ss:$0x1] =	vst.idx.msk $0xffff, v11  }
0x9c: {  	v8 =	vadd.f32 v46, v8;
	s28 =	sor.u32 $0x690, s22;
	v57 =	vld.idx.msk [tilespmem:v2+s25+$0x0 ss:$0x1], $0xffff;
	[tilespmem:v1+s26+$0x0 ss:$0x1] =	vst.idx.msk $0xffff, v10  }
0x9d: {  	v7 =	vadd.f32 v19, v7;
	s29 =	sor.u32 $0x6A0, s22;
	v58 =	vld.idx.msk [tilespmem:v2+s26+$0x0 ss:$0x1], $0xffff;
	[tilespmem:v1+s28+$0x0 ss:$0x1] =	vst.idx.msk $0xffff, v9  }
0x9e: {  	v6 =	vadd.f32 v20, v6;
	s30 =	sor.u32 $0x6B0, s22;
	v59 =	vld.idx.msk [tilespmem:v2+s28+$0x0 ss:$0x1], $0xffff;
	[tilespmem:v1+s29+$0x0 ss:$0x1] =	vst.idx.msk $0xffff, v8  }
0x9f: {  	v4 =	vadd.f32 v47, v4;
	s31 =	sor.u32 $0x6C0, s22;
	v19 =	vld.idx.msk [tilespmem:v2+s29+$0x0 ss:$0x1], $0xffff;
	[tilespmem:v1+s30+$0x0 ss:$0x1] =	vst.idx.msk $0xffff, v7  }
0xa0: {  	v5 =	vadd.f32 v48, v5;
	s24 =	sor.u32 $0x6D0, s22;
	v20 =	vld.idx.msk [tilespmem:v2+s30+$0x0 ss:$0x1], $0xffff;
	[tilespmem:v1+s31+$0x0 ss:$0x1] =	vst.idx.msk $0xffff, v6  }
0xa1: {  	v3 =	vadd.f32 v49, v3;
	s25 =	sor.u32 $0x6E0, s22;
	v60 =	vld.idx.msk [tilespmem:v2+s31+$0x0 ss:$0x1], $0xffff;
	[tilespmem:v1+s24+$0x0 ss:$0x1] =	vst.idx.msk $0xffff, v4  }
0xa2: {  	v18 =	vadd.f32 v50, v18;
	s26 =	sor.u32 $0x6F0, s22;
	v61 =	vld.idx.msk [tilespmem:v2+s24+$0x0 ss:$0x1], $0xffff;
	[tilespmem:v1+s25+$0x0 ss:$0x1] =	vst.idx.msk $0xffff, v5  }
0xa3: {  	v17 =	vadd.f32 v51, v17;
	s28 =	sor.u32 $0x300, s22;
	v62 =	vld.idx.msk [tilespmem:v2+s25+$0x0 ss:$0x1], $0xffff;
	[tilespmem:v1+s26+$0x0 ss:$0x1] =	vst.idx.msk $0xffff, v3  }
0xa4: {  	v16 =	vadd.f32 v52, v16;
	s29 =	sor.u32 $0x310, s22;
	v63 =	vld.idx.msk [tilespmem:v2+s26+$0x0 ss:$0x1], $0xffff;
	[tilespmem:v1+s28+$0x0 ss:$0x1] =	vst.idx.msk $0xffff, v18  }
0xa5: {  	v15 =	vadd.f32 v53, v15;
	s30 =	sor.u32 $0x320, s22;
	v36 =	vld.idx.msk [tilespmem:v2+s28+$0x0 ss:$0x1], $0xffff;
	[tilespmem:v1+s29+$0x0 ss:$0x1] =	vst.idx.msk $0xffff, v17  }
0xa6: {  	v14 =	vadd.f32 v54, v14;
	s31 =	sor.u32 $0x330, s22;
	v37 =	vld.idx.msk [tilespmem:v2+s29+$0x0 ss:$0x1], $0xffff;
	[tilespmem:v1+s30+$0x0 ss:$0x1] =	vst.idx.msk $0xffff, v16  }
0xa7: {  	v13 =	vadd.f32 v55, v13;
	s24 =	sor.u32 $0x340, s22;
	v38 =	vld.idx.msk [tilespmem:v2+s30+$0x0 ss:$0x1], $0xffff;
	[tilespmem:v1+s31+$0x0 ss:$0x1] =	vst.idx.msk $0xffff, v15  }
0xa8: {  	v12 =	vadd.f32 v56, v12;
	s25 =	sor.u32 $0x350, s22;
	v39 =	vld.idx.msk [tilespmem:v2+s31+$0x0 ss:$0x1], $0xffff;
	[tilespmem:v1+s24+$0x0 ss:$0x1] =	vst.idx.msk $0xffff, v14  }
0xa9: {  	v11 =	vadd.f32 v57, v11;
	s26 =	sor.u32 $0x360, s22;
	v40 =	vld.idx.msk [tilespmem:v2+s24+$0x0 ss:$0x1], $0xffff;
	[tilespmem:v1+s25+$0x0 ss:$0x1] =	vst.idx.msk $0xffff, v13  }
0xaa: {  	v10 =	vadd.f32 v58, v10;
	s28 =	sor.u32 $0x370, s22;
	v41 =	vld.idx.msk [tilespmem:v2+s25+$0x0 ss:$0x1], $0xffff;
	[tilespmem:v1+s26+$0x0 ss:$0x1] =	vst.idx.msk $0xffff, v12  }
0xab: {  	v9 =	vadd.f32 v59, v9;
	s29 =	sor.u32 $0x700, s22;
	v42 =	vld.idx.msk [tilespmem:v2+s26+$0x0 ss:$0x1], $0xffff;
	[tilespmem:v1+s28+$0x0 ss:$0x1] =	vst.idx.msk $0xffff, v11  }
0xac: {  	v8 =	vadd.f32 v19, v8;
	s30 =	sor.u32 $0x710, s22;
	v43 =	vld.idx.msk [tilespmem:v2+s28+$0x0 ss:$0x1], $0xffff;
	[tilespmem:v1+s29+$0x0 ss:$0x1] =	vst.idx.msk $0xffff, v10  }
0xad: {  	v7 =	vadd.f32 v20, v7;
	s31 =	sor.u32 $0x720, s22;
	v44 =	vld.idx.msk [tilespmem:v2+s29+$0x0 ss:$0x1], $0xffff;
	[tilespmem:v1+s30+$0x0 ss:$0x1] =	vst.idx.msk $0xffff, v9  }
0xae: {  	v6 =	vadd.f32 v60, v6;
	s24 =	sor.u32 $0x730, s22;
	v19 =	vld.idx.msk [tilespmem:v2+s30+$0x0 ss:$0x1], $0xffff;
	[tilespmem:v1+s31+$0x0 ss:$0x1] =	vst.idx.msk $0xffff, v8  }
0xaf: {  	v4 =	vadd.f32 v61, v4;
	s25 =	sor.u32 $0x740, s22;
	v20 =	vld.idx.msk [tilespmem:v2+s31+$0x0 ss:$0x1], $0xffff;
	[tilespmem:v1+s24+$0x0 ss:$0x1] =	vst.idx.msk $0xffff, v7  }
0xb0: {  	v5 =	vadd.f32 v62, v5;
	s26 =	sor.u32 $0x750, s22;
	v45 =	vld.idx.msk [tilespmem:v2+s24+$0x0 ss:$0x1], $0xffff;
	[tilespmem:v1+s25+$0x0 ss:$0x1] =	vst.idx.msk $0xffff, v6  }
0xb1: {  	v3 =	vadd.f32 v63, v3;
	s28 =	sor.u32 $0x760, s22;
	v46 =	vld.idx.msk [tilespmem:v2+s25+$0x0 ss:$0x1], $0xffff;
	[tilespmem:v1+s26+$0x0 ss:$0x1] =	vst.idx.msk $0xffff, v4  }
0xb2: {  	v18 =	vadd.f32 v36, v18;
	s29 =	sor.u32 $0x770, s22;
	v47 =	vld.idx.msk [tilespmem:v2+s26+$0x0 ss:$0x1], $0xffff;
	[tilespmem:v1+s28+$0x0 ss:$0x1] =	vst.idx.msk $0xffff, v5  }
0xb3: {  	v17 =	vadd.f32 v37, v17;
	s30 =	sor.u32 $0x380, s22;
	v48 =	vld.idx.msk [tilespmem:v2+s28+$0x0 ss:$0x1], $0xffff;
	[tilespmem:v1+s29+$0x0 ss:$0x1] =	vst.idx.msk $0xffff, v3  }
0xb4: {  	v16 =	vadd.f32 v38, v16;
	s31 =	sor.u32 $0x390, s22;
	v49 =	vld.idx.msk [tilespmem:v2+s29+$0x0 ss:$0x1], $0xffff;
	[tilespmem:v1+s30+$0x0 ss:$0x1] =	vst.idx.msk $0xffff, v18  }
0xb5: {  	v15 =	vadd.f32 v39, v15;
	s24 =	sor.u32 $0x3A0, s22;
	v50 =	vld.idx.msk [tilespmem:v2+s30+$0x0 ss:$0x1], $0xffff;
	[tilespmem:v1+s31+$0x0 ss:$0x1] =	vst.idx.msk $0xffff, v17  }
0xb6: {  	v14 =	vadd.f32 v40, v14;
	s25 =	sor.u32 $0x3B0, s22;
	v51 =	vld.idx.msk [tilespmem:v2+s31+$0x0 ss:$0x1], $0xffff;
	[tilespmem:v1+s24+$0x0 ss:$0x1] =	vst.idx.msk $0xffff, v16  }
0xb7: {  	v13 =	vadd.f32 v41, v13;
	s26 =	sor.u32 $0x3C0, s22;
	v52 =	vld.idx.msk [tilespmem:v2+s24+$0x0 ss:$0x1], $0xffff;
	[tilespmem:v1+s25+$0x0 ss:$0x1] =	vst.idx.msk $0xffff, v15  }
0xb8: {  	v12 =	vadd.f32 v42, v12;
	s28 =	sor.u32 $0x3D0, s22;
	v53 =	vld.idx.msk [tilespmem:v2+s25+$0x0 ss:$0x1], $0xffff;
	[tilespmem:v1+s26+$0x0 ss:$0x1] =	vst.idx.msk $0xffff, v14  }
0xb9: {  	v11 =	vadd.f32 v43, v11;
	s29 =	sor.u32 $0x3E0, s22;
	v54 =	vld.idx.msk [tilespmem:v2+s26+$0x0 ss:$0x1], $0xffff;
	[tilespmem:v1+s28+$0x0 ss:$0x1] =	vst.idx.msk $0xffff, v13  }
0xba: {  	v10 =	vadd.f32 v44, v10;
	s30 =	sor.u32 $0x3F0, s22;
	v55 =	vld.idx.msk [tilespmem:v2+s28+$0x0 ss:$0x1], $0xffff;
	[tilespmem:v1+s29+$0x0 ss:$0x1] =	vst.idx.msk $0xffff, v12  }
0xbb: {  	v9 =	vadd.f32 v19, v9;
	s31 =	sor.u32 $0x780, s22;
	v56 =	vld.idx.msk [tilespmem:v2+s29+$0x0 ss:$0x1], $0xffff;
	[tilespmem:v1+s30+$0x0 ss:$0x1] =	vst.idx.msk $0xffff, v11  }
0xbc: {  	v8 =	vadd.f32 v20, v8;
	s24 =	sor.u32 $0x790, s22;
	v57 =	vld.idx.msk [tilespmem:v2+s30+$0x0 ss:$0x1], $0xffff;
	[tilespmem:v1+s31+$0x0 ss:$0x1] =	vst.idx.msk $0xffff, v10  }
0xbd: {  	v7 =	vadd.f32 v45, v7;
	s25 =	sor.u32 $0x7A0, s22;
	v19 =	vld.idx.msk [tilespmem:v2+s31+$0x0 ss:$0x1], $0xffff;
	[tilespmem:v1+s24+$0x0 ss:$0x1] =	vst.idx.msk $0xffff, v9  }
0xbe: {  	v6 =	vadd.f32 v46, v6;
	s26 =	sor.u32 $0x7B0, s22;
	v20 =	vld.idx.msk [tilespmem:v2+s24+$0x0 ss:$0x1], $0xffff;
	[tilespmem:v1+s25+$0x0 ss:$0x1] =	vst.idx.msk $0xffff, v8  }
0xbf: {  	v4 =	vadd.f32 v47, v4;
	s28 =	sor.u32 $0x7C0, s22;
	v58 =	vld.idx.msk [tilespmem:v2+s25+$0x0 ss:$0x1], $0xffff;
	[tilespmem:v1+s26+$0x0 ss:$0x1] =	vst.idx.msk $0xffff, v7  }
0xc0: {  	v5 =	vadd.f32 v48, v5;
	s29 =	sor.u32 $0x7D0, s22;
	v59 =	vld.idx.msk [tilespmem:v2+s26+$0x0 ss:$0x1], $0xffff;
	[tilespmem:v1+s28+$0x0 ss:$0x1] =	vst.idx.msk $0xffff, v6  }
0xc1: {  	v3 =	vadd.f32 v49, v3;
	s30 =	sor.u32 $0x7E0, s22;
	v60 =	vld.idx.msk [tilespmem:v2+s28+$0x0 ss:$0x1], $0xffff;
	[tilespmem:v1+s29+$0x0 ss:$0x1] =	vst.idx.msk $0xffff, v4  }
0xc2: {  	v18 =	vadd.f32 v50, v18;
	v17 =	vadd.f32 v51, v17;
	s22 =	sor.u32 $0x7F0, s22;
	v61 =	vld.idx.msk [tilespmem:v2+s29+$0x0 ss:$0x1], $0xffff;
	[tilespmem:v1+s30+$0x0 ss:$0x1] =	vst.idx.msk $0xffff, v5  }
0xc3: {  	v16 =	vadd.f32 v52, v16;
	v15 =	vadd.f32 v53, v15;
	v62 =	vld.idx.msk [tilespmem:v2+s30+$0x0 ss:$0x1], $0xffff;
	[tilespmem:v1+s22+$0x0 ss:$0x1] =	vst.idx.msk $0xffff, v3  }
0xc4: {  	p2 =	slt.u32 s21, $0x38;
	v14 =	vadd.f32 v54, v14;
	v13 =	vadd.f32 v55, v13;
	v63 =	vld.idx.msk [tilespmem:v2+s22+$0x0 ss:$0x1], $0xffff  }
.Ltmp0:
0xc5: {  	v12 =	vadd.f32 v56, v12;
	v11 =	vadd.f32 v57, v11;
	(pc) =	sbr.rel @p2 .LBB2_3-.Ltmp0, $4  }
0xc6: {  	v10 =	vadd.f32 v19, v10;
	v9 =	vadd.f32 v20, v9  }
0xc7: {  	v8 =	vadd.f32 v58, v8;
	v7 =	vadd.f32 v59, v7  }
0xc8: {  	s31 =	sadd.s32 $0x8, s21;
	v6 =	vadd.f32 v60, v6;
	v4 =	vadd.f32 v61, v4  }
0xc9: {  	s21 =	smov.u32 s31;
	v5 =	vadd.f32 v62, v5;
	v3 =	vadd.f32 v63, v3  }
0xca: {  	[tilespmem:$0x0] =	vst v18  }
0xcb: {  	[tilespmem:$0x10] =	vst v17  }
0xcc: {  	[tilespmem:$0x20] =	vst v16  }
0xcd: {  	[tilespmem:$0x30] =	vst v15  }
0xce: {  	[tilespmem:$0x40] =	vst v14  }
0xcf: {  	[tilespmem:$0x50] =	vst v13  }
0xd0: {  	[tilespmem:$0x60] =	vst v12  }
0xd1: {  	[tilespmem:$0x70] =	vst v11  }
0xd2: {  	[tilespmem:$0x80] =	vst v10  }
0xd3: {  	[tilespmem:$0x90] =	vst v9  }
0xd4: {  	[tilespmem:$0xA0] =	vst v8  }
0xd5: {  	[tilespmem:$0xB0] =	vst v7  }
0xd6: {  	[tilespmem:$0xC0] =	vst v6  }
0xd7: {  	p2 =	seq.s32 s16, $0x3F;
	[tilespmem:$0xD0] =	vst v4  }
0xd8: {  	[tilespmem:$0xE0] =	vst v5;
	p1 =	por p2, p1  }
0xd9: {  	[tilespmem:$0xF0] =	vst v3;
	s18 =	sshll.u32 @p1 s18, $0x11  }
0xda: {  	_ =	strace $0x9000004B;
	s18 =	sadd.s32 @p1 s5, s18  }
0xdb: {  	s19 =	sadd.s32 @p1 $0x3, s19;
	s21 =	simm.s32 @p1 $0x800;
	s18 =	sshrl.u32 @p1 s18, $0x3  }
0xdc: {  	s22 =	simm.s32 @p1 $0x4000;
	_ =	strace @p1 $0x8000004C;
	s18 =	sadd.s32 @p1 s3, s18  }
0xdd: {  	[hbm4b:s18+s21] =	stream.strided.scatter @p1 [tilespmem:s20], [sflag:s19], $0x4000, s22, s21, $0x200038;
	[tilespmem:$0x10100] =	vst v63  }
0xde: {  	s18 =	simm.s32 $0x1  }
0xdf: {  	s20 =	simm.s32 $0x1;
	s18 =	simm.s32 @!p0 $0x0;
	p0 =	seq.s32 s16, $0x0  }
0xe0: {  	_ =	strace @p1 $0x9000004C;
	s15 =	sadd.s32 s18, s15;
	s18 =	simm.s32 $0x1  }
0xe1: {  	s18 =	simm.s32 @!p1 $0x0;
	p1 =	sne.s32 s16, $0x0;
	s16 =	sadd.s32 $0x1, s16  }
0xe2: {  	s19 =	sand.u32 @!p0 $0x1, s12;
	s20 =	simm.s32 @!p1 $0x0;
	p1 =	sne.s32 s16, $0x40  }
.Ltmp1:
0xe3: {  	_ =	strace @!p0 $0x8000004D;
	s19 =	sadd.s32 @!p0 $0x3, s19;
	(pc) =	sbr.rel @p1 .LBB2_2-.Ltmp1, $4  }
0xe4: {  	_ =	swait.ge @!p0 [sflag:s19], $0x4000  }
0xe5: {  	[sflag:s19] =	ssyncset.done @!p0 $0x0  }
0xe6: {  	s13 =	sadd.s32 s18, s13;
	s14 =	sadd.s32 s18, s14;
	[sflag:s19] =	ssyncadd.s32 @!p0 $0xFFFFC000  }
0xe7: {  	s18 =	smov.u32 s17;
	s12 =	sadd.s32 s20, s12;
	_ =	strace @!p0 $0x9000004D  }
0xe8: {  	s4 =	sadd.s32 $0x1, s4  }
0xe9: {  	p0 =	sne.s32 s4, s7  }
.Ltmp2:
0xea: {  	_ =	strace $0x8000004E;
	(pc) =	sbr.rel @p0 .LBB2_1-.Ltmp2, $4  }
0xeb: {  	_ =	swait.ge [sflag:s11], $0x4000  }
0xec: {  	[sflag:s11] =	ssyncset.done $0x0  }
0xed: {  	[sflag:s11] =	ssyncadd.s32 $0xFFFFC000  }
0xee: {  	_ =	strace $0x9000004E  }
0xef: {  	_ =	sfence.sel $0x180000  }
0xf0: {  	[bflag:$0x0] =	sbarrier.arrive $0xFFFF  }
0xf1: {  	p0 =	sne.s32 s0, $0x0;
	_ =	strace $0x90000047  }
0xf2: {  	s0 =	sadd.s32 @!p0 $0x100000, s1;
	[bflag:$0x2] =	sbarrier.arrive $0xFFFF  }
0xf3: {  	[sflag:s0] =	ssyncadd.tile.s32 @!p0 $0x1;
	_ =	shalt  }
.Lfunc_end2:
_tile_overlayer_lowered:
.L_overlay_start_2:
0xf4: {  	(tag) =	ssettag $0x2  }
0xf5: {  	s0 =	rddreg [dreg:$0x0];
	s2 =	stileid.u32  }
0xf6: {  	s1 =	rddreg [dreg:$0x1];
	p0 =	sne.s32 s2, $0x0  }
0xf7: {  	s3 =	rddreg [dreg:$0x2];
	[bflag:$0x3] =	sbarrier.arrive $0xFFFF;
	s2 =	simm.s32 @!p0 $0x1C01  }
0xf8: {  	[timem:s3], [sflag:s2] =	dma.local @!p0 [hbm:s0], s1  }
0xf9: {  	s0 =	simm.s32 @!p0 $0x1  }
0xfa: {  	_ =	swait.ge @!p0 [sflag:s0], s1  }
0xfb: {  	s1 =	ssub.s32 @!p0 $0x0, s1;
	[sflag:s0] =	ssyncset.done @!p0 $0x0  }
0xfc: {  	[sflag:s0] =	ssyncadd.s32 @!p0 s1  }
0xfd: {  	[bflag:$0x3] =	sbarrier.arrive $0xFFFF  }
0xfe: {  	_ =	shalt  }

</sc_bundles>
